<compile_context>
chip_gen: v7x
topology: tpu7x:2x2x1
jax: 0.10.2.dev20260603
libtpu: 0.0.44.dev20260713+nightly
codegen_flags: <defaults>
</compile_context>

<pallas_src>
import functools

import jax
import jax.numpy as jnp
from jax import lax
from jax.experimental import pallas as pl
from jax.experimental.pallas import tpu as pltpu
from jax.experimental.pallas import tpu_sc as plsc

_B = 1024
_M = 256
_D = 128

_info = plsc.get_sparse_core_info()
_NC, _NS, _L = _info.num_cores, _info.num_subcores, _info.num_lanes
_NW = _NC * _NS
_CH = _B // _NW

_CROWS = 128
_NBUF = 6
_PRE = 3
_QOUT = 3
_SLAB = _CH * _M
_NCHUNK = _SLAB // _CROWS
_HALF = _M // _CROWS

_mesh = plsc.VectorSubcoreMesh(core_axis_name="c", subcore_axis_name="s")


@functools.partial(
    pl.kernel,
    mesh=_mesh,
    out_type=[
        jax.ShapeDtypeStruct((_B * _M, _D), jnp.float32),
        jax.ShapeDtypeStruct((_B,), jnp.int32),
    ],
    scratch_types=[
        pltpu.VMEM((_NBUF, _CROWS, _D), jnp.float32),
        pltpu.VMEM((_CH + _L,), jnp.int32),
        pltpu.VMEM((_CH,), jnp.int32),
        pltpu.VMEM((_CH * _D,), jnp.float32),
        pltpu.SemaphoreType.DMA((_NBUF,)),
        pltpu.SemaphoreType.DMA((_NBUF,)),
    ],
)
def _sc_body(z_hbm, mem_hbm, state_hbm, out_hbm, ctr_hbm,
             bufs, state_v, ctr_v, z_v, sem_in, sem_out):
    wid = lax.axis_index("s") * _NC + lax.axis_index("c")
    base_b = wid * _CH
    row0 = base_b * _M

    def start_in(j, s):
        pltpu.make_async_copy(
            mem_hbm.at[pl.ds(row0 + j * _CROWS, _CROWS)],
            bufs.at[s], sem_in.at[s]).start()

    def wait_in(j, s):
        pltpu.make_async_copy(
            mem_hbm.at[pl.ds(row0 + j * _CROWS, _CROWS)],
            bufs.at[s], sem_in.at[s]).wait()

    def start_out(j, s):
        pltpu.make_async_copy(
            bufs.at[s], out_hbm.at[pl.ds(row0 + j * _CROWS, _CROWS)],
            sem_out.at[s]).start()

    def wait_out(j, s):
        pltpu.make_async_copy(
            bufs.at[s], out_hbm.at[pl.ds(row0 + j * _CROWS, _CROWS)],
            sem_out.at[s]).wait()

    def patch(j, s):
        b = j // _HALF
        r = lax.rem(state_v[pl.ds(b, _L)][0], _M)

        @pl.when(r // _CROWS == lax.rem(j, _HALF))
        def _():
            r_loc = lax.rem(r, _CROWS)
            for c in range(_D // _L):
                bufs[s, r_loc, pl.ds(c * _L, _L)] = (
                    z_v[pl.ds(b * _D + c * _L, _L)])

    pltpu.sync_copy(state_hbm.at[pl.ds(base_b, _CH)], state_v.at[pl.ds(0, _CH)])
    pltpu.sync_copy(z_hbm.at[pl.ds(base_b * _D, _CH * _D)], z_v)

    for c in range(_PRE):
        start_in(c, c % _NBUF)

    for j in range(_NBUF):
        s = j % _NBUF
        wait_in(j, s)
        patch(j, s)
        start_out(j, s)
        if j >= _QOUT:
            wait_out(j - _QOUT, (j - _QOUT) % _NBUF)
        start_in(j + _PRE, (j + _PRE) % _NBUF)

    _NGROUPS = _NCHUNK // _NBUF
    @pl.loop(1, _NGROUPS)
    def _ring(i):
        j0 = i * _NBUF
        for s in range(_NBUF):
            j = j0 + s
            wait_in(j, s)
            patch(j, s)
            start_out(j, s)
            wait_out(j - _QOUT, (j - _QOUT) % _NBUF)
            start_in(j + _PRE, (j + _PRE) % _NBUF)

    for j in range(_NGROUPS * _NBUF, _NCHUNK):
        s = j % _NBUF
        wait_in(j, s)
        patch(j, s)
        start_out(j, s)
        wait_out(j - _QOUT, (j - _QOUT) % _NBUF)
        if j + _PRE < _NCHUNK:
            start_in(j + _PRE, (j + _PRE) % _NBUF)

    for k in range(_CH // _L):
        sv = state_v[pl.ds(k * _L, _L)]
        ctr_v[pl.ds(k * _L, _L)] = sv + 1

    pltpu.sync_copy(ctr_v, ctr_hbm.at[pl.ds(base_b, _CH)])

    for q in range(_QOUT):
        j = _NCHUNK - _QOUT + q
        wait_out(j, j % _NBUF)


def kernel(z, mem_state, state):
    b, m, d = mem_state.shape
    mem2d = mem_state.reshape(b * m, d)
    out2d, ctr = _sc_body(z.reshape(b * d), mem2d, state)
    return out2d.reshape(b, m, d), ctr

# --- scband reference (transcript-rebuilt; emitter-appended) ---
"""Pipeline reference for scband-memory-writer-23845658428023 (READ-ONLY COPY).

The authoritative reference and input builder live on the scoring server;
editing this copy changes nothing except your own understanding.
"""

import jax, jax.numpy as jnp
import numpy as np

MEM_SHAPE = (256, 128)
BATCH = 1024


def setup_inputs(seed: int = 0) -> dict:
    key = jax.random.key(seed)
    k1, k2, k3 = jax.random.split(key, 3)
    z = jax.random.normal(k1, (BATCH, MEM_SHAPE[1]), dtype=jnp.float32)
    mem_state = jax.random.normal(k2, (BATCH, MEM_SHAPE[0], MEM_SHAPE[1]), dtype=jnp.float32)
    state = jax.random.randint(k3, (BATCH,), 0, 1000000)
    return {"z": z, "mem_state": mem_state, "state": state}


def reference(z, mem_state, state):
    # z: [B, d], mem_state: [B, M, d], state (write_counter): [B] int
    z = jax.lax.stop_gradient(z)  # torch: z.detach()
    num_mem_rows = MEM_SHAPE[0]
    prev_write_counter = state
    write_index = prev_write_counter.astype(jnp.int32) % num_mem_rows  # [B]
    one_hot_row = jax.nn.one_hot(write_index, num_mem_rows, dtype=mem_state.dtype)  # [B, M]
    write_counter = prev_write_counter + 1
    o_hot = one_hot_row[..., None]          # [B, M, 1]
    new_row = z[..., None, :]               # [B, 1, d]
    new_mem = mem_state - o_hot * mem_state + o_hot * new_row  # [B, M, d]
    return (new_mem, write_counter)

if __name__ == "__main__":
    import jax
    _d = setup_inputs()
    print(jax.jit(kernel)(*tuple(_d.values())))

</pallas_src>

<mosaic_0001>
#map = affine_map<(d0, d1) -> (0)>
#map1 = affine_map<(d0, d1) -> (0, 0)>
module attributes {stable_mosaic.version = 14 : i64} {
  func.func @_sc_body(%arg0: i32, %arg1: i32, %arg2: memref<131072xf32, #tpu.memory_space<hbm>>, %arg3: memref<262144x128xf32, #tpu.memory_space<hbm>>, %arg4: memref<1024xi32, #tpu.memory_space<hbm>>, %arg5: memref<262144x128xf32, #tpu.memory_space<hbm>>, %arg6: memref<1024xi32, #tpu.memory_space<hbm>>, %arg7: memref<6x128x128xf32, #tpu.memory_space<vmem>>, %arg8: memref<48xi32, #tpu.memory_space<vmem>>, %arg9: memref<32xi32, #tpu.memory_space<vmem>>, %arg10: memref<4096xf32, #tpu.memory_space<vmem>>, %arg11: memref<6x!tpu.dma_semaphore, #tpu.memory_space<semaphore_mem>>, %arg12: memref<6x!tpu.dma_semaphore, #tpu.memory_space<semaphore_mem>>) attributes {dimension_semantics = [#tpu.dimension_semantics<core_parallel>, #tpu.dimension_semantics<subcore_parallel>], iteration_bounds = array<i64: 2, 16>, scalar_prefetch = 0 : i64, scratch_operands = 6 : i64, tpu.core_type = #tpu.core_type<sc_vector_subcore>, window_params = [{transform_indices = #map}, {transform_indices = #map1}, {transform_indices = #map}, {transform_indices = #map1}, {transform_indices = #map}]} {
    %mul3A = arith.constant 2 : i32
    %mul3A_0 = arith.muli %arg1, %mul3A : i32
    %add3A = arith.addi %mul3A_0, %arg0 : i32
    %mul3A_1 = arith.constant 32 : i32
    %mul3A_2 = arith.muli %add3A, %mul3A_1 : i32
    %mul3A_3 = arith.constant 256 : i32
    %mul3A_4 = arith.muli %mul3A_2, %mul3A_3 : i32
    "tpu.region"() ({
      %run_scoped3A = tpu.sem_alloc : memref<!tpu.dma_semaphore, #tpu.memory_space<semaphore_mem>>
      %dma_start3A_1114 = arith.constant 0 : i32
      %dma_start3A_1115 = tpu.memref_slice %arg8[%dma_start3A_1114] : memref<48xi32, #tpu.memory_space<vmem>> -> memref<32xi32, #tpu.memory_space<vmem>>
      %dma_start3A_1116 = tpu.memref_slice %arg4[%mul3A_2] : memref<1024xi32, #tpu.memory_space<hbm>> -> memref<32xi32, #tpu.memory_space<hbm>>
      %dma_start3A_1117 = arith.constant 0 : i32
      %dma_start3A_1118 = tpu.memref_slice %arg8[%dma_start3A_1117] : memref<48xi32, #tpu.memory_space<vmem>> -> memref<32xi32, #tpu.memory_space<vmem>>
      %dma_start3A_1119 = tpu.memref_slice %arg4[%mul3A_2] : memref<1024xi32, #tpu.memory_space<hbm>> -> memref<32xi32, #tpu.memory_space<hbm>>
      tpu.enqueue_dma source(%dma_start3A_1119 : memref<32xi32, #tpu.memory_space<hbm>>) target(%dma_start3A_1118 : memref<32xi32, #tpu.memory_space<vmem>>) target_semaphore(%run_scoped3A : memref<!tpu.dma_semaphore, #tpu.memory_space<semaphore_mem>>)
      %dma_wait3A_1120 = arith.constant 0 : i32
      %dma_wait3A_1121 = tpu.memref_slice %arg8[%dma_wait3A_1120] : memref<48xi32, #tpu.memory_space<vmem>> -> memref<32xi32, #tpu.memory_space<vmem>>
      %dma_wait3A_1122 = tpu.memref_slice %arg4[%mul3A_2] : memref<1024xi32, #tpu.memory_space<hbm>> -> memref<32xi32, #tpu.memory_space<hbm>>
      %dma_wait3A_1123 = arith.constant 0 : i32
      %dma_wait3A_1124 = tpu.memref_slice %arg8[%dma_wait3A_1123] : memref<48xi32, #tpu.memory_space<vmem>> -> memref<32xi32, #tpu.memory_space<vmem>>
      %dma_wait3A_1125 = tpu.memref_slice %arg4[%mul3A_2] : memref<1024xi32, #tpu.memory_space<hbm>> -> memref<32xi32, #tpu.memory_space<hbm>>
      tpu.wait_dma2 semaphore(%run_scoped3A : memref<!tpu.dma_semaphore, #tpu.memory_space<semaphore_mem>>) src(%dma_wait3A_1125 : memref<32xi32, #tpu.memory_space<hbm>>) dst(%dma_wait3A_1124 : memref<32xi32, #tpu.memory_space<vmem>>)
      tpu.yield
    }) : () -> ()
    %mul3A_5 = arith.constant 128 : i32
    %mul3A_6 = arith.muli %mul3A_2, %mul3A_5 : i32
    "tpu.region"() ({
      %run_scoped3A = tpu.sem_alloc : memref<!tpu.dma_semaphore, #tpu.memory_space<semaphore_mem>>
      %dma_start3A_1114 = tpu.memref_slice %arg2[%mul3A_6] : memref<131072xf32, #tpu.memory_space<hbm>> -> memref<4096xf32, #tpu.memory_space<hbm>>
      %dma_start3A_1115 = tpu.memref_slice %arg2[%mul3A_6] : memref<131072xf32, #tpu.memory_space<hbm>> -> memref<4096xf32, #tpu.memory_space<hbm>>
      tpu.enqueue_dma source(%dma_start3A_1115 : memref<4096xf32, #tpu.memory_space<hbm>>) target(%arg10 : memref<4096xf32, #tpu.memory_space<vmem>>) target_semaphore(%run_scoped3A : memref<!tpu.dma_semaphore, #tpu.memory_space<semaphore_mem>>)
      %dma_wait3A_1116 = tpu.memref_slice %arg2[%mul3A_6] : memref<131072xf32, #tpu.memory_space<hbm>> -> memref<4096xf32, #tpu.memory_space<hbm>>
      %dma_wait3A_1117 = tpu.memref_slice %arg2[%mul3A_6] : memref<131072xf32, #tpu.memory_space<hbm>> -> memref<4096xf32, #tpu.memory_space<hbm>>
      tpu.wait_dma2 semaphore(%run_scoped3A : memref<!tpu.dma_semaphore, #tpu.memory_space<semaphore_mem>>) src(%dma_wait3A_1117 : memref<4096xf32, #tpu.memory_space<hbm>>) dst(%arg10 : memref<4096xf32, #tpu.memory_space<vmem>>)
      tpu.yield
    }) : () -> ()
    %add3A_7 = arith.constant 0 : i32
    %add3A_8 = arith.addi %mul3A_4, %add3A_7 : i32
    %dma_start3A = arith.constant 0 : i32
    %dma_start3A_9 = arith.constant 0 : i32
    %dma_start3A_10 = arith.constant 0 : i32
    %dma_start3A_11 = arith.constant 0 : i32
    %dma_start3A_12 = tpu.memref_slice %arg7[%dma_start3A, %dma_start3A_10, %dma_start3A_11] : memref<6x128x128xf32, #tpu.memory_space<vmem>> -> memref<1x128x128xf32, #tpu.memory_space<vmem>>
    %dma_start3A_13 = tpu.memref_squeeze %dma_start3A_12 : memref<1x128x128xf32, #tpu.memory_space<vmem>> -> memref<128x128xf32, #tpu.memory_space<vmem>>
    %dma_start3A_14 = arith.constant 0 : i32
    %dma_start3A_15 = tpu.memref_slice %arg3[%add3A_8, %dma_start3A_14] : memref<262144x128xf32, #tpu.memory_space<hbm>> -> memref<128x128xf32, #tpu.memory_space<hbm>>
    %dma_start3A_16 = tpu.memref_slice %arg11[%dma_start3A_9] : memref<6x!tpu.dma_semaphore, #tpu.memory_space<semaphore_mem>> -> memref<1x!tpu.dma_semaphore, #tpu.memory_space<semaphore_mem>>
    %dma_start3A_17 = tpu.memref_squeeze %dma_start3A_16 : memref<1x!tpu.dma_semaphore, #tpu.memory_space<semaphore_mem>> -> memref<!tpu.dma_semaphore, #tpu.memory_space<semaphore_mem>>
    %dma_start3A_18 = arith.constant 0 : i32
    %dma_start3A_19 = arith.constant 0 : i32
    %dma_start3A_20 = tpu.memref_slice %arg7[%dma_start3A, %dma_start3A_18, %dma_start3A_19] : memref<6x128x128xf32, #tpu.memory_space<vmem>> -> memref<1x128x128xf32, #tpu.memory_space<vmem>>
    %dma_start3A_21 = tpu.memref_squeeze %dma_start3A_20 : memref<1x128x128xf32, #tpu.memory_space<vmem>> -> memref<128x128xf32, #tpu.memory_space<vmem>>
    %dma_start3A_22 = arith.constant 0 : i32
    %dma_start3A_23 = tpu.memref_slice %arg3[%add3A_8, %dma_start3A_22] : memref<262144x128xf32, #tpu.memory_space<hbm>> -> memref<128x128xf32, #tpu.memory_space<hbm>>
    tpu.enqueue_dma source(%dma_start3A_23 : memref<128x128xf32, #tpu.memory_space<hbm>>) target(%dma_start3A_21 : memref<128x128xf32, #tpu.memory_space<vmem>>) target_semaphore(%dma_start3A_17 : memref<!tpu.dma_semaphore, #tpu.memory_space<semaphore_mem>>)
    %add3A_24 = arith.constant 128 : i32
    %add3A_25 = arith.addi %mul3A_4, %add3A_24 : i32
    %dma_start3A_26 = arith.constant 1 : i32
    %dma_start3A_27 = arith.constant 1 : i32
    %dma_start3A_28 = arith.constant 0 : i32
    %dma_start3A_29 = arith.constant 0 : i32
    %dma_start3A_30 = tpu.memref_slice %arg7[%dma_start3A_26, %dma_start3A_28, %dma_start3A_29] : memref<6x128x128xf32, #tpu.memory_space<vmem>> -> memref<1x128x128xf32, #tpu.memory_space<vmem>>
    %dma_start3A_31 = tpu.memref_squeeze %dma_start3A_30 : memref<1x128x128xf32, #tpu.memory_space<vmem>> -> memref<128x128xf32, #tpu.memory_space<vmem>>
    %dma_start3A_32 = arith.constant 0 : i32
    %dma_start3A_33 = tpu.memref_slice %arg3[%add3A_25, %dma_start3A_32] : memref<262144x128xf32, #tpu.memory_space<hbm>> -> memref<128x128xf32, #tpu.memory_space<hbm>>
    %dma_start3A_34 = tpu.memref_slice %arg11[%dma_start3A_27] : memref<6x!tpu.dma_semaphore, #tpu.memory_space<semaphore_mem>> -> memref<1x!tpu.dma_semaphore, #tpu.memory_space<semaphore_mem>>
    %dma_start3A_35 = tpu.memref_squeeze %dma_start3A_34 : memref<1x!tpu.dma_semaphore, #tpu.memory_space<semaphore_mem>> -> memref<!tpu.dma_semaphore, #tpu.memory_space<semaphore_mem>>
    %dma_start3A_36 = arith.constant 0 : i32
    %dma_start3A_37 = arith.constant 0 : i32
    %dma_start3A_38 = tpu.memref_slice %arg7[%dma_start3A_26, %dma_start3A_36, %dma_start3A_37] : memref<6x128x128xf32, #tpu.memory_space<vmem>> -> memref<1x128x128xf32, #tpu.memory_space<vmem>>
    %dma_start3A_39 = tpu.memref_squeeze %dma_start3A_38 : memref<1x128x128xf32, #tpu.memory_space<vmem>> -> memref<128x128xf32, #tpu.memory_space<vmem>>
    %dma_start3A_40 = arith.constant 0 : i32
    %dma_start3A_41 = tpu.memref_slice %arg3[%add3A_25, %dma_start3A_40] : memref<262144x128xf32, #tpu.memory_space<hbm>> -> memref<128x128xf32, #tpu.memory_space<hbm>>
    tpu.enqueue_dma source(%dma_start3A_41 : memref<128x128xf32, #tpu.memory_space<hbm>>) target(%dma_start3A_39 : memref<128x128xf32, #tpu.memory_space<vmem>>) target_semaphore(%dma_start3A_35 : memref<!tpu.dma_semaphore, #tpu.memory_space<semaphore_mem>>)
    %add3A_42 = arith.constant 256 : i32
    %add3A_43 = arith.addi %mul3A_4, %add3A_42 : i32
    %dma_start3A_44 = arith.constant 2 : i32
    %dma_start3A_45 = arith.constant 2 : i32
    %dma_start3A_46 = arith.constant 0 : i32
    %dma_start3A_47 = arith.constant 0 : i32
    %dma_start3A_48 = tpu.memref_slice %arg7[%dma_start3A_44, %dma_start3A_46, %dma_start3A_47] : memref<6x128x128xf32, #tpu.memory_space<vmem>> -> memref<1x128x128xf32, #tpu.memory_space<vmem>>
    %dma_start3A_49 = tpu.memref_squeeze %dma_start3A_48 : memref<1x128x128xf32, #tpu.memory_space<vmem>> -> memref<128x128xf32, #tpu.memory_space<vmem>>
    %dma_start3A_50 = arith.constant 0 : i32
    %dma_start3A_51 = tpu.memref_slice %arg3[%add3A_43, %dma_start3A_50] : memref<262144x128xf32, #tpu.memory_space<hbm>> -> memref<128x128xf32, #tpu.memory_space<hbm>>
    %dma_start3A_52 = tpu.memref_slice %arg11[%dma_start3A_45] : memref<6x!tpu.dma_semaphore, #tpu.memory_space<semaphore_mem>> -> memref<1x!tpu.dma_semaphore, #tpu.memory_space<semaphore_mem>>
    %dma_start3A_53 = tpu.memref_squeeze %dma_start3A_52 : memref<1x!tpu.dma_semaphore, #tpu.memory_space<semaphore_mem>> -> memref<!tpu.dma_semaphore, #tpu.memory_space<semaphore_mem>>
    %dma_start3A_54 = arith.constant 0 : i32
    %dma_start3A_55 = arith.constant 0 : i32
    %dma_start3A_56 = tpu.memref_slice %arg7[%dma_start3A_44, %dma_start3A_54, %dma_start3A_55] : memref<6x128x128xf32, #tpu.memory_space<vmem>> -> memref<1x128x128xf32, #tpu.memory_space<vmem>>
    %dma_start3A_57 = tpu.memref_squeeze %dma_start3A_56 : memref<1x128x128xf32, #tpu.memory_space<vmem>> -> memref<128x128xf32, #tpu.memory_space<vmem>>
    %dma_start3A_58 = arith.constant 0 : i32
    %dma_start3A_59 = tpu.memref_slice %arg3[%add3A_43, %dma_start3A_58] : memref<262144x128xf32, #tpu.memory_space<hbm>> -> memref<128x128xf32, #tpu.memory_space<hbm>>
    tpu.enqueue_dma source(%dma_start3A_59 : memref<128x128xf32, #tpu.memory_space<hbm>>) target(%dma_start3A_57 : memref<128x128xf32, #tpu.memory_space<vmem>>) target_semaphore(%dma_start3A_53 : memref<!tpu.dma_semaphore, #tpu.memory_space<semaphore_mem>>)
    %add3A_60 = arith.constant 0 : i32
    %add3A_61 = arith.addi %mul3A_4, %add3A_60 : i32
    %dma_wait3A = arith.constant 0 : i32
    %dma_wait3A_62 = arith.constant 0 : i32
    %dma_wait3A_63 = arith.constant 0 : i32
    %dma_wait3A_64 = arith.constant 0 : i32
    %dma_wait3A_65 = tpu.memref_slice %arg7[%dma_wait3A, %dma_wait3A_63, %dma_wait3A_64] : memref<6x128x128xf32, #tpu.memory_space<vmem>> -> memref<1x128x128xf32, #tpu.memory_space<vmem>>
    %dma_wait3A_66 = tpu.memref_squeeze %dma_wait3A_65 : memref<1x128x128xf32, #tpu.memory_space<vmem>> -> memref<128x128xf32, #tpu.memory_space<vmem>>
    %dma_wait3A_67 = arith.constant 0 : i32
    %dma_wait3A_68 = tpu.memref_slice %arg3[%add3A_61, %dma_wait3A_67] : memref<262144x128xf32, #tpu.memory_space<hbm>> -> memref<128x128xf32, #tpu.memory_space<hbm>>
    %dma_wait3A_69 = tpu.memref_slice %arg11[%dma_wait3A_62] : memref<6x!tpu.dma_semaphore, #tpu.memory_space<semaphore_mem>> -> memref<1x!tpu.dma_semaphore, #tpu.memory_space<semaphore_mem>>
    %dma_wait3A_70 = tpu.memref_squeeze %dma_wait3A_69 : memref<1x!tpu.dma_semaphore, #tpu.memory_space<semaphore_mem>> -> memref<!tpu.dma_semaphore, #tpu.memory_space<semaphore_mem>>
    %dma_wait3A_71 = arith.constant 0 : i32
    %dma_wait3A_72 = arith.constant 0 : i32
    %dma_wait3A_73 = tpu.memref_slice %arg7[%dma_wait3A, %dma_wait3A_71, %dma_wait3A_72] : memref<6x128x128xf32, #tpu.memory_space<vmem>> -> memref<1x128x128xf32, #tpu.memory_space<vmem>>
    %dma_wait3A_74 = tpu.memref_squeeze %dma_wait3A_73 : memref<1x128x128xf32, #tpu.memory_space<vmem>> -> memref<128x128xf32, #tpu.memory_space<vmem>>
    %dma_wait3A_75 = arith.constant 0 : i32
    %dma_wait3A_76 = tpu.memref_slice %arg3[%add3A_61, %dma_wait3A_75] : memref<262144x128xf32, #tpu.memory_space<hbm>> -> memref<128x128xf32, #tpu.memory_space<hbm>>
    tpu.wait_dma2 semaphore(%dma_wait3A_70 : memref<!tpu.dma_semaphore, #tpu.memory_space<semaphore_mem>>) src(%dma_wait3A_76 : memref<128x128xf32, #tpu.memory_space<hbm>>) dst(%dma_wait3A_74 : memref<128x128xf32, #tpu.memory_space<vmem>>)
    %get3A = arith.constant 0 : index
    %get3A_77 = tpu.vector_load %arg8[%get3A] {strides = array<i32>} : memref<48xi32, #tpu.memory_space<vmem>>, vector<16xi32>,
    %get3A_78 = vector.shape_cast %get3A_77 : vector<16xi32> to vector<16xi32>
    %slice3A = vector.extract_strided_slice %get3A_78 {offsets = [0], sizes = [1], strides = [1]} : vector<16xi32> to vector<1xi32>
    %squeeze3A = vector.extract %slice3A[0] : i32 from vector<1xi32>
    %rem3A = arith.constant 256 : i32
    %rem3A_79 = arith.remsi %squeeze3A, %rem3A : i32
    %jit3A = arith.constant 128 : i32
    %div3A = arith.divsi %rem3A_79, %jit3A : i32
    %sign3A = arith.constant 0 : i32
    %sign3A_80 = arith.cmpi sgt, %rem3A_79, %sign3A : i32
    %sign3A_81 = arith.extui %sign3A_80 : i1 to i32
    %sign3A_82 = arith.constant 0 : i32
    %sign3A_83 = arith.cmpi slt, %rem3A_79, %sign3A_82 : i32
    %sign3A_84 = arith.extui %sign3A_83 : i1 to i32
    %sign3A_85 = arith.subi %sign3A_81, %sign3A_84 : i32
    %sign3A_86 = arith.constant 0 : i32
    %sign3A_87 = arith.cmpi sgt, %jit3A, %sign3A_86 : i32
    %sign3A_88 = arith.extui %sign3A_87 : i1 to i32
    %sign3A_89 = arith.constant 0 : i32
    %sign3A_90 = arith.cmpi slt, %jit3A, %sign3A_89 : i32
    %sign3A_91 = arith.extui %sign3A_90 : i1 to i32
    %sign3A_92 = arith.subi %sign3A_88, %sign3A_91 : i32
    %ne3A = arith.cmpi ne, %sign3A_85, %sign3A_92 : i32
    %rem3A_93 = arith.remsi %rem3A_79, %jit3A : i32
    %ne3A_94 = arith.constant 0 : i32
    %ne3A_95 = arith.cmpi ne, %rem3A_93, %ne3A_94 : i32
    %and3A = arith.andi %ne3A, %ne3A_95 : i1
    %sub3A = arith.constant 1 : i32
    %sub3A_96 = arith.subi %div3A, %sub3A : i32
    %select_n3A = arith.select %and3A, %sub3A_96, %div3A : i32
    %rem3A_97 = arith.constant 0 : i32
    %rem3A_98 = arith.constant 2 : i32
    %rem3A_99 = arith.remsi %rem3A_97, %rem3A_98 : i32
    %eq3A = arith.cmpi eq, %select_n3A, %rem3A_99 : i32
    %convert_element_type3A = arith.extui %eq3A : i1 to i32
    %cond3A = arith.constant 0 : i32
    %cond3A_100 = arith.cmpi ne, %convert_element_type3A, %cond3A : i32
    scf.if %cond3A_100 {
      %rem3A_1114 = arith.constant 128 : i32
      %rem3A_1115 = arith.remsi %rem3A_79, %rem3A_1114 : i32
      %get3A_1116 = arith.constant 0 : index
      %get3A_1117 = tpu.vector_load %arg10[%get3A_1116] {strides = array<i32>} : memref<4096xf32, #tpu.memory_space<vmem>>, vector<16xf32>,
      %get3A_1118 = vector.shape_cast %get3A_1117 : vector<16xf32> to vector<16xf32>
      %swap3A_1119 = arith.constant 0 : i32
      %swap3A_1120 = arith.index_cast %swap3A_1119 : i32 to index
      %swap3A_1121 = arith.index_cast %rem3A_1115 : i32 to index
      %swap3A_1122 = arith.constant 0 : index
      %swap3A_1123 = tpu.vector_load %arg7[%swap3A_1120, %swap3A_1121, %swap3A_1122] {strides = array<i32>} : memref<6x128x128xf32, #tpu.memory_space<vmem>>, vector<1x1x16xf32>,
      %swap3A_1124 = vector.shape_cast %swap3A_1123 : vector<1x1x16xf32> to vector<16xf32>
      %swap3A_1125 = vector.shape_cast %get3A_1118 : vector<16xf32> to vector<1x1x16xf32>
      tpu.vector_store %arg7[%swap3A_1120, %swap3A_1121, %swap3A_1122], %swap3A_1125 {strides = array<i32>} : memref<6x128x128xf32, #tpu.memory_space<vmem>>, vector<1x1x16xf32>,
      %get3A_1126 = arith.constant 16 : index
      %get3A_1127 = tpu.vector_load %arg10[%get3A_1126] {strides = array<i32>} : memref<4096xf32, #tpu.memory_space<vmem>>, vector<16xf32>,
      %get3A_1128 = vector.shape_cast %get3A_1127 : vector<16xf32> to vector<16xf32>
      %swap3A_1129 = arith.constant 0 : i32
      %swap3A_1130 = arith.index_cast %swap3A_1129 : i32 to index
      %swap3A_1131 = arith.index_cast %rem3A_1115 : i32 to index
      %swap3A_1132 = arith.constant 16 : index
      %swap3A_1133 = tpu.vector_load %arg7[%swap3A_1130, %swap3A_1131, %swap3A_1132] {strides = array<i32>} : memref<6x128x128xf32, #tpu.memory_space<vmem>>, vector<1x1x16xf32>,
      %swap3A_1134 = vector.shape_cast %swap3A_1133 : vector<1x1x16xf32> to vector<16xf32>
      %swap3A_1135 = vector.shape_cast %get3A_1128 : vector<16xf32> to vector<1x1x16xf32>
      tpu.vector_store %arg7[%swap3A_1130, %swap3A_1131, %swap3A_1132], %swap3A_1135 {strides = array<i32>} : memref<6x128x128xf32, #tpu.memory_space<vmem>>, vector<1x1x16xf32>,
      %get3A_1136 = arith.constant 32 : index
      %get3A_1137 = tpu.vector_load %arg10[%get3A_1136] {strides = array<i32>} : memref<4096xf32, #tpu.memory_space<vmem>>, vector<16xf32>,
      %get3A_1138 = vector.shape_cast %get3A_1137 : vector<16xf32> to vector<16xf32>
      %swap3A_1139 = arith.constant 0 : i32
      %swap3A_1140 = arith.index_cast %swap3A_1139 : i32 to index
      %swap3A_1141 = arith.index_cast %rem3A_1115 : i32 to index
      %swap3A_1142 = arith.constant 32 : index
      %swap3A_1143 = tpu.vector_load %arg7[%swap3A_1140, %swap3A_1141, %swap3A_1142] {strides = array<i32>} : memref<6x128x128xf32, #tpu.memory_space<vmem>>, vector<1x1x16xf32>,
      %swap3A_1144 = vector.shape_cast %swap3A_1143 : vector<1x1x16xf32> to vector<16xf32>
      %swap3A_1145 = vector.shape_cast %get3A_1138 : vector<16xf32> to vector<1x1x16xf32>
      tpu.vector_store %arg7[%swap3A_1140, %swap3A_1141, %swap3A_1142], %swap3A_1145 {strides = array<i32>} : memref<6x128x128xf32, #tpu.memory_space<vmem>>, vector<1x1x16xf32>,
      %get3A_1146 = arith.constant 48 : index
      %get3A_1147 = tpu.vector_load %arg10[%get3A_1146] {strides = array<i32>} : memref<4096xf32, #tpu.memory_space<vmem>>, vector<16xf32>,
      %get3A_1148 = vector.shape_cast %get3A_1147 : vector<16xf32> to vector<16xf32>
      %swap3A_1149 = arith.constant 0 : i32
      %swap3A_1150 = arith.index_cast %swap3A_1149 : i32 to index
      %swap3A_1151 = arith.index_cast %rem3A_1115 : i32 to index
      %swap3A_1152 = arith.constant 48 : index
      %swap3A_1153 = tpu.vector_load %arg7[%swap3A_1150, %swap3A_1151, %swap3A_1152] {strides = array<i32>} : memref<6x128x128xf32, #tpu.memory_space<vmem>>, vector<1x1x16xf32>,
      %swap3A_1154 = vector.shape_cast %swap3A_1153 : vector<1x1x16xf32> to vector<16xf32>
      %swap3A_1155 = vector.shape_cast %get3A_1148 : vector<16xf32> to vector<1x1x16xf32>
      tpu.vector_store %arg7[%swap3A_1150, %swap3A_1151, %swap3A_1152], %swap3A_1155 {strides = array<i32>} : memref<6x128x128xf32, #tpu.memory_space<vmem>>, vector<1x1x16xf32>,
      %get3A_1156 = arith.constant 64 : index
      %get3A_1157 = tpu.vector_load %arg10[%get3A_1156] {strides = array<i32>} : memref<4096xf32, #tpu.memory_space<vmem>>, vector<16xf32>,
      %get3A_1158 = vector.shape_cast %get3A_1157 : vector<16xf32> to vector<16xf32>
      %swap3A_1159 = arith.constant 0 : i32
      %swap3A_1160 = arith.index_cast %swap3A_1159 : i32 to index
      %swap3A_1161 = arith.index_cast %rem3A_1115 : i32 to index
      %swap3A_1162 = arith.constant 64 : index
      %swap3A_1163 = tpu.vector_load %arg7[%swap3A_1160, %swap3A_1161, %swap3A_1162] {strides = array<i32>} : memref<6x128x128xf32, #tpu.memory_space<vmem>>, vector<1x1x16xf32>,
      %swap3A_1164 = vector.shape_cast %swap3A_1163 : vector<1x1x16xf32> to vector<16xf32>
      %swap3A_1165 = vector.shape_cast %get3A_1158 : vector<16xf32> to vector<1x1x16xf32>
      tpu.vector_store %arg7[%swap3A_1160, %swap3A_1161, %swap3A_1162], %swap3A_1165 {strides = array<i32>} : memref<6x128x128xf32, #tpu.memory_space<vmem>>, vector<1x1x16xf32>,
      %get3A_1166 = arith.constant 80 : index
      %get3A_1167 = tpu.vector_load %arg10[%get3A_1166] {strides = array<i32>} : memref<4096xf32, #tpu.memory_space<vmem>>, vector<16xf32>,
      %get3A_1168 = vector.shape_cast %get3A_1167 : vector<16xf32> to vector<16xf32>
      %swap3A_1169 = arith.constant 0 : i32
      %swap3A_1170 = arith.index_cast %swap3A_1169 : i32 to index
      %swap3A_1171 = arith.index_cast %rem3A_1115 : i32 to index
      %swap3A_1172 = arith.constant 80 : index
      %swap3A_1173 = tpu.vector_load %arg7[%swap3A_1170, %swap3A_1171, %swap3A_1172] {strides = array<i32>} : memref<6x128x128xf32, #tpu.memory_space<vmem>>, vector<1x1x16xf32>,
      %swap3A_1174 = vector.shape_cast %swap3A_1173 : vector<1x1x16xf32> to vector<16xf32>
      %swap3A_1175 = vector.shape_cast %get3A_1168 : vector<16xf32> to vector<1x1x16xf32>
      tpu.vector_store %arg7[%swap3A_1170, %swap3A_1171, %swap3A_1172], %swap3A_1175 {strides = array<i32>} : memref<6x128x128xf32, #tpu.memory_space<vmem>>, vector<1x1x16xf32>,
      %get3A_1176 = arith.constant 96 : index
      %get3A_1177 = tpu.vector_load %arg10[%get3A_1176] {strides = array<i32>} : memref<4096xf32, #tpu.memory_space<vmem>>, vector<16xf32>,
      %get3A_1178 = vector.shape_cast %get3A_1177 : vector<16xf32> to vector<16xf32>
      %swap3A_1179 = arith.constant 0 : i32
      %swap3A_1180 = arith.index_cast %swap3A_1179 : i32 to index
      %swap3A_1181 = arith.index_cast %rem3A_1115 : i32 to index
      %swap3A_1182 = arith.constant 96 : index
      %swap3A_1183 = tpu.vector_load %arg7[%swap3A_1180, %swap3A_1181, %swap3A_1182] {strides = array<i32>} : memref<6x128x128xf32, #tpu.memory_space<vmem>>, vector<1x1x16xf32>,
      %swap3A_1184 = vector.shape_cast %swap3A_1183 : vector<1x1x16xf32> to vector<16xf32>
      %swap3A_1185 = vector.shape_cast %get3A_1178 : vector<16xf32> to vector<1x1x16xf32>
      tpu.vector_store %arg7[%swap3A_1180, %swap3A_1181, %swap3A_1182], %swap3A_1185 {strides = array<i32>} : memref<6x128x128xf32, #tpu.memory_space<vmem>>, vector<1x1x16xf32>,
      %get3A_1186 = arith.constant 112 : index
      %get3A_1187 = tpu.vector_load %arg10[%get3A_1186] {strides = array<i32>} : memref<4096xf32, #tpu.memory_space<vmem>>, vector<16xf32>,
      %get3A_1188 = vector.shape_cast %get3A_1187 : vector<16xf32> to vector<16xf32>
      %swap3A_1189 = arith.constant 0 : i32
      %swap3A_1190 = arith.index_cast %swap3A_1189 : i32 to index
      %swap3A_1191 = arith.index_cast %rem3A_1115 : i32 to index
      %swap3A_1192 = arith.constant 112 : index
      %swap3A_1193 = tpu.vector_load %arg7[%swap3A_1190, %swap3A_1191, %swap3A_1192] {strides = array<i32>} : memref<6x128x128xf32, #tpu.memory_space<vmem>>, vector<1x1x16xf32>,
      %swap3A_1194 = vector.shape_cast %swap3A_1193 : vector<1x1x16xf32> to vector<16xf32>
      %swap3A_1195 = vector.shape_cast %get3A_1188 : vector<16xf32> to vector<1x1x16xf32>
      tpu.vector_store %arg7[%swap3A_1190, %swap3A_1191, %swap3A_1192], %swap3A_1195 {strides = array<i32>} : memref<6x128x128xf32, #tpu.memory_space<vmem>>, vector<1x1x16xf32>,
    } else {
    }
    %add3A_101 = arith.constant 0 : i32
    %add3A_102 = arith.addi %mul3A_4, %add3A_101 : i32
    %dma_start3A_103 = arith.constant 0 : i32
    %dma_start3A_104 = arith.constant 0 : i32
    %dma_start3A_105 = arith.constant 0 : i32
    %dma_start3A_106 = arith.constant 0 : i32
    %dma_start3A_107 = tpu.memref_slice %arg7[%dma_start3A_103, %dma_start3A_105, %dma_start3A_106] : memref<6x128x128xf32, #tpu.memory_space<vmem>> -> memref<1x128x128xf32, #tpu.memory_space<vmem>>
    %dma_start3A_108 = tpu.memref_squeeze %dma_start3A_107 : memref<1x128x128xf32, #tpu.memory_space<vmem>> -> memref<128x128xf32, #tpu.memory_space<vmem>>
    %dma_start3A_109 = arith.constant 0 : i32
    %dma_start3A_110 = tpu.memref_slice %arg5[%add3A_102, %dma_start3A_109] : memref<262144x128xf32, #tpu.memory_space<hbm>> -> memref<128x128xf32, #tpu.memory_space<hbm>>
    %dma_start3A_111 = tpu.memref_slice %arg12[%dma_start3A_104] : memref<6x!tpu.dma_semaphore, #tpu.memory_space<semaphore_mem>> -> memref<1x!tpu.dma_semaphore, #tpu.memory_space<semaphore_mem>>
    %dma_start3A_112 = tpu.memref_squeeze %dma_start3A_111 : memref<1x!tpu.dma_semaphore, #tpu.memory_space<semaphore_mem>> -> memref<!tpu.dma_semaphore, #tpu.memory_space<semaphore_mem>>
    %dma_start3A_113 = arith.constant 0 : i32
    %dma_start3A_114 = tpu.memref_slice %arg5[%add3A_102, %dma_start3A_113] : memref<262144x128xf32, #tpu.memory_space<hbm>> -> memref<128x128xf32, #tpu.memory_space<hbm>>
    %dma_start3A_115 = arith.constant 0 : i32
    %dma_start3A_116 = arith.constant 0 : i32
    %dma_start3A_117 = tpu.memref_slice %arg7[%dma_start3A_103, %dma_start3A_115, %dma_start3A_116] : memref<6x128x128xf32, #tpu.memory_space<vmem>> -> memref<1x128x128xf32, #tpu.memory_space<vmem>>
    %dma_start3A_118 = tpu.memref_squeeze %dma_start3A_117 : memref<1x128x128xf32, #tpu.memory_space<vmem>> -> memref<128x128xf32, #tpu.memory_space<vmem>>
    tpu.enqueue_dma source(%dma_start3A_118 : memref<128x128xf32, #tpu.memory_space<vmem>>) target(%dma_start3A_114 : memref<128x128xf32, #tpu.memory_space<hbm>>) target_semaphore(%dma_start3A_112 : memref<!tpu.dma_semaphore, #tpu.memory_space<semaphore_mem>>)
    %add3A_119 = arith.constant 384 : i32
    %add3A_120 = arith.addi %mul3A_4, %add3A_119 : i32
    %dma_start3A_121 = arith.constant 3 : i32
    %dma_start3A_122 = arith.constant 3 : i32
    %dma_start3A_123 = arith.constant 0 : i32
    %dma_start3A_124 = arith.constant 0 : i32
    %dma_start3A_125 = tpu.memref_slice %arg7[%dma_start3A_121, %dma_start3A_123, %dma_start3A_124] : memref<6x128x128xf32, #tpu.memory_space<vmem>> -> memref<1x128x128xf32, #tpu.memory_space<vmem>>
    %dma_start3A_126 = tpu.memref_squeeze %dma_start3A_125 : memref<1x128x128xf32, #tpu.memory_space<vmem>> -> memref<128x128xf32, #tpu.memory_space<vmem>>
    %dma_start3A_127 = arith.constant 0 : i32
    %dma_start3A_128 = tpu.memref_slice %arg3[%add3A_120, %dma_start3A_127] : memref<262144x128xf32, #tpu.memory_space<hbm>> -> memref<128x128xf32, #tpu.memory_space<hbm>>
    %dma_start3A_129 = tpu.memref_slice %arg11[%dma_start3A_122] : memref<6x!tpu.dma_semaphore, #tpu.memory_space<semaphore_mem>> -> memref<1x!tpu.dma_semaphore, #tpu.memory_space<semaphore_mem>>
    %dma_start3A_130 = tpu.memref_squeeze %dma_start3A_129 : memref<1x!tpu.dma_semaphore, #tpu.memory_space<semaphore_mem>> -> memref<!tpu.dma_semaphore, #tpu.memory_space<semaphore_mem>>
    %dma_start3A_131 = arith.constant 0 : i32
    %dma_start3A_132 = arith.constant 0 : i32
    %dma_start3A_133 = tpu.memref_slice %arg7[%dma_start3A_121, %dma_start3A_131, %dma_start3A_132] : memref<6x128x128xf32, #tpu.memory_space<vmem>> -> memref<1x128x128xf32, #tpu.memory_space<vmem>>
    %dma_start3A_134 = tpu.memref_squeeze %dma_start3A_133 : memref<1x128x128xf32, #tpu.memory_space<vmem>> -> memref<128x128xf32, #tpu.memory_space<vmem>>
    %dma_start3A_135 = arith.constant 0 : i32
    %dma_start3A_136 = tpu.memref_slice %arg3[%add3A_120, %dma_start3A_135] : memref<262144x128xf32, #tpu.memory_space<hbm>> -> memref<128x128xf32, #tpu.memory_space<hbm>>
    tpu.enqueue_dma source(%dma_start3A_136 : memref<128x128xf32, #tpu.memory_space<hbm>>) target(%dma_start3A_134 : memref<128x128xf32, #tpu.memory_space<vmem>>) target_semaphore(%dma_start3A_130 : memref<!tpu.dma_semaphore, #tpu.memory_space<semaphore_mem>>)
    %add3A_137 = arith.constant 128 : i32
    %add3A_138 = arith.addi %mul3A_4, %add3A_137 : i32
    %dma_wait3A_139 = arith.constant 1 : i32
    %dma_wait3A_140 = arith.constant 1 : i32
    %dma_wait3A_141 = arith.constant 0 : i32
    %dma_wait3A_142 = arith.constant 0 : i32
    %dma_wait3A_143 = tpu.memref_slice %arg7[%dma_wait3A_139, %dma_wait3A_141, %dma_wait3A_142] : memref<6x128x128xf32, #tpu.memory_space<vmem>> -> memref<1x128x128xf32, #tpu.memory_space<vmem>>
    %dma_wait3A_144 = tpu.memref_squeeze %dma_wait3A_143 : memref<1x128x128xf32, #tpu.memory_space<vmem>> -> memref<128x128xf32, #tpu.memory_space<vmem>>
    %dma_wait3A_145 = arith.constant 0 : i32
    %dma_wait3A_146 = tpu.memref_slice %arg3[%add3A_138, %dma_wait3A_145] : memref<262144x128xf32, #tpu.memory_space<hbm>> -> memref<128x128xf32, #tpu.memory_space<hbm>>
    %dma_wait3A_147 = tpu.memref_slice %arg11[%dma_wait3A_140] : memref<6x!tpu.dma_semaphore, #tpu.memory_space<semaphore_mem>> -> memref<1x!tpu.dma_semaphore, #tpu.memory_space<semaphore_mem>>
    %dma_wait3A_148 = tpu.memref_squeeze %dma_wait3A_147 : memref<1x!tpu.dma_semaphore, #tpu.memory_space<semaphore_mem>> -> memref<!tpu.dma_semaphore, #tpu.memory_space<semaphore_mem>>
    %dma_wait3A_149 = arith.constant 0 : i32
    %dma_wait3A_150 = arith.constant 0 : i32
    %dma_wait3A_151 = tpu.memref_slice %arg7[%dma_wait3A_139, %dma_wait3A_149, %dma_wait3A_150] : memref<6x128x128xf32, #tpu.memory_space<vmem>> -> memref<1x128x128xf32, #tpu.memory_space<vmem>>
    %dma_wait3A_152 = tpu.memref_squeeze %dma_wait3A_151 : memref<1x128x128xf32, #tpu.memory_space<vmem>> -> memref<128x128xf32, #tpu.memory_space<vmem>>
    %dma_wait3A_153 = arith.constant 0 : i32
    %dma_wait3A_154 = tpu.memref_slice %arg3[%add3A_138, %dma_wait3A_153] : memref<262144x128xf32, #tpu.memory_space<hbm>> -> memref<128x128xf32, #tpu.memory_space<hbm>>
    tpu.wait_dma2 semaphore(%dma_wait3A_148 : memref<!tpu.dma_semaphore, #tpu.memory_space<semaphore_mem>>) src(%dma_wait3A_154 : memref<128x128xf32, #tpu.memory_space<hbm>>) dst(%dma_wait3A_152 : memref<128x128xf32, #tpu.memory_space<vmem>>)
    %get3A_155 = arith.constant 0 : index
    %get3A_156 = tpu.vector_load %arg8[%get3A_155] {strides = array<i32>} : memref<48xi32, #tpu.memory_space<vmem>>, vector<16xi32>,
    %get3A_157 = vector.shape_cast %get3A_156 : vector<16xi32> to vector<16xi32>
    %slice3A_158 = vector.extract_strided_slice %get3A_157 {offsets = [0], sizes = [1], strides = [1]} : vector<16xi32> to vector<1xi32>
    %squeeze3A_159 = vector.extract %slice3A_158[0] : i32 from vector<1xi32>
    %rem3A_160 = arith.constant 256 : i32
    %rem3A_161 = arith.remsi %squeeze3A_159, %rem3A_160 : i32
    %jit3A_162 = arith.constant 128 : i32
    %div3A_163 = arith.divsi %rem3A_161, %jit3A_162 : i32
    %sign3A_164 = arith.constant 0 : i32
    %sign3A_165 = arith.cmpi sgt, %rem3A_161, %sign3A_164 : i32
    %sign3A_166 = arith.extui %sign3A_165 : i1 to i32
    %sign3A_167 = arith.constant 0 : i32
    %sign3A_168 = arith.cmpi slt, %rem3A_161, %sign3A_167 : i32
    %sign3A_169 = arith.extui %sign3A_168 : i1 to i32
    %sign3A_170 = arith.subi %sign3A_166, %sign3A_169 : i32
    %sign3A_171 = arith.constant 0 : i32
    %sign3A_172 = arith.cmpi sgt, %jit3A_162, %sign3A_171 : i32
    %sign3A_173 = arith.extui %sign3A_172 : i1 to i32
    %sign3A_174 = arith.constant 0 : i32
    %sign3A_175 = arith.cmpi slt, %jit3A_162, %sign3A_174 : i32
    %sign3A_176 = arith.extui %sign3A_175 : i1 to i32
    %sign3A_177 = arith.subi %sign3A_173, %sign3A_176 : i32
    %ne3A_178 = arith.cmpi ne, %sign3A_170, %sign3A_177 : i32
    %rem3A_179 = arith.remsi %rem3A_161, %jit3A_162 : i32
    %ne3A_180 = arith.constant 0 : i32
    %ne3A_181 = arith.cmpi ne, %rem3A_179, %ne3A_180 : i32
    %and3A_182 = arith.andi %ne3A_178, %ne3A_181 : i1
    %sub3A_183 = arith.constant 1 : i32
    %sub3A_184 = arith.subi %div3A_163, %sub3A_183 : i32
    %select_n3A_185 = arith.select %and3A_182, %sub3A_184, %div3A_163 : i32
    %rem3A_186 = arith.constant 1 : i32
    %rem3A_187 = arith.constant 2 : i32
    %rem3A_188 = arith.remsi %rem3A_186, %rem3A_187 : i32
    %eq3A_189 = arith.cmpi eq, %select_n3A_185, %rem3A_188 : i32
    %convert_element_type3A_190 = arith.extui %eq3A_189 : i1 to i32
    %cond3A_191 = arith.constant 0 : i32
    %cond3A_192 = arith.cmpi ne, %convert_element_type3A_190, %cond3A_191 : i32
    scf.if %cond3A_192 {
      %rem3A_1114 = arith.constant 128 : i32
      %rem3A_1115 = arith.remsi %rem3A_161, %rem3A_1114 : i32
      %get3A_1116 = arith.constant 0 : index
      %get3A_1117 = tpu.vector_load %arg10[%get3A_1116] {strides = array<i32>} : memref<4096xf32, #tpu.memory_space<vmem>>, vector<16xf32>,
      %get3A_1118 = vector.shape_cast %get3A_1117 : vector<16xf32> to vector<16xf32>
      %swap3A_1119 = arith.constant 1 : i32
      %swap3A_1120 = arith.index_cast %swap3A_1119 : i32 to index
      %swap3A_1121 = arith.index_cast %rem3A_1115 : i32 to index
      %swap3A_1122 = arith.constant 0 : index
      %swap3A_1123 = tpu.vector_load %arg7[%swap3A_1120, %swap3A_1121, %swap3A_1122] {strides = array<i32>} : memref<6x128x128xf32, #tpu.memory_space<vmem>>, vector<1x1x16xf32>,
      %swap3A_1124 = vector.shape_cast %swap3A_1123 : vector<1x1x16xf32> to vector<16xf32>
      %swap3A_1125 = vector.shape_cast %get3A_1118 : vector<16xf32> to vector<1x1x16xf32>
      tpu.vector_store %arg7[%swap3A_1120, %swap3A_1121, %swap3A_1122], %swap3A_1125 {strides = array<i32>} : memref<6x128x128xf32, #tpu.memory_space<vmem>>, vector<1x1x16xf32>,
      %get3A_1126 = arith.constant 16 : index
      %get3A_1127 = tpu.vector_load %arg10[%get3A_1126] {strides = array<i32>} : memref<4096xf32, #tpu.memory_space<vmem>>, vector<16xf32>,
      %get3A_1128 = vector.shape_cast %get3A_1127 : vector<16xf32> to vector<16xf32>
      %swap3A_1129 = arith.constant 1 : i32
      %swap3A_1130 = arith.index_cast %swap3A_1129 : i32 to index
      %swap3A_1131 = arith.index_cast %rem3A_1115 : i32 to index
      %swap3A_1132 = arith.constant 16 : index
      %swap3A_1133 = tpu.vector_load %arg7[%swap3A_1130, %swap3A_1131, %swap3A_1132] {strides = array<i32>} : memref<6x128x128xf32, #tpu.memory_space<vmem>>, vector<1x1x16xf32>,
      %swap3A_1134 = vector.shape_cast %swap3A_1133 : vector<1x1x16xf32> to vector<16xf32>
      %swap3A_1135 = vector.shape_cast %get3A_1128 : vector<16xf32> to vector<1x1x16xf32>
      tpu.vector_store %arg7[%swap3A_1130, %swap3A_1131, %swap3A_1132], %swap3A_1135 {strides = array<i32>} : memref<6x128x128xf32, #tpu.memory_space<vmem>>, vector<1x1x16xf32>,
      %get3A_1136 = arith.constant 32 : index
      %get3A_1137 = tpu.vector_load %arg10[%get3A_1136] {strides = array<i32>} : memref<4096xf32, #tpu.memory_space<vmem>>, vector<16xf32>,
      %get3A_1138 = vector.shape_cast %get3A_1137 : vector<16xf32> to vector<16xf32>
      %swap3A_1139 = arith.constant 1 : i32
      %swap3A_1140 = arith.index_cast %swap3A_1139 : i32 to index
      %swap3A_1141 = arith.index_cast %rem3A_1115 : i32 to index
      %swap3A_1142 = arith.constant 32 : index
      %swap3A_1143 = tpu.vector_load %arg7[%swap3A_1140, %swap3A_1141, %swap3A_1142] {strides = array<i32>} : memref<6x128x128xf32, #tpu.memory_space<vmem>>, vector<1x1x16xf32>,
      %swap3A_1144 = vector.shape_cast %swap3A_1143 : vector<1x1x16xf32> to vector<16xf32>
      %swap3A_1145 = vector.shape_cast %get3A_1138 : vector<16xf32> to vector<1x1x16xf32>
      tpu.vector_store %arg7[%swap3A_1140, %swap3A_1141, %swap3A_1142], %swap3A_1145 {strides = array<i32>} : memref<6x128x128xf32, #tpu.memory_space<vmem>>, vector<1x1x16xf32>,
      %get3A_1146 = arith.constant 48 : index
      %get3A_1147 = tpu.vector_load %arg10[%get3A_1146] {strides = array<i32>} : memref<4096xf32, #tpu.memory_space<vmem>>, vector<16xf32>,
      %get3A_1148 = vector.shape_cast %get3A_1147 : vector<16xf32> to vector<16xf32>
      %swap3A_1149 = arith.constant 1 : i32
      %swap3A_1150 = arith.index_cast %swap3A_1149 : i32 to index
      %swap3A_1151 = arith.index_cast %rem3A_1115 : i32 to index
      %swap3A_1152 = arith.constant 48 : index
      %swap3A_1153 = tpu.vector_load %arg7[%swap3A_1150, %swap3A_1151, %swap3A_1152] {strides = array<i32>} : memref<6x128x128xf32, #tpu.memory_space<vmem>>, vector<1x1x16xf32>,
      %swap3A_1154 = vector.shape_cast %swap3A_1153 : vector<1x1x16xf32> to vector<16xf32>
      %swap3A_1155 = vector.shape_cast %get3A_1148 : vector<16xf32> to vector<1x1x16xf32>
      tpu.vector_store %arg7[%swap3A_1150, %swap3A_1151, %swap3A_1152], %swap3A_1155 {strides = array<i32>} : memref<6x128x128xf32, #tpu.memory_space<vmem>>, vector<1x1x16xf32>,
      %get3A_1156 = arith.constant 64 : index
      %get3A_1157 = tpu.vector_load %arg10[%get3A_1156] {strides = array<i32>} : memref<4096xf32, #tpu.memory_space<vmem>>, vector<16xf32>,
      %get3A_1158 = vector.shape_cast %get3A_1157 : vector<16xf32> to vector<16xf32>
      %swap3A_1159 = arith.constant 1 : i32
      %swap3A_1160 = arith.index_cast %swap3A_1159 : i32 to index
      %swap3A_1161 = arith.index_cast %rem3A_1115 : i32 to index
      %swap3A_1162 = arith.constant 64 : index
      %swap3A_1163 = tpu.vector_load %arg7[%swap3A_1160, %swap3A_1161, %swap3A_1162] {strides = array<i32>} : memref<6x128x128xf32, #tpu.memory_space<vmem>>, vector<1x1x16xf32>,
      %swap3A_1164 = vector.shape_cast %swap3A_1163 : vector<1x1x16xf32> to vector<16xf32>
      %swap3A_1165 = vector.shape_cast %get3A_1158 : vector<16xf32> to vector<1x1x16xf32>
      tpu.vector_store %arg7[%swap3A_1160, %swap3A_1161, %swap3A_1162], %swap3A_1165 {strides = array<i32>} : memref<6x128x128xf32, #tpu.memory_space<vmem>>, vector<1x1x16xf32>,
      %get3A_1166 = arith.constant 80 : index
      %get3A_1167 = tpu.vector_load %arg10[%get3A_1166] {strides = array<i32>} : memref<4096xf32, #tpu.memory_space<vmem>>, vector<16xf32>,
      %get3A_1168 = vector.shape_cast %get3A_1167 : vector<16xf32> to vector<16xf32>
      %swap3A_1169 = arith.constant 1 : i32
      %swap3A_1170 = arith.index_cast %swap3A_1169 : i32 to index
      %swap3A_1171 = arith.index_cast %rem3A_1115 : i32 to index
      %swap3A_1172 = arith.constant 80 : index
      %swap3A_1173 = tpu.vector_load %arg7[%swap3A_1170, %swap3A_1171, %swap3A_1172] {strides = array<i32>} : memref<6x128x128xf32, #tpu.memory_space<vmem>>, vector<1x1x16xf32>,
      %swap3A_1174 = vector.shape_cast %swap3A_1173 : vector<1x1x16xf32> to vector<16xf32>
      %swap3A_1175 = vector.shape_cast %get3A_1168 : vector<16xf32> to vector<1x1x16xf32>
      tpu.vector_store %arg7[%swap3A_1170, %swap3A_1171, %swap3A_1172], %swap3A_1175 {strides = array<i32>} : memref<6x128x128xf32, #tpu.memory_space<vmem>>, vector<1x1x16xf32>,
      %get3A_1176 = arith.constant 96 : index
      %get3A_1177 = tpu.vector_load %arg10[%get3A_1176] {strides = array<i32>} : memref<4096xf32, #tpu.memory_space<vmem>>, vector<16xf32>,
      %get3A_1178 = vector.shape_cast %get3A_1177 : vector<16xf32> to vector<16xf32>
      %swap3A_1179 = arith.constant 1 : i32
      %swap3A_1180 = arith.index_cast %swap3A_1179 : i32 to index
      %swap3A_1181 = arith.index_cast %rem3A_1115 : i32 to index
      %swap3A_1182 = arith.constant 96 : index
      %swap3A_1183 = tpu.vector_load %arg7[%swap3A_1180, %swap3A_1181, %swap3A_1182] {strides = array<i32>} : memref<6x128x128xf32, #tpu.memory_space<vmem>>, vector<1x1x16xf32>,
      %swap3A_1184 = vector.shape_cast %swap3A_1183 : vector<1x1x16xf32> to vector<16xf32>
      %swap3A_1185 = vector.shape_cast %get3A_1178 : vector<16xf32> to vector<1x1x16xf32>
      tpu.vector_store %arg7[%swap3A_1180, %swap3A_1181, %swap3A_1182], %swap3A_1185 {strides = array<i32>} : memref<6x128x128xf32, #tpu.memory_space<vmem>>, vector<1x1x16xf32>,
      %get3A_1186 = arith.constant 112 : index
      %get3A_1187 = tpu.vector_load %arg10[%get3A_1186] {strides = array<i32>} : memref<4096xf32, #tpu.memory_space<vmem>>, vector<16xf32>,
      %get3A_1188 = vector.shape_cast %get3A_1187 : vector<16xf32> to vector<16xf32>
      %swap3A_1189 = arith.constant 1 : i32
      %swap3A_1190 = arith.index_cast %swap3A_1189 : i32 to index
      %swap3A_1191 = arith.index_cast %rem3A_1115 : i32 to index
      %swap3A_1192 = arith.constant 112 : index
      %swap3A_1193 = tpu.vector_load %arg7[%swap3A_1190, %swap3A_1191, %swap3A_1192] {strides = array<i32>} : memref<6x128x128xf32, #tpu.memory_space<vmem>>, vector<1x1x16xf32>,
      %swap3A_1194 = vector.shape_cast %swap3A_1193 : vector<1x1x16xf32> to vector<16xf32>
      %swap3A_1195 = vector.shape_cast %get3A_1188 : vector<16xf32> to vector<1x1x16xf32>
      tpu.vector_store %arg7[%swap3A_1190, %swap3A_1191, %swap3A_1192], %swap3A_1195 {strides = array<i32>} : memref<6x128x128xf32, #tpu.memory_space<vmem>>, vector<1x1x16xf32>,
    } else {
    }
    %add3A_193 = arith.constant 128 : i32
    %add3A_194 = arith.addi %mul3A_4, %add3A_193 : i32
    %dma_start3A_195 = arith.constant 1 : i32
    %dma_start3A_196 = arith.constant 1 : i32
    %dma_start3A_197 = arith.constant 0 : i32
    %dma_start3A_198 = arith.constant 0 : i32
    %dma_start3A_199 = tpu.memref_slice %arg7[%dma_start3A_195, %dma_start3A_197, %dma_start3A_198] : memref<6x128x128xf32, #tpu.memory_space<vmem>> -> memref<1x128x128xf32, #tpu.memory_space<vmem>>
    %dma_start3A_200 = tpu.memref_squeeze %dma_start3A_199 : memref<1x128x128xf32, #tpu.memory_space<vmem>> -> memref<128x128xf32, #tpu.memory_space<vmem>>
    %dma_start3A_201 = arith.constant 0 : i32
    %dma_start3A_202 = tpu.memref_slice %arg5[%add3A_194, %dma_start3A_201] : memref<262144x128xf32, #tpu.memory_space<hbm>> -> memref<128x128xf32, #tpu.memory_space<hbm>>
    %dma_start3A_203 = tpu.memref_slice %arg12[%dma_start3A_196] : memref<6x!tpu.dma_semaphore, #tpu.memory_space<semaphore_mem>> -> memref<1x!tpu.dma_semaphore, #tpu.memory_space<semaphore_mem>>
    %dma_start3A_204 = tpu.memref_squeeze %dma_start3A_203 : memref<1x!tpu.dma_semaphore, #tpu.memory_space<semaphore_mem>> -> memref<!tpu.dma_semaphore, #tpu.memory_space<semaphore_mem>>
    %dma_start3A_205 = arith.constant 0 : i32
    %dma_start3A_206 = tpu.memref_slice %arg5[%add3A_194, %dma_start3A_205] : memref<262144x128xf32, #tpu.memory_space<hbm>> -> memref<128x128xf32, #tpu.memory_space<hbm>>
    %dma_start3A_207 = arith.constant 0 : i32
    %dma_start3A_208 = arith.constant 0 : i32
    %dma_start3A_209 = tpu.memref_slice %arg7[%dma_start3A_195, %dma_start3A_207, %dma_start3A_208] : memref<6x128x128xf32, #tpu.memory_space<vmem>> -> memref<1x128x128xf32, #tpu.memory_space<vmem>>
    %dma_start3A_210 = tpu.memref_squeeze %dma_start3A_209 : memref<1x128x128xf32, #tpu.memory_space<vmem>> -> memref<128x128xf32, #tpu.memory_space<vmem>>
    tpu.enqueue_dma source(%dma_start3A_210 : memref<128x128xf32, #tpu.memory_space<vmem>>) target(%dma_start3A_206 : memref<128x128xf32, #tpu.memory_space<hbm>>) target_semaphore(%dma_start3A_204 : memref<!tpu.dma_semaphore, #tpu.memory_space<semaphore_mem>>)
    %add3A_211 = arith.constant 512 : i32
    %add3A_212 = arith.addi %mul3A_4, %add3A_211 : i32
    %dma_start3A_213 = arith.constant 4 : i32
    %dma_start3A_214 = arith.constant 4 : i32
    %dma_start3A_215 = arith.constant 0 : i32
    %dma_start3A_216 = arith.constant 0 : i32
    %dma_start3A_217 = tpu.memref_slice %arg7[%dma_start3A_213, %dma_start3A_215, %dma_start3A_216] : memref<6x128x128xf32, #tpu.memory_space<vmem>> -> memref<1x128x128xf32, #tpu.memory_space<vmem>>
    %dma_start3A_218 = tpu.memref_squeeze %dma_start3A_217 : memref<1x128x128xf32, #tpu.memory_space<vmem>> -> memref<128x128xf32, #tpu.memory_space<vmem>>
    %dma_start3A_219 = arith.constant 0 : i32
    %dma_start3A_220 = tpu.memref_slice %arg3[%add3A_212, %dma_start3A_219] : memref<262144x128xf32, #tpu.memory_space<hbm>> -> memref<128x128xf32, #tpu.memory_space<hbm>>
    %dma_start3A_221 = tpu.memref_slice %arg11[%dma_start3A_214] : memref<6x!tpu.dma_semaphore, #tpu.memory_space<semaphore_mem>> -> memref<1x!tpu.dma_semaphore, #tpu.memory_space<semaphore_mem>>
    %dma_start3A_222 = tpu.memref_squeeze %dma_start3A_221 : memref<1x!tpu.dma_semaphore, #tpu.memory_space<semaphore_mem>> -> memref<!tpu.dma_semaphore, #tpu.memory_space<semaphore_mem>>
    %dma_start3A_223 = arith.constant 0 : i32
    %dma_start3A_224 = arith.constant 0 : i32
    %dma_start3A_225 = tpu.memref_slice %arg7[%dma_start3A_213, %dma_start3A_223, %dma_start3A_224] : memref<6x128x128xf32, #tpu.memory_space<vmem>> -> memref<1x128x128xf32, #tpu.memory_space<vmem>>
    %dma_start3A_226 = tpu.memref_squeeze %dma_start3A_225 : memref<1x128x128xf32, #tpu.memory_space<vmem>> -> memref<128x128xf32, #tpu.memory_space<vmem>>
    %dma_start3A_227 = arith.constant 0 : i32
    %dma_start3A_228 = tpu.memref_slice %arg3[%add3A_212, %dma_start3A_227] : memref<262144x128xf32, #tpu.memory_space<hbm>> -> memref<128x128xf32, #tpu.memory_space<hbm>>
    tpu.enqueue_dma source(%dma_start3A_228 : memref<128x128xf32, #tpu.memory_space<hbm>>) target(%dma_start3A_226 : memref<128x128xf32, #tpu.memory_space<vmem>>) target_semaphore(%dma_start3A_222 : memref<!tpu.dma_semaphore, #tpu.memory_space<semaphore_mem>>)
    %add3A_229 = arith.constant 256 : i32
    %add3A_230 = arith.addi %mul3A_4, %add3A_229 : i32
    %dma_wait3A_231 = arith.constant 2 : i32
    %dma_wait3A_232 = arith.constant 2 : i32
    %dma_wait3A_233 = arith.constant 0 : i32
    %dma_wait3A_234 = arith.constant 0 : i32
    %dma_wait3A_235 = tpu.memref_slice %arg7[%dma_wait3A_231, %dma_wait3A_233, %dma_wait3A_234] : memref<6x128x128xf32, #tpu.memory_space<vmem>> -> memref<1x128x128xf32, #tpu.memory_space<vmem>>
    %dma_wait3A_236 = tpu.memref_squeeze %dma_wait3A_235 : memref<1x128x128xf32, #tpu.memory_space<vmem>> -> memref<128x128xf32, #tpu.memory_space<vmem>>
    %dma_wait3A_237 = arith.constant 0 : i32
    %dma_wait3A_238 = tpu.memref_slice %arg3[%add3A_230, %dma_wait3A_237] : memref<262144x128xf32, #tpu.memory_space<hbm>> -> memref<128x128xf32, #tpu.memory_space<hbm>>
    %dma_wait3A_239 = tpu.memref_slice %arg11[%dma_wait3A_232] : memref<6x!tpu.dma_semaphore, #tpu.memory_space<semaphore_mem>> -> memref<1x!tpu.dma_semaphore, #tpu.memory_space<semaphore_mem>>
    %dma_wait3A_240 = tpu.memref_squeeze %dma_wait3A_239 : memref<1x!tpu.dma_semaphore, #tpu.memory_space<semaphore_mem>> -> memref<!tpu.dma_semaphore, #tpu.memory_space<semaphore_mem>>
    %dma_wait3A_241 = arith.constant 0 : i32
    %dma_wait3A_242 = arith.constant 0 : i32
    %dma_wait3A_243 = tpu.memref_slice %arg7[%dma_wait3A_231, %dma_wait3A_241, %dma_wait3A_242] : memref<6x128x128xf32, #tpu.memory_space<vmem>> -> memref<1x128x128xf32, #tpu.memory_space<vmem>>
    %dma_wait3A_244 = tpu.memref_squeeze %dma_wait3A_243 : memref<1x128x128xf32, #tpu.memory_space<vmem>> -> memref<128x128xf32, #tpu.memory_space<vmem>>
    %dma_wait3A_245 = arith.constant 0 : i32
    %dma_wait3A_246 = tpu.memref_slice %arg3[%add3A_230, %dma_wait3A_245] : memref<262144x128xf32, #tpu.memory_space<hbm>> -> memref<128x128xf32, #tpu.memory_space<hbm>>
    tpu.wait_dma2 semaphore(%dma_wait3A_240 : memref<!tpu.dma_semaphore, #tpu.memory_space<semaphore_mem>>) src(%dma_wait3A_246 : memref<128x128xf32, #tpu.memory_space<hbm>>) dst(%dma_wait3A_244 : memref<128x128xf32, #tpu.memory_space<vmem>>)
    %get3A_247 = arith.constant 1 : index
    %get3A_248 = tpu.vector_load %arg8[%get3A_247] {strides = array<i32>} : memref<48xi32, #tpu.memory_space<vmem>>, vector<16xi32>,
    %get3A_249 = vector.shape_cast %get3A_248 : vector<16xi32> to vector<16xi32>
    %slice3A_250 = vector.extract_strided_slice %get3A_249 {offsets = [0], sizes = [1], strides = [1]} : vector<16xi32> to vector<1xi32>
    %squeeze3A_251 = vector.extract %slice3A_250[0] : i32 from vector<1xi32>
    %rem3A_252 = arith.constant 256 : i32
    %rem3A_253 = arith.remsi %squeeze3A_251, %rem3A_252 : i32
    %jit3A_254 = arith.constant 128 : i32
    %div3A_255 = arith.divsi %rem3A_253, %jit3A_254 : i32
    %sign3A_256 = arith.constant 0 : i32
    %sign3A_257 = arith.cmpi sgt, %rem3A_253, %sign3A_256 : i32
    %sign3A_258 = arith.extui %sign3A_257 : i1 to i32
    %sign3A_259 = arith.constant 0 : i32
    %sign3A_260 = arith.cmpi slt, %rem3A_253, %sign3A_259 : i32
    %sign3A_261 = arith.extui %sign3A_260 : i1 to i32
    %sign3A_262 = arith.subi %sign3A_258, %sign3A_261 : i32
    %sign3A_263 = arith.constant 0 : i32
    %sign3A_264 = arith.cmpi sgt, %jit3A_254, %sign3A_263 : i32
    %sign3A_265 = arith.extui %sign3A_264 : i1 to i32
    %sign3A_266 = arith.constant 0 : i32
    %sign3A_267 = arith.cmpi slt, %jit3A_254, %sign3A_266 : i32
    %sign3A_268 = arith.extui %sign3A_267 : i1 to i32
    %sign3A_269 = arith.subi %sign3A_265, %sign3A_268 : i32
    %ne3A_270 = arith.cmpi ne, %sign3A_262, %sign3A_269 : i32
    %rem3A_271 = arith.remsi %rem3A_253, %jit3A_254 : i32
    %ne3A_272 = arith.constant 0 : i32
    %ne3A_273 = arith.cmpi ne, %rem3A_271, %ne3A_272 : i32
    %and3A_274 = arith.andi %ne3A_270, %ne3A_273 : i1
    %sub3A_275 = arith.constant 1 : i32
    %sub3A_276 = arith.subi %div3A_255, %sub3A_275 : i32
    %select_n3A_277 = arith.select %and3A_274, %sub3A_276, %div3A_255 : i32
    %rem3A_278 = arith.constant 2 : i32
    %rem3A_279 = arith.constant 2 : i32
    %rem3A_280 = arith.remsi %rem3A_278, %rem3A_279 : i32
    %eq3A_281 = arith.cmpi eq, %select_n3A_277, %rem3A_280 : i32
    %convert_element_type3A_282 = arith.extui %eq3A_281 : i1 to i32
    %cond3A_283 = arith.constant 0 : i32
    %cond3A_284 = arith.cmpi ne, %convert_element_type3A_282, %cond3A_283 : i32
    scf.if %cond3A_284 {
      %rem3A_1114 = arith.constant 128 : i32
      %rem3A_1115 = arith.remsi %rem3A_253, %rem3A_1114 : i32
      %get3A_1116 = arith.constant 128 : index
      %get3A_1117 = tpu.vector_load %arg10[%get3A_1116] {strides = array<i32>} : memref<4096xf32, #tpu.memory_space<vmem>>, vector<16xf32>,
      %get3A_1118 = vector.shape_cast %get3A_1117 : vector<16xf32> to vector<16xf32>
      %swap3A_1119 = arith.constant 2 : i32
      %swap3A_1120 = arith.index_cast %swap3A_1119 : i32 to index
      %swap3A_1121 = arith.index_cast %rem3A_1115 : i32 to index
      %swap3A_1122 = arith.constant 0 : index
      %swap3A_1123 = tpu.vector_load %arg7[%swap3A_1120, %swap3A_1121, %swap3A_1122] {strides = array<i32>} : memref<6x128x128xf32, #tpu.memory_space<vmem>>, vector<1x1x16xf32>,
      %swap3A_1124 = vector.shape_cast %swap3A_1123 : vector<1x1x16xf32> to vector<16xf32>
      %swap3A_1125 = vector.shape_cast %get3A_1118 : vector<16xf32> to vector<1x1x16xf32>
      tpu.vector_store %arg7[%swap3A_1120, %swap3A_1121, %swap3A_1122], %swap3A_1125 {strides = array<i32>} : memref<6x128x128xf32, #tpu.memory_space<vmem>>, vector<1x1x16xf32>,
      %get3A_1126 = arith.constant 144 : index
      %get3A_1127 = tpu.vector_load %arg10[%get3A_1126] {strides = array<i32>} : memref<4096xf32, #tpu.memory_space<vmem>>, vector<16xf32>,
      %get3A_1128 = vector.shape_cast %get3A_1127 : vector<16xf32> to vector<16xf32>
      %swap3A_1129 = arith.constant 2 : i32
      %swap3A_1130 = arith.index_cast %swap3A_1129 : i32 to index
      %swap3A_1131 = arith.index_cast %rem3A_1115 : i32 to index
      %swap3A_1132 = arith.constant 16 : index
      %swap3A_1133 = tpu.vector_load %arg7[%swap3A_1130, %swap3A_1131, %swap3A_1132] {strides = array<i32>} : memref<6x128x128xf32, #tpu.memory_space<vmem>>, vector<1x1x16xf32>,
      %swap3A_1134 = vector.shape_cast %swap3A_1133 : vector<1x1x16xf32> to vector<16xf32>
      %swap3A_1135 = vector.shape_cast %get3A_1128 : vector<16xf32> to vector<1x1x16xf32>
      tpu.vector_store %arg7[%swap3A_1130, %swap3A_1131, %swap3A_1132], %swap3A_1135 {strides = array<i32>} : memref<6x128x128xf32, #tpu.memory_space<vmem>>, vector<1x1x16xf32>,
      %get3A_1136 = arith.constant 160 : index
      %get3A_1137 = tpu.vector_load %arg10[%get3A_1136] {strides = array<i32>} : memref<4096xf32, #tpu.memory_space<vmem>>, vector<16xf32>,
      %get3A_1138 = vector.shape_cast %get3A_1137 : vector<16xf32> to vector<16xf32>
      %swap3A_1139 = arith.constant 2 : i32
      %swap3A_1140 = arith.index_cast %swap3A_1139 : i32 to index
      %swap3A_1141 = arith.index_cast %rem3A_1115 : i32 to index
      %swap3A_1142 = arith.constant 32 : index
      %swap3A_1143 = tpu.vector_load %arg7[%swap3A_1140, %swap3A_1141, %swap3A_1142] {strides = array<i32>} : memref<6x128x128xf32, #tpu.memory_space<vmem>>, vector<1x1x16xf32>,
      %swap3A_1144 = vector.shape_cast %swap3A_1143 : vector<1x1x16xf32> to vector<16xf32>
      %swap3A_1145 = vector.shape_cast %get3A_1138 : vector<16xf32> to vector<1x1x16xf32>
      tpu.vector_store %arg7[%swap3A_1140, %swap3A_1141, %swap3A_1142], %swap3A_1145 {strides = array<i32>} : memref<6x128x128xf32, #tpu.memory_space<vmem>>, vector<1x1x16xf32>,
      %get3A_1146 = arith.constant 176 : index
      %get3A_1147 = tpu.vector_load %arg10[%get3A_1146] {strides = array<i32>} : memref<4096xf32, #tpu.memory_space<vmem>>, vector<16xf32>,
      %get3A_1148 = vector.shape_cast %get3A_1147 : vector<16xf32> to vector<16xf32>
      %swap3A_1149 = arith.constant 2 : i32
      %swap3A_1150 = arith.index_cast %swap3A_1149 : i32 to index
      %swap3A_1151 = arith.index_cast %rem3A_1115 : i32 to index
      %swap3A_1152 = arith.constant 48 : index
      %swap3A_1153 = tpu.vector_load %arg7[%swap3A_1150, %swap3A_1151, %swap3A_1152] {strides = array<i32>} : memref<6x128x128xf32, #tpu.memory_space<vmem>>, vector<1x1x16xf32>,
      %swap3A_1154 = vector.shape_cast %swap3A_1153 : vector<1x1x16xf32> to vector<16xf32>
      %swap3A_1155 = vector.shape_cast %get3A_1148 : vector<16xf32> to vector<1x1x16xf32>
      tpu.vector_store %arg7[%swap3A_1150, %swap3A_1151, %swap3A_1152], %swap3A_1155 {strides = array<i32>} : memref<6x128x128xf32, #tpu.memory_space<vmem>>, vector<1x1x16xf32>,
      %get3A_1156 = arith.constant 192 : index
      %get3A_1157 = tpu.vector_load %arg10[%get3A_1156] {strides = array<i32>} : memref<4096xf32, #tpu.memory_space<vmem>>, vector<16xf32>,
      %get3A_1158 = vector.shape_cast %get3A_1157 : vector<16xf32> to vector<16xf32>
      %swap3A_1159 = arith.constant 2 : i32
      %swap3A_1160 = arith.index_cast %swap3A_1159 : i32 to index
      %swap3A_1161 = arith.index_cast %rem3A_1115 : i32 to index
      %swap3A_1162 = arith.constant 64 : index
      %swap3A_1163 = tpu.vector_load %arg7[%swap3A_1160, %swap3A_1161, %swap3A_1162] {strides = array<i32>} : memref<6x128x128xf32, #tpu.memory_space<vmem>>, vector<1x1x16xf32>,
      %swap3A_1164 = vector.shape_cast %swap3A_1163 : vector<1x1x16xf32> to vector<16xf32>
      %swap3A_1165 = vector.shape_cast %get3A_1158 : vector<16xf32> to vector<1x1x16xf32>
      tpu.vector_store %arg7[%swap3A_1160, %swap3A_1161, %swap3A_1162], %swap3A_1165 {strides = array<i32>} : memref<6x128x128xf32, #tpu.memory_space<vmem>>, vector<1x1x16xf32>,
      %get3A_1166 = arith.constant 208 : index
      %get3A_1167 = tpu.vector_load %arg10[%get3A_1166] {strides = array<i32>} : memref<4096xf32, #tpu.memory_space<vmem>>, vector<16xf32>,
      %get3A_1168 = vector.shape_cast %get3A_1167 : vector<16xf32> to vector<16xf32>
      %swap3A_1169 = arith.constant 2 : i32
      %swap3A_1170 = arith.index_cast %swap3A_1169 : i32 to index
      %swap3A_1171 = arith.index_cast %rem3A_1115 : i32 to index
      %swap3A_1172 = arith.constant 80 : index
      %swap3A_1173 = tpu.vector_load %arg7[%swap3A_1170, %swap3A_1171, %swap3A_1172] {strides = array<i32>} : memref<6x128x128xf32, #tpu.memory_space<vmem>>, vector<1x1x16xf32>,
      %swap3A_1174 = vector.shape_cast %swap3A_1173 : vector<1x1x16xf32> to vector<16xf32>
      %swap3A_1175 = vector.shape_cast %get3A_1168 : vector<16xf32> to vector<1x1x16xf32>
      tpu.vector_store %arg7[%swap3A_1170, %swap3A_1171, %swap3A_1172], %swap3A_1175 {strides = array<i32>} : memref<6x128x128xf32, #tpu.memory_space<vmem>>, vector<1x1x16xf32>,
      %get3A_1176 = arith.constant 224 : index
      %get3A_1177 = tpu.vector_load %arg10[%get3A_1176] {strides = array<i32>} : memref<4096xf32, #tpu.memory_space<vmem>>, vector<16xf32>,
      %get3A_1178 = vector.shape_cast %get3A_1177 : vector<16xf32> to vector<16xf32>
      %swap3A_1179 = arith.constant 2 : i32
      %swap3A_1180 = arith.index_cast %swap3A_1179 : i32 to index
      %swap3A_1181 = arith.index_cast %rem3A_1115 : i32 to index
      %swap3A_1182 = arith.constant 96 : index
      %swap3A_1183 = tpu.vector_load %arg7[%swap3A_1180, %swap3A_1181, %swap3A_1182] {strides = array<i32>} : memref<6x128x128xf32, #tpu.memory_space<vmem>>, vector<1x1x16xf32>,
      %swap3A_1184 = vector.shape_cast %swap3A_1183 : vector<1x1x16xf32> to vector<16xf32>
      %swap3A_1185 = vector.shape_cast %get3A_1178 : vector<16xf32> to vector<1x1x16xf32>
      tpu.vector_store %arg7[%swap3A_1180, %swap3A_1181, %swap3A_1182], %swap3A_1185 {strides = array<i32>} : memref<6x128x128xf32, #tpu.memory_space<vmem>>, vector<1x1x16xf32>,
      %get3A_1186 = arith.constant 240 : index
      %get3A_1187 = tpu.vector_load %arg10[%get3A_1186] {strides = array<i32>} : memref<4096xf32, #tpu.memory_space<vmem>>, vector<16xf32>,
      %get3A_1188 = vector.shape_cast %get3A_1187 : vector<16xf32> to vector<16xf32>
      %swap3A_1189 = arith.constant 2 : i32
      %swap3A_1190 = arith.index_cast %swap3A_1189 : i32 to index
      %swap3A_1191 = arith.index_cast %rem3A_1115 : i32 to index
      %swap3A_1192 = arith.constant 112 : index
      %swap3A_1193 = tpu.vector_load %arg7[%swap3A_1190, %swap3A_1191, %swap3A_1192] {strides = array<i32>} : memref<6x128x128xf32, #tpu.memory_space<vmem>>, vector<1x1x16xf32>,
      %swap3A_1194 = vector.shape_cast %swap3A_1193 : vector<1x1x16xf32> to vector<16xf32>
      %swap3A_1195 = vector.shape_cast %get3A_1188 : vector<16xf32> to vector<1x1x16xf32>
      tpu.vector_store %arg7[%swap3A_1190, %swap3A_1191, %swap3A_1192], %swap3A_1195 {strides = array<i32>} : memref<6x128x128xf32, #tpu.memory_space<vmem>>, vector<1x1x16xf32>,
    } else {
    }
    %add3A_285 = arith.constant 256 : i32
    %add3A_286 = arith.addi %mul3A_4, %add3A_285 : i32
    %dma_start3A_287 = arith.constant 2 : i32
    %dma_start3A_288 = arith.constant 2 : i32
    %dma_start3A_289 = arith.constant 0 : i32
    %dma_start3A_290 = arith.constant 0 : i32
    %dma_start3A_291 = tpu.memref_slice %arg7[%dma_start3A_287, %dma_start3A_289, %dma_start3A_290] : memref<6x128x128xf32, #tpu.memory_space<vmem>> -> memref<1x128x128xf32, #tpu.memory_space<vmem>>
    %dma_start3A_292 = tpu.memref_squeeze %dma_start3A_291 : memref<1x128x128xf32, #tpu.memory_space<vmem>> -> memref<128x128xf32, #tpu.memory_space<vmem>>
    %dma_start3A_293 = arith.constant 0 : i32
    %dma_start3A_294 = tpu.memref_slice %arg5[%add3A_286, %dma_start3A_293] : memref<262144x128xf32, #tpu.memory_space<hbm>> -> memref<128x128xf32, #tpu.memory_space<hbm>>
    %dma_start3A_295 = tpu.memref_slice %arg12[%dma_start3A_288] : memref<6x!tpu.dma_semaphore, #tpu.memory_space<semaphore_mem>> -> memref<1x!tpu.dma_semaphore, #tpu.memory_space<semaphore_mem>>
    %dma_start3A_296 = tpu.memref_squeeze %dma_start3A_295 : memref<1x!tpu.dma_semaphore, #tpu.memory_space<semaphore_mem>> -> memref<!tpu.dma_semaphore, #tpu.memory_space<semaphore_mem>>
    %dma_start3A_297 = arith.constant 0 : i32
    %dma_start3A_298 = tpu.memref_slice %arg5[%add3A_286, %dma_start3A_297] : memref<262144x128xf32, #tpu.memory_space<hbm>> -> memref<128x128xf32, #tpu.memory_space<hbm>>
    %dma_start3A_299 = arith.constant 0 : i32
    %dma_start3A_300 = arith.constant 0 : i32
    %dma_start3A_301 = tpu.memref_slice %arg7[%dma_start3A_287, %dma_start3A_299, %dma_start3A_300] : memref<6x128x128xf32, #tpu.memory_space<vmem>> -> memref<1x128x128xf32, #tpu.memory_space<vmem>>
    %dma_start3A_302 = tpu.memref_squeeze %dma_start3A_301 : memref<1x128x128xf32, #tpu.memory_space<vmem>> -> memref<128x128xf32, #tpu.memory_space<vmem>>
    tpu.enqueue_dma source(%dma_start3A_302 : memref<128x128xf32, #tpu.memory_space<vmem>>) target(%dma_start3A_298 : memref<128x128xf32, #tpu.memory_space<hbm>>) target_semaphore(%dma_start3A_296 : memref<!tpu.dma_semaphore, #tpu.memory_space<semaphore_mem>>)
    %add3A_303 = arith.constant 640 : i32
    %add3A_304 = arith.addi %mul3A_4, %add3A_303 : i32
    %dma_start3A_305 = arith.constant 5 : i32
    %dma_start3A_306 = arith.constant 5 : i32
    %dma_start3A_307 = arith.constant 0 : i32
    %dma_start3A_308 = arith.constant 0 : i32
    %dma_start3A_309 = tpu.memref_slice %arg7[%dma_start3A_305, %dma_start3A_307, %dma_start3A_308] : memref<6x128x128xf32, #tpu.memory_space<vmem>> -> memref<1x128x128xf32, #tpu.memory_space<vmem>>
    %dma_start3A_310 = tpu.memref_squeeze %dma_start3A_309 : memref<1x128x128xf32, #tpu.memory_space<vmem>> -> memref<128x128xf32, #tpu.memory_space<vmem>>
    %dma_start3A_311 = arith.constant 0 : i32
    %dma_start3A_312 = tpu.memref_slice %arg3[%add3A_304, %dma_start3A_311] : memref<262144x128xf32, #tpu.memory_space<hbm>> -> memref<128x128xf32, #tpu.memory_space<hbm>>
    %dma_start3A_313 = tpu.memref_slice %arg11[%dma_start3A_306] : memref<6x!tpu.dma_semaphore, #tpu.memory_space<semaphore_mem>> -> memref<1x!tpu.dma_semaphore, #tpu.memory_space<semaphore_mem>>
    %dma_start3A_314 = tpu.memref_squeeze %dma_start3A_313 : memref<1x!tpu.dma_semaphore, #tpu.memory_space<semaphore_mem>> -> memref<!tpu.dma_semaphore, #tpu.memory_space<semaphore_mem>>
    %dma_start3A_315 = arith.constant 0 : i32
    %dma_start3A_316 = arith.constant 0 : i32
    %dma_start3A_317 = tpu.memref_slice %arg7[%dma_start3A_305, %dma_start3A_315, %dma_start3A_316] : memref<6x128x128xf32, #tpu.memory_space<vmem>> -> memref<1x128x128xf32, #tpu.memory_space<vmem>>
    %dma_start3A_318 = tpu.memref_squeeze %dma_start3A_317 : memref<1x128x128xf32, #tpu.memory_space<vmem>> -> memref<128x128xf32, #tpu.memory_space<vmem>>
    %dma_start3A_319 = arith.constant 0 : i32
    %dma_start3A_320 = tpu.memref_slice %arg3[%add3A_304, %dma_start3A_319] : memref<262144x128xf32, #tpu.memory_space<hbm>> -> memref<128x128xf32, #tpu.memory_space<hbm>>
    tpu.enqueue_dma source(%dma_start3A_320 : memref<128x128xf32, #tpu.memory_space<hbm>>) target(%dma_start3A_318 : memref<128x128xf32, #tpu.memory_space<vmem>>) target_semaphore(%dma_start3A_314 : memref<!tpu.dma_semaphore, #tpu.memory_space<semaphore_mem>>)
    %add3A_321 = arith.constant 384 : i32
    %add3A_322 = arith.addi %mul3A_4, %add3A_321 : i32
    %dma_wait3A_323 = arith.constant 3 : i32
    %dma_wait3A_324 = arith.constant 3 : i32
    %dma_wait3A_325 = arith.constant 0 : i32
    %dma_wait3A_326 = arith.constant 0 : i32
    %dma_wait3A_327 = tpu.memref_slice %arg7[%dma_wait3A_323, %dma_wait3A_325, %dma_wait3A_326] : memref<6x128x128xf32, #tpu.memory_space<vmem>> -> memref<1x128x128xf32, #tpu.memory_space<vmem>>
    %dma_wait3A_328 = tpu.memref_squeeze %dma_wait3A_327 : memref<1x128x128xf32, #tpu.memory_space<vmem>> -> memref<128x128xf32, #tpu.memory_space<vmem>>
    %dma_wait3A_329 = arith.constant 0 : i32
    %dma_wait3A_330 = tpu.memref_slice %arg3[%add3A_322, %dma_wait3A_329] : memref<262144x128xf32, #tpu.memory_space<hbm>> -> memref<128x128xf32, #tpu.memory_space<hbm>>
    %dma_wait3A_331 = tpu.memref_slice %arg11[%dma_wait3A_324] : memref<6x!tpu.dma_semaphore, #tpu.memory_space<semaphore_mem>> -> memref<1x!tpu.dma_semaphore, #tpu.memory_space<semaphore_mem>>
    %dma_wait3A_332 = tpu.memref_squeeze %dma_wait3A_331 : memref<1x!tpu.dma_semaphore, #tpu.memory_space<semaphore_mem>> -> memref<!tpu.dma_semaphore, #tpu.memory_space<semaphore_mem>>
    %dma_wait3A_333 = arith.constant 0 : i32
    %dma_wait3A_334 = arith.constant 0 : i32
    %dma_wait3A_335 = tpu.memref_slice %arg7[%dma_wait3A_323, %dma_wait3A_333, %dma_wait3A_334] : memref<6x128x128xf32, #tpu.memory_space<vmem>> -> memref<1x128x128xf32, #tpu.memory_space<vmem>>
    %dma_wait3A_336 = tpu.memref_squeeze %dma_wait3A_335 : memref<1x128x128xf32, #tpu.memory_space<vmem>> -> memref<128x128xf32, #tpu.memory_space<vmem>>
    %dma_wait3A_337 = arith.constant 0 : i32
    %dma_wait3A_338 = tpu.memref_slice %arg3[%add3A_322, %dma_wait3A_337] : memref<262144x128xf32, #tpu.memory_space<hbm>> -> memref<128x128xf32, #tpu.memory_space<hbm>>
    tpu.wait_dma2 semaphore(%dma_wait3A_332 : memref<!tpu.dma_semaphore, #tpu.memory_space<semaphore_mem>>) src(%dma_wait3A_338 : memref<128x128xf32, #tpu.memory_space<hbm>>) dst(%dma_wait3A_336 : memref<128x128xf32, #tpu.memory_space<vmem>>)
    %get3A_339 = arith.constant 1 : index
    %get3A_340 = tpu.vector_load %arg8[%get3A_339] {strides = array<i32>} : memref<48xi32, #tpu.memory_space<vmem>>, vector<16xi32>,
    %get3A_341 = vector.shape_cast %get3A_340 : vector<16xi32> to vector<16xi32>
    %slice3A_342 = vector.extract_strided_slice %get3A_341 {offsets = [0], sizes = [1], strides = [1]} : vector<16xi32> to vector<1xi32>
    %squeeze3A_343 = vector.extract %slice3A_342[0] : i32 from vector<1xi32>
    %rem3A_344 = arith.constant 256 : i32
    %rem3A_345 = arith.remsi %squeeze3A_343, %rem3A_344 : i32
    %jit3A_346 = arith.constant 128 : i32
    %div3A_347 = arith.divsi %rem3A_345, %jit3A_346 : i32
    %sign3A_348 = arith.constant 0 : i32
    %sign3A_349 = arith.cmpi sgt, %rem3A_345, %sign3A_348 : i32
    %sign3A_350 = arith.extui %sign3A_349 : i1 to i32
    %sign3A_351 = arith.constant 0 : i32
    %sign3A_352 = arith.cmpi slt, %rem3A_345, %sign3A_351 : i32
    %sign3A_353 = arith.extui %sign3A_352 : i1 to i32
    %sign3A_354 = arith.subi %sign3A_350, %sign3A_353 : i32
    %sign3A_355 = arith.constant 0 : i32
    %sign3A_356 = arith.cmpi sgt, %jit3A_346, %sign3A_355 : i32
    %sign3A_357 = arith.extui %sign3A_356 : i1 to i32
    %sign3A_358 = arith.constant 0 : i32
    %sign3A_359 = arith.cmpi slt, %jit3A_346, %sign3A_358 : i32
    %sign3A_360 = arith.extui %sign3A_359 : i1 to i32
    %sign3A_361 = arith.subi %sign3A_357, %sign3A_360 : i32
    %ne3A_362 = arith.cmpi ne, %sign3A_354, %sign3A_361 : i32
    %rem3A_363 = arith.remsi %rem3A_345, %jit3A_346 : i32
    %ne3A_364 = arith.constant 0 : i32
    %ne3A_365 = arith.cmpi ne, %rem3A_363, %ne3A_364 : i32
    %and3A_366 = arith.andi %ne3A_362, %ne3A_365 : i1
    %sub3A_367 = arith.constant 1 : i32
    %sub3A_368 = arith.subi %div3A_347, %sub3A_367 : i32
    %select_n3A_369 = arith.select %and3A_366, %sub3A_368, %div3A_347 : i32
    %rem3A_370 = arith.constant 3 : i32
    %rem3A_371 = arith.constant 2 : i32
    %rem3A_372 = arith.remsi %rem3A_370, %rem3A_371 : i32
    %eq3A_373 = arith.cmpi eq, %select_n3A_369, %rem3A_372 : i32
    %convert_element_type3A_374 = arith.extui %eq3A_373 : i1 to i32
    %cond3A_375 = arith.constant 0 : i32
    %cond3A_376 = arith.cmpi ne, %convert_element_type3A_374, %cond3A_375 : i32
    scf.if %cond3A_376 {
      %rem3A_1114 = arith.constant 128 : i32
      %rem3A_1115 = arith.remsi %rem3A_345, %rem3A_1114 : i32
      %get3A_1116 = arith.constant 128 : index
      %get3A_1117 = tpu.vector_load %arg10[%get3A_1116] {strides = array<i32>} : memref<4096xf32, #tpu.memory_space<vmem>>, vector<16xf32>,
      %get3A_1118 = vector.shape_cast %get3A_1117 : vector<16xf32> to vector<16xf32>
      %swap3A_1119 = arith.constant 3 : i32
      %swap3A_1120 = arith.index_cast %swap3A_1119 : i32 to index
      %swap3A_1121 = arith.index_cast %rem3A_1115 : i32 to index
      %swap3A_1122 = arith.constant 0 : index
      %swap3A_1123 = tpu.vector_load %arg7[%swap3A_1120, %swap3A_1121, %swap3A_1122] {strides = array<i32>} : memref<6x128x128xf32, #tpu.memory_space<vmem>>, vector<1x1x16xf32>,
      %swap3A_1124 = vector.shape_cast %swap3A_1123 : vector<1x1x16xf32> to vector<16xf32>
      %swap3A_1125 = vector.shape_cast %get3A_1118 : vector<16xf32> to vector<1x1x16xf32>
      tpu.vector_store %arg7[%swap3A_1120, %swap3A_1121, %swap3A_1122], %swap3A_1125 {strides = array<i32>} : memref<6x128x128xf32, #tpu.memory_space<vmem>>, vector<1x1x16xf32>,
      %get3A_1126 = arith.constant 144 : index
      %get3A_1127 = tpu.vector_load %arg10[%get3A_1126] {strides = array<i32>} : memref<4096xf32, #tpu.memory_space<vmem>>, vector<16xf32>,
      %get3A_1128 = vector.shape_cast %get3A_1127 : vector<16xf32> to vector<16xf32>
      %swap3A_1129 = arith.constant 3 : i32
      %swap3A_1130 = arith.index_cast %swap3A_1129 : i32 to index
      %swap3A_1131 = arith.index_cast %rem3A_1115 : i32 to index
      %swap3A_1132 = arith.constant 16 : index
      %swap3A_1133 = tpu.vector_load %arg7[%swap3A_1130, %swap3A_1131, %swap3A_1132] {strides = array<i32>} : memref<6x128x128xf32, #tpu.memory_space<vmem>>, vector<1x1x16xf32>,
      %swap3A_1134 = vector.shape_cast %swap3A_1133 : vector<1x1x16xf32> to vector<16xf32>
      %swap3A_1135 = vector.shape_cast %get3A_1128 : vector<16xf32> to vector<1x1x16xf32>
      tpu.vector_store %arg7[%swap3A_1130, %swap3A_1131, %swap3A_1132], %swap3A_1135 {strides = array<i32>} : memref<6x128x128xf32, #tpu.memory_space<vmem>>, vector<1x1x16xf32>,
      %get3A_1136 = arith.constant 160 : index
      %get3A_1137 = tpu.vector_load %arg10[%get3A_1136] {strides = array<i32>} : memref<4096xf32, #tpu.memory_space<vmem>>, vector<16xf32>,
      %get3A_1138 = vector.shape_cast %get3A_1137 : vector<16xf32> to vector<16xf32>
      %swap3A_1139 = arith.constant 3 : i32
      %swap3A_1140 = arith.index_cast %swap3A_1139 : i32 to index
      %swap3A_1141 = arith.index_cast %rem3A_1115 : i32 to index
      %swap3A_1142 = arith.constant 32 : index
      %swap3A_1143 = tpu.vector_load %arg7[%swap3A_1140, %swap3A_1141, %swap3A_1142] {strides = array<i32>} : memref<6x128x128xf32, #tpu.memory_space<vmem>>, vector<1x1x16xf32>,
      %swap3A_1144 = vector.shape_cast %swap3A_1143 : vector<1x1x16xf32> to vector<16xf32>
      %swap3A_1145 = vector.shape_cast %get3A_1138 : vector<16xf32> to vector<1x1x16xf32>
      tpu.vector_store %arg7[%swap3A_1140, %swap3A_1141, %swap3A_1142], %swap3A_1145 {strides = array<i32>} : memref<6x128x128xf32, #tpu.memory_space<vmem>>, vector<1x1x16xf32>,
      %get3A_1146 = arith.constant 176 : index
      %get3A_1147 = tpu.vector_load %arg10[%get3A_1146] {strides = array<i32>} : memref<4096xf32, #tpu.memory_space<vmem>>, vector<16xf32>,
      %get3A_1148 = vector.shape_cast %get3A_1147 : vector<16xf32> to vector<16xf32>
      %swap3A_1149 = arith.constant 3 : i32
      %swap3A_1150 = arith.index_cast %swap3A_1149 : i32 to index
      %swap3A_1151 = arith.index_cast %rem3A_1115 : i32 to index
      %swap3A_1152 = arith.constant 48 : index
      %swap3A_1153 = tpu.vector_load %arg7[%swap3A_1150, %swap3A_1151, %swap3A_1152] {strides = array<i32>} : memref<6x128x128xf32, #tpu.memory_space<vmem>>, vector<1x1x16xf32>,
      %swap3A_1154 = vector.shape_cast %swap3A_1153 : vector<1x1x16xf32> to vector<16xf32>
      %swap3A_1155 = vector.shape_cast %get3A_1148 : vector<16xf32> to vector<1x1x16xf32>
      tpu.vector_store %arg7[%swap3A_1150, %swap3A_1151, %swap3A_1152], %swap3A_1155 {strides = array<i32>} : memref<6x128x128xf32, #tpu.memory_space<vmem>>, vector<1x1x16xf32>,
      %get3A_1156 = arith.constant 192 : index
      %get3A_1157 = tpu.vector_load %arg10[%get3A_1156] {strides = array<i32>} : memref<4096xf32, #tpu.memory_space<vmem>>, vector<16xf32>,
      %get3A_1158 = vector.shape_cast %get3A_1157 : vector<16xf32> to vector<16xf32>
      %swap3A_1159 = arith.constant 3 : i32
      %swap3A_1160 = arith.index_cast %swap3A_1159 : i32 to index
      %swap3A_1161 = arith.index_cast %rem3A_1115 : i32 to index
      %swap3A_1162 = arith.constant 64 : index
      %swap3A_1163 = tpu.vector_load %arg7[%swap3A_1160, %swap3A_1161, %swap3A_1162] {strides = array<i32>} : memref<6x128x128xf32, #tpu.memory_space<vmem>>, vector<1x1x16xf32>,
      %swap3A_1164 = vector.shape_cast %swap3A_1163 : vector<1x1x16xf32> to vector<16xf32>
      %swap3A_1165 = vector.shape_cast %get3A_1158 : vector<16xf32> to vector<1x1x16xf32>
      tpu.vector_store %arg7[%swap3A_1160, %swap3A_1161, %swap3A_1162], %swap3A_1165 {strides = array<i32>} : memref<6x128x128xf32, #tpu.memory_space<vmem>>, vector<1x1x16xf32>,
      %get3A_1166 = arith.constant 208 : index
      %get3A_1167 = tpu.vector_load %arg10[%get3A_1166] {strides = array<i32>} : memref<4096xf32, #tpu.memory_space<vmem>>, vector<16xf32>,
      %get3A_1168 = vector.shape_cast %get3A_1167 : vector<16xf32> to vector<16xf32>
      %swap3A_1169 = arith.constant 3 : i32
      %swap3A_1170 = arith.index_cast %swap3A_1169 : i32 to index
      %swap3A_1171 = arith.index_cast %rem3A_1115 : i32 to index
      %swap3A_1172 = arith.constant 80 : index
      %swap3A_1173 = tpu.vector_load %arg7[%swap3A_1170, %swap3A_1171, %swap3A_1172] {strides = array<i32>} : memref<6x128x128xf32, #tpu.memory_space<vmem>>, vector<1x1x16xf32>,
      %swap3A_1174 = vector.shape_cast %swap3A_1173 : vector<1x1x16xf32> to vector<16xf32>
      %swap3A_1175 = vector.shape_cast %get3A_1168 : vector<16xf32> to vector<1x1x16xf32>
      tpu.vector_store %arg7[%swap3A_1170, %swap3A_1171, %swap3A_1172], %swap3A_1175 {strides = array<i32>} : memref<6x128x128xf32, #tpu.memory_space<vmem>>, vector<1x1x16xf32>,
      %get3A_1176 = arith.constant 224 : index
      %get3A_1177 = tpu.vector_load %arg10[%get3A_1176] {strides = array<i32>} : memref<4096xf32, #tpu.memory_space<vmem>>, vector<16xf32>,
      %get3A_1178 = vector.shape_cast %get3A_1177 : vector<16xf32> to vector<16xf32>
      %swap3A_1179 = arith.constant 3 : i32
      %swap3A_1180 = arith.index_cast %swap3A_1179 : i32 to index
      %swap3A_1181 = arith.index_cast %rem3A_1115 : i32 to index
      %swap3A_1182 = arith.constant 96 : index
      %swap3A_1183 = tpu.vector_load %arg7[%swap3A_1180, %swap3A_1181, %swap3A_1182] {strides = array<i32>} : memref<6x128x128xf32, #tpu.memory_space<vmem>>, vector<1x1x16xf32>,
      %swap3A_1184 = vector.shape_cast %swap3A_1183 : vector<1x1x16xf32> to vector<16xf32>
      %swap3A_1185 = vector.shape_cast %get3A_1178 : vector<16xf32> to vector<1x1x16xf32>
      tpu.vector_store %arg7[%swap3A_1180, %swap3A_1181, %swap3A_1182], %swap3A_1185 {strides = array<i32>} : memref<6x128x128xf32, #tpu.memory_space<vmem>>, vector<1x1x16xf32>,
      %get3A_1186 = arith.constant 240 : index
      %get3A_1187 = tpu.vector_load %arg10[%get3A_1186] {strides = array<i32>} : memref<4096xf32, #tpu.memory_space<vmem>>, vector<16xf32>,
      %get3A_1188 = vector.shape_cast %get3A_1187 : vector<16xf32> to vector<16xf32>
      %swap3A_1189 = arith.constant 3 : i32
      %swap3A_1190 = arith.index_cast %swap3A_1189 : i32 to index
      %swap3A_1191 = arith.index_cast %rem3A_1115 : i32 to index
      %swap3A_1192 = arith.constant 112 : index
      %swap3A_1193 = tpu.vector_load %arg7[%swap3A_1190, %swap3A_1191, %swap3A_1192] {strides = array<i32>} : memref<6x128x128xf32, #tpu.memory_space<vmem>>, vector<1x1x16xf32>,
      %swap3A_1194 = vector.shape_cast %swap3A_1193 : vector<1x1x16xf32> to vector<16xf32>
      %swap3A_1195 = vector.shape_cast %get3A_1188 : vector<16xf32> to vector<1x1x16xf32>
      tpu.vector_store %arg7[%swap3A_1190, %swap3A_1191, %swap3A_1192], %swap3A_1195 {strides = array<i32>} : memref<6x128x128xf32, #tpu.memory_space<vmem>>, vector<1x1x16xf32>,
    } else {
    }
    %add3A_377 = arith.constant 384 : i32
    %add3A_378 = arith.addi %mul3A_4, %add3A_377 : i32
    %dma_start3A_379 = arith.constant 3 : i32
    %dma_start3A_380 = arith.constant 3 : i32
    %dma_start3A_381 = arith.constant 0 : i32
    %dma_start3A_382 = arith.constant 0 : i32
    %dma_start3A_383 = tpu.memref_slice %arg7[%dma_start3A_379, %dma_start3A_381, %dma_start3A_382] : memref<6x128x128xf32, #tpu.memory_space<vmem>> -> memref<1x128x128xf32, #tpu.memory_space<vmem>>
    %dma_start3A_384 = tpu.memref_squeeze %dma_start3A_383 : memref<1x128x128xf32, #tpu.memory_space<vmem>> -> memref<128x128xf32, #tpu.memory_space<vmem>>
    %dma_start3A_385 = arith.constant 0 : i32
    %dma_start3A_386 = tpu.memref_slice %arg5[%add3A_378, %dma_start3A_385] : memref<262144x128xf32, #tpu.memory_space<hbm>> -> memref<128x128xf32, #tpu.memory_space<hbm>>
    %dma_start3A_387 = tpu.memref_slice %arg12[%dma_start3A_380] : memref<6x!tpu.dma_semaphore, #tpu.memory_space<semaphore_mem>> -> memref<1x!tpu.dma_semaphore, #tpu.memory_space<semaphore_mem>>
    %dma_start3A_388 = tpu.memref_squeeze %dma_start3A_387 : memref<1x!tpu.dma_semaphore, #tpu.memory_space<semaphore_mem>> -> memref<!tpu.dma_semaphore, #tpu.memory_space<semaphore_mem>>
    %dma_start3A_389 = arith.constant 0 : i32
    %dma_start3A_390 = tpu.memref_slice %arg5[%add3A_378, %dma_start3A_389] : memref<262144x128xf32, #tpu.memory_space<hbm>> -> memref<128x128xf32, #tpu.memory_space<hbm>>
    %dma_start3A_391 = arith.constant 0 : i32
    %dma_start3A_392 = arith.constant 0 : i32
    %dma_start3A_393 = tpu.memref_slice %arg7[%dma_start3A_379, %dma_start3A_391, %dma_start3A_392] : memref<6x128x128xf32, #tpu.memory_space<vmem>> -> memref<1x128x128xf32, #tpu.memory_space<vmem>>
    %dma_start3A_394 = tpu.memref_squeeze %dma_start3A_393 : memref<1x128x128xf32, #tpu.memory_space<vmem>> -> memref<128x128xf32, #tpu.memory_space<vmem>>
    tpu.enqueue_dma source(%dma_start3A_394 : memref<128x128xf32, #tpu.memory_space<vmem>>) target(%dma_start3A_390 : memref<128x128xf32, #tpu.memory_space<hbm>>) target_semaphore(%dma_start3A_388 : memref<!tpu.dma_semaphore, #tpu.memory_space<semaphore_mem>>)
    %add3A_395 = arith.constant 0 : i32
    %add3A_396 = arith.addi %mul3A_4, %add3A_395 : i32
    %dma_wait3A_397 = arith.constant 0 : i32
    %dma_wait3A_398 = arith.constant 0 : i32
    %dma_wait3A_399 = arith.constant 0 : i32
    %dma_wait3A_400 = arith.constant 0 : i32
    %dma_wait3A_401 = tpu.memref_slice %arg7[%dma_wait3A_397, %dma_wait3A_399, %dma_wait3A_400] : memref<6x128x128xf32, #tpu.memory_space<vmem>> -> memref<1x128x128xf32, #tpu.memory_space<vmem>>
    %dma_wait3A_402 = tpu.memref_squeeze %dma_wait3A_401 : memref<1x128x128xf32, #tpu.memory_space<vmem>> -> memref<128x128xf32, #tpu.memory_space<vmem>>
    %dma_wait3A_403 = arith.constant 0 : i32
    %dma_wait3A_404 = tpu.memref_slice %arg5[%add3A_396, %dma_wait3A_403] : memref<262144x128xf32, #tpu.memory_space<hbm>> -> memref<128x128xf32, #tpu.memory_space<hbm>>
    %dma_wait3A_405 = tpu.memref_slice %arg12[%dma_wait3A_398] : memref<6x!tpu.dma_semaphore, #tpu.memory_space<semaphore_mem>> -> memref<1x!tpu.dma_semaphore, #tpu.memory_space<semaphore_mem>>
    %dma_wait3A_406 = tpu.memref_squeeze %dma_wait3A_405 : memref<1x!tpu.dma_semaphore, #tpu.memory_space<semaphore_mem>> -> memref<!tpu.dma_semaphore, #tpu.memory_space<semaphore_mem>>
    %dma_wait3A_407 = arith.constant 0 : i32
    %dma_wait3A_408 = tpu.memref_slice %arg5[%add3A_396, %dma_wait3A_407] : memref<262144x128xf32, #tpu.memory_space<hbm>> -> memref<128x128xf32, #tpu.memory_space<hbm>>
    %dma_wait3A_409 = arith.constant 0 : i32
    %dma_wait3A_410 = arith.constant 0 : i32
    %dma_wait3A_411 = tpu.memref_slice %arg7[%dma_wait3A_397, %dma_wait3A_409, %dma_wait3A_410] : memref<6x128x128xf32, #tpu.memory_space<vmem>> -> memref<1x128x128xf32, #tpu.memory_space<vmem>>
    %dma_wait3A_412 = tpu.memref_squeeze %dma_wait3A_411 : memref<1x128x128xf32, #tpu.memory_space<vmem>> -> memref<128x128xf32, #tpu.memory_space<vmem>>
    tpu.wait_dma2 semaphore(%dma_wait3A_406 : memref<!tpu.dma_semaphore, #tpu.memory_space<semaphore_mem>>) src(%dma_wait3A_412 : memref<128x128xf32, #tpu.memory_space<vmem>>) dst(%dma_wait3A_408 : memref<128x128xf32, #tpu.memory_space<hbm>>)
    %add3A_413 = arith.constant 768 : i32
    %add3A_414 = arith.addi %mul3A_4, %add3A_413 : i32
    %dma_start3A_415 = arith.constant 0 : i32
    %dma_start3A_416 = arith.constant 0 : i32
    %dma_start3A_417 = arith.constant 0 : i32
    %dma_start3A_418 = arith.constant 0 : i32
    %dma_start3A_419 = tpu.memref_slice %arg7[%dma_start3A_415, %dma_start3A_417, %dma_start3A_418] : memref<6x128x128xf32, #tpu.memory_space<vmem>> -> memref<1x128x128xf32, #tpu.memory_space<vmem>>
    %dma_start3A_420 = tpu.memref_squeeze %dma_start3A_419 : memref<1x128x128xf32, #tpu.memory_space<vmem>> -> memref<128x128xf32, #tpu.memory_space<vmem>>
    %dma_start3A_421 = arith.constant 0 : i32
    %dma_start3A_422 = tpu.memref_slice %arg3[%add3A_414, %dma_start3A_421] : memref<262144x128xf32, #tpu.memory_space<hbm>> -> memref<128x128xf32, #tpu.memory_space<hbm>>
    %dma_start3A_423 = tpu.memref_slice %arg11[%dma_start3A_416] : memref<6x!tpu.dma_semaphore, #tpu.memory_space<semaphore_mem>> -> memref<1x!tpu.dma_semaphore, #tpu.memory_space<semaphore_mem>>
    %dma_start3A_424 = tpu.memref_squeeze %dma_start3A_423 : memref<1x!tpu.dma_semaphore, #tpu.memory_space<semaphore_mem>> -> memref<!tpu.dma_semaphore, #tpu.memory_space<semaphore_mem>>
    %dma_start3A_425 = arith.constant 0 : i32
    %dma_start3A_426 = arith.constant 0 : i32
    %dma_start3A_427 = tpu.memref_slice %arg7[%dma_start3A_415, %dma_start3A_425, %dma_start3A_426] : memref<6x128x128xf32, #tpu.memory_space<vmem>> -> memref<1x128x128xf32, #tpu.memory_space<vmem>>
    %dma_start3A_428 = tpu.memref_squeeze %dma_start3A_427 : memref<1x128x128xf32, #tpu.memory_space<vmem>> -> memref<128x128xf32, #tpu.memory_space<vmem>>
    %dma_start3A_429 = arith.constant 0 : i32
    %dma_start3A_430 = tpu.memref_slice %arg3[%add3A_414, %dma_start3A_429] : memref<262144x128xf32, #tpu.memory_space<hbm>> -> memref<128x128xf32, #tpu.memory_space<hbm>>
    tpu.enqueue_dma source(%dma_start3A_430 : memref<128x128xf32, #tpu.memory_space<hbm>>) target(%dma_start3A_428 : memref<128x128xf32, #tpu.memory_space<vmem>>) target_semaphore(%dma_start3A_424 : memref<!tpu.dma_semaphore, #tpu.memory_space<semaphore_mem>>)
    %add3A_431 = arith.constant 512 : i32
    %add3A_432 = arith.addi %mul3A_4, %add3A_431 : i32
    %dma_wait3A_433 = arith.constant 4 : i32
    %dma_wait3A_434 = arith.constant 4 : i32
    %dma_wait3A_435 = arith.constant 0 : i32
    %dma_wait3A_436 = arith.constant 0 : i32
    %dma_wait3A_437 = tpu.memref_slice %arg7[%dma_wait3A_433, %dma_wait3A_435, %dma_wait3A_436] : memref<6x128x128xf32, #tpu.memory_space<vmem>> -> memref<1x128x128xf32, #tpu.memory_space<vmem>>
    %dma_wait3A_438 = tpu.memref_squeeze %dma_wait3A_437 : memref<1x128x128xf32, #tpu.memory_space<vmem>> -> memref<128x128xf32, #tpu.memory_space<vmem>>
    %dma_wait3A_439 = arith.constant 0 : i32
    %dma_wait3A_440 = tpu.memref_slice %arg3[%add3A_432, %dma_wait3A_439] : memref<262144x128xf32, #tpu.memory_space<hbm>> -> memref<128x128xf32, #tpu.memory_space<hbm>>
    %dma_wait3A_441 = tpu.memref_slice %arg11[%dma_wait3A_434] : memref<6x!tpu.dma_semaphore, #tpu.memory_space<semaphore_mem>> -> memref<1x!tpu.dma_semaphore, #tpu.memory_space<semaphore_mem>>
    %dma_wait3A_442 = tpu.memref_squeeze %dma_wait3A_441 : memref<1x!tpu.dma_semaphore, #tpu.memory_space<semaphore_mem>> -> memref<!tpu.dma_semaphore, #tpu.memory_space<semaphore_mem>>
    %dma_wait3A_443 = arith.constant 0 : i32
    %dma_wait3A_444 = arith.constant 0 : i32
    %dma_wait3A_445 = tpu.memref_slice %arg7[%dma_wait3A_433, %dma_wait3A_443, %dma_wait3A_444] : memref<6x128x128xf32, #tpu.memory_space<vmem>> -> memref<1x128x128xf32, #tpu.memory_space<vmem>>
    %dma_wait3A_446 = tpu.memref_squeeze %dma_wait3A_445 : memref<1x128x128xf32, #tpu.memory_space<vmem>> -> memref<128x128xf32, #tpu.memory_space<vmem>>
    %dma_wait3A_447 = arith.constant 0 : i32
    %dma_wait3A_448 = tpu.memref_slice %arg3[%add3A_432, %dma_wait3A_447] : memref<262144x128xf32, #tpu.memory_space<hbm>> -> memref<128x128xf32, #tpu.memory_space<hbm>>
    tpu.wait_dma2 semaphore(%dma_wait3A_442 : memref<!tpu.dma_semaphore, #tpu.memory_space<semaphore_mem>>) src(%dma_wait3A_448 : memref<128x128xf32, #tpu.memory_space<hbm>>) dst(%dma_wait3A_446 : memref<128x128xf32, #tpu.memory_space<vmem>>)
    %get3A_449 = arith.constant 2 : index
    %get3A_450 = tpu.vector_load %arg8[%get3A_449] {strides = array<i32>} : memref<48xi32, #tpu.memory_space<vmem>>, vector<16xi32>,
    %get3A_451 = vector.shape_cast %get3A_450 : vector<16xi32> to vector<16xi32>
    %slice3A_452 = vector.extract_strided_slice %get3A_451 {offsets = [0], sizes = [1], strides = [1]} : vector<16xi32> to vector<1xi32>
    %squeeze3A_453 = vector.extract %slice3A_452[0] : i32 from vector<1xi32>
    %rem3A_454 = arith.constant 256 : i32
    %rem3A_455 = arith.remsi %squeeze3A_453, %rem3A_454 : i32
    %jit3A_456 = arith.constant 128 : i32
    %div3A_457 = arith.divsi %rem3A_455, %jit3A_456 : i32
    %sign3A_458 = arith.constant 0 : i32
    %sign3A_459 = arith.cmpi sgt, %rem3A_455, %sign3A_458 : i32
    %sign3A_460 = arith.extui %sign3A_459 : i1 to i32
    %sign3A_461 = arith.constant 0 : i32
    %sign3A_462 = arith.cmpi slt, %rem3A_455, %sign3A_461 : i32
    %sign3A_463 = arith.extui %sign3A_462 : i1 to i32
    %sign3A_464 = arith.subi %sign3A_460, %sign3A_463 : i32
    %sign3A_465 = arith.constant 0 : i32
    %sign3A_466 = arith.cmpi sgt, %jit3A_456, %sign3A_465 : i32
    %sign3A_467 = arith.extui %sign3A_466 : i1 to i32
    %sign3A_468 = arith.constant 0 : i32
    %sign3A_469 = arith.cmpi slt, %jit3A_456, %sign3A_468 : i32
    %sign3A_470 = arith.extui %sign3A_469 : i1 to i32
    %sign3A_471 = arith.subi %sign3A_467, %sign3A_470 : i32
    %ne3A_472 = arith.cmpi ne, %sign3A_464, %sign3A_471 : i32
    %rem3A_473 = arith.remsi %rem3A_455, %jit3A_456 : i32
    %ne3A_474 = arith.constant 0 : i32
    %ne3A_475 = arith.cmpi ne, %rem3A_473, %ne3A_474 : i32
    %and3A_476 = arith.andi %ne3A_472, %ne3A_475 : i1
    %sub3A_477 = arith.constant 1 : i32
    %sub3A_478 = arith.subi %div3A_457, %sub3A_477 : i32
    %select_n3A_479 = arith.select %and3A_476, %sub3A_478, %div3A_457 : i32
    %rem3A_480 = arith.constant 4 : i32
    %rem3A_481 = arith.constant 2 : i32
    %rem3A_482 = arith.remsi %rem3A_480, %rem3A_481 : i32
    %eq3A_483 = arith.cmpi eq, %select_n3A_479, %rem3A_482 : i32
    %convert_element_type3A_484 = arith.extui %eq3A_483 : i1 to i32
    %cond3A_485 = arith.constant 0 : i32
    %cond3A_486 = arith.cmpi ne, %convert_element_type3A_484, %cond3A_485 : i32
    scf.if %cond3A_486 {
      %rem3A_1114 = arith.constant 128 : i32
      %rem3A_1115 = arith.remsi %rem3A_455, %rem3A_1114 : i32
      %get3A_1116 = arith.constant 256 : index
      %get3A_1117 = tpu.vector_load %arg10[%get3A_1116] {strides = array<i32>} : memref<4096xf32, #tpu.memory_space<vmem>>, vector<16xf32>,
      %get3A_1118 = vector.shape_cast %get3A_1117 : vector<16xf32> to vector<16xf32>
      %swap3A_1119 = arith.constant 4 : i32
      %swap3A_1120 = arith.index_cast %swap3A_1119 : i32 to index
      %swap3A_1121 = arith.index_cast %rem3A_1115 : i32 to index
      %swap3A_1122 = arith.constant 0 : index
      %swap3A_1123 = tpu.vector_load %arg7[%swap3A_1120, %swap3A_1121, %swap3A_1122] {strides = array<i32>} : memref<6x128x128xf32, #tpu.memory_space<vmem>>, vector<1x1x16xf32>,
      %swap3A_1124 = vector.shape_cast %swap3A_1123 : vector<1x1x16xf32> to vector<16xf32>
      %swap3A_1125 = vector.shape_cast %get3A_1118 : vector<16xf32> to vector<1x1x16xf32>
      tpu.vector_store %arg7[%swap3A_1120, %swap3A_1121, %swap3A_1122], %swap3A_1125 {strides = array<i32>} : memref<6x128x128xf32, #tpu.memory_space<vmem>>, vector<1x1x16xf32>,
      %get3A_1126 = arith.constant 272 : index
      %get3A_1127 = tpu.vector_load %arg10[%get3A_1126] {strides = array<i32>} : memref<4096xf32, #tpu.memory_space<vmem>>, vector<16xf32>,
      %get3A_1128 = vector.shape_cast %get3A_1127 : vector<16xf32> to vector<16xf32>
      %swap3A_1129 = arith.constant 4 : i32
      %swap3A_1130 = arith.index_cast %swap3A_1129 : i32 to index
      %swap3A_1131 = arith.index_cast %rem3A_1115 : i32 to index
      %swap3A_1132 = arith.constant 16 : index
      %swap3A_1133 = tpu.vector_load %arg7[%swap3A_1130, %swap3A_1131, %swap3A_1132] {strides = array<i32>} : memref<6x128x128xf32, #tpu.memory_space<vmem>>, vector<1x1x16xf32>,
      %swap3A_1134 = vector.shape_cast %swap3A_1133 : vector<1x1x16xf32> to vector<16xf32>
      %swap3A_1135 = vector.shape_cast %get3A_1128 : vector<16xf32> to vector<1x1x16xf32>
      tpu.vector_store %arg7[%swap3A_1130, %swap3A_1131, %swap3A_1132], %swap3A_1135 {strides = array<i32>} : memref<6x128x128xf32, #tpu.memory_space<vmem>>, vector<1x1x16xf32>,
      %get3A_1136 = arith.constant 288 : index
      %get3A_1137 = tpu.vector_load %arg10[%get3A_1136] {strides = array<i32>} : memref<4096xf32, #tpu.memory_space<vmem>>, vector<16xf32>,
      %get3A_1138 = vector.shape_cast %get3A_1137 : vector<16xf32> to vector<16xf32>
      %swap3A_1139 = arith.constant 4 : i32
      %swap3A_1140 = arith.index_cast %swap3A_1139 : i32 to index
      %swap3A_1141 = arith.index_cast %rem3A_1115 : i32 to index
      %swap3A_1142 = arith.constant 32 : index
      %swap3A_1143 = tpu.vector_load %arg7[%swap3A_1140, %swap3A_1141, %swap3A_1142] {strides = array<i32>} : memref<6x128x128xf32, #tpu.memory_space<vmem>>, vector<1x1x16xf32>,
      %swap3A_1144 = vector.shape_cast %swap3A_1143 : vector<1x1x16xf32> to vector<16xf32>
      %swap3A_1145 = vector.shape_cast %get3A_1138 : vector<16xf32> to vector<1x1x16xf32>
      tpu.vector_store %arg7[%swap3A_1140, %swap3A_1141, %swap3A_1142], %swap3A_1145 {strides = array<i32>} : memref<6x128x128xf32, #tpu.memory_space<vmem>>, vector<1x1x16xf32>,
      %get3A_1146 = arith.constant 304 : index
      %get3A_1147 = tpu.vector_load %arg10[%get3A_1146] {strides = array<i32>} : memref<4096xf32, #tpu.memory_space<vmem>>, vector<16xf32>,
      %get3A_1148 = vector.shape_cast %get3A_1147 : vector<16xf32> to vector<16xf32>
      %swap3A_1149 = arith.constant 4 : i32
      %swap3A_1150 = arith.index_cast %swap3A_1149 : i32 to index
      %swap3A_1151 = arith.index_cast %rem3A_1115 : i32 to index
      %swap3A_1152 = arith.constant 48 : index
      %swap3A_1153 = tpu.vector_load %arg7[%swap3A_1150, %swap3A_1151, %swap3A_1152] {strides = array<i32>} : memref<6x128x128xf32, #tpu.memory_space<vmem>>, vector<1x1x16xf32>,
      %swap3A_1154 = vector.shape_cast %swap3A_1153 : vector<1x1x16xf32> to vector<16xf32>
      %swap3A_1155 = vector.shape_cast %get3A_1148 : vector<16xf32> to vector<1x1x16xf32>
      tpu.vector_store %arg7[%swap3A_1150, %swap3A_1151, %swap3A_1152], %swap3A_1155 {strides = array<i32>} : memref<6x128x128xf32, #tpu.memory_space<vmem>>, vector<1x1x16xf32>,
      %get3A_1156 = arith.constant 320 : index
      %get3A_1157 = tpu.vector_load %arg10[%get3A_1156] {strides = array<i32>} : memref<4096xf32, #tpu.memory_space<vmem>>, vector<16xf32>,
      %get3A_1158 = vector.shape_cast %get3A_1157 : vector<16xf32> to vector<16xf32>
      %swap3A_1159 = arith.constant 4 : i32
      %swap3A_1160 = arith.index_cast %swap3A_1159 : i32 to index
      %swap3A_1161 = arith.index_cast %rem3A_1115 : i32 to index
      %swap3A_1162 = arith.constant 64 : index
      %swap3A_1163 = tpu.vector_load %arg7[%swap3A_1160, %swap3A_1161, %swap3A_1162] {strides = array<i32>} : memref<6x128x128xf32, #tpu.memory_space<vmem>>, vector<1x1x16xf32>,
      %swap3A_1164 = vector.shape_cast %swap3A_1163 : vector<1x1x16xf32> to vector<16xf32>
      %swap3A_1165 = vector.shape_cast %get3A_1158 : vector<16xf32> to vector<1x1x16xf32>
      tpu.vector_store %arg7[%swap3A_1160, %swap3A_1161, %swap3A_1162], %swap3A_1165 {strides = array<i32>} : memref<6x128x128xf32, #tpu.memory_space<vmem>>, vector<1x1x16xf32>,
      %get3A_1166 = arith.constant 336 : index
      %get3A_1167 = tpu.vector_load %arg10[%get3A_1166] {strides = array<i32>} : memref<4096xf32, #tpu.memory_space<vmem>>, vector<16xf32>,
      %get3A_1168 = vector.shape_cast %get3A_1167 : vector<16xf32> to vector<16xf32>
      %swap3A_1169 = arith.constant 4 : i32
      %swap3A_1170 = arith.index_cast %swap3A_1169 : i32 to index
      %swap3A_1171 = arith.index_cast %rem3A_1115 : i32 to index
      %swap3A_1172 = arith.constant 80 : index
      %swap3A_1173 = tpu.vector_load %arg7[%swap3A_1170, %swap3A_1171, %swap3A_1172] {strides = array<i32>} : memref<6x128x128xf32, #tpu.memory_space<vmem>>, vector<1x1x16xf32>,
      %swap3A_1174 = vector.shape_cast %swap3A_1173 : vector<1x1x16xf32> to vector<16xf32>
      %swap3A_1175 = vector.shape_cast %get3A_1168 : vector<16xf32> to vector<1x1x16xf32>
      tpu.vector_store %arg7[%swap3A_1170, %swap3A_1171, %swap3A_1172], %swap3A_1175 {strides = array<i32>} : memref<6x128x128xf32, #tpu.memory_space<vmem>>, vector<1x1x16xf32>,
      %get3A_1176 = arith.constant 352 : index
      %get3A_1177 = tpu.vector_load %arg10[%get3A_1176] {strides = array<i32>} : memref<4096xf32, #tpu.memory_space<vmem>>, vector<16xf32>,
      %get3A_1178 = vector.shape_cast %get3A_1177 : vector<16xf32> to vector<16xf32>
      %swap3A_1179 = arith.constant 4 : i32
      %swap3A_1180 = arith.index_cast %swap3A_1179 : i32 to index
      %swap3A_1181 = arith.index_cast %rem3A_1115 : i32 to index
      %swap3A_1182 = arith.constant 96 : index
      %swap3A_1183 = tpu.vector_load %arg7[%swap3A_1180, %swap3A_1181, %swap3A_1182] {strides = array<i32>} : memref<6x128x128xf32, #tpu.memory_space<vmem>>, vector<1x1x16xf32>,
      %swap3A_1184 = vector.shape_cast %swap3A_1183 : vector<1x1x16xf32> to vector<16xf32>
      %swap3A_1185 = vector.shape_cast %get3A_1178 : vector<16xf32> to vector<1x1x16xf32>
      tpu.vector_store %arg7[%swap3A_1180, %swap3A_1181, %swap3A_1182], %swap3A_1185 {strides = array<i32>} : memref<6x128x128xf32, #tpu.memory_space<vmem>>, vector<1x1x16xf32>,
      %get3A_1186 = arith.constant 368 : index
      %get3A_1187 = tpu.vector_load %arg10[%get3A_1186] {strides = array<i32>} : memref<4096xf32, #tpu.memory_space<vmem>>, vector<16xf32>,
      %get3A_1188 = vector.shape_cast %get3A_1187 : vector<16xf32> to vector<16xf32>
      %swap3A_1189 = arith.constant 4 : i32
      %swap3A_1190 = arith.index_cast %swap3A_1189 : i32 to index
      %swap3A_1191 = arith.index_cast %rem3A_1115 : i32 to index
      %swap3A_1192 = arith.constant 112 : index
      %swap3A_1193 = tpu.vector_load %arg7[%swap3A_1190, %swap3A_1191, %swap3A_1192] {strides = array<i32>} : memref<6x128x128xf32, #tpu.memory_space<vmem>>, vector<1x1x16xf32>,
      %swap3A_1194 = vector.shape_cast %swap3A_1193 : vector<1x1x16xf32> to vector<16xf32>
      %swap3A_1195 = vector.shape_cast %get3A_1188 : vector<16xf32> to vector<1x1x16xf32>
      tpu.vector_store %arg7[%swap3A_1190, %swap3A_1191, %swap3A_1192], %swap3A_1195 {strides = array<i32>} : memref<6x128x128xf32, #tpu.memory_space<vmem>>, vector<1x1x16xf32>,
    } else {
    }
    %add3A_487 = arith.constant 512 : i32
    %add3A_488 = arith.addi %mul3A_4, %add3A_487 : i32
    %dma_start3A_489 = arith.constant 4 : i32
    %dma_start3A_490 = arith.constant 4 : i32
    %dma_start3A_491 = arith.constant 0 : i32
    %dma_start3A_492 = arith.constant 0 : i32
    %dma_start3A_493 = tpu.memref_slice %arg7[%dma_start3A_489, %dma_start3A_491, %dma_start3A_492] : memref<6x128x128xf32, #tpu.memory_space<vmem>> -> memref<1x128x128xf32, #tpu.memory_space<vmem>>
    %dma_start3A_494 = tpu.memref_squeeze %dma_start3A_493 : memref<1x128x128xf32, #tpu.memory_space<vmem>> -> memref<128x128xf32, #tpu.memory_space<vmem>>
    %dma_start3A_495 = arith.constant 0 : i32
    %dma_start3A_496 = tpu.memref_slice %arg5[%add3A_488, %dma_start3A_495] : memref<262144x128xf32, #tpu.memory_space<hbm>> -> memref<128x128xf32, #tpu.memory_space<hbm>>
    %dma_start3A_497 = tpu.memref_slice %arg12[%dma_start3A_490] : memref<6x!tpu.dma_semaphore, #tpu.memory_space<semaphore_mem>> -> memref<1x!tpu.dma_semaphore, #tpu.memory_space<semaphore_mem>>
    %dma_start3A_498 = tpu.memref_squeeze %dma_start3A_497 : memref<1x!tpu.dma_semaphore, #tpu.memory_space<semaphore_mem>> -> memref<!tpu.dma_semaphore, #tpu.memory_space<semaphore_mem>>
    %dma_start3A_499 = arith.constant 0 : i32
    %dma_start3A_500 = tpu.memref_slice %arg5[%add3A_488, %dma_start3A_499] : memref<262144x128xf32, #tpu.memory_space<hbm>> -> memref<128x128xf32, #tpu.memory_space<hbm>>
    %dma_start3A_501 = arith.constant 0 : i32
    %dma_start3A_502 = arith.constant 0 : i32
    %dma_start3A_503 = tpu.memref_slice %arg7[%dma_start3A_489, %dma_start3A_501, %dma_start3A_502] : memref<6x128x128xf32, #tpu.memory_space<vmem>> -> memref<1x128x128xf32, #tpu.memory_space<vmem>>
    %dma_start3A_504 = tpu.memref_squeeze %dma_start3A_503 : memref<1x128x128xf32, #tpu.memory_space<vmem>> -> memref<128x128xf32, #tpu.memory_space<vmem>>
    tpu.enqueue_dma source(%dma_start3A_504 : memref<128x128xf32, #tpu.memory_space<vmem>>) target(%dma_start3A_500 : memref<128x128xf32, #tpu.memory_space<hbm>>) target_semaphore(%dma_start3A_498 : memref<!tpu.dma_semaphore, #tpu.memory_space<semaphore_mem>>)
    %add3A_505 = arith.constant 128 : i32
    %add3A_506 = arith.addi %mul3A_4, %add3A_505 : i32
    %dma_wait3A_507 = arith.constant 1 : i32
    %dma_wait3A_508 = arith.constant 1 : i32
    %dma_wait3A_509 = arith.constant 0 : i32
    %dma_wait3A_510 = arith.constant 0 : i32
    %dma_wait3A_511 = tpu.memref_slice %arg7[%dma_wait3A_507, %dma_wait3A_509, %dma_wait3A_510] : memref<6x128x128xf32, #tpu.memory_space<vmem>> -> memref<1x128x128xf32, #tpu.memory_space<vmem>>
    %dma_wait3A_512 = tpu.memref_squeeze %dma_wait3A_511 : memref<1x128x128xf32, #tpu.memory_space<vmem>> -> memref<128x128xf32, #tpu.memory_space<vmem>>
    %dma_wait3A_513 = arith.constant 0 : i32
    %dma_wait3A_514 = tpu.memref_slice %arg5[%add3A_506, %dma_wait3A_513] : memref<262144x128xf32, #tpu.memory_space<hbm>> -> memref<128x128xf32, #tpu.memory_space<hbm>>
    %dma_wait3A_515 = tpu.memref_slice %arg12[%dma_wait3A_508] : memref<6x!tpu.dma_semaphore, #tpu.memory_space<semaphore_mem>> -> memref<1x!tpu.dma_semaphore, #tpu.memory_space<semaphore_mem>>
    %dma_wait3A_516 = tpu.memref_squeeze %dma_wait3A_515 : memref<1x!tpu.dma_semaphore, #tpu.memory_space<semaphore_mem>> -> memref<!tpu.dma_semaphore, #tpu.memory_space<semaphore_mem>>
    %dma_wait3A_517 = arith.constant 0 : i32
    %dma_wait3A_518 = tpu.memref_slice %arg5[%add3A_506, %dma_wait3A_517] : memref<262144x128xf32, #tpu.memory_space<hbm>> -> memref<128x128xf32, #tpu.memory_space<hbm>>
    %dma_wait3A_519 = arith.constant 0 : i32
    %dma_wait3A_520 = arith.constant 0 : i32
    %dma_wait3A_521 = tpu.memref_slice %arg7[%dma_wait3A_507, %dma_wait3A_519, %dma_wait3A_520] : memref<6x128x128xf32, #tpu.memory_space<vmem>> -> memref<1x128x128xf32, #tpu.memory_space<vmem>>
    %dma_wait3A_522 = tpu.memref_squeeze %dma_wait3A_521 : memref<1x128x128xf32, #tpu.memory_space<vmem>> -> memref<128x128xf32, #tpu.memory_space<vmem>>
    tpu.wait_dma2 semaphore(%dma_wait3A_516 : memref<!tpu.dma_semaphore, #tpu.memory_space<semaphore_mem>>) src(%dma_wait3A_522 : memref<128x128xf32, #tpu.memory_space<vmem>>) dst(%dma_wait3A_518 : memref<128x128xf32, #tpu.memory_space<hbm>>)
    %add3A_523 = arith.constant 896 : i32
    %add3A_524 = arith.addi %mul3A_4, %add3A_523 : i32
    %dma_start3A_525 = arith.constant 1 : i32
    %dma_start3A_526 = arith.constant 1 : i32
    %dma_start3A_527 = arith.constant 0 : i32
    %dma_start3A_528 = arith.constant 0 : i32
    %dma_start3A_529 = tpu.memref_slice %arg7[%dma_start3A_525, %dma_start3A_527, %dma_start3A_528] : memref<6x128x128xf32, #tpu.memory_space<vmem>> -> memref<1x128x128xf32, #tpu.memory_space<vmem>>
    %dma_start3A_530 = tpu.memref_squeeze %dma_start3A_529 : memref<1x128x128xf32, #tpu.memory_space<vmem>> -> memref<128x128xf32, #tpu.memory_space<vmem>>
    %dma_start3A_531 = arith.constant 0 : i32
    %dma_start3A_532 = tpu.memref_slice %arg3[%add3A_524, %dma_start3A_531] : memref<262144x128xf32, #tpu.memory_space<hbm>> -> memref<128x128xf32, #tpu.memory_space<hbm>>
    %dma_start3A_533 = tpu.memref_slice %arg11[%dma_start3A_526] : memref<6x!tpu.dma_semaphore, #tpu.memory_space<semaphore_mem>> -> memref<1x!tpu.dma_semaphore, #tpu.memory_space<semaphore_mem>>
    %dma_start3A_534 = tpu.memref_squeeze %dma_start3A_533 : memref<1x!tpu.dma_semaphore, #tpu.memory_space<semaphore_mem>> -> memref<!tpu.dma_semaphore, #tpu.memory_space<semaphore_mem>>
    %dma_start3A_535 = arith.constant 0 : i32
    %dma_start3A_536 = arith.constant 0 : i32
    %dma_start3A_537 = tpu.memref_slice %arg7[%dma_start3A_525, %dma_start3A_535, %dma_start3A_536] : memref<6x128x128xf32, #tpu.memory_space<vmem>> -> memref<1x128x128xf32, #tpu.memory_space<vmem>>
    %dma_start3A_538 = tpu.memref_squeeze %dma_start3A_537 : memref<1x128x128xf32, #tpu.memory_space<vmem>> -> memref<128x128xf32, #tpu.memory_space<vmem>>
    %dma_start3A_539 = arith.constant 0 : i32
    %dma_start3A_540 = tpu.memref_slice %arg3[%add3A_524, %dma_start3A_539] : memref<262144x128xf32, #tpu.memory_space<hbm>> -> memref<128x128xf32, #tpu.memory_space<hbm>>
    tpu.enqueue_dma source(%dma_start3A_540 : memref<128x128xf32, #tpu.memory_space<hbm>>) target(%dma_start3A_538 : memref<128x128xf32, #tpu.memory_space<vmem>>) target_semaphore(%dma_start3A_534 : memref<!tpu.dma_semaphore, #tpu.memory_space<semaphore_mem>>)
    %add3A_541 = arith.constant 640 : i32
    %add3A_542 = arith.addi %mul3A_4, %add3A_541 : i32
    %dma_wait3A_543 = arith.constant 5 : i32
    %dma_wait3A_544 = arith.constant 5 : i32
    %dma_wait3A_545 = arith.constant 0 : i32
    %dma_wait3A_546 = arith.constant 0 : i32
    %dma_wait3A_547 = tpu.memref_slice %arg7[%dma_wait3A_543, %dma_wait3A_545, %dma_wait3A_546] : memref<6x128x128xf32, #tpu.memory_space<vmem>> -> memref<1x128x128xf32, #tpu.memory_space<vmem>>
    %dma_wait3A_548 = tpu.memref_squeeze %dma_wait3A_547 : memref<1x128x128xf32, #tpu.memory_space<vmem>> -> memref<128x128xf32, #tpu.memory_space<vmem>>
    %dma_wait3A_549 = arith.constant 0 : i32
    %dma_wait3A_550 = tpu.memref_slice %arg3[%add3A_542, %dma_wait3A_549] : memref<262144x128xf32, #tpu.memory_space<hbm>> -> memref<128x128xf32, #tpu.memory_space<hbm>>
    %dma_wait3A_551 = tpu.memref_slice %arg11[%dma_wait3A_544] : memref<6x!tpu.dma_semaphore, #tpu.memory_space<semaphore_mem>> -> memref<1x!tpu.dma_semaphore, #tpu.memory_space<semaphore_mem>>
    %dma_wait3A_552 = tpu.memref_squeeze %dma_wait3A_551 : memref<1x!tpu.dma_semaphore, #tpu.memory_space<semaphore_mem>> -> memref<!tpu.dma_semaphore, #tpu.memory_space<semaphore_mem>>
    %dma_wait3A_553 = arith.constant 0 : i32
    %dma_wait3A_554 = arith.constant 0 : i32
    %dma_wait3A_555 = tpu.memref_slice %arg7[%dma_wait3A_543, %dma_wait3A_553, %dma_wait3A_554] : memref<6x128x128xf32, #tpu.memory_space<vmem>> -> memref<1x128x128xf32, #tpu.memory_space<vmem>>
    %dma_wait3A_556 = tpu.memref_squeeze %dma_wait3A_555 : memref<1x128x128xf32, #tpu.memory_space<vmem>> -> memref<128x128xf32, #tpu.memory_space<vmem>>
    %dma_wait3A_557 = arith.constant 0 : i32
    %dma_wait3A_558 = tpu.memref_slice %arg3[%add3A_542, %dma_wait3A_557] : memref<262144x128xf32, #tpu.memory_space<hbm>> -> memref<128x128xf32, #tpu.memory_space<hbm>>
    tpu.wait_dma2 semaphore(%dma_wait3A_552 : memref<!tpu.dma_semaphore, #tpu.memory_space<semaphore_mem>>) src(%dma_wait3A_558 : memref<128x128xf32, #tpu.memory_space<hbm>>) dst(%dma_wait3A_556 : memref<128x128xf32, #tpu.memory_space<vmem>>)
    %get3A_559 = arith.constant 2 : index
    %get3A_560 = tpu.vector_load %arg8[%get3A_559] {strides = array<i32>} : memref<48xi32, #tpu.memory_space<vmem>>, vector<16xi32>,
    %get3A_561 = vector.shape_cast %get3A_560 : vector<16xi32> to vector<16xi32>
    %slice3A_562 = vector.extract_strided_slice %get3A_561 {offsets = [0], sizes = [1], strides = [1]} : vector<16xi32> to vector<1xi32>
    %squeeze3A_563 = vector.extract %slice3A_562[0] : i32 from vector<1xi32>
    %rem3A_564 = arith.constant 256 : i32
    %rem3A_565 = arith.remsi %squeeze3A_563, %rem3A_564 : i32
    %jit3A_566 = arith.constant 128 : i32
    %div3A_567 = arith.divsi %rem3A_565, %jit3A_566 : i32
    %sign3A_568 = arith.constant 0 : i32
    %sign3A_569 = arith.cmpi sgt, %rem3A_565, %sign3A_568 : i32
    %sign3A_570 = arith.extui %sign3A_569 : i1 to i32
    %sign3A_571 = arith.constant 0 : i32
    %sign3A_572 = arith.cmpi slt, %rem3A_565, %sign3A_571 : i32
    %sign3A_573 = arith.extui %sign3A_572 : i1 to i32
    %sign3A_574 = arith.subi %sign3A_570, %sign3A_573 : i32
    %sign3A_575 = arith.constant 0 : i32
    %sign3A_576 = arith.cmpi sgt, %jit3A_566, %sign3A_575 : i32
    %sign3A_577 = arith.extui %sign3A_576 : i1 to i32
    %sign3A_578 = arith.constant 0 : i32
    %sign3A_579 = arith.cmpi slt, %jit3A_566, %sign3A_578 : i32
    %sign3A_580 = arith.extui %sign3A_579 : i1 to i32
    %sign3A_581 = arith.subi %sign3A_577, %sign3A_580 : i32
    %ne3A_582 = arith.cmpi ne, %sign3A_574, %sign3A_581 : i32
    %rem3A_583 = arith.remsi %rem3A_565, %jit3A_566 : i32
    %ne3A_584 = arith.constant 0 : i32
    %ne3A_585 = arith.cmpi ne, %rem3A_583, %ne3A_584 : i32
    %and3A_586 = arith.andi %ne3A_582, %ne3A_585 : i1
    %sub3A_587 = arith.constant 1 : i32
    %sub3A_588 = arith.subi %div3A_567, %sub3A_587 : i32
    %select_n3A_589 = arith.select %and3A_586, %sub3A_588, %div3A_567 : i32
    %rem3A_590 = arith.constant 5 : i32
    %rem3A_591 = arith.constant 2 : i32
    %rem3A_592 = arith.remsi %rem3A_590, %rem3A_591 : i32
    %eq3A_593 = arith.cmpi eq, %select_n3A_589, %rem3A_592 : i32
    %convert_element_type3A_594 = arith.extui %eq3A_593 : i1 to i32
    %cond3A_595 = arith.constant 0 : i32
    %cond3A_596 = arith.cmpi ne, %convert_element_type3A_594, %cond3A_595 : i32
    scf.if %cond3A_596 {
      %rem3A_1114 = arith.constant 128 : i32
      %rem3A_1115 = arith.remsi %rem3A_565, %rem3A_1114 : i32
      %get3A_1116 = arith.constant 256 : index
      %get3A_1117 = tpu.vector_load %arg10[%get3A_1116] {strides = array<i32>} : memref<4096xf32, #tpu.memory_space<vmem>>, vector<16xf32>,
      %get3A_1118 = vector.shape_cast %get3A_1117 : vector<16xf32> to vector<16xf32>
      %swap3A_1119 = arith.constant 5 : i32
      %swap3A_1120 = arith.index_cast %swap3A_1119 : i32 to index
      %swap3A_1121 = arith.index_cast %rem3A_1115 : i32 to index
      %swap3A_1122 = arith.constant 0 : index
      %swap3A_1123 = tpu.vector_load %arg7[%swap3A_1120, %swap3A_1121, %swap3A_1122] {strides = array<i32>} : memref<6x128x128xf32, #tpu.memory_space<vmem>>, vector<1x1x16xf32>,
      %swap3A_1124 = vector.shape_cast %swap3A_1123 : vector<1x1x16xf32> to vector<16xf32>
      %swap3A_1125 = vector.shape_cast %get3A_1118 : vector<16xf32> to vector<1x1x16xf32>
      tpu.vector_store %arg7[%swap3A_1120, %swap3A_1121, %swap3A_1122], %swap3A_1125 {strides = array<i32>} : memref<6x128x128xf32, #tpu.memory_space<vmem>>, vector<1x1x16xf32>,
      %get3A_1126 = arith.constant 272 : index
      %get3A_1127 = tpu.vector_load %arg10[%get3A_1126] {strides = array<i32>} : memref<4096xf32, #tpu.memory_space<vmem>>, vector<16xf32>,
      %get3A_1128 = vector.shape_cast %get3A_1127 : vector<16xf32> to vector<16xf32>
      %swap3A_1129 = arith.constant 5 : i32
      %swap3A_1130 = arith.index_cast %swap3A_1129 : i32 to index
      %swap3A_1131 = arith.index_cast %rem3A_1115 : i32 to index
      %swap3A_1132 = arith.constant 16 : index
      %swap3A_1133 = tpu.vector_load %arg7[%swap3A_1130, %swap3A_1131, %swap3A_1132] {strides = array<i32>} : memref<6x128x128xf32, #tpu.memory_space<vmem>>, vector<1x1x16xf32>,
      %swap3A_1134 = vector.shape_cast %swap3A_1133 : vector<1x1x16xf32> to vector<16xf32>
      %swap3A_1135 = vector.shape_cast %get3A_1128 : vector<16xf32> to vector<1x1x16xf32>
      tpu.vector_store %arg7[%swap3A_1130, %swap3A_1131, %swap3A_1132], %swap3A_1135 {strides = array<i32>} : memref<6x128x128xf32, #tpu.memory_space<vmem>>, vector<1x1x16xf32>,
      %get3A_1136 = arith.constant 288 : index
      %get3A_1137 = tpu.vector_load %arg10[%get3A_1136] {strides = array<i32>} : memref<4096xf32, #tpu.memory_space<vmem>>, vector<16xf32>,
      %get3A_1138 = vector.shape_cast %get3A_1137 : vector<16xf32> to vector<16xf32>
      %swap3A_1139 = arith.constant 5 : i32
      %swap3A_1140 = arith.index_cast %swap3A_1139 : i32 to index
      %swap3A_1141 = arith.index_cast %rem3A_1115 : i32 to index
      %swap3A_1142 = arith.constant 32 : index
      %swap3A_1143 = tpu.vector_load %arg7[%swap3A_1140, %swap3A_1141, %swap3A_1142] {strides = array<i32>} : memref<6x128x128xf32, #tpu.memory_space<vmem>>, vector<1x1x16xf32>,
      %swap3A_1144 = vector.shape_cast %swap3A_1143 : vector<1x1x16xf32> to vector<16xf32>
      %swap3A_1145 = vector.shape_cast %get3A_1138 : vector<16xf32> to vector<1x1x16xf32>
      tpu.vector_store %arg7[%swap3A_1140, %swap3A_1141, %swap3A_1142], %swap3A_1145 {strides = array<i32>} : memref<6x128x128xf32, #tpu.memory_space<vmem>>, vector<1x1x16xf32>,
      %get3A_1146 = arith.constant 304 : index
      %get3A_1147 = tpu.vector_load %arg10[%get3A_1146] {strides = array<i32>} : memref<4096xf32, #tpu.memory_space<vmem>>, vector<16xf32>,
      %get3A_1148 = vector.shape_cast %get3A_1147 : vector<16xf32> to vector<16xf32>
      %swap3A_1149 = arith.constant 5 : i32
      %swap3A_1150 = arith.index_cast %swap3A_1149 : i32 to index
      %swap3A_1151 = arith.index_cast %rem3A_1115 : i32 to index
      %swap3A_1152 = arith.constant 48 : index
      %swap3A_1153 = tpu.vector_load %arg7[%swap3A_1150, %swap3A_1151, %swap3A_1152] {strides = array<i32>} : memref<6x128x128xf32, #tpu.memory_space<vmem>>, vector<1x1x16xf32>,
      %swap3A_1154 = vector.shape_cast %swap3A_1153 : vector<1x1x16xf32> to vector<16xf32>
      %swap3A_1155 = vector.shape_cast %get3A_1148 : vector<16xf32> to vector<1x1x16xf32>
      tpu.vector_store %arg7[%swap3A_1150, %swap3A_1151, %swap3A_1152], %swap3A_1155 {strides = array<i32>} : memref<6x128x128xf32, #tpu.memory_space<vmem>>, vector<1x1x16xf32>,
      %get3A_1156 = arith.constant 320 : index
      %get3A_1157 = tpu.vector_load %arg10[%get3A_1156] {strides = array<i32>} : memref<4096xf32, #tpu.memory_space<vmem>>, vector<16xf32>,
      %get3A_1158 = vector.shape_cast %get3A_1157 : vector<16xf32> to vector<16xf32>
      %swap3A_1159 = arith.constant 5 : i32
      %swap3A_1160 = arith.index_cast %swap3A_1159 : i32 to index
      %swap3A_1161 = arith.index_cast %rem3A_1115 : i32 to index
      %swap3A_1162 = arith.constant 64 : index
      %swap3A_1163 = tpu.vector_load %arg7[%swap3A_1160, %swap3A_1161, %swap3A_1162] {strides = array<i32>} : memref<6x128x128xf32, #tpu.memory_space<vmem>>, vector<1x1x16xf32>,
      %swap3A_1164 = vector.shape_cast %swap3A_1163 : vector<1x1x16xf32> to vector<16xf32>
      %swap3A_1165 = vector.shape_cast %get3A_1158 : vector<16xf32> to vector<1x1x16xf32>
      tpu.vector_store %arg7[%swap3A_1160, %swap3A_1161, %swap3A_1162], %swap3A_1165 {strides = array<i32>} : memref<6x128x128xf32, #tpu.memory_space<vmem>>, vector<1x1x16xf32>,
      %get3A_1166 = arith.constant 336 : index
      %get3A_1167 = tpu.vector_load %arg10[%get3A_1166] {strides = array<i32>} : memref<4096xf32, #tpu.memory_space<vmem>>, vector<16xf32>,
      %get3A_1168 = vector.shape_cast %get3A_1167 : vector<16xf32> to vector<16xf32>
      %swap3A_1169 = arith.constant 5 : i32
      %swap3A_1170 = arith.index_cast %swap3A_1169 : i32 to index
      %swap3A_1171 = arith.index_cast %rem3A_1115 : i32 to index
      %swap3A_1172 = arith.constant 80 : index
      %swap3A_1173 = tpu.vector_load %arg7[%swap3A_1170, %swap3A_1171, %swap3A_1172] {strides = array<i32>} : memref<6x128x128xf32, #tpu.memory_space<vmem>>, vector<1x1x16xf32>,
      %swap3A_1174 = vector.shape_cast %swap3A_1173 : vector<1x1x16xf32> to vector<16xf32>
      %swap3A_1175 = vector.shape_cast %get3A_1168 : vector<16xf32> to vector<1x1x16xf32>
      tpu.vector_store %arg7[%swap3A_1170, %swap3A_1171, %swap3A_1172], %swap3A_1175 {strides = array<i32>} : memref<6x128x128xf32, #tpu.memory_space<vmem>>, vector<1x1x16xf32>,
      %get3A_1176 = arith.constant 352 : index
      %get3A_1177 = tpu.vector_load %arg10[%get3A_1176] {strides = array<i32>} : memref<4096xf32, #tpu.memory_space<vmem>>, vector<16xf32>,
      %get3A_1178 = vector.shape_cast %get3A_1177 : vector<16xf32> to vector<16xf32>
      %swap3A_1179 = arith.constant 5 : i32
      %swap3A_1180 = arith.index_cast %swap3A_1179 : i32 to index
      %swap3A_1181 = arith.index_cast %rem3A_1115 : i32 to index
      %swap3A_1182 = arith.constant 96 : index
      %swap3A_1183 = tpu.vector_load %arg7[%swap3A_1180, %swap3A_1181, %swap3A_1182] {strides = array<i32>} : memref<6x128x128xf32, #tpu.memory_space<vmem>>, vector<1x1x16xf32>,
      %swap3A_1184 = vector.shape_cast %swap3A_1183 : vector<1x1x16xf32> to vector<16xf32>
      %swap3A_1185 = vector.shape_cast %get3A_1178 : vector<16xf32> to vector<1x1x16xf32>
      tpu.vector_store %arg7[%swap3A_1180, %swap3A_1181, %swap3A_1182], %swap3A_1185 {strides = array<i32>} : memref<6x128x128xf32, #tpu.memory_space<vmem>>, vector<1x1x16xf32>,
      %get3A_1186 = arith.constant 368 : index
      %get3A_1187 = tpu.vector_load %arg10[%get3A_1186] {strides = array<i32>} : memref<4096xf32, #tpu.memory_space<vmem>>, vector<16xf32>,
      %get3A_1188 = vector.shape_cast %get3A_1187 : vector<16xf32> to vector<16xf32>
      %swap3A_1189 = arith.constant 5 : i32
      %swap3A_1190 = arith.index_cast %swap3A_1189 : i32 to index
      %swap3A_1191 = arith.index_cast %rem3A_1115 : i32 to index
      %swap3A_1192 = arith.constant 112 : index
      %swap3A_1193 = tpu.vector_load %arg7[%swap3A_1190, %swap3A_1191, %swap3A_1192] {strides = array<i32>} : memref<6x128x128xf32, #tpu.memory_space<vmem>>, vector<1x1x16xf32>,
      %swap3A_1194 = vector.shape_cast %swap3A_1193 : vector<1x1x16xf32> to vector<16xf32>
      %swap3A_1195 = vector.shape_cast %get3A_1188 : vector<16xf32> to vector<1x1x16xf32>
      tpu.vector_store %arg7[%swap3A_1190, %swap3A_1191, %swap3A_1192], %swap3A_1195 {strides = array<i32>} : memref<6x128x128xf32, #tpu.memory_space<vmem>>, vector<1x1x16xf32>,
    } else {
    }
    %add3A_597 = arith.constant 640 : i32
    %add3A_598 = arith.addi %mul3A_4, %add3A_597 : i32
    %dma_start3A_599 = arith.constant 5 : i32
    %dma_start3A_600 = arith.constant 5 : i32
    %dma_start3A_601 = arith.constant 0 : i32
    %dma_start3A_602 = arith.constant 0 : i32
    %dma_start3A_603 = tpu.memref_slice %arg7[%dma_start3A_599, %dma_start3A_601, %dma_start3A_602] : memref<6x128x128xf32, #tpu.memory_space<vmem>> -> memref<1x128x128xf32, #tpu.memory_space<vmem>>
    %dma_start3A_604 = tpu.memref_squeeze %dma_start3A_603 : memref<1x128x128xf32, #tpu.memory_space<vmem>> -> memref<128x128xf32, #tpu.memory_space<vmem>>
    %dma_start3A_605 = arith.constant 0 : i32
    %dma_start3A_606 = tpu.memref_slice %arg5[%add3A_598, %dma_start3A_605] : memref<262144x128xf32, #tpu.memory_space<hbm>> -> memref<128x128xf32, #tpu.memory_space<hbm>>
    %dma_start3A_607 = tpu.memref_slice %arg12[%dma_start3A_600] : memref<6x!tpu.dma_semaphore, #tpu.memory_space<semaphore_mem>> -> memref<1x!tpu.dma_semaphore, #tpu.memory_space<semaphore_mem>>
    %dma_start3A_608 = tpu.memref_squeeze %dma_start3A_607 : memref<1x!tpu.dma_semaphore, #tpu.memory_space<semaphore_mem>> -> memref<!tpu.dma_semaphore, #tpu.memory_space<semaphore_mem>>
    %dma_start3A_609 = arith.constant 0 : i32
    %dma_start3A_610 = tpu.memref_slice %arg5[%add3A_598, %dma_start3A_609] : memref<262144x128xf32, #tpu.memory_space<hbm>> -> memref<128x128xf32, #tpu.memory_space<hbm>>
    %dma_start3A_611 = arith.constant 0 : i32
    %dma_start3A_612 = arith.constant 0 : i32
    %dma_start3A_613 = tpu.memref_slice %arg7[%dma_start3A_599, %dma_start3A_611, %dma_start3A_612] : memref<6x128x128xf32, #tpu.memory_space<vmem>> -> memref<1x128x128xf32, #tpu.memory_space<vmem>>
    %dma_start3A_614 = tpu.memref_squeeze %dma_start3A_613 : memref<1x128x128xf32, #tpu.memory_space<vmem>> -> memref<128x128xf32, #tpu.memory_space<vmem>>
    tpu.enqueue_dma source(%dma_start3A_614 : memref<128x128xf32, #tpu.memory_space<vmem>>) target(%dma_start3A_610 : memref<128x128xf32, #tpu.memory_space<hbm>>) target_semaphore(%dma_start3A_608 : memref<!tpu.dma_semaphore, #tpu.memory_space<semaphore_mem>>)
    %add3A_615 = arith.constant 256 : i32
    %add3A_616 = arith.addi %mul3A_4, %add3A_615 : i32
    %dma_wait3A_617 = arith.constant 2 : i32
    %dma_wait3A_618 = arith.constant 2 : i32
    %dma_wait3A_619 = arith.constant 0 : i32
    %dma_wait3A_620 = arith.constant 0 : i32
    %dma_wait3A_621 = tpu.memref_slice %arg7[%dma_wait3A_617, %dma_wait3A_619, %dma_wait3A_620] : memref<6x128x128xf32, #tpu.memory_space<vmem>> -> memref<1x128x128xf32, #tpu.memory_space<vmem>>
    %dma_wait3A_622 = tpu.memref_squeeze %dma_wait3A_621 : memref<1x128x128xf32, #tpu.memory_space<vmem>> -> memref<128x128xf32, #tpu.memory_space<vmem>>
    %dma_wait3A_623 = arith.constant 0 : i32
    %dma_wait3A_624 = tpu.memref_slice %arg5[%add3A_616, %dma_wait3A_623] : memref<262144x128xf32, #tpu.memory_space<hbm>> -> memref<128x128xf32, #tpu.memory_space<hbm>>
    %dma_wait3A_625 = tpu.memref_slice %arg12[%dma_wait3A_618] : memref<6x!tpu.dma_semaphore, #tpu.memory_space<semaphore_mem>> -> memref<1x!tpu.dma_semaphore, #tpu.memory_space<semaphore_mem>>
    %dma_wait3A_626 = tpu.memref_squeeze %dma_wait3A_625 : memref<1x!tpu.dma_semaphore, #tpu.memory_space<semaphore_mem>> -> memref<!tpu.dma_semaphore, #tpu.memory_space<semaphore_mem>>
    %dma_wait3A_627 = arith.constant 0 : i32
    %dma_wait3A_628 = tpu.memref_slice %arg5[%add3A_616, %dma_wait3A_627] : memref<262144x128xf32, #tpu.memory_space<hbm>> -> memref<128x128xf32, #tpu.memory_space<hbm>>
    %dma_wait3A_629 = arith.constant 0 : i32
    %dma_wait3A_630 = arith.constant 0 : i32
    %dma_wait3A_631 = tpu.memref_slice %arg7[%dma_wait3A_617, %dma_wait3A_629, %dma_wait3A_630] : memref<6x128x128xf32, #tpu.memory_space<vmem>> -> memref<1x128x128xf32, #tpu.memory_space<vmem>>
    %dma_wait3A_632 = tpu.memref_squeeze %dma_wait3A_631 : memref<1x128x128xf32, #tpu.memory_space<vmem>> -> memref<128x128xf32, #tpu.memory_space<vmem>>
    tpu.wait_dma2 semaphore(%dma_wait3A_626 : memref<!tpu.dma_semaphore, #tpu.memory_space<semaphore_mem>>) src(%dma_wait3A_632 : memref<128x128xf32, #tpu.memory_space<vmem>>) dst(%dma_wait3A_628 : memref<128x128xf32, #tpu.memory_space<hbm>>)
    %add3A_633 = arith.constant 1024 : i32
    %add3A_634 = arith.addi %mul3A_4, %add3A_633 : i32
    %dma_start3A_635 = arith.constant 2 : i32
    %dma_start3A_636 = arith.constant 2 : i32
    %dma_start3A_637 = arith.constant 0 : i32
    %dma_start3A_638 = arith.constant 0 : i32
    %dma_start3A_639 = tpu.memref_slice %arg7[%dma_start3A_635, %dma_start3A_637, %dma_start3A_638] : memref<6x128x128xf32, #tpu.memory_space<vmem>> -> memref<1x128x128xf32, #tpu.memory_space<vmem>>
    %dma_start3A_640 = tpu.memref_squeeze %dma_start3A_639 : memref<1x128x128xf32, #tpu.memory_space<vmem>> -> memref<128x128xf32, #tpu.memory_space<vmem>>
    %dma_start3A_641 = arith.constant 0 : i32
    %dma_start3A_642 = tpu.memref_slice %arg3[%add3A_634, %dma_start3A_641] : memref<262144x128xf32, #tpu.memory_space<hbm>> -> memref<128x128xf32, #tpu.memory_space<hbm>>
    %dma_start3A_643 = tpu.memref_slice %arg11[%dma_start3A_636] : memref<6x!tpu.dma_semaphore, #tpu.memory_space<semaphore_mem>> -> memref<1x!tpu.dma_semaphore, #tpu.memory_space<semaphore_mem>>
    %dma_start3A_644 = tpu.memref_squeeze %dma_start3A_643 : memref<1x!tpu.dma_semaphore, #tpu.memory_space<semaphore_mem>> -> memref<!tpu.dma_semaphore, #tpu.memory_space<semaphore_mem>>
    %dma_start3A_645 = arith.constant 0 : i32
    %dma_start3A_646 = arith.constant 0 : i32
    %dma_start3A_647 = tpu.memref_slice %arg7[%dma_start3A_635, %dma_start3A_645, %dma_start3A_646] : memref<6x128x128xf32, #tpu.memory_space<vmem>> -> memref<1x128x128xf32, #tpu.memory_space<vmem>>
    %dma_start3A_648 = tpu.memref_squeeze %dma_start3A_647 : memref<1x128x128xf32, #tpu.memory_space<vmem>> -> memref<128x128xf32, #tpu.memory_space<vmem>>
    %dma_start3A_649 = arith.constant 0 : i32
    %dma_start3A_650 = tpu.memref_slice %arg3[%add3A_634, %dma_start3A_649] : memref<262144x128xf32, #tpu.memory_space<hbm>> -> memref<128x128xf32, #tpu.memory_space<hbm>>
    tpu.enqueue_dma source(%dma_start3A_650 : memref<128x128xf32, #tpu.memory_space<hbm>>) target(%dma_start3A_648 : memref<128x128xf32, #tpu.memory_space<vmem>>) target_semaphore(%dma_start3A_644 : memref<!tpu.dma_semaphore, #tpu.memory_space<semaphore_mem>>)
    %scan3A = arith.constant 0 : i32
    %scan3A_651 = arith.constant 9 : i32
    %scan3A_652 = arith.addi %scan3A, %scan3A_651 : i32
    %scan3A_653 = arith.constant 1 : i32
    scf.for %scan3A_1114 = %scan3A to %scan3A_652 step %scan3A_653  : i32 {
      %mul3A_1115 = arith.constant 1 : i32
      %mul3A_1116 = arith.muli %scan3A_1114, %mul3A_1115 : i32
      %add3A_1117 = arith.constant 1 : i32
      %add3A_1118 = arith.addi %add3A_1117, %mul3A_1116 : i32
      %mul3A_1119 = arith.constant 6 : i32
      %mul3A_1120 = arith.muli %add3A_1118, %mul3A_1119 : i32
      %add3A_1121 = arith.constant 0 : i32
      %add3A_1122 = arith.addi %mul3A_1120, %add3A_1121 : i32
      %mul3A_1123 = arith.constant 128 : i32
      %mul3A_1124 = arith.muli %add3A_1122, %mul3A_1123 : i32
      %add3A_1125 = arith.addi %mul3A_4, %mul3A_1124 : i32
      %dma_wait3A_1126 = arith.constant 0 : i32
      %dma_wait3A_1127 = arith.constant 0 : i32
      %dma_wait3A_1128 = arith.constant 0 : i32
      %dma_wait3A_1129 = arith.constant 0 : i32
      %dma_wait3A_1130 = tpu.memref_slice %arg7[%dma_wait3A_1126, %dma_wait3A_1128, %dma_wait3A_1129] : memref<6x128x128xf32, #tpu.memory_space<vmem>> -> memref<1x128x128xf32, #tpu.memory_space<vmem>>
      %dma_wait3A_1131 = tpu.memref_squeeze %dma_wait3A_1130 : memref<1x128x128xf32, #tpu.memory_space<vmem>> -> memref<128x128xf32, #tpu.memory_space<vmem>>
      %dma_wait3A_1132 = arith.constant 0 : i32
      %dma_wait3A_1133 = tpu.memref_slice %arg3[%add3A_1125, %dma_wait3A_1132] : memref<262144x128xf32, #tpu.memory_space<hbm>> -> memref<128x128xf32, #tpu.memory_space<hbm>>
      %dma_wait3A_1134 = tpu.memref_slice %arg11[%dma_wait3A_1127] : memref<6x!tpu.dma_semaphore, #tpu.memory_space<semaphore_mem>> -> memref<1x!tpu.dma_semaphore, #tpu.memory_space<semaphore_mem>>
      %dma_wait3A_1135 = tpu.memref_squeeze %dma_wait3A_1134 : memref<1x!tpu.dma_semaphore, #tpu.memory_space<semaphore_mem>> -> memref<!tpu.dma_semaphore, #tpu.memory_space<semaphore_mem>>
      %dma_wait3A_1136 = arith.constant 0 : i32
      %dma_wait3A_1137 = arith.constant 0 : i32
      %dma_wait3A_1138 = tpu.memref_slice %arg7[%dma_wait3A_1126, %dma_wait3A_1136, %dma_wait3A_1137] : memref<6x128x128xf32, #tpu.memory_space<vmem>> -> memref<1x128x128xf32, #tpu.memory_space<vmem>>
      %dma_wait3A_1139 = tpu.memref_squeeze %dma_wait3A_1138 : memref<1x128x128xf32, #tpu.memory_space<vmem>> -> memref<128x128xf32, #tpu.memory_space<vmem>>
      %dma_wait3A_1140 = arith.constant 0 : i32
      %dma_wait3A_1141 = tpu.memref_slice %arg3[%add3A_1125, %dma_wait3A_1140] : memref<262144x128xf32, #tpu.memory_space<hbm>> -> memref<128x128xf32, #tpu.memory_space<hbm>>
      tpu.wait_dma2 semaphore(%dma_wait3A_1135 : memref<!tpu.dma_semaphore, #tpu.memory_space<semaphore_mem>>) src(%dma_wait3A_1141 : memref<128x128xf32, #tpu.memory_space<hbm>>) dst(%dma_wait3A_1139 : memref<128x128xf32, #tpu.memory_space<vmem>>)
      %jit3A_1142 = arith.constant 2 : i32
      %div3A_1143 = arith.divsi %add3A_1122, %jit3A_1142 : i32
      %sign3A_1144 = arith.constant 0 : i32
      %sign3A_1145 = arith.cmpi sgt, %add3A_1122, %sign3A_1144 : i32
      %sign3A_1146 = arith.extui %sign3A_1145 : i1 to i32
      %sign3A_1147 = arith.constant 0 : i32
      %sign3A_1148 = arith.cmpi slt, %add3A_1122, %sign3A_1147 : i32
      %sign3A_1149 = arith.extui %sign3A_1148 : i1 to i32
      %sign3A_1150 = arith.subi %sign3A_1146, %sign3A_1149 : i32
      %sign3A_1151 = arith.constant 0 : i32
      %sign3A_1152 = arith.cmpi sgt, %jit3A_1142, %sign3A_1151 : i32
      %sign3A_1153 = arith.extui %sign3A_1152 : i1 to i32
      %sign3A_1154 = arith.constant 0 : i32
      %sign3A_1155 = arith.cmpi slt, %jit3A_1142, %sign3A_1154 : i32
      %sign3A_1156 = arith.extui %sign3A_1155 : i1 to i32
      %sign3A_1157 = arith.subi %sign3A_1153, %sign3A_1156 : i32
      %ne3A_1158 = arith.cmpi ne, %sign3A_1150, %sign3A_1157 : i32
      %rem3A_1159 = arith.remsi %add3A_1122, %jit3A_1142 : i32
      %ne3A_1160 = arith.constant 0 : i32
      %ne3A_1161 = arith.cmpi ne, %rem3A_1159, %ne3A_1160 : i32
      %and3A_1162 = arith.andi %ne3A_1158, %ne3A_1161 : i1
      %sub3A_1163 = arith.constant 1 : i32
      %sub3A_1164 = arith.subi %div3A_1143, %sub3A_1163 : i32
      %select_n3A_1165 = arith.select %and3A_1162, %sub3A_1164, %div3A_1143 : i32
      %get3A_1166 = arith.index_cast %select_n3A_1165 : i32 to index
      %get3A_1167 = tpu.vector_load %arg8[%get3A_1166] {strides = array<i32>} : memref<48xi32, #tpu.memory_space<vmem>>, vector<16xi32>,
      %get3A_1168 = vector.shape_cast %get3A_1167 : vector<16xi32> to vector<16xi32>
      %slice3A_1169 = vector.extract_strided_slice %get3A_1168 {offsets = [0], sizes = [1], strides = [1]} : vector<16xi32> to vector<1xi32>
      %squeeze3A_1170 = vector.extract %slice3A_1169[0] : i32 from vector<1xi32>
      %rem3A_1171 = arith.constant 256 : i32
      %rem3A_1172 = arith.remsi %squeeze3A_1170, %rem3A_1171 : i32
      %jit3A_1173 = arith.constant 128 : i32
      %div3A_1174 = arith.divsi %rem3A_1172, %jit3A_1173 : i32
      %sign3A_1175 = arith.constant 0 : i32
      %sign3A_1176 = arith.cmpi sgt, %rem3A_1172, %sign3A_1175 : i32
      %sign3A_1177 = arith.extui %sign3A_1176 : i1 to i32
      %sign3A_1178 = arith.constant 0 : i32
      %sign3A_1179 = arith.cmpi slt, %rem3A_1172, %sign3A_1178 : i32
      %sign3A_1180 = arith.extui %sign3A_1179 : i1 to i32
      %sign3A_1181 = arith.subi %sign3A_1177, %sign3A_1180 : i32
      %sign3A_1182 = arith.constant 0 : i32
      %sign3A_1183 = arith.cmpi sgt, %jit3A_1173, %sign3A_1182 : i32
      %sign3A_1184 = arith.extui %sign3A_1183 : i1 to i32
      %sign3A_1185 = arith.constant 0 : i32
      %sign3A_1186 = arith.cmpi slt, %jit3A_1173, %sign3A_1185 : i32
      %sign3A_1187 = arith.extui %sign3A_1186 : i1 to i32
      %sign3A_1188 = arith.subi %sign3A_1184, %sign3A_1187 : i32
      %ne3A_1189 = arith.cmpi ne, %sign3A_1181, %sign3A_1188 : i32
      %rem3A_1190 = arith.remsi %rem3A_1172, %jit3A_1173 : i32
      %ne3A_1191 = arith.constant 0 : i32
      %ne3A_1192 = arith.cmpi ne, %rem3A_1190, %ne3A_1191 : i32
      %and3A_1193 = arith.andi %ne3A_1189, %ne3A_1192 : i1
      %sub3A_1194 = arith.constant 1 : i32
      %sub3A_1195 = arith.subi %div3A_1174, %sub3A_1194 : i32
      %select_n3A_1196 = arith.select %and3A_1193, %sub3A_1195, %div3A_1174 : i32
      %rem3A_1197 = arith.constant 2 : i32
      %rem3A_1198 = arith.remsi %add3A_1122, %rem3A_1197 : i32
      %eq3A_1199 = arith.cmpi eq, %select_n3A_1196, %rem3A_1198 : i32
      %convert_element_type3A_1200 = arith.extui %eq3A_1199 : i1 to i32
      %cond3A_1201 = arith.constant 0 : i32
      %cond3A_1202 = arith.cmpi ne, %convert_element_type3A_1200, %cond3A_1201 : i32
      scf.if %cond3A_1202 {
        %rem3A_2170 = arith.constant 128 : i32
        %rem3A_2171 = arith.remsi %rem3A_1172, %rem3A_2170 : i32
        %mul3A_2172 = arith.constant 128 : i32
        %mul3A_2173 = arith.muli %select_n3A_1165, %mul3A_2172 : i32
        %add3A_2174 = arith.constant 0 : i32
        %add3A_2175 = arith.addi %mul3A_2173, %add3A_2174 : i32
        %get3A_2176 = arith.index_cast %add3A_2175 : i32 to index
        %get3A_2177 = tpu.vector_load %arg10[%get3A_2176] {strides = array<i32>} : memref<4096xf32, #tpu.memory_space<vmem>>, vector<16xf32>,
        %get3A_2178 = vector.shape_cast %get3A_2177 : vector<16xf32> to vector<16xf32>
        %swap3A_2179 = arith.constant 0 : i32
        %swap3A_2180 = arith.index_cast %swap3A_2179 : i32 to index
        %swap3A_2181 = arith.index_cast %rem3A_2171 : i32 to index
        %swap3A_2182 = arith.constant 0 : index
        %swap3A_2183 = tpu.vector_load %arg7[%swap3A_2180, %swap3A_2181, %swap3A_2182] {strides = array<i32>} : memref<6x128x128xf32, #tpu.memory_space<vmem>>, vector<1x1x16xf32>,
        %swap3A_2184 = vector.shape_cast %swap3A_2183 : vector<1x1x16xf32> to vector<16xf32>
        %swap3A_2185 = vector.shape_cast %get3A_2178 : vector<16xf32> to vector<1x1x16xf32>
        tpu.vector_store %arg7[%swap3A_2180, %swap3A_2181, %swap3A_2182], %swap3A_2185 {strides = array<i32>} : memref<6x128x128xf32, #tpu.memory_space<vmem>>, vector<1x1x16xf32>,
        %mul3A_2186 = arith.constant 128 : i32
        %mul3A_2187 = arith.muli %select_n3A_1165, %mul3A_2186 : i32
        %add3A_2188 = arith.constant 16 : i32
        %add3A_2189 = arith.addi %mul3A_2187, %add3A_2188 : i32
        %get3A_2190 = arith.index_cast %add3A_2189 : i32 to index
        %get3A_2191 = tpu.vector_load %arg10[%get3A_2190] {strides = array<i32>} : memref<4096xf32, #tpu.memory_space<vmem>>, vector<16xf32>,
        %get3A_2192 = vector.shape_cast %get3A_2191 : vector<16xf32> to vector<16xf32>
        %swap3A_2193 = arith.constant 0 : i32
        %swap3A_2194 = arith.index_cast %swap3A_2193 : i32 to index
        %swap3A_2195 = arith.index_cast %rem3A_2171 : i32 to index
        %swap3A_2196 = arith.constant 16 : index
        %swap3A_2197 = tpu.vector_load %arg7[%swap3A_2194, %swap3A_2195, %swap3A_2196] {strides = array<i32>} : memref<6x128x128xf32, #tpu.memory_space<vmem>>, vector<1x1x16xf32>,
        %swap3A_2198 = vector.shape_cast %swap3A_2197 : vector<1x1x16xf32> to vector<16xf32>
        %swap3A_2199 = vector.shape_cast %get3A_2192 : vector<16xf32> to vector<1x1x16xf32>
        tpu.vector_store %arg7[%swap3A_2194, %swap3A_2195, %swap3A_2196], %swap3A_2199 {strides = array<i32>} : memref<6x128x128xf32, #tpu.memory_space<vmem>>, vector<1x1x16xf32>,
        %mul3A_2200 = arith.constant 128 : i32
        %mul3A_2201 = arith.muli %select_n3A_1165, %mul3A_2200 : i32
        %add3A_2202 = arith.constant 32 : i32
        %add3A_2203 = arith.addi %mul3A_2201, %add3A_2202 : i32
        %get3A_2204 = arith.index_cast %add3A_2203 : i32 to index
        %get3A_2205 = tpu.vector_load %arg10[%get3A_2204] {strides = array<i32>} : memref<4096xf32, #tpu.memory_space<vmem>>, vector<16xf32>,
        %get3A_2206 = vector.shape_cast %get3A_2205 : vector<16xf32> to vector<16xf32>
        %swap3A_2207 = arith.constant 0 : i32
        %swap3A_2208 = arith.index_cast %swap3A_2207 : i32 to index
        %swap3A_2209 = arith.index_cast %rem3A_2171 : i32 to index
        %swap3A_2210 = arith.constant 32 : index
        %swap3A_2211 = tpu.vector_load %arg7[%swap3A_2208, %swap3A_2209, %swap3A_2210] {strides = array<i32>} : memref<6x128x128xf32, #tpu.memory_space<vmem>>, vector<1x1x16xf32>,
        %swap3A_2212 = vector.shape_cast %swap3A_2211 : vector<1x1x16xf32> to vector<16xf32>
        %swap3A_2213 = vector.shape_cast %get3A_2206 : vector<16xf32> to vector<1x1x16xf32>
        tpu.vector_store %arg7[%swap3A_2208, %swap3A_2209, %swap3A_2210], %swap3A_2213 {strides = array<i32>} : memref<6x128x128xf32, #tpu.memory_space<vmem>>, vector<1x1x16xf32>,
        %mul3A_2214 = arith.constant 128 : i32
        %mul3A_2215 = arith.muli %select_n3A_1165, %mul3A_2214 : i32
        %add3A_2216 = arith.constant 48 : i32
        %add3A_2217 = arith.addi %mul3A_2215, %add3A_2216 : i32
        %get3A_2218 = arith.index_cast %add3A_2217 : i32 to index
        %get3A_2219 = tpu.vector_load %arg10[%get3A_2218] {strides = array<i32>} : memref<4096xf32, #tpu.memory_space<vmem>>, vector<16xf32>,
        %get3A_2220 = vector.shape_cast %get3A_2219 : vector<16xf32> to vector<16xf32>
        %swap3A_2221 = arith.constant 0 : i32
        %swap3A_2222 = arith.index_cast %swap3A_2221 : i32 to index
        %swap3A_2223 = arith.index_cast %rem3A_2171 : i32 to index
        %swap3A_2224 = arith.constant 48 : index
        %swap3A_2225 = tpu.vector_load %arg7[%swap3A_2222, %swap3A_2223, %swap3A_2224] {strides = array<i32>} : memref<6x128x128xf32, #tpu.memory_space<vmem>>, vector<1x1x16xf32>,
        %swap3A_2226 = vector.shape_cast %swap3A_2225 : vector<1x1x16xf32> to vector<16xf32>
        %swap3A_2227 = vector.shape_cast %get3A_2220 : vector<16xf32> to vector<1x1x16xf32>
        tpu.vector_store %arg7[%swap3A_2222, %swap3A_2223, %swap3A_2224], %swap3A_2227 {strides = array<i32>} : memref<6x128x128xf32, #tpu.memory_space<vmem>>, vector<1x1x16xf32>,
        %mul3A_2228 = arith.constant 128 : i32
        %mul3A_2229 = arith.muli %select_n3A_1165, %mul3A_2228 : i32
        %add3A_2230 = arith.constant 64 : i32
        %add3A_2231 = arith.addi %mul3A_2229, %add3A_2230 : i32
        %get3A_2232 = arith.index_cast %add3A_2231 : i32 to index
        %get3A_2233 = tpu.vector_load %arg10[%get3A_2232] {strides = array<i32>} : memref<4096xf32, #tpu.memory_space<vmem>>, vector<16xf32>,
        %get3A_2234 = vector.shape_cast %get3A_2233 : vector<16xf32> to vector<16xf32>
        %swap3A_2235 = arith.constant 0 : i32
        %swap3A_2236 = arith.index_cast %swap3A_2235 : i32 to index
        %swap3A_2237 = arith.index_cast %rem3A_2171 : i32 to index
        %swap3A_2238 = arith.constant 64 : index
        %swap3A_2239 = tpu.vector_load %arg7[%swap3A_2236, %swap3A_2237, %swap3A_2238] {strides = array<i32>} : memref<6x128x128xf32, #tpu.memory_space<vmem>>, vector<1x1x16xf32>,
        %swap3A_2240 = vector.shape_cast %swap3A_2239 : vector<1x1x16xf32> to vector<16xf32>
        %swap3A_2241 = vector.shape_cast %get3A_2234 : vector<16xf32> to vector<1x1x16xf32>
        tpu.vector_store %arg7[%swap3A_2236, %swap3A_2237, %swap3A_2238], %swap3A_2241 {strides = array<i32>} : memref<6x128x128xf32, #tpu.memory_space<vmem>>, vector<1x1x16xf32>,
        %mul3A_2242 = arith.constant 128 : i32
        %mul3A_2243 = arith.muli %select_n3A_1165, %mul3A_2242 : i32
        %add3A_2244 = arith.constant 80 : i32
        %add3A_2245 = arith.addi %mul3A_2243, %add3A_2244 : i32
        %get3A_2246 = arith.index_cast %add3A_2245 : i32 to index
        %get3A_2247 = tpu.vector_load %arg10[%get3A_2246] {strides = array<i32>} : memref<4096xf32, #tpu.memory_space<vmem>>, vector<16xf32>,
        %get3A_2248 = vector.shape_cast %get3A_2247 : vector<16xf32> to vector<16xf32>
        %swap3A_2249 = arith.constant 0 : i32
        %swap3A_2250 = arith.index_cast %swap3A_2249 : i32 to index
        %swap3A_2251 = arith.index_cast %rem3A_2171 : i32 to index
        %swap3A_2252 = arith.constant 80 : index
        %swap3A_2253 = tpu.vector_load %arg7[%swap3A_2250, %swap3A_2251, %swap3A_2252] {strides = array<i32>} : memref<6x128x128xf32, #tpu.memory_space<vmem>>, vector<1x1x16xf32>,
        %swap3A_2254 = vector.shape_cast %swap3A_2253 : vector<1x1x16xf32> to vector<16xf32>
        %swap3A_2255 = vector.shape_cast %get3A_2248 : vector<16xf32> to vector<1x1x16xf32>
        tpu.vector_store %arg7[%swap3A_2250, %swap3A_2251, %swap3A_2252], %swap3A_2255 {strides = array<i32>} : memref<6x128x128xf32, #tpu.memory_space<vmem>>, vector<1x1x16xf32>,
        %mul3A_2256 = arith.constant 128 : i32
        %mul3A_2257 = arith.muli %select_n3A_1165, %mul3A_2256 : i32
        %add3A_2258 = arith.constant 96 : i32
        %add3A_2259 = arith.addi %mul3A_2257, %add3A_2258 : i32
        %get3A_2260 = arith.index_cast %add3A_2259 : i32 to index
        %get3A_2261 = tpu.vector_load %arg10[%get3A_2260] {strides = array<i32>} : memref<4096xf32, #tpu.memory_space<vmem>>, vector<16xf32>,
        %get3A_2262 = vector.shape_cast %get3A_2261 : vector<16xf32> to vector<16xf32>
        %swap3A_2263 = arith.constant 0 : i32
        %swap3A_2264 = arith.index_cast %swap3A_2263 : i32 to index
        %swap3A_2265 = arith.index_cast %rem3A_2171 : i32 to index
        %swap3A_2266 = arith.constant 96 : index
        %swap3A_2267 = tpu.vector_load %arg7[%swap3A_2264, %swap3A_2265, %swap3A_2266] {strides = array<i32>} : memref<6x128x128xf32, #tpu.memory_space<vmem>>, vector<1x1x16xf32>,
        %swap3A_2268 = vector.shape_cast %swap3A_2267 : vector<1x1x16xf32> to vector<16xf32>
        %swap3A_2269 = vector.shape_cast %get3A_2262 : vector<16xf32> to vector<1x1x16xf32>
        tpu.vector_store %arg7[%swap3A_2264, %swap3A_2265, %swap3A_2266], %swap3A_2269 {strides = array<i32>} : memref<6x128x128xf32, #tpu.memory_space<vmem>>, vector<1x1x16xf32>,
        %mul3A_2270 = arith.constant 128 : i32
        %mul3A_2271 = arith.muli %select_n3A_1165, %mul3A_2270 : i32
        %add3A_2272 = arith.constant 112 : i32
        %add3A_2273 = arith.addi %mul3A_2271, %add3A_2272 : i32
        %get3A_2274 = arith.index_cast %add3A_2273 : i32 to index
        %get3A_2275 = tpu.vector_load %arg10[%get3A_2274] {strides = array<i32>} : memref<4096xf32, #tpu.memory_space<vmem>>, vector<16xf32>,
        %get3A_2276 = vector.shape_cast %get3A_2275 : vector<16xf32> to vector<16xf32>
        %swap3A_2277 = arith.constant 0 : i32
        %swap3A_2278 = arith.index_cast %swap3A_2277 : i32 to index
        %swap3A_2279 = arith.index_cast %rem3A_2171 : i32 to index
        %swap3A_2280 = arith.constant 112 : index
        %swap3A_2281 = tpu.vector_load %arg7[%swap3A_2278, %swap3A_2279, %swap3A_2280] {strides = array<i32>} : memref<6x128x128xf32, #tpu.memory_space<vmem>>, vector<1x1x16xf32>,
        %swap3A_2282 = vector.shape_cast %swap3A_2281 : vector<1x1x16xf32> to vector<16xf32>
        %swap3A_2283 = vector.shape_cast %get3A_2276 : vector<16xf32> to vector<1x1x16xf32>
        tpu.vector_store %arg7[%swap3A_2278, %swap3A_2279, %swap3A_2280], %swap3A_2283 {strides = array<i32>} : memref<6x128x128xf32, #tpu.memory_space<vmem>>, vector<1x1x16xf32>,
      } else {
      }
      %mul3A_1203 = arith.constant 128 : i32
      %mul3A_1204 = arith.muli %add3A_1122, %mul3A_1203 : i32
      %add3A_1205 = arith.addi %mul3A_4, %mul3A_1204 : i32
      %dma_start3A_1206 = arith.constant 0 : i32
      %dma_start3A_1207 = arith.constant 0 : i32
      %dma_start3A_1208 = arith.constant 0 : i32
      %dma_start3A_1209 = arith.constant 0 : i32
      %dma_start3A_1210 = tpu.memref_slice %arg7[%dma_start3A_1206, %dma_start3A_1208, %dma_start3A_1209] : memref<6x128x128xf32, #tpu.memory_space<vmem>> -> memref<1x128x128xf32, #tpu.memory_space<vmem>>
      %dma_start3A_1211 = tpu.memref_squeeze %dma_start3A_1210 : memref<1x128x128xf32, #tpu.memory_space<vmem>> -> memref<128x128xf32, #tpu.memory_space<vmem>>
      %dma_start3A_1212 = arith.constant 0 : i32
      %dma_start3A_1213 = tpu.memref_slice %arg5[%add3A_1205, %dma_start3A_1212] : memref<262144x128xf32, #tpu.memory_space<hbm>> -> memref<128x128xf32, #tpu.memory_space<hbm>>
      %dma_start3A_1214 = tpu.memref_slice %arg12[%dma_start3A_1207] : memref<6x!tpu.dma_semaphore, #tpu.memory_space<semaphore_mem>> -> memref<1x!tpu.dma_semaphore, #tpu.memory_space<semaphore_mem>>
      %dma_start3A_1215 = tpu.memref_squeeze %dma_start3A_1214 : memref<1x!tpu.dma_semaphore, #tpu.memory_space<semaphore_mem>> -> memref<!tpu.dma_semaphore, #tpu.memory_space<semaphore_mem>>
      %dma_start3A_1216 = arith.constant 0 : i32
      %dma_start3A_1217 = tpu.memref_slice %arg5[%add3A_1205, %dma_start3A_1216] : memref<262144x128xf32, #tpu.memory_space<hbm>> -> memref<128x128xf32, #tpu.memory_space<hbm>>
      %dma_start3A_1218 = arith.constant 0 : i32
      %dma_start3A_1219 = arith.constant 0 : i32
      %dma_start3A_1220 = tpu.memref_slice %arg7[%dma_start3A_1206, %dma_start3A_1218, %dma_start3A_1219] : memref<6x128x128xf32, #tpu.memory_space<vmem>> -> memref<1x128x128xf32, #tpu.memory_space<vmem>>
      %dma_start3A_1221 = tpu.memref_squeeze %dma_start3A_1220 : memref<1x128x128xf32, #tpu.memory_space<vmem>> -> memref<128x128xf32, #tpu.memory_space<vmem>>
      tpu.enqueue_dma source(%dma_start3A_1221 : memref<128x128xf32, #tpu.memory_space<vmem>>) target(%dma_start3A_1217 : memref<128x128xf32, #tpu.memory_space<hbm>>) target_semaphore(%dma_start3A_1215 : memref<!tpu.dma_semaphore, #tpu.memory_space<semaphore_mem>>)
      %sub3A_1222 = arith.constant 3 : i32
      %sub3A_1223 = arith.subi %add3A_1122, %sub3A_1222 : i32
      %sub3A_1224 = arith.constant 3 : i32
      %sub3A_1225 = arith.subi %add3A_1122, %sub3A_1224 : i32
      %jit3A_1226 = arith.constant 6 : i32
      %eq3A_1227 = arith.constant 0 : i32
      %eq3A_1228 = arith.cmpi eq, %jit3A_1226, %eq3A_1227 : i32
      %jit3A_1229 = arith.constant 1 : i32
      %select_n3A_1230 = arith.select %eq3A_1228, %jit3A_1229, %jit3A_1226 : i32
      %rem3A_1231 = arith.remsi %sub3A_1225, %select_n3A_1230 : i32
      %ne3A_1232 = arith.constant 0 : i32
      %ne3A_1233 = arith.cmpi ne, %rem3A_1231, %ne3A_1232 : i32
      %lt3A = arith.constant 0 : i32
      %lt3A_1234 = arith.cmpi slt, %rem3A_1231, %lt3A : i32
      %lt3A_1235 = arith.constant 0 : i32
      %lt3A_1236 = arith.cmpi slt, %select_n3A_1230, %lt3A_1235 : i32
      %ne3A_1237 = arith.xori %lt3A_1234, %lt3A_1236 : i1
      %and3A_1238 = arith.andi %ne3A_1237, %ne3A_1233 : i1
      %add3A_1239 = arith.addi %rem3A_1231, %select_n3A_1230 : i32
      %select_n3A_1240 = arith.select %and3A_1238, %add3A_1239, %rem3A_1231 : i32
      %mul3A_1241 = arith.constant 128 : i32
      %mul3A_1242 = arith.muli %sub3A_1223, %mul3A_1241 : i32
      %add3A_1243 = arith.addi %mul3A_4, %mul3A_1242 : i32
      %dma_wait3A_1244 = arith.constant 0 : i32
      %dma_wait3A_1245 = arith.constant 0 : i32
      %dma_wait3A_1246 = tpu.memref_slice %arg7[%select_n3A_1240, %dma_wait3A_1244, %dma_wait3A_1245] : memref<6x128x128xf32, #tpu.memory_space<vmem>> -> memref<1x128x128xf32, #tpu.memory_space<vmem>>
      %dma_wait3A_1247 = tpu.memref_squeeze %dma_wait3A_1246 : memref<1x128x128xf32, #tpu.memory_space<vmem>> -> memref<128x128xf32, #tpu.memory_space<vmem>>
      %dma_wait3A_1248 = arith.constant 0 : i32
      %dma_wait3A_1249 = tpu.memref_slice %arg5[%add3A_1243, %dma_wait3A_1248] : memref<262144x128xf32, #tpu.memory_space<hbm>> -> memref<128x128xf32, #tpu.memory_space<hbm>>
      %dma_wait3A_1250 = tpu.memref_slice %arg12[%select_n3A_1240] : memref<6x!tpu.dma_semaphore, #tpu.memory_space<semaphore_mem>> -> memref<1x!tpu.dma_semaphore, #tpu.memory_space<semaphore_mem>>
      %dma_wait3A_1251 = tpu.memref_squeeze %dma_wait3A_1250 : memref<1x!tpu.dma_semaphore, #tpu.memory_space<semaphore_mem>> -> memref<!tpu.dma_semaphore, #tpu.memory_space<semaphore_mem>>
      %dma_wait3A_1252 = arith.constant 0 : i32
      %dma_wait3A_1253 = tpu.memref_slice %arg5[%add3A_1243, %dma_wait3A_1252] : memref<262144x128xf32, #tpu.memory_space<hbm>> -> memref<128x128xf32, #tpu.memory_space<hbm>>
      %dma_wait3A_1254 = arith.constant 0 : i32
      %dma_wait3A_1255 = arith.constant 0 : i32
      %dma_wait3A_1256 = tpu.memref_slice %arg7[%select_n3A_1240, %dma_wait3A_1254, %dma_wait3A_1255] : memref<6x128x128xf32, #tpu.memory_space<vmem>> -> memref<1x128x128xf32, #tpu.memory_space<vmem>>
      %dma_wait3A_1257 = tpu.memref_squeeze %dma_wait3A_1256 : memref<1x128x128xf32, #tpu.memory_space<vmem>> -> memref<128x128xf32, #tpu.memory_space<vmem>>
      tpu.wait_dma2 semaphore(%dma_wait3A_1251 : memref<!tpu.dma_semaphore, #tpu.memory_space<semaphore_mem>>) src(%dma_wait3A_1257 : memref<128x128xf32, #tpu.memory_space<vmem>>) dst(%dma_wait3A_1253 : memref<128x128xf32, #tpu.memory_space<hbm>>)
      %add3A_1258 = arith.constant 3 : i32
      %add3A_1259 = arith.addi %add3A_1122, %add3A_1258 : i32
      %add3A_1260 = arith.constant 3 : i32
      %add3A_1261 = arith.addi %add3A_1122, %add3A_1260 : i32
      %jit3A_1262 = arith.constant 6 : i32
      %eq3A_1263 = arith.constant 0 : i32
      %eq3A_1264 = arith.cmpi eq, %jit3A_1262, %eq3A_1263 : i32
      %jit3A_1265 = arith.constant 1 : i32
      %select_n3A_1266 = arith.select %eq3A_1264, %jit3A_1265, %jit3A_1262 : i32
      %rem3A_1267 = arith.remsi %add3A_1261, %select_n3A_1266 : i32
      %ne3A_1268 = arith.constant 0 : i32
      %ne3A_1269 = arith.cmpi ne, %rem3A_1267, %ne3A_1268 : i32
      %lt3A_1270 = arith.constant 0 : i32
      %lt3A_1271 = arith.cmpi slt, %rem3A_1267, %lt3A_1270 : i32
      %lt3A_1272 = arith.constant 0 : i32
      %lt3A_1273 = arith.cmpi slt, %select_n3A_1266, %lt3A_1272 : i32
      %ne3A_1274 = arith.xori %lt3A_1271, %lt3A_1273 : i1
      %and3A_1275 = arith.andi %ne3A_1274, %ne3A_1269 : i1
      %add3A_1276 = arith.addi %rem3A_1267, %select_n3A_1266 : i32
      %select_n3A_1277 = arith.select %and3A_1275, %add3A_1276, %rem3A_1267 : i32
      %mul3A_1278 = arith.constant 128 : i32
      %mul3A_1279 = arith.muli %add3A_1259, %mul3A_1278 : i32
      %add3A_1280 = arith.addi %mul3A_4, %mul3A_1279 : i32
      %dma_start3A_1281 = arith.constant 0 : i32
      %dma_start3A_1282 = arith.constant 0 : i32
      %dma_start3A_1283 = tpu.memref_slice %arg7[%select_n3A_1277, %dma_start3A_1281, %dma_start3A_1282] : memref<6x128x128xf32, #tpu.memory_space<vmem>> -> memref<1x128x128xf32, #tpu.memory_space<vmem>>
      %dma_start3A_1284 = tpu.memref_squeeze %dma_start3A_1283 : memref<1x128x128xf32, #tpu.memory_space<vmem>> -> memref<128x128xf32, #tpu.memory_space<vmem>>
      %dma_start3A_1285 = arith.constant 0 : i32
      %dma_start3A_1286 = tpu.memref_slice %arg3[%add3A_1280, %dma_start3A_1285] : memref<262144x128xf32, #tpu.memory_space<hbm>> -> memref<128x128xf32, #tpu.memory_space<hbm>>
      %dma_start3A_1287 = tpu.memref_slice %arg11[%select_n3A_1277] : memref<6x!tpu.dma_semaphore, #tpu.memory_space<semaphore_mem>> -> memref<1x!tpu.dma_semaphore, #tpu.memory_space<semaphore_mem>>
      %dma_start3A_1288 = tpu.memref_squeeze %dma_start3A_1287 : memref<1x!tpu.dma_semaphore, #tpu.memory_space<semaphore_mem>> -> memref<!tpu.dma_semaphore, #tpu.memory_space<semaphore_mem>>
      %dma_start3A_1289 = arith.constant 0 : i32
      %dma_start3A_1290 = arith.constant 0 : i32
      %dma_start3A_1291 = tpu.memref_slice %arg7[%select_n3A_1277, %dma_start3A_1289, %dma_start3A_1290] : memref<6x128x128xf32, #tpu.memory_space<vmem>> -> memref<1x128x128xf32, #tpu.memory_space<vmem>>
      %dma_start3A_1292 = tpu.memref_squeeze %dma_start3A_1291 : memref<1x128x128xf32, #tpu.memory_space<vmem>> -> memref<128x128xf32, #tpu.memory_space<vmem>>
      %dma_start3A_1293 = arith.constant 0 : i32
      %dma_start3A_1294 = tpu.memref_slice %arg3[%add3A_1280, %dma_start3A_1293] : memref<262144x128xf32, #tpu.memory_space<hbm>> -> memref<128x128xf32, #tpu.memory_space<hbm>>
      tpu.enqueue_dma source(%dma_start3A_1294 : memref<128x128xf32, #tpu.memory_space<hbm>>) target(%dma_start3A_1292 : memref<128x128xf32, #tpu.memory_space<vmem>>) target_semaphore(%dma_start3A_1288 : memref<!tpu.dma_semaphore, #tpu.memory_space<semaphore_mem>>)
      %add3A_1295 = arith.constant 1 : i32
      %add3A_1296 = arith.addi %mul3A_1120, %add3A_1295 : i32
      %mul3A_1297 = arith.constant 128 : i32
      %mul3A_1298 = arith.muli %add3A_1296, %mul3A_1297 : i32
      %add3A_1299 = arith.addi %mul3A_4, %mul3A_1298 : i32
      %dma_wait3A_1300 = arith.constant 1 : i32
      %dma_wait3A_1301 = arith.constant 1 : i32
      %dma_wait3A_1302 = arith.constant 0 : i32
      %dma_wait3A_1303 = arith.constant 0 : i32
      %dma_wait3A_1304 = tpu.memref_slice %arg7[%dma_wait3A_1300, %dma_wait3A_1302, %dma_wait3A_1303] : memref<6x128x128xf32, #tpu.memory_space<vmem>> -> memref<1x128x128xf32, #tpu.memory_space<vmem>>
      %dma_wait3A_1305 = tpu.memref_squeeze %dma_wait3A_1304 : memref<1x128x128xf32, #tpu.memory_space<vmem>> -> memref<128x128xf32, #tpu.memory_space<vmem>>
      %dma_wait3A_1306 = arith.constant 0 : i32
      %dma_wait3A_1307 = tpu.memref_slice %arg3[%add3A_1299, %dma_wait3A_1306] : memref<262144x128xf32, #tpu.memory_space<hbm>> -> memref<128x128xf32, #tpu.memory_space<hbm>>
      %dma_wait3A_1308 = tpu.memref_slice %arg11[%dma_wait3A_1301] : memref<6x!tpu.dma_semaphore, #tpu.memory_space<semaphore_mem>> -> memref<1x!tpu.dma_semaphore, #tpu.memory_space<semaphore_mem>>
      %dma_wait3A_1309 = tpu.memref_squeeze %dma_wait3A_1308 : memref<1x!tpu.dma_semaphore, #tpu.memory_space<semaphore_mem>> -> memref<!tpu.dma_semaphore, #tpu.memory_space<semaphore_mem>>
      %dma_wait3A_1310 = arith.constant 0 : i32
      %dma_wait3A_1311 = arith.constant 0 : i32
      %dma_wait3A_1312 = tpu.memref_slice %arg7[%dma_wait3A_1300, %dma_wait3A_1310, %dma_wait3A_1311] : memref<6x128x128xf32, #tpu.memory_space<vmem>> -> memref<1x128x128xf32, #tpu.memory_space<vmem>>
      %dma_wait3A_1313 = tpu.memref_squeeze %dma_wait3A_1312 : memref<1x128x128xf32, #tpu.memory_space<vmem>> -> memref<128x128xf32, #tpu.memory_space<vmem>>
      %dma_wait3A_1314 = arith.constant 0 : i32
      %dma_wait3A_1315 = tpu.memref_slice %arg3[%add3A_1299, %dma_wait3A_1314] : memref<262144x128xf32, #tpu.memory_space<hbm>> -> memref<128x128xf32, #tpu.memory_space<hbm>>
      tpu.wait_dma2 semaphore(%dma_wait3A_1309 : memref<!tpu.dma_semaphore, #tpu.memory_space<semaphore_mem>>) src(%dma_wait3A_1315 : memref<128x128xf32, #tpu.memory_space<hbm>>) dst(%dma_wait3A_1313 : memref<128x128xf32, #tpu.memory_space<vmem>>)
      %jit3A_1316 = arith.constant 2 : i32
      %div3A_1317 = arith.divsi %add3A_1296, %jit3A_1316 : i32
      %sign3A_1318 = arith.constant 0 : i32
      %sign3A_1319 = arith.cmpi sgt, %add3A_1296, %sign3A_1318 : i32
      %sign3A_1320 = arith.extui %sign3A_1319 : i1 to i32
      %sign3A_1321 = arith.constant 0 : i32
      %sign3A_1322 = arith.cmpi slt, %add3A_1296, %sign3A_1321 : i32
      %sign3A_1323 = arith.extui %sign3A_1322 : i1 to i32
      %sign3A_1324 = arith.subi %sign3A_1320, %sign3A_1323 : i32
      %sign3A_1325 = arith.constant 0 : i32
      %sign3A_1326 = arith.cmpi sgt, %jit3A_1316, %sign3A_1325 : i32
      %sign3A_1327 = arith.extui %sign3A_1326 : i1 to i32
      %sign3A_1328 = arith.constant 0 : i32
      %sign3A_1329 = arith.cmpi slt, %jit3A_1316, %sign3A_1328 : i32
      %sign3A_1330 = arith.extui %sign3A_1329 : i1 to i32
      %sign3A_1331 = arith.subi %sign3A_1327, %sign3A_1330 : i32
      %ne3A_1332 = arith.cmpi ne, %sign3A_1324, %sign3A_1331 : i32
      %rem3A_1333 = arith.remsi %add3A_1296, %jit3A_1316 : i32
      %ne3A_1334 = arith.constant 0 : i32
      %ne3A_1335 = arith.cmpi ne, %rem3A_1333, %ne3A_1334 : i32
      %and3A_1336 = arith.andi %ne3A_1332, %ne3A_1335 : i1
      %sub3A_1337 = arith.constant 1 : i32
      %sub3A_1338 = arith.subi %div3A_1317, %sub3A_1337 : i32
      %select_n3A_1339 = arith.select %and3A_1336, %sub3A_1338, %div3A_1317 : i32
      %get3A_1340 = arith.index_cast %select_n3A_1339 : i32 to index
      %get3A_1341 = tpu.vector_load %arg8[%get3A_1340] {strides = array<i32>} : memref<48xi32, #tpu.memory_space<vmem>>, vector<16xi32>,
      %get3A_1342 = vector.shape_cast %get3A_1341 : vector<16xi32> to vector<16xi32>
      %slice3A_1343 = vector.extract_strided_slice %get3A_1342 {offsets = [0], sizes = [1], strides = [1]} : vector<16xi32> to vector<1xi32>
      %squeeze3A_1344 = vector.extract %slice3A_1343[0] : i32 from vector<1xi32>
      %rem3A_1345 = arith.constant 256 : i32
      %rem3A_1346 = arith.remsi %squeeze3A_1344, %rem3A_1345 : i32
      %jit3A_1347 = arith.constant 128 : i32
      %div3A_1348 = arith.divsi %rem3A_1346, %jit3A_1347 : i32
      %sign3A_1349 = arith.constant 0 : i32
      %sign3A_1350 = arith.cmpi sgt, %rem3A_1346, %sign3A_1349 : i32
      %sign3A_1351 = arith.extui %sign3A_1350 : i1 to i32
      %sign3A_1352 = arith.constant 0 : i32
      %sign3A_1353 = arith.cmpi slt, %rem3A_1346, %sign3A_1352 : i32
      %sign3A_1354 = arith.extui %sign3A_1353 : i1 to i32
      %sign3A_1355 = arith.subi %sign3A_1351, %sign3A_1354 : i32
      %sign3A_1356 = arith.constant 0 : i32
      %sign3A_1357 = arith.cmpi sgt, %jit3A_1347, %sign3A_1356 : i32
      %sign3A_1358 = arith.extui %sign3A_1357 : i1 to i32
      %sign3A_1359 = arith.constant 0 : i32
      %sign3A_1360 = arith.cmpi slt, %jit3A_1347, %sign3A_1359 : i32
      %sign3A_1361 = arith.extui %sign3A_1360 : i1 to i32
      %sign3A_1362 = arith.subi %sign3A_1358, %sign3A_1361 : i32
      %ne3A_1363 = arith.cmpi ne, %sign3A_1355, %sign3A_1362 : i32
      %rem3A_1364 = arith.remsi %rem3A_1346, %jit3A_1347 : i32
      %ne3A_1365 = arith.constant 0 : i32
      %ne3A_1366 = arith.cmpi ne, %rem3A_1364, %ne3A_1365 : i32
      %and3A_1367 = arith.andi %ne3A_1363, %ne3A_1366 : i1
      %sub3A_1368 = arith.constant 1 : i32
      %sub3A_1369 = arith.subi %div3A_1348, %sub3A_1368 : i32
      %select_n3A_1370 = arith.select %and3A_1367, %sub3A_1369, %div3A_1348 : i32
      %rem3A_1371 = arith.constant 2 : i32
      %rem3A_1372 = arith.remsi %add3A_1296, %rem3A_1371 : i32
      %eq3A_1373 = arith.cmpi eq, %select_n3A_1370, %rem3A_1372 : i32
      %convert_element_type3A_1374 = arith.extui %eq3A_1373 : i1 to i32
      %cond3A_1375 = arith.constant 0 : i32
      %cond3A_1376 = arith.cmpi ne, %convert_element_type3A_1374, %cond3A_1375 : i32
      scf.if %cond3A_1376 {
        %rem3A_2170 = arith.constant 128 : i32
        %rem3A_2171 = arith.remsi %rem3A_1346, %rem3A_2170 : i32
        %mul3A_2172 = arith.constant 128 : i32
        %mul3A_2173 = arith.muli %select_n3A_1339, %mul3A_2172 : i32
        %add3A_2174 = arith.constant 0 : i32
        %add3A_2175 = arith.addi %mul3A_2173, %add3A_2174 : i32
        %get3A_2176 = arith.index_cast %add3A_2175 : i32 to index
        %get3A_2177 = tpu.vector_load %arg10[%get3A_2176] {strides = array<i32>} : memref<4096xf32, #tpu.memory_space<vmem>>, vector<16xf32>,
        %get3A_2178 = vector.shape_cast %get3A_2177 : vector<16xf32> to vector<16xf32>
        %swap3A_2179 = arith.constant 1 : i32
        %swap3A_2180 = arith.index_cast %swap3A_2179 : i32 to index
        %swap3A_2181 = arith.index_cast %rem3A_2171 : i32 to index
        %swap3A_2182 = arith.constant 0 : index
        %swap3A_2183 = tpu.vector_load %arg7[%swap3A_2180, %swap3A_2181, %swap3A_2182] {strides = array<i32>} : memref<6x128x128xf32, #tpu.memory_space<vmem>>, vector<1x1x16xf32>,
        %swap3A_2184 = vector.shape_cast %swap3A_2183 : vector<1x1x16xf32> to vector<16xf32>
        %swap3A_2185 = vector.shape_cast %get3A_2178 : vector<16xf32> to vector<1x1x16xf32>
        tpu.vector_store %arg7[%swap3A_2180, %swap3A_2181, %swap3A_2182], %swap3A_2185 {strides = array<i32>} : memref<6x128x128xf32, #tpu.memory_space<vmem>>, vector<1x1x16xf32>,
        %mul3A_2186 = arith.constant 128 : i32
        %mul3A_2187 = arith.muli %select_n3A_1339, %mul3A_2186 : i32
        %add3A_2188 = arith.constant 16 : i32
        %add3A_2189 = arith.addi %mul3A_2187, %add3A_2188 : i32
        %get3A_2190 = arith.index_cast %add3A_2189 : i32 to index
        %get3A_2191 = tpu.vector_load %arg10[%get3A_2190] {strides = array<i32>} : memref<4096xf32, #tpu.memory_space<vmem>>, vector<16xf32>,
        %get3A_2192 = vector.shape_cast %get3A_2191 : vector<16xf32> to vector<16xf32>
        %swap3A_2193 = arith.constant 1 : i32
        %swap3A_2194 = arith.index_cast %swap3A_2193 : i32 to index
        %swap3A_2195 = arith.index_cast %rem3A_2171 : i32 to index
        %swap3A_2196 = arith.constant 16 : index
        %swap3A_2197 = tpu.vector_load %arg7[%swap3A_2194, %swap3A_2195, %swap3A_2196] {strides = array<i32>} : memref<6x128x128xf32, #tpu.memory_space<vmem>>, vector<1x1x16xf32>,
        %swap3A_2198 = vector.shape_cast %swap3A_2197 : vector<1x1x16xf32> to vector<16xf32>
        %swap3A_2199 = vector.shape_cast %get3A_2192 : vector<16xf32> to vector<1x1x16xf32>
        tpu.vector_store %arg7[%swap3A_2194, %swap3A_2195, %swap3A_2196], %swap3A_2199 {strides = array<i32>} : memref<6x128x128xf32, #tpu.memory_space<vmem>>, vector<1x1x16xf32>,
        %mul3A_2200 = arith.constant 128 : i32
        %mul3A_2201 = arith.muli %select_n3A_1339, %mul3A_2200 : i32
        %add3A_2202 = arith.constant 32 : i32
        %add3A_2203 = arith.addi %mul3A_2201, %add3A_2202 : i32
        %get3A_2204 = arith.index_cast %add3A_2203 : i32 to index
        %get3A_2205 = tpu.vector_load %arg10[%get3A_2204] {strides = array<i32>} : memref<4096xf32, #tpu.memory_space<vmem>>, vector<16xf32>,
        %get3A_2206 = vector.shape_cast %get3A_2205 : vector<16xf32> to vector<16xf32>
        %swap3A_2207 = arith.constant 1 : i32
        %swap3A_2208 = arith.index_cast %swap3A_2207 : i32 to index
        %swap3A_2209 = arith.index_cast %rem3A_2171 : i32 to index
        %swap3A_2210 = arith.constant 32 : index
        %swap3A_2211 = tpu.vector_load %arg7[%swap3A_2208, %swap3A_2209, %swap3A_2210] {strides = array<i32>} : memref<6x128x128xf32, #tpu.memory_space<vmem>>, vector<1x1x16xf32>,
        %swap3A_2212 = vector.shape_cast %swap3A_2211 : vector<1x1x16xf32> to vector<16xf32>
        %swap3A_2213 = vector.shape_cast %get3A_2206 : vector<16xf32> to vector<1x1x16xf32>
        tpu.vector_store %arg7[%swap3A_2208, %swap3A_2209, %swap3A_2210], %swap3A_2213 {strides = array<i32>} : memref<6x128x128xf32, #tpu.memory_space<vmem>>, vector<1x1x16xf32>,
        %mul3A_2214 = arith.constant 128 : i32
        %mul3A_2215 = arith.muli %select_n3A_1339, %mul3A_2214 : i32
        %add3A_2216 = arith.constant 48 : i32
        %add3A_2217 = arith.addi %mul3A_2215, %add3A_2216 : i32
        %get3A_2218 = arith.index_cast %add3A_2217 : i32 to index
        %get3A_2219 = tpu.vector_load %arg10[%get3A_2218] {strides = array<i32>} : memref<4096xf32, #tpu.memory_space<vmem>>, vector<16xf32>,
        %get3A_2220 = vector.shape_cast %get3A_2219 : vector<16xf32> to vector<16xf32>
        %swap3A_2221 = arith.constant 1 : i32
        %swap3A_2222 = arith.index_cast %swap3A_2221 : i32 to index
        %swap3A_2223 = arith.index_cast %rem3A_2171 : i32 to index
        %swap3A_2224 = arith.constant 48 : index
        %swap3A_2225 = tpu.vector_load %arg7[%swap3A_2222, %swap3A_2223, %swap3A_2224] {strides = array<i32>} : memref<6x128x128xf32, #tpu.memory_space<vmem>>, vector<1x1x16xf32>,
        %swap3A_2226 = vector.shape_cast %swap3A_2225 : vector<1x1x16xf32> to vector<16xf32>
        %swap3A_2227 = vector.shape_cast %get3A_2220 : vector<16xf32> to vector<1x1x16xf32>
        tpu.vector_store %arg7[%swap3A_2222, %swap3A_2223, %swap3A_2224], %swap3A_2227 {strides = array<i32>} : memref<6x128x128xf32, #tpu.memory_space<vmem>>, vector<1x1x16xf32>,
        %mul3A_2228 = arith.constant 128 : i32
        %mul3A_2229 = arith.muli %select_n3A_1339, %mul3A_2228 : i32
        %add3A_2230 = arith.constant 64 : i32
        %add3A_2231 = arith.addi %mul3A_2229, %add3A_2230 : i32
        %get3A_2232 = arith.index_cast %add3A_2231 : i32 to index
        %get3A_2233 = tpu.vector_load %arg10[%get3A_2232] {strides = array<i32>} : memref<4096xf32, #tpu.memory_space<vmem>>, vector<16xf32>,
        %get3A_2234 = vector.shape_cast %get3A_2233 : vector<16xf32> to vector<16xf32>
        %swap3A_2235 = arith.constant 1 : i32
        %swap3A_2236 = arith.index_cast %swap3A_2235 : i32 to index
        %swap3A_2237 = arith.index_cast %rem3A_2171 : i32 to index
        %swap3A_2238 = arith.constant 64 : index
        %swap3A_2239 = tpu.vector_load %arg7[%swap3A_2236, %swap3A_2237, %swap3A_2238] {strides = array<i32>} : memref<6x128x128xf32, #tpu.memory_space<vmem>>, vector<1x1x16xf32>,
        %swap3A_2240 = vector.shape_cast %swap3A_2239 : vector<1x1x16xf32> to vector<16xf32>
        %swap3A_2241 = vector.shape_cast %get3A_2234 : vector<16xf32> to vector<1x1x16xf32>
        tpu.vector_store %arg7[%swap3A_2236, %swap3A_2237, %swap3A_2238], %swap3A_2241 {strides = array<i32>} : memref<6x128x128xf32, #tpu.memory_space<vmem>>, vector<1x1x16xf32>,
        %mul3A_2242 = arith.constant 128 : i32
        %mul3A_2243 = arith.muli %select_n3A_1339, %mul3A_2242 : i32
        %add3A_2244 = arith.constant 80 : i32
        %add3A_2245 = arith.addi %mul3A_2243, %add3A_2244 : i32
        %get3A_2246 = arith.index_cast %add3A_2245 : i32 to index
        %get3A_2247 = tpu.vector_load %arg10[%get3A_2246] {strides = array<i32>} : memref<4096xf32, #tpu.memory_space<vmem>>, vector<16xf32>,
        %get3A_2248 = vector.shape_cast %get3A_2247 : vector<16xf32> to vector<16xf32>
        %swap3A_2249 = arith.constant 1 : i32
        %swap3A_2250 = arith.index_cast %swap3A_2249 : i32 to index
        %swap3A_2251 = arith.index_cast %rem3A_2171 : i32 to index
        %swap3A_2252 = arith.constant 80 : index
        %swap3A_2253 = tpu.vector_load %arg7[%swap3A_2250, %swap3A_2251, %swap3A_2252] {strides = array<i32>} : memref<6x128x128xf32, #tpu.memory_space<vmem>>, vector<1x1x16xf32>,
        %swap3A_2254 = vector.shape_cast %swap3A_2253 : vector<1x1x16xf32> to vector<16xf32>
        %swap3A_2255 = vector.shape_cast %get3A_2248 : vector<16xf32> to vector<1x1x16xf32>
        tpu.vector_store %arg7[%swap3A_2250, %swap3A_2251, %swap3A_2252], %swap3A_2255 {strides = array<i32>} : memref<6x128x128xf32, #tpu.memory_space<vmem>>, vector<1x1x16xf32>,
        %mul3A_2256 = arith.constant 128 : i32
        %mul3A_2257 = arith.muli %select_n3A_1339, %mul3A_2256 : i32
        %add3A_2258 = arith.constant 96 : i32
        %add3A_2259 = arith.addi %mul3A_2257, %add3A_2258 : i32
        %get3A_2260 = arith.index_cast %add3A_2259 : i32 to index
        %get3A_2261 = tpu.vector_load %arg10[%get3A_2260] {strides = array<i32>} : memref<4096xf32, #tpu.memory_space<vmem>>, vector<16xf32>,
        %get3A_2262 = vector.shape_cast %get3A_2261 : vector<16xf32> to vector<16xf32>
        %swap3A_2263 = arith.constant 1 : i32
        %swap3A_2264 = arith.index_cast %swap3A_2263 : i32 to index
        %swap3A_2265 = arith.index_cast %rem3A_2171 : i32 to index
        %swap3A_2266 = arith.constant 96 : index
        %swap3A_2267 = tpu.vector_load %arg7[%swap3A_2264, %swap3A_2265, %swap3A_2266] {strides = array<i32>} : memref<6x128x128xf32, #tpu.memory_space<vmem>>, vector<1x1x16xf32>,
        %swap3A_2268 = vector.shape_cast %swap3A_2267 : vector<1x1x16xf32> to vector<16xf32>
        %swap3A_2269 = vector.shape_cast %get3A_2262 : vector<16xf32> to vector<1x1x16xf32>
        tpu.vector_store %arg7[%swap3A_2264, %swap3A_2265, %swap3A_2266], %swap3A_2269 {strides = array<i32>} : memref<6x128x128xf32, #tpu.memory_space<vmem>>, vector<1x1x16xf32>,
        %mul3A_2270 = arith.constant 128 : i32
        %mul3A_2271 = arith.muli %select_n3A_1339, %mul3A_2270 : i32
        %add3A_2272 = arith.constant 112 : i32
        %add3A_2273 = arith.addi %mul3A_2271, %add3A_2272 : i32
        %get3A_2274 = arith.index_cast %add3A_2273 : i32 to index
        %get3A_2275 = tpu.vector_load %arg10[%get3A_2274] {strides = array<i32>} : memref<4096xf32, #tpu.memory_space<vmem>>, vector<16xf32>,
        %get3A_2276 = vector.shape_cast %get3A_2275 : vector<16xf32> to vector<16xf32>
        %swap3A_2277 = arith.constant 1 : i32
        %swap3A_2278 = arith.index_cast %swap3A_2277 : i32 to index
        %swap3A_2279 = arith.index_cast %rem3A_2171 : i32 to index
        %swap3A_2280 = arith.constant 112 : index
        %swap3A_2281 = tpu.vector_load %arg7[%swap3A_2278, %swap3A_2279, %swap3A_2280] {strides = array<i32>} : memref<6x128x128xf32, #tpu.memory_space<vmem>>, vector<1x1x16xf32>,
        %swap3A_2282 = vector.shape_cast %swap3A_2281 : vector<1x1x16xf32> to vector<16xf32>
        %swap3A_2283 = vector.shape_cast %get3A_2276 : vector<16xf32> to vector<1x1x16xf32>
        tpu.vector_store %arg7[%swap3A_2278, %swap3A_2279, %swap3A_2280], %swap3A_2283 {strides = array<i32>} : memref<6x128x128xf32, #tpu.memory_space<vmem>>, vector<1x1x16xf32>,
      } else {
      }
      %mul3A_1377 = arith.constant 128 : i32
      %mul3A_1378 = arith.muli %add3A_1296, %mul3A_1377 : i32
      %add3A_1379 = arith.addi %mul3A_4, %mul3A_1378 : i32
      %dma_start3A_1380 = arith.constant 1 : i32
      %dma_start3A_1381 = arith.constant 1 : i32
      %dma_start3A_1382 = arith.constant 0 : i32
      %dma_start3A_1383 = arith.constant 0 : i32
      %dma_start3A_1384 = tpu.memref_slice %arg7[%dma_start3A_1380, %dma_start3A_1382, %dma_start3A_1383] : memref<6x128x128xf32, #tpu.memory_space<vmem>> -> memref<1x128x128xf32, #tpu.memory_space<vmem>>
      %dma_start3A_1385 = tpu.memref_squeeze %dma_start3A_1384 : memref<1x128x128xf32, #tpu.memory_space<vmem>> -> memref<128x128xf32, #tpu.memory_space<vmem>>
      %dma_start3A_1386 = arith.constant 0 : i32
      %dma_start3A_1387 = tpu.memref_slice %arg5[%add3A_1379, %dma_start3A_1386] : memref<262144x128xf32, #tpu.memory_space<hbm>> -> memref<128x128xf32, #tpu.memory_space<hbm>>
      %dma_start3A_1388 = tpu.memref_slice %arg12[%dma_start3A_1381] : memref<6x!tpu.dma_semaphore, #tpu.memory_space<semaphore_mem>> -> memref<1x!tpu.dma_semaphore, #tpu.memory_space<semaphore_mem>>
      %dma_start3A_1389 = tpu.memref_squeeze %dma_start3A_1388 : memref<1x!tpu.dma_semaphore, #tpu.memory_space<semaphore_mem>> -> memref<!tpu.dma_semaphore, #tpu.memory_space<semaphore_mem>>
      %dma_start3A_1390 = arith.constant 0 : i32
      %dma_start3A_1391 = tpu.memref_slice %arg5[%add3A_1379, %dma_start3A_1390] : memref<262144x128xf32, #tpu.memory_space<hbm>> -> memref<128x128xf32, #tpu.memory_space<hbm>>
      %dma_start3A_1392 = arith.constant 0 : i32
      %dma_start3A_1393 = arith.constant 0 : i32
      %dma_start3A_1394 = tpu.memref_slice %arg7[%dma_start3A_1380, %dma_start3A_1392, %dma_start3A_1393] : memref<6x128x128xf32, #tpu.memory_space<vmem>> -> memref<1x128x128xf32, #tpu.memory_space<vmem>>
      %dma_start3A_1395 = tpu.memref_squeeze %dma_start3A_1394 : memref<1x128x128xf32, #tpu.memory_space<vmem>> -> memref<128x128xf32, #tpu.memory_space<vmem>>
      tpu.enqueue_dma source(%dma_start3A_1395 : memref<128x128xf32, #tpu.memory_space<vmem>>) target(%dma_start3A_1391 : memref<128x128xf32, #tpu.memory_space<hbm>>) target_semaphore(%dma_start3A_1389 : memref<!tpu.dma_semaphore, #tpu.memory_space<semaphore_mem>>)
      %sub3A_1396 = arith.constant 3 : i32
      %sub3A_1397 = arith.subi %add3A_1296, %sub3A_1396 : i32
      %sub3A_1398 = arith.constant 3 : i32
      %sub3A_1399 = arith.subi %add3A_1296, %sub3A_1398 : i32
      %jit3A_1400 = arith.constant 6 : i32
      %eq3A_1401 = arith.constant 0 : i32
      %eq3A_1402 = arith.cmpi eq, %jit3A_1400, %eq3A_1401 : i32
      %jit3A_1403 = arith.constant 1 : i32
      %select_n3A_1404 = arith.select %eq3A_1402, %jit3A_1403, %jit3A_1400 : i32
      %rem3A_1405 = arith.remsi %sub3A_1399, %select_n3A_1404 : i32
      %ne3A_1406 = arith.constant 0 : i32
      %ne3A_1407 = arith.cmpi ne, %rem3A_1405, %ne3A_1406 : i32
      %lt3A_1408 = arith.constant 0 : i32
      %lt3A_1409 = arith.cmpi slt, %rem3A_1405, %lt3A_1408 : i32
      %lt3A_1410 = arith.constant 0 : i32
      %lt3A_1411 = arith.cmpi slt, %select_n3A_1404, %lt3A_1410 : i32
      %ne3A_1412 = arith.xori %lt3A_1409, %lt3A_1411 : i1
      %and3A_1413 = arith.andi %ne3A_1412, %ne3A_1407 : i1
      %add3A_1414 = arith.addi %rem3A_1405, %select_n3A_1404 : i32
      %select_n3A_1415 = arith.select %and3A_1413, %add3A_1414, %rem3A_1405 : i32
      %mul3A_1416 = arith.constant 128 : i32
      %mul3A_1417 = arith.muli %sub3A_1397, %mul3A_1416 : i32
      %add3A_1418 = arith.addi %mul3A_4, %mul3A_1417 : i32
      %dma_wait3A_1419 = arith.constant 0 : i32
      %dma_wait3A_1420 = arith.constant 0 : i32
      %dma_wait3A_1421 = tpu.memref_slice %arg7[%select_n3A_1415, %dma_wait3A_1419, %dma_wait3A_1420] : memref<6x128x128xf32, #tpu.memory_space<vmem>> -> memref<1x128x128xf32, #tpu.memory_space<vmem>>
      %dma_wait3A_1422 = tpu.memref_squeeze %dma_wait3A_1421 : memref<1x128x128xf32, #tpu.memory_space<vmem>> -> memref<128x128xf32, #tpu.memory_space<vmem>>
      %dma_wait3A_1423 = arith.constant 0 : i32
      %dma_wait3A_1424 = tpu.memref_slice %arg5[%add3A_1418, %dma_wait3A_1423] : memref<262144x128xf32, #tpu.memory_space<hbm>> -> memref<128x128xf32, #tpu.memory_space<hbm>>
      %dma_wait3A_1425 = tpu.memref_slice %arg12[%select_n3A_1415] : memref<6x!tpu.dma_semaphore, #tpu.memory_space<semaphore_mem>> -> memref<1x!tpu.dma_semaphore, #tpu.memory_space<semaphore_mem>>
      %dma_wait3A_1426 = tpu.memref_squeeze %dma_wait3A_1425 : memref<1x!tpu.dma_semaphore, #tpu.memory_space<semaphore_mem>> -> memref<!tpu.dma_semaphore, #tpu.memory_space<semaphore_mem>>
      %dma_wait3A_1427 = arith.constant 0 : i32
      %dma_wait3A_1428 = tpu.memref_slice %arg5[%add3A_1418, %dma_wait3A_1427] : memref<262144x128xf32, #tpu.memory_space<hbm>> -> memref<128x128xf32, #tpu.memory_space<hbm>>
      %dma_wait3A_1429 = arith.constant 0 : i32
      %dma_wait3A_1430 = arith.constant 0 : i32
      %dma_wait3A_1431 = tpu.memref_slice %arg7[%select_n3A_1415, %dma_wait3A_1429, %dma_wait3A_1430] : memref<6x128x128xf32, #tpu.memory_space<vmem>> -> memref<1x128x128xf32, #tpu.memory_space<vmem>>
      %dma_wait3A_1432 = tpu.memref_squeeze %dma_wait3A_1431 : memref<1x128x128xf32, #tpu.memory_space<vmem>> -> memref<128x128xf32, #tpu.memory_space<vmem>>
      tpu.wait_dma2 semaphore(%dma_wait3A_1426 : memref<!tpu.dma_semaphore, #tpu.memory_space<semaphore_mem>>) src(%dma_wait3A_1432 : memref<128x128xf32, #tpu.memory_space<vmem>>) dst(%dma_wait3A_1428 : memref<128x128xf32, #tpu.memory_space<hbm>>)
      %add3A_1433 = arith.constant 3 : i32
      %add3A_1434 = arith.addi %add3A_1296, %add3A_1433 : i32
      %add3A_1435 = arith.constant 3 : i32
      %add3A_1436 = arith.addi %add3A_1296, %add3A_1435 : i32
      %jit3A_1437 = arith.constant 6 : i32
      %eq3A_1438 = arith.constant 0 : i32
      %eq3A_1439 = arith.cmpi eq, %jit3A_1437, %eq3A_1438 : i32
      %jit3A_1440 = arith.constant 1 : i32
      %select_n3A_1441 = arith.select %eq3A_1439, %jit3A_1440, %jit3A_1437 : i32
      %rem3A_1442 = arith.remsi %add3A_1436, %select_n3A_1441 : i32
      %ne3A_1443 = arith.constant 0 : i32
      %ne3A_1444 = arith.cmpi ne, %rem3A_1442, %ne3A_1443 : i32
      %lt3A_1445 = arith.constant 0 : i32
      %lt3A_1446 = arith.cmpi slt, %rem3A_1442, %lt3A_1445 : i32
      %lt3A_1447 = arith.constant 0 : i32
      %lt3A_1448 = arith.cmpi slt, %select_n3A_1441, %lt3A_1447 : i32
      %ne3A_1449 = arith.xori %lt3A_1446, %lt3A_1448 : i1
      %and3A_1450 = arith.andi %ne3A_1449, %ne3A_1444 : i1
      %add3A_1451 = arith.addi %rem3A_1442, %select_n3A_1441 : i32
      %select_n3A_1452 = arith.select %and3A_1450, %add3A_1451, %rem3A_1442 : i32
      %mul3A_1453 = arith.constant 128 : i32
      %mul3A_1454 = arith.muli %add3A_1434, %mul3A_1453 : i32
      %add3A_1455 = arith.addi %mul3A_4, %mul3A_1454 : i32
      %dma_start3A_1456 = arith.constant 0 : i32
      %dma_start3A_1457 = arith.constant 0 : i32
      %dma_start3A_1458 = tpu.memref_slice %arg7[%select_n3A_1452, %dma_start3A_1456, %dma_start3A_1457] : memref<6x128x128xf32, #tpu.memory_space<vmem>> -> memref<1x128x128xf32, #tpu.memory_space<vmem>>
      %dma_start3A_1459 = tpu.memref_squeeze %dma_start3A_1458 : memref<1x128x128xf32, #tpu.memory_space<vmem>> -> memref<128x128xf32, #tpu.memory_space<vmem>>
      %dma_start3A_1460 = arith.constant 0 : i32
      %dma_start3A_1461 = tpu.memref_slice %arg3[%add3A_1455, %dma_start3A_1460] : memref<262144x128xf32, #tpu.memory_space<hbm>> -> memref<128x128xf32, #tpu.memory_space<hbm>>
      %dma_start3A_1462 = tpu.memref_slice %arg11[%select_n3A_1452] : memref<6x!tpu.dma_semaphore, #tpu.memory_space<semaphore_mem>> -> memref<1x!tpu.dma_semaphore, #tpu.memory_space<semaphore_mem>>
      %dma_start3A_1463 = tpu.memref_squeeze %dma_start3A_1462 : memref<1x!tpu.dma_semaphore, #tpu.memory_space<semaphore_mem>> -> memref<!tpu.dma_semaphore, #tpu.memory_space<semaphore_mem>>
      %dma_start3A_1464 = arith.constant 0 : i32
      %dma_start3A_1465 = arith.constant 0 : i32
      %dma_start3A_1466 = tpu.memref_slice %arg7[%select_n3A_1452, %dma_start3A_1464, %dma_start3A_1465] : memref<6x128x128xf32, #tpu.memory_space<vmem>> -> memref<1x128x128xf32, #tpu.memory_space<vmem>>
      %dma_start3A_1467 = tpu.memref_squeeze %dma_start3A_1466 : memref<1x128x128xf32, #tpu.memory_space<vmem>> -> memref<128x128xf32, #tpu.memory_space<vmem>>
      %dma_start3A_1468 = arith.constant 0 : i32
      %dma_start3A_1469 = tpu.memref_slice %arg3[%add3A_1455, %dma_start3A_1468] : memref<262144x128xf32, #tpu.memory_space<hbm>> -> memref<128x128xf32, #tpu.memory_space<hbm>>
      tpu.enqueue_dma source(%dma_start3A_1469 : memref<128x128xf32, #tpu.memory_space<hbm>>) target(%dma_start3A_1467 : memref<128x128xf32, #tpu.memory_space<vmem>>) target_semaphore(%dma_start3A_1463 : memref<!tpu.dma_semaphore, #tpu.memory_space<semaphore_mem>>)
      %add3A_1470 = arith.constant 2 : i32
      %add3A_1471 = arith.addi %mul3A_1120, %add3A_1470 : i32
      %mul3A_1472 = arith.constant 128 : i32
      %mul3A_1473 = arith.muli %add3A_1471, %mul3A_1472 : i32
      %add3A_1474 = arith.addi %mul3A_4, %mul3A_1473 : i32
      %dma_wait3A_1475 = arith.constant 2 : i32
      %dma_wait3A_1476 = arith.constant 2 : i32
      %dma_wait3A_1477 = arith.constant 0 : i32
      %dma_wait3A_1478 = arith.constant 0 : i32
      %dma_wait3A_1479 = tpu.memref_slice %arg7[%dma_wait3A_1475, %dma_wait3A_1477, %dma_wait3A_1478] : memref<6x128x128xf32, #tpu.memory_space<vmem>> -> memref<1x128x128xf32, #tpu.memory_space<vmem>>
      %dma_wait3A_1480 = tpu.memref_squeeze %dma_wait3A_1479 : memref<1x128x128xf32, #tpu.memory_space<vmem>> -> memref<128x128xf32, #tpu.memory_space<vmem>>
      %dma_wait3A_1481 = arith.constant 0 : i32
      %dma_wait3A_1482 = tpu.memref_slice %arg3[%add3A_1474, %dma_wait3A_1481] : memref<262144x128xf32, #tpu.memory_space<hbm>> -> memref<128x128xf32, #tpu.memory_space<hbm>>
      %dma_wait3A_1483 = tpu.memref_slice %arg11[%dma_wait3A_1476] : memref<6x!tpu.dma_semaphore, #tpu.memory_space<semaphore_mem>> -> memref<1x!tpu.dma_semaphore, #tpu.memory_space<semaphore_mem>>
      %dma_wait3A_1484 = tpu.memref_squeeze %dma_wait3A_1483 : memref<1x!tpu.dma_semaphore, #tpu.memory_space<semaphore_mem>> -> memref<!tpu.dma_semaphore, #tpu.memory_space<semaphore_mem>>
      %dma_wait3A_1485 = arith.constant 0 : i32
      %dma_wait3A_1486 = arith.constant 0 : i32
      %dma_wait3A_1487 = tpu.memref_slice %arg7[%dma_wait3A_1475, %dma_wait3A_1485, %dma_wait3A_1486] : memref<6x128x128xf32, #tpu.memory_space<vmem>> -> memref<1x128x128xf32, #tpu.memory_space<vmem>>
      %dma_wait3A_1488 = tpu.memref_squeeze %dma_wait3A_1487 : memref<1x128x128xf32, #tpu.memory_space<vmem>> -> memref<128x128xf32, #tpu.memory_space<vmem>>
      %dma_wait3A_1489 = arith.constant 0 : i32
      %dma_wait3A_1490 = tpu.memref_slice %arg3[%add3A_1474, %dma_wait3A_1489] : memref<262144x128xf32, #tpu.memory_space<hbm>> -> memref<128x128xf32, #tpu.memory_space<hbm>>
      tpu.wait_dma2 semaphore(%dma_wait3A_1484 : memref<!tpu.dma_semaphore, #tpu.memory_space<semaphore_mem>>) src(%dma_wait3A_1490 : memref<128x128xf32, #tpu.memory_space<hbm>>) dst(%dma_wait3A_1488 : memref<128x128xf32, #tpu.memory_space<vmem>>)
      %jit3A_1491 = arith.constant 2 : i32
      %div3A_1492 = arith.divsi %add3A_1471, %jit3A_1491 : i32
      %sign3A_1493 = arith.constant 0 : i32
      %sign3A_1494 = arith.cmpi sgt, %add3A_1471, %sign3A_1493 : i32
      %sign3A_1495 = arith.extui %sign3A_1494 : i1 to i32
      %sign3A_1496 = arith.constant 0 : i32
      %sign3A_1497 = arith.cmpi slt, %add3A_1471, %sign3A_1496 : i32
      %sign3A_1498 = arith.extui %sign3A_1497 : i1 to i32
      %sign3A_1499 = arith.subi %sign3A_1495, %sign3A_1498 : i32
      %sign3A_1500 = arith.constant 0 : i32
      %sign3A_1501 = arith.cmpi sgt, %jit3A_1491, %sign3A_1500 : i32
      %sign3A_1502 = arith.extui %sign3A_1501 : i1 to i32
      %sign3A_1503 = arith.constant 0 : i32
      %sign3A_1504 = arith.cmpi slt, %jit3A_1491, %sign3A_1503 : i32
      %sign3A_1505 = arith.extui %sign3A_1504 : i1 to i32
      %sign3A_1506 = arith.subi %sign3A_1502, %sign3A_1505 : i32
      %ne3A_1507 = arith.cmpi ne, %sign3A_1499, %sign3A_1506 : i32
      %rem3A_1508 = arith.remsi %add3A_1471, %jit3A_1491 : i32
      %ne3A_1509 = arith.constant 0 : i32
      %ne3A_1510 = arith.cmpi ne, %rem3A_1508, %ne3A_1509 : i32
      %and3A_1511 = arith.andi %ne3A_1507, %ne3A_1510 : i1
      %sub3A_1512 = arith.constant 1 : i32
      %sub3A_1513 = arith.subi %div3A_1492, %sub3A_1512 : i32
      %select_n3A_1514 = arith.select %and3A_1511, %sub3A_1513, %div3A_1492 : i32
      %get3A_1515 = arith.index_cast %select_n3A_1514 : i32 to index
      %get3A_1516 = tpu.vector_load %arg8[%get3A_1515] {strides = array<i32>} : memref<48xi32, #tpu.memory_space<vmem>>, vector<16xi32>,
      %get3A_1517 = vector.shape_cast %get3A_1516 : vector<16xi32> to vector<16xi32>
      %slice3A_1518 = vector.extract_strided_slice %get3A_1517 {offsets = [0], sizes = [1], strides = [1]} : vector<16xi32> to vector<1xi32>
      %squeeze3A_1519 = vector.extract %slice3A_1518[0] : i32 from vector<1xi32>
      %rem3A_1520 = arith.constant 256 : i32
      %rem3A_1521 = arith.remsi %squeeze3A_1519, %rem3A_1520 : i32
      %jit3A_1522 = arith.constant 128 : i32
      %div3A_1523 = arith.divsi %rem3A_1521, %jit3A_1522 : i32
      %sign3A_1524 = arith.constant 0 : i32
      %sign3A_1525 = arith.cmpi sgt, %rem3A_1521, %sign3A_1524 : i32
      %sign3A_1526 = arith.extui %sign3A_1525 : i1 to i32
      %sign3A_1527 = arith.constant 0 : i32
      %sign3A_1528 = arith.cmpi slt, %rem3A_1521, %sign3A_1527 : i32
      %sign3A_1529 = arith.extui %sign3A_1528 : i1 to i32
      %sign3A_1530 = arith.subi %sign3A_1526, %sign3A_1529 : i32
      %sign3A_1531 = arith.constant 0 : i32
      %sign3A_1532 = arith.cmpi sgt, %jit3A_1522, %sign3A_1531 : i32
      %sign3A_1533 = arith.extui %sign3A_1532 : i1 to i32
      %sign3A_1534 = arith.constant 0 : i32
      %sign3A_1535 = arith.cmpi slt, %jit3A_1522, %sign3A_1534 : i32
      %sign3A_1536 = arith.extui %sign3A_1535 : i1 to i32
      %sign3A_1537 = arith.subi %sign3A_1533, %sign3A_1536 : i32
      %ne3A_1538 = arith.cmpi ne, %sign3A_1530, %sign3A_1537 : i32
      %rem3A_1539 = arith.remsi %rem3A_1521, %jit3A_1522 : i32
      %ne3A_1540 = arith.constant 0 : i32
      %ne3A_1541 = arith.cmpi ne, %rem3A_1539, %ne3A_1540 : i32
      %and3A_1542 = arith.andi %ne3A_1538, %ne3A_1541 : i1
      %sub3A_1543 = arith.constant 1 : i32
      %sub3A_1544 = arith.subi %div3A_1523, %sub3A_1543 : i32
      %select_n3A_1545 = arith.select %and3A_1542, %sub3A_1544, %div3A_1523 : i32
      %rem3A_1546 = arith.constant 2 : i32
      %rem3A_1547 = arith.remsi %add3A_1471, %rem3A_1546 : i32
      %eq3A_1548 = arith.cmpi eq, %select_n3A_1545, %rem3A_1547 : i32
      %convert_element_type3A_1549 = arith.extui %eq3A_1548 : i1 to i32
      %cond3A_1550 = arith.constant 0 : i32
      %cond3A_1551 = arith.cmpi ne, %convert_element_type3A_1549, %cond3A_1550 : i32
      scf.if %cond3A_1551 {
        %rem3A_2170 = arith.constant 128 : i32
        %rem3A_2171 = arith.remsi %rem3A_1521, %rem3A_2170 : i32
        %mul3A_2172 = arith.constant 128 : i32
        %mul3A_2173 = arith.muli %select_n3A_1514, %mul3A_2172 : i32
        %add3A_2174 = arith.constant 0 : i32
        %add3A_2175 = arith.addi %mul3A_2173, %add3A_2174 : i32
        %get3A_2176 = arith.index_cast %add3A_2175 : i32 to index
        %get3A_2177 = tpu.vector_load %arg10[%get3A_2176] {strides = array<i32>} : memref<4096xf32, #tpu.memory_space<vmem>>, vector<16xf32>,
        %get3A_2178 = vector.shape_cast %get3A_2177 : vector<16xf32> to vector<16xf32>
        %swap3A_2179 = arith.constant 2 : i32
        %swap3A_2180 = arith.index_cast %swap3A_2179 : i32 to index
        %swap3A_2181 = arith.index_cast %rem3A_2171 : i32 to index
        %swap3A_2182 = arith.constant 0 : index
        %swap3A_2183 = tpu.vector_load %arg7[%swap3A_2180, %swap3A_2181, %swap3A_2182] {strides = array<i32>} : memref<6x128x128xf32, #tpu.memory_space<vmem>>, vector<1x1x16xf32>,
        %swap3A_2184 = vector.shape_cast %swap3A_2183 : vector<1x1x16xf32> to vector<16xf32>
        %swap3A_2185 = vector.shape_cast %get3A_2178 : vector<16xf32> to vector<1x1x16xf32>
        tpu.vector_store %arg7[%swap3A_2180, %swap3A_2181, %swap3A_2182], %swap3A_2185 {strides = array<i32>} : memref<6x128x128xf32, #tpu.memory_space<vmem>>, vector<1x1x16xf32>,
        %mul3A_2186 = arith.constant 128 : i32
        %mul3A_2187 = arith.muli %select_n3A_1514, %mul3A_2186 : i32
        %add3A_2188 = arith.constant 16 : i32
        %add3A_2189 = arith.addi %mul3A_2187, %add3A_2188 : i32
        %get3A_2190 = arith.index_cast %add3A_2189 : i32 to index
        %get3A_2191 = tpu.vector_load %arg10[%get3A_2190] {strides = array<i32>} : memref<4096xf32, #tpu.memory_space<vmem>>, vector<16xf32>,
        %get3A_2192 = vector.shape_cast %get3A_2191 : vector<16xf32> to vector<16xf32>
        %swap3A_2193 = arith.constant 2 : i32
        %swap3A_2194 = arith.index_cast %swap3A_2193 : i32 to index
        %swap3A_2195 = arith.index_cast %rem3A_2171 : i32 to index
        %swap3A_2196 = arith.constant 16 : index
        %swap3A_2197 = tpu.vector_load %arg7[%swap3A_2194, %swap3A_2195, %swap3A_2196] {strides = array<i32>} : memref<6x128x128xf32, #tpu.memory_space<vmem>>, vector<1x1x16xf32>,
        %swap3A_2198 = vector.shape_cast %swap3A_2197 : vector<1x1x16xf32> to vector<16xf32>
        %swap3A_2199 = vector.shape_cast %get3A_2192 : vector<16xf32> to vector<1x1x16xf32>
        tpu.vector_store %arg7[%swap3A_2194, %swap3A_2195, %swap3A_2196], %swap3A_2199 {strides = array<i32>} : memref<6x128x128xf32, #tpu.memory_space<vmem>>, vector<1x1x16xf32>,
        %mul3A_2200 = arith.constant 128 : i32
        %mul3A_2201 = arith.muli %select_n3A_1514, %mul3A_2200 : i32
        %add3A_2202 = arith.constant 32 : i32
        %add3A_2203 = arith.addi %mul3A_2201, %add3A_2202 : i32
        %get3A_2204 = arith.index_cast %add3A_2203 : i32 to index
        %get3A_2205 = tpu.vector_load %arg10[%get3A_2204] {strides = array<i32>} : memref<4096xf32, #tpu.memory_space<vmem>>, vector<16xf32>,
        %get3A_2206 = vector.shape_cast %get3A_2205 : vector<16xf32> to vector<16xf32>
        %swap3A_2207 = arith.constant 2 : i32
        %swap3A_2208 = arith.index_cast %swap3A_2207 : i32 to index
        %swap3A_2209 = arith.index_cast %rem3A_2171 : i32 to index
        %swap3A_2210 = arith.constant 32 : index
        %swap3A_2211 = tpu.vector_load %arg7[%swap3A_2208, %swap3A_2209, %swap3A_2210] {strides = array<i32>} : memref<6x128x128xf32, #tpu.memory_space<vmem>>, vector<1x1x16xf32>,
        %swap3A_2212 = vector.shape_cast %swap3A_2211 : vector<1x1x16xf32> to vector<16xf32>
        %swap3A_2213 = vector.shape_cast %get3A_2206 : vector<16xf32> to vector<1x1x16xf32>
        tpu.vector_store %arg7[%swap3A_2208, %swap3A_2209, %swap3A_2210], %swap3A_2213 {strides = array<i32>} : memref<6x128x128xf32, #tpu.memory_space<vmem>>, vector<1x1x16xf32>,
        %mul3A_2214 = arith.constant 128 : i32
        %mul3A_2215 = arith.muli %select_n3A_1514, %mul3A_2214 : i32
        %add3A_2216 = arith.constant 48 : i32
        %add3A_2217 = arith.addi %mul3A_2215, %add3A_2216 : i32
        %get3A_2218 = arith.index_cast %add3A_2217 : i32 to index
        %get3A_2219 = tpu.vector_load %arg10[%get3A_2218] {strides = array<i32>} : memref<4096xf32, #tpu.memory_space<vmem>>, vector<16xf32>,
        %get3A_2220 = vector.shape_cast %get3A_2219 : vector<16xf32> to vector<16xf32>
        %swap3A_2221 = arith.constant 2 : i32
        %swap3A_2222 = arith.index_cast %swap3A_2221 : i32 to index
        %swap3A_2223 = arith.index_cast %rem3A_2171 : i32 to index
        %swap3A_2224 = arith.constant 48 : index
        %swap3A_2225 = tpu.vector_load %arg7[%swap3A_2222, %swap3A_2223, %swap3A_2224] {strides = array<i32>} : memref<6x128x128xf32, #tpu.memory_space<vmem>>, vector<1x1x16xf32>,
        %swap3A_2226 = vector.shape_cast %swap3A_2225 : vector<1x1x16xf32> to vector<16xf32>
        %swap3A_2227 = vector.shape_cast %get3A_2220 : vector<16xf32> to vector<1x1x16xf32>
        tpu.vector_store %arg7[%swap3A_2222, %swap3A_2223, %swap3A_2224], %swap3A_2227 {strides = array<i32>} : memref<6x128x128xf32, #tpu.memory_space<vmem>>, vector<1x1x16xf32>,
        %mul3A_2228 = arith.constant 128 : i32
        %mul3A_2229 = arith.muli %select_n3A_1514, %mul3A_2228 : i32
        %add3A_2230 = arith.constant 64 : i32
        %add3A_2231 = arith.addi %mul3A_2229, %add3A_2230 : i32
        %get3A_2232 = arith.index_cast %add3A_2231 : i32 to index
        %get3A_2233 = tpu.vector_load %arg10[%get3A_2232] {strides = array<i32>} : memref<4096xf32, #tpu.memory_space<vmem>>, vector<16xf32>,
        %get3A_2234 = vector.shape_cast %get3A_2233 : vector<16xf32> to vector<16xf32>
        %swap3A_2235 = arith.constant 2 : i32
        %swap3A_2236 = arith.index_cast %swap3A_2235 : i32 to index
        %swap3A_2237 = arith.index_cast %rem3A_2171 : i32 to index
        %swap3A_2238 = arith.constant 64 : index
        %swap3A_2239 = tpu.vector_load %arg7[%swap3A_2236, %swap3A_2237, %swap3A_2238] {strides = array<i32>} : memref<6x128x128xf32, #tpu.memory_space<vmem>>, vector<1x1x16xf32>,
        %swap3A_2240 = vector.shape_cast %swap3A_2239 : vector<1x1x16xf32> to vector<16xf32>
        %swap3A_2241 = vector.shape_cast %get3A_2234 : vector<16xf32> to vector<1x1x16xf32>
        tpu.vector_store %arg7[%swap3A_2236, %swap3A_2237, %swap3A_2238], %swap3A_2241 {strides = array<i32>} : memref<6x128x128xf32, #tpu.memory_space<vmem>>, vector<1x1x16xf32>,
        %mul3A_2242 = arith.constant 128 : i32
        %mul3A_2243 = arith.muli %select_n3A_1514, %mul3A_2242 : i32
        %add3A_2244 = arith.constant 80 : i32
        %add3A_2245 = arith.addi %mul3A_2243, %add3A_2244 : i32
        %get3A_2246 = arith.index_cast %add3A_2245 : i32 to index
        %get3A_2247 = tpu.vector_load %arg10[%get3A_2246] {strides = array<i32>} : memref<4096xf32, #tpu.memory_space<vmem>>, vector<16xf32>,
        %get3A_2248 = vector.shape_cast %get3A_2247 : vector<16xf32> to vector<16xf32>
        %swap3A_2249 = arith.constant 2 : i32
        %swap3A_2250 = arith.index_cast %swap3A_2249 : i32 to index
        %swap3A_2251 = arith.index_cast %rem3A_2171 : i32 to index
        %swap3A_2252 = arith.constant 80 : index
        %swap3A_2253 = tpu.vector_load %arg7[%swap3A_2250, %swap3A_2251, %swap3A_2252] {strides = array<i32>} : memref<6x128x128xf32, #tpu.memory_space<vmem>>, vector<1x1x16xf32>,
        %swap3A_2254 = vector.shape_cast %swap3A_2253 : vector<1x1x16xf32> to vector<16xf32>
        %swap3A_2255 = vector.shape_cast %get3A_2248 : vector<16xf32> to vector<1x1x16xf32>
        tpu.vector_store %arg7[%swap3A_2250, %swap3A_2251, %swap3A_2252], %swap3A_2255 {strides = array<i32>} : memref<6x128x128xf32, #tpu.memory_space<vmem>>, vector<1x1x16xf32>,
        %mul3A_2256 = arith.constant 128 : i32
        %mul3A_2257 = arith.muli %select_n3A_1514, %mul3A_2256 : i32
        %add3A_2258 = arith.constant 96 : i32
        %add3A_2259 = arith.addi %mul3A_2257, %add3A_2258 : i32
        %get3A_2260 = arith.index_cast %add3A_2259 : i32 to index
        %get3A_2261 = tpu.vector_load %arg10[%get3A_2260] {strides = array<i32>} : memref<4096xf32, #tpu.memory_space<vmem>>, vector<16xf32>,
        %get3A_2262 = vector.shape_cast %get3A_2261 : vector<16xf32> to vector<16xf32>
        %swap3A_2263 = arith.constant 2 : i32
        %swap3A_2264 = arith.index_cast %swap3A_2263 : i32 to index
        %swap3A_2265 = arith.index_cast %rem3A_2171 : i32 to index
        %swap3A_2266 = arith.constant 96 : index
        %swap3A_2267 = tpu.vector_load %arg7[%swap3A_2264, %swap3A_2265, %swap3A_2266] {strides = array<i32>} : memref<6x128x128xf32, #tpu.memory_space<vmem>>, vector<1x1x16xf32>,
        %swap3A_2268 = vector.shape_cast %swap3A_2267 : vector<1x1x16xf32> to vector<16xf32>
        %swap3A_2269 = vector.shape_cast %get3A_2262 : vector<16xf32> to vector<1x1x16xf32>
        tpu.vector_store %arg7[%swap3A_2264, %swap3A_2265, %swap3A_2266], %swap3A_2269 {strides = array<i32>} : memref<6x128x128xf32, #tpu.memory_space<vmem>>, vector<1x1x16xf32>,
        %mul3A_2270 = arith.constant 128 : i32
        %mul3A_2271 = arith.muli %select_n3A_1514, %mul3A_2270 : i32
        %add3A_2272 = arith.constant 112 : i32
        %add3A_2273 = arith.addi %mul3A_2271, %add3A_2272 : i32
        %get3A_2274 = arith.index_cast %add3A_2273 : i32 to index
        %get3A_2275 = tpu.vector_load %arg10[%get3A_2274] {strides = array<i32>} : memref<4096xf32, #tpu.memory_space<vmem>>, vector<16xf32>,
        %get3A_2276 = vector.shape_cast %get3A_2275 : vector<16xf32> to vector<16xf32>
        %swap3A_2277 = arith.constant 2 : i32
        %swap3A_2278 = arith.index_cast %swap3A_2277 : i32 to index
        %swap3A_2279 = arith.index_cast %rem3A_2171 : i32 to index
        %swap3A_2280 = arith.constant 112 : index
        %swap3A_2281 = tpu.vector_load %arg7[%swap3A_2278, %swap3A_2279, %swap3A_2280] {strides = array<i32>} : memref<6x128x128xf32, #tpu.memory_space<vmem>>, vector<1x1x16xf32>,
        %swap3A_2282 = vector.shape_cast %swap3A_2281 : vector<1x1x16xf32> to vector<16xf32>
        %swap3A_2283 = vector.shape_cast %get3A_2276 : vector<16xf32> to vector<1x1x16xf32>
        tpu.vector_store %arg7[%swap3A_2278, %swap3A_2279, %swap3A_2280], %swap3A_2283 {strides = array<i32>} : memref<6x128x128xf32, #tpu.memory_space<vmem>>, vector<1x1x16xf32>,
      } else {
      }
      %mul3A_1552 = arith.constant 128 : i32
      %mul3A_1553 = arith.muli %add3A_1471, %mul3A_1552 : i32
      %add3A_1554 = arith.addi %mul3A_4, %mul3A_1553 : i32
      %dma_start3A_1555 = arith.constant 2 : i32
      %dma_start3A_1556 = arith.constant 2 : i32
      %dma_start3A_1557 = arith.constant 0 : i32
      %dma_start3A_1558 = arith.constant 0 : i32
      %dma_start3A_1559 = tpu.memref_slice %arg7[%dma_start3A_1555, %dma_start3A_1557, %dma_start3A_1558] : memref<6x128x128xf32, #tpu.memory_space<vmem>> -> memref<1x128x128xf32, #tpu.memory_space<vmem>>
      %dma_start3A_1560 = tpu.memref_squeeze %dma_start3A_1559 : memref<1x128x128xf32, #tpu.memory_space<vmem>> -> memref<128x128xf32, #tpu.memory_space<vmem>>
      %dma_start3A_1561 = arith.constant 0 : i32
      %dma_start3A_1562 = tpu.memref_slice %arg5[%add3A_1554, %dma_start3A_1561] : memref<262144x128xf32, #tpu.memory_space<hbm>> -> memref<128x128xf32, #tpu.memory_space<hbm>>
      %dma_start3A_1563 = tpu.memref_slice %arg12[%dma_start3A_1556] : memref<6x!tpu.dma_semaphore, #tpu.memory_space<semaphore_mem>> -> memref<1x!tpu.dma_semaphore, #tpu.memory_space<semaphore_mem>>
      %dma_start3A_1564 = tpu.memref_squeeze %dma_start3A_1563 : memref<1x!tpu.dma_semaphore, #tpu.memory_space<semaphore_mem>> -> memref<!tpu.dma_semaphore, #tpu.memory_space<semaphore_mem>>
      %dma_start3A_1565 = arith.constant 0 : i32
      %dma_start3A_1566 = tpu.memref_slice %arg5[%add3A_1554, %dma_start3A_1565] : memref<262144x128xf32, #tpu.memory_space<hbm>> -> memref<128x128xf32, #tpu.memory_space<hbm>>
      %dma_start3A_1567 = arith.constant 0 : i32
      %dma_start3A_1568 = arith.constant 0 : i32
      %dma_start3A_1569 = tpu.memref_slice %arg7[%dma_start3A_1555, %dma_start3A_1567, %dma_start3A_1568] : memref<6x128x128xf32, #tpu.memory_space<vmem>> -> memref<1x128x128xf32, #tpu.memory_space<vmem>>
      %dma_start3A_1570 = tpu.memref_squeeze %dma_start3A_1569 : memref<1x128x128xf32, #tpu.memory_space<vmem>> -> memref<128x128xf32, #tpu.memory_space<vmem>>
      tpu.enqueue_dma source(%dma_start3A_1570 : memref<128x128xf32, #tpu.memory_space<vmem>>) target(%dma_start3A_1566 : memref<128x128xf32, #tpu.memory_space<hbm>>) target_semaphore(%dma_start3A_1564 : memref<!tpu.dma_semaphore, #tpu.memory_space<semaphore_mem>>)
      %sub3A_1571 = arith.constant 3 : i32
      %sub3A_1572 = arith.subi %add3A_1471, %sub3A_1571 : i32
      %sub3A_1573 = arith.constant 3 : i32
      %sub3A_1574 = arith.subi %add3A_1471, %sub3A_1573 : i32
      %jit3A_1575 = arith.constant 6 : i32
      %eq3A_1576 = arith.constant 0 : i32
      %eq3A_1577 = arith.cmpi eq, %jit3A_1575, %eq3A_1576 : i32
      %jit3A_1578 = arith.constant 1 : i32
      %select_n3A_1579 = arith.select %eq3A_1577, %jit3A_1578, %jit3A_1575 : i32
      %rem3A_1580 = arith.remsi %sub3A_1574, %select_n3A_1579 : i32
      %ne3A_1581 = arith.constant 0 : i32
      %ne3A_1582 = arith.cmpi ne, %rem3A_1580, %ne3A_1581 : i32
      %lt3A_1583 = arith.constant 0 : i32
      %lt3A_1584 = arith.cmpi slt, %rem3A_1580, %lt3A_1583 : i32
      %lt3A_1585 = arith.constant 0 : i32
      %lt3A_1586 = arith.cmpi slt, %select_n3A_1579, %lt3A_1585 : i32
      %ne3A_1587 = arith.xori %lt3A_1584, %lt3A_1586 : i1
      %and3A_1588 = arith.andi %ne3A_1587, %ne3A_1582 : i1
      %add3A_1589 = arith.addi %rem3A_1580, %select_n3A_1579 : i32
      %select_n3A_1590 = arith.select %and3A_1588, %add3A_1589, %rem3A_1580 : i32
      %mul3A_1591 = arith.constant 128 : i32
      %mul3A_1592 = arith.muli %sub3A_1572, %mul3A_1591 : i32
      %add3A_1593 = arith.addi %mul3A_4, %mul3A_1592 : i32
      %dma_wait3A_1594 = arith.constant 0 : i32
      %dma_wait3A_1595 = arith.constant 0 : i32
      %dma_wait3A_1596 = tpu.memref_slice %arg7[%select_n3A_1590, %dma_wait3A_1594, %dma_wait3A_1595] : memref<6x128x128xf32, #tpu.memory_space<vmem>> -> memref<1x128x128xf32, #tpu.memory_space<vmem>>
      %dma_wait3A_1597 = tpu.memref_squeeze %dma_wait3A_1596 : memref<1x128x128xf32, #tpu.memory_space<vmem>> -> memref<128x128xf32, #tpu.memory_space<vmem>>
      %dma_wait3A_1598 = arith.constant 0 : i32
      %dma_wait3A_1599 = tpu.memref_slice %arg5[%add3A_1593, %dma_wait3A_1598] : memref<262144x128xf32, #tpu.memory_space<hbm>> -> memref<128x128xf32, #tpu.memory_space<hbm>>
      %dma_wait3A_1600 = tpu.memref_slice %arg12[%select_n3A_1590] : memref<6x!tpu.dma_semaphore, #tpu.memory_space<semaphore_mem>> -> memref<1x!tpu.dma_semaphore, #tpu.memory_space<semaphore_mem>>
      %dma_wait3A_1601 = tpu.memref_squeeze %dma_wait3A_1600 : memref<1x!tpu.dma_semaphore, #tpu.memory_space<semaphore_mem>> -> memref<!tpu.dma_semaphore, #tpu.memory_space<semaphore_mem>>
      %dma_wait3A_1602 = arith.constant 0 : i32
      %dma_wait3A_1603 = tpu.memref_slice %arg5[%add3A_1593, %dma_wait3A_1602] : memref<262144x128xf32, #tpu.memory_space<hbm>> -> memref<128x128xf32, #tpu.memory_space<hbm>>
      %dma_wait3A_1604 = arith.constant 0 : i32
      %dma_wait3A_1605 = arith.constant 0 : i32
      %dma_wait3A_1606 = tpu.memref_slice %arg7[%select_n3A_1590, %dma_wait3A_1604, %dma_wait3A_1605] : memref<6x128x128xf32, #tpu.memory_space<vmem>> -> memref<1x128x128xf32, #tpu.memory_space<vmem>>
      %dma_wait3A_1607 = tpu.memref_squeeze %dma_wait3A_1606 : memref<1x128x128xf32, #tpu.memory_space<vmem>> -> memref<128x128xf32, #tpu.memory_space<vmem>>
      tpu.wait_dma2 semaphore(%dma_wait3A_1601 : memref<!tpu.dma_semaphore, #tpu.memory_space<semaphore_mem>>) src(%dma_wait3A_1607 : memref<128x128xf32, #tpu.memory_space<vmem>>) dst(%dma_wait3A_1603 : memref<128x128xf32, #tpu.memory_space<hbm>>)
      %add3A_1608 = arith.constant 3 : i32
      %add3A_1609 = arith.addi %add3A_1471, %add3A_1608 : i32
      %add3A_1610 = arith.constant 3 : i32
      %add3A_1611 = arith.addi %add3A_1471, %add3A_1610 : i32
      %jit3A_1612 = arith.constant 6 : i32
      %eq3A_1613 = arith.constant 0 : i32
      %eq3A_1614 = arith.cmpi eq, %jit3A_1612, %eq3A_1613 : i32
      %jit3A_1615 = arith.constant 1 : i32
      %select_n3A_1616 = arith.select %eq3A_1614, %jit3A_1615, %jit3A_1612 : i32
      %rem3A_1617 = arith.remsi %add3A_1611, %select_n3A_1616 : i32
      %ne3A_1618 = arith.constant 0 : i32
      %ne3A_1619 = arith.cmpi ne, %rem3A_1617, %ne3A_1618 : i32
      %lt3A_1620 = arith.constant 0 : i32
      %lt3A_1621 = arith.cmpi slt, %rem3A_1617, %lt3A_1620 : i32
      %lt3A_1622 = arith.constant 0 : i32
      %lt3A_1623 = arith.cmpi slt, %select_n3A_1616, %lt3A_1622 : i32
      %ne3A_1624 = arith.xori %lt3A_1621, %lt3A_1623 : i1
      %and3A_1625 = arith.andi %ne3A_1624, %ne3A_1619 : i1
      %add3A_1626 = arith.addi %rem3A_1617, %select_n3A_1616 : i32
      %select_n3A_1627 = arith.select %and3A_1625, %add3A_1626, %rem3A_1617 : i32
      %mul3A_1628 = arith.constant 128 : i32
      %mul3A_1629 = arith.muli %add3A_1609, %mul3A_1628 : i32
      %add3A_1630 = arith.addi %mul3A_4, %mul3A_1629 : i32
      %dma_start3A_1631 = arith.constant 0 : i32
      %dma_start3A_1632 = arith.constant 0 : i32
      %dma_start3A_1633 = tpu.memref_slice %arg7[%select_n3A_1627, %dma_start3A_1631, %dma_start3A_1632] : memref<6x128x128xf32, #tpu.memory_space<vmem>> -> memref<1x128x128xf32, #tpu.memory_space<vmem>>
      %dma_start3A_1634 = tpu.memref_squeeze %dma_start3A_1633 : memref<1x128x128xf32, #tpu.memory_space<vmem>> -> memref<128x128xf32, #tpu.memory_space<vmem>>
      %dma_start3A_1635 = arith.constant 0 : i32
      %dma_start3A_1636 = tpu.memref_slice %arg3[%add3A_1630, %dma_start3A_1635] : memref<262144x128xf32, #tpu.memory_space<hbm>> -> memref<128x128xf32, #tpu.memory_space<hbm>>
      %dma_start3A_1637 = tpu.memref_slice %arg11[%select_n3A_1627] : memref<6x!tpu.dma_semaphore, #tpu.memory_space<semaphore_mem>> -> memref<1x!tpu.dma_semaphore, #tpu.memory_space<semaphore_mem>>
      %dma_start3A_1638 = tpu.memref_squeeze %dma_start3A_1637 : memref<1x!tpu.dma_semaphore, #tpu.memory_space<semaphore_mem>> -> memref<!tpu.dma_semaphore, #tpu.memory_space<semaphore_mem>>
      %dma_start3A_1639 = arith.constant 0 : i32
      %dma_start3A_1640 = arith.constant 0 : i32
      %dma_start3A_1641 = tpu.memref_slice %arg7[%select_n3A_1627, %dma_start3A_1639, %dma_start3A_1640] : memref<6x128x128xf32, #tpu.memory_space<vmem>> -> memref<1x128x128xf32, #tpu.memory_space<vmem>>
      %dma_start3A_1642 = tpu.memref_squeeze %dma_start3A_1641 : memref<1x128x128xf32, #tpu.memory_space<vmem>> -> memref<128x128xf32, #tpu.memory_space<vmem>>
      %dma_start3A_1643 = arith.constant 0 : i32
      %dma_start3A_1644 = tpu.memref_slice %arg3[%add3A_1630, %dma_start3A_1643] : memref<262144x128xf32, #tpu.memory_space<hbm>> -> memref<128x128xf32, #tpu.memory_space<hbm>>
      tpu.enqueue_dma source(%dma_start3A_1644 : memref<128x128xf32, #tpu.memory_space<hbm>>) target(%dma_start3A_1642 : memref<128x128xf32, #tpu.memory_space<vmem>>) target_semaphore(%dma_start3A_1638 : memref<!tpu.dma_semaphore, #tpu.memory_space<semaphore_mem>>)
      %add3A_1645 = arith.constant 3 : i32
      %add3A_1646 = arith.addi %mul3A_1120, %add3A_1645 : i32
      %mul3A_1647 = arith.constant 128 : i32
      %mul3A_1648 = arith.muli %add3A_1646, %mul3A_1647 : i32
      %add3A_1649 = arith.addi %mul3A_4, %mul3A_1648 : i32
      %dma_wait3A_1650 = arith.constant 3 : i32
      %dma_wait3A_1651 = arith.constant 3 : i32
      %dma_wait3A_1652 = arith.constant 0 : i32
      %dma_wait3A_1653 = arith.constant 0 : i32
      %dma_wait3A_1654 = tpu.memref_slice %arg7[%dma_wait3A_1650, %dma_wait3A_1652, %dma_wait3A_1653] : memref<6x128x128xf32, #tpu.memory_space<vmem>> -> memref<1x128x128xf32, #tpu.memory_space<vmem>>
      %dma_wait3A_1655 = tpu.memref_squeeze %dma_wait3A_1654 : memref<1x128x128xf32, #tpu.memory_space<vmem>> -> memref<128x128xf32, #tpu.memory_space<vmem>>
      %dma_wait3A_1656 = arith.constant 0 : i32
      %dma_wait3A_1657 = tpu.memref_slice %arg3[%add3A_1649, %dma_wait3A_1656] : memref<262144x128xf32, #tpu.memory_space<hbm>> -> memref<128x128xf32, #tpu.memory_space<hbm>>
      %dma_wait3A_1658 = tpu.memref_slice %arg11[%dma_wait3A_1651] : memref<6x!tpu.dma_semaphore, #tpu.memory_space<semaphore_mem>> -> memref<1x!tpu.dma_semaphore, #tpu.memory_space<semaphore_mem>>
      %dma_wait3A_1659 = tpu.memref_squeeze %dma_wait3A_1658 : memref<1x!tpu.dma_semaphore, #tpu.memory_space<semaphore_mem>> -> memref<!tpu.dma_semaphore, #tpu.memory_space<semaphore_mem>>
      %dma_wait3A_1660 = arith.constant 0 : i32
      %dma_wait3A_1661 = arith.constant 0 : i32
      %dma_wait3A_1662 = tpu.memref_slice %arg7[%dma_wait3A_1650, %dma_wait3A_1660, %dma_wait3A_1661] : memref<6x128x128xf32, #tpu.memory_space<vmem>> -> memref<1x128x128xf32, #tpu.memory_space<vmem>>
      %dma_wait3A_1663 = tpu.memref_squeeze %dma_wait3A_1662 : memref<1x128x128xf32, #tpu.memory_space<vmem>> -> memref<128x128xf32, #tpu.memory_space<vmem>>
      %dma_wait3A_1664 = arith.constant 0 : i32
      %dma_wait3A_1665 = tpu.memref_slice %arg3[%add3A_1649, %dma_wait3A_1664] : memref<262144x128xf32, #tpu.memory_space<hbm>> -> memref<128x128xf32, #tpu.memory_space<hbm>>
      tpu.wait_dma2 semaphore(%dma_wait3A_1659 : memref<!tpu.dma_semaphore, #tpu.memory_space<semaphore_mem>>) src(%dma_wait3A_1665 : memref<128x128xf32, #tpu.memory_space<hbm>>) dst(%dma_wait3A_1663 : memref<128x128xf32, #tpu.memory_space<vmem>>)
      %jit3A_1666 = arith.constant 2 : i32
      %div3A_1667 = arith.divsi %add3A_1646, %jit3A_1666 : i32
      %sign3A_1668 = arith.constant 0 : i32
      %sign3A_1669 = arith.cmpi sgt, %add3A_1646, %sign3A_1668 : i32
      %sign3A_1670 = arith.extui %sign3A_1669 : i1 to i32
      %sign3A_1671 = arith.constant 0 : i32
      %sign3A_1672 = arith.cmpi slt, %add3A_1646, %sign3A_1671 : i32
      %sign3A_1673 = arith.extui %sign3A_1672 : i1 to i32
      %sign3A_1674 = arith.subi %sign3A_1670, %sign3A_1673 : i32
      %sign3A_1675 = arith.constant 0 : i32
      %sign3A_1676 = arith.cmpi sgt, %jit3A_1666, %sign3A_1675 : i32
      %sign3A_1677 = arith.extui %sign3A_1676 : i1 to i32
      %sign3A_1678 = arith.constant 0 : i32
      %sign3A_1679 = arith.cmpi slt, %jit3A_1666, %sign3A_1678 : i32
      %sign3A_1680 = arith.extui %sign3A_1679 : i1 to i32
      %sign3A_1681 = arith.subi %sign3A_1677, %sign3A_1680 : i32
      %ne3A_1682 = arith.cmpi ne, %sign3A_1674, %sign3A_1681 : i32
      %rem3A_1683 = arith.remsi %add3A_1646, %jit3A_1666 : i32
      %ne3A_1684 = arith.constant 0 : i32
      %ne3A_1685 = arith.cmpi ne, %rem3A_1683, %ne3A_1684 : i32
      %and3A_1686 = arith.andi %ne3A_1682, %ne3A_1685 : i1
      %sub3A_1687 = arith.constant 1 : i32
      %sub3A_1688 = arith.subi %div3A_1667, %sub3A_1687 : i32
      %select_n3A_1689 = arith.select %and3A_1686, %sub3A_1688, %div3A_1667 : i32
      %get3A_1690 = arith.index_cast %select_n3A_1689 : i32 to index
      %get3A_1691 = tpu.vector_load %arg8[%get3A_1690] {strides = array<i32>} : memref<48xi32, #tpu.memory_space<vmem>>, vector<16xi32>,
      %get3A_1692 = vector.shape_cast %get3A_1691 : vector<16xi32> to vector<16xi32>
      %slice3A_1693 = vector.extract_strided_slice %get3A_1692 {offsets = [0], sizes = [1], strides = [1]} : vector<16xi32> to vector<1xi32>
      %squeeze3A_1694 = vector.extract %slice3A_1693[0] : i32 from vector<1xi32>
      %rem3A_1695 = arith.constant 256 : i32
      %rem3A_1696 = arith.remsi %squeeze3A_1694, %rem3A_1695 : i32
      %jit3A_1697 = arith.constant 128 : i32
      %div3A_1698 = arith.divsi %rem3A_1696, %jit3A_1697 : i32
      %sign3A_1699 = arith.constant 0 : i32
      %sign3A_1700 = arith.cmpi sgt, %rem3A_1696, %sign3A_1699 : i32
      %sign3A_1701 = arith.extui %sign3A_1700 : i1 to i32
      %sign3A_1702 = arith.constant 0 : i32
      %sign3A_1703 = arith.cmpi slt, %rem3A_1696, %sign3A_1702 : i32
      %sign3A_1704 = arith.extui %sign3A_1703 : i1 to i32
      %sign3A_1705 = arith.subi %sign3A_1701, %sign3A_1704 : i32
      %sign3A_1706 = arith.constant 0 : i32
      %sign3A_1707 = arith.cmpi sgt, %jit3A_1697, %sign3A_1706 : i32
      %sign3A_1708 = arith.extui %sign3A_1707 : i1 to i32
      %sign3A_1709 = arith.constant 0 : i32
      %sign3A_1710 = arith.cmpi slt, %jit3A_1697, %sign3A_1709 : i32
      %sign3A_1711 = arith.extui %sign3A_1710 : i1 to i32
      %sign3A_1712 = arith.subi %sign3A_1708, %sign3A_1711 : i32
      %ne3A_1713 = arith.cmpi ne, %sign3A_1705, %sign3A_1712 : i32
      %rem3A_1714 = arith.remsi %rem3A_1696, %jit3A_1697 : i32
      %ne3A_1715 = arith.constant 0 : i32
      %ne3A_1716 = arith.cmpi ne, %rem3A_1714, %ne3A_1715 : i32
      %and3A_1717 = arith.andi %ne3A_1713, %ne3A_1716 : i1
      %sub3A_1718 = arith.constant 1 : i32
      %sub3A_1719 = arith.subi %div3A_1698, %sub3A_1718 : i32
      %select_n3A_1720 = arith.select %and3A_1717, %sub3A_1719, %div3A_1698 : i32
      %rem3A_1721 = arith.constant 2 : i32
      %rem3A_1722 = arith.remsi %add3A_1646, %rem3A_1721 : i32
      %eq3A_1723 = arith.cmpi eq, %select_n3A_1720, %rem3A_1722 : i32
      %convert_element_type3A_1724 = arith.extui %eq3A_1723 : i1 to i32
      %cond3A_1725 = arith.constant 0 : i32
      %cond3A_1726 = arith.cmpi ne, %convert_element_type3A_1724, %cond3A_1725 : i32
      scf.if %cond3A_1726 {
        %rem3A_2170 = arith.constant 128 : i32
        %rem3A_2171 = arith.remsi %rem3A_1696, %rem3A_2170 : i32
        %mul3A_2172 = arith.constant 128 : i32
        %mul3A_2173 = arith.muli %select_n3A_1689, %mul3A_2172 : i32
        %add3A_2174 = arith.constant 0 : i32
        %add3A_2175 = arith.addi %mul3A_2173, %add3A_2174 : i32
        %get3A_2176 = arith.index_cast %add3A_2175 : i32 to index
        %get3A_2177 = tpu.vector_load %arg10[%get3A_2176] {strides = array<i32>} : memref<4096xf32, #tpu.memory_space<vmem>>, vector<16xf32>,
        %get3A_2178 = vector.shape_cast %get3A_2177 : vector<16xf32> to vector<16xf32>
        %swap3A_2179 = arith.constant 3 : i32
        %swap3A_2180 = arith.index_cast %swap3A_2179 : i32 to index
        %swap3A_2181 = arith.index_cast %rem3A_2171 : i32 to index
        %swap3A_2182 = arith.constant 0 : index
        %swap3A_2183 = tpu.vector_load %arg7[%swap3A_2180, %swap3A_2181, %swap3A_2182] {strides = array<i32>} : memref<6x128x128xf32, #tpu.memory_space<vmem>>, vector<1x1x16xf32>,
        %swap3A_2184 = vector.shape_cast %swap3A_2183 : vector<1x1x16xf32> to vector<16xf32>
        %swap3A_2185 = vector.shape_cast %get3A_2178 : vector<16xf32> to vector<1x1x16xf32>
        tpu.vector_store %arg7[%swap3A_2180, %swap3A_2181, %swap3A_2182], %swap3A_2185 {strides = array<i32>} : memref<6x128x128xf32, #tpu.memory_space<vmem>>, vector<1x1x16xf32>,
        %mul3A_2186 = arith.constant 128 : i32
        %mul3A_2187 = arith.muli %select_n3A_1689, %mul3A_2186 : i32
        %add3A_2188 = arith.constant 16 : i32
        %add3A_2189 = arith.addi %mul3A_2187, %add3A_2188 : i32
        %get3A_2190 = arith.index_cast %add3A_2189 : i32 to index
        %get3A_2191 = tpu.vector_load %arg10[%get3A_2190] {strides = array<i32>} : memref<4096xf32, #tpu.memory_space<vmem>>, vector<16xf32>,
        %get3A_2192 = vector.shape_cast %get3A_2191 : vector<16xf32> to vector<16xf32>
        %swap3A_2193 = arith.constant 3 : i32
        %swap3A_2194 = arith.index_cast %swap3A_2193 : i32 to index
        %swap3A_2195 = arith.index_cast %rem3A_2171 : i32 to index
        %swap3A_2196 = arith.constant 16 : index
        %swap3A_2197 = tpu.vector_load %arg7[%swap3A_2194, %swap3A_2195, %swap3A_2196] {strides = array<i32>} : memref<6x128x128xf32, #tpu.memory_space<vmem>>, vector<1x1x16xf32>,
        %swap3A_2198 = vector.shape_cast %swap3A_2197 : vector<1x1x16xf32> to vector<16xf32>
        %swap3A_2199 = vector.shape_cast %get3A_2192 : vector<16xf32> to vector<1x1x16xf32>
        tpu.vector_store %arg7[%swap3A_2194, %swap3A_2195, %swap3A_2196], %swap3A_2199 {strides = array<i32>} : memref<6x128x128xf32, #tpu.memory_space<vmem>>, vector<1x1x16xf32>,
        %mul3A_2200 = arith.constant 128 : i32
        %mul3A_2201 = arith.muli %select_n3A_1689, %mul3A_2200 : i32
        %add3A_2202 = arith.constant 32 : i32
        %add3A_2203 = arith.addi %mul3A_2201, %add3A_2202 : i32
        %get3A_2204 = arith.index_cast %add3A_2203 : i32 to index
        %get3A_2205 = tpu.vector_load %arg10[%get3A_2204] {strides = array<i32>} : memref<4096xf32, #tpu.memory_space<vmem>>, vector<16xf32>,
        %get3A_2206 = vector.shape_cast %get3A_2205 : vector<16xf32> to vector<16xf32>
        %swap3A_2207 = arith.constant 3 : i32
        %swap3A_2208 = arith.index_cast %swap3A_2207 : i32 to index
        %swap3A_2209 = arith.index_cast %rem3A_2171 : i32 to index
        %swap3A_2210 = arith.constant 32 : index
        %swap3A_2211 = tpu.vector_load %arg7[%swap3A_2208, %swap3A_2209, %swap3A_2210] {strides = array<i32>} : memref<6x128x128xf32, #tpu.memory_space<vmem>>, vector<1x1x16xf32>,
        %swap3A_2212 = vector.shape_cast %swap3A_2211 : vector<1x1x16xf32> to vector<16xf32>
        %swap3A_2213 = vector.shape_cast %get3A_2206 : vector<16xf32> to vector<1x1x16xf32>
        tpu.vector_store %arg7[%swap3A_2208, %swap3A_2209, %swap3A_2210], %swap3A_2213 {strides = array<i32>} : memref<6x128x128xf32, #tpu.memory_space<vmem>>, vector<1x1x16xf32>,
        %mul3A_2214 = arith.constant 128 : i32
        %mul3A_2215 = arith.muli %select_n3A_1689, %mul3A_2214 : i32
        %add3A_2216 = arith.constant 48 : i32
        %add3A_2217 = arith.addi %mul3A_2215, %add3A_2216 : i32
        %get3A_2218 = arith.index_cast %add3A_2217 : i32 to index
        %get3A_2219 = tpu.vector_load %arg10[%get3A_2218] {strides = array<i32>} : memref<4096xf32, #tpu.memory_space<vmem>>, vector<16xf32>,
        %get3A_2220 = vector.shape_cast %get3A_2219 : vector<16xf32> to vector<16xf32>
        %swap3A_2221 = arith.constant 3 : i32
        %swap3A_2222 = arith.index_cast %swap3A_2221 : i32 to index
        %swap3A_2223 = arith.index_cast %rem3A_2171 : i32 to index
        %swap3A_2224 = arith.constant 48 : index
        %swap3A_2225 = tpu.vector_load %arg7[%swap3A_2222, %swap3A_2223, %swap3A_2224] {strides = array<i32>} : memref<6x128x128xf32, #tpu.memory_space<vmem>>, vector<1x1x16xf32>,
        %swap3A_2226 = vector.shape_cast %swap3A_2225 : vector<1x1x16xf32> to vector<16xf32>
        %swap3A_2227 = vector.shape_cast %get3A_2220 : vector<16xf32> to vector<1x1x16xf32>
        tpu.vector_store %arg7[%swap3A_2222, %swap3A_2223, %swap3A_2224], %swap3A_2227 {strides = array<i32>} : memref<6x128x128xf32, #tpu.memory_space<vmem>>, vector<1x1x16xf32>,
        %mul3A_2228 = arith.constant 128 : i32
        %mul3A_2229 = arith.muli %select_n3A_1689, %mul3A_2228 : i32
        %add3A_2230 = arith.constant 64 : i32
        %add3A_2231 = arith.addi %mul3A_2229, %add3A_2230 : i32
        %get3A_2232 = arith.index_cast %add3A_2231 : i32 to index
        %get3A_2233 = tpu.vector_load %arg10[%get3A_2232] {strides = array<i32>} : memref<4096xf32, #tpu.memory_space<vmem>>, vector<16xf32>,
        %get3A_2234 = vector.shape_cast %get3A_2233 : vector<16xf32> to vector<16xf32>
        %swap3A_2235 = arith.constant 3 : i32
        %swap3A_2236 = arith.index_cast %swap3A_2235 : i32 to index
        %swap3A_2237 = arith.index_cast %rem3A_2171 : i32 to index
        %swap3A_2238 = arith.constant 64 : index
        %swap3A_2239 = tpu.vector_load %arg7[%swap3A_2236, %swap3A_2237, %swap3A_2238] {strides = array<i32>} : memref<6x128x128xf32, #tpu.memory_space<vmem>>, vector<1x1x16xf32>,
        %swap3A_2240 = vector.shape_cast %swap3A_2239 : vector<1x1x16xf32> to vector<16xf32>
        %swap3A_2241 = vector.shape_cast %get3A_2234 : vector<16xf32> to vector<1x1x16xf32>
        tpu.vector_store %arg7[%swap3A_2236, %swap3A_2237, %swap3A_2238], %swap3A_2241 {strides = array<i32>} : memref<6x128x128xf32, #tpu.memory_space<vmem>>, vector<1x1x16xf32>,
        %mul3A_2242 = arith.constant 128 : i32
        %mul3A_2243 = arith.muli %select_n3A_1689, %mul3A_2242 : i32
        %add3A_2244 = arith.constant 80 : i32
        %add3A_2245 = arith.addi %mul3A_2243, %add3A_2244 : i32
        %get3A_2246 = arith.index_cast %add3A_2245 : i32 to index
        %get3A_2247 = tpu.vector_load %arg10[%get3A_2246] {strides = array<i32>} : memref<4096xf32, #tpu.memory_space<vmem>>, vector<16xf32>,
        %get3A_2248 = vector.shape_cast %get3A_2247 : vector<16xf32> to vector<16xf32>
        %swap3A_2249 = arith.constant 3 : i32
        %swap3A_2250 = arith.index_cast %swap3A_2249 : i32 to index
        %swap3A_2251 = arith.index_cast %rem3A_2171 : i32 to index
        %swap3A_2252 = arith.constant 80 : index
        %swap3A_2253 = tpu.vector_load %arg7[%swap3A_2250, %swap3A_2251, %swap3A_2252] {strides = array<i32>} : memref<6x128x128xf32, #tpu.memory_space<vmem>>, vector<1x1x16xf32>,
        %swap3A_2254 = vector.shape_cast %swap3A_2253 : vector<1x1x16xf32> to vector<16xf32>
        %swap3A_2255 = vector.shape_cast %get3A_2248 : vector<16xf32> to vector<1x1x16xf32>
        tpu.vector_store %arg7[%swap3A_2250, %swap3A_2251, %swap3A_2252], %swap3A_2255 {strides = array<i32>} : memref<6x128x128xf32, #tpu.memory_space<vmem>>, vector<1x1x16xf32>,
        %mul3A_2256 = arith.constant 128 : i32
        %mul3A_2257 = arith.muli %select_n3A_1689, %mul3A_2256 : i32
        %add3A_2258 = arith.constant 96 : i32
        %add3A_2259 = arith.addi %mul3A_2257, %add3A_2258 : i32
        %get3A_2260 = arith.index_cast %add3A_2259 : i32 to index
        %get3A_2261 = tpu.vector_load %arg10[%get3A_2260] {strides = array<i32>} : memref<4096xf32, #tpu.memory_space<vmem>>, vector<16xf32>,
        %get3A_2262 = vector.shape_cast %get3A_2261 : vector<16xf32> to vector<16xf32>
        %swap3A_2263 = arith.constant 3 : i32
        %swap3A_2264 = arith.index_cast %swap3A_2263 : i32 to index
        %swap3A_2265 = arith.index_cast %rem3A_2171 : i32 to index
        %swap3A_2266 = arith.constant 96 : index
        %swap3A_2267 = tpu.vector_load %arg7[%swap3A_2264, %swap3A_2265, %swap3A_2266] {strides = array<i32>} : memref<6x128x128xf32, #tpu.memory_space<vmem>>, vector<1x1x16xf32>,
        %swap3A_2268 = vector.shape_cast %swap3A_2267 : vector<1x1x16xf32> to vector<16xf32>
        %swap3A_2269 = vector.shape_cast %get3A_2262 : vector<16xf32> to vector<1x1x16xf32>
        tpu.vector_store %arg7[%swap3A_2264, %swap3A_2265, %swap3A_2266], %swap3A_2269 {strides = array<i32>} : memref<6x128x128xf32, #tpu.memory_space<vmem>>, vector<1x1x16xf32>,
        %mul3A_2270 = arith.constant 128 : i32
        %mul3A_2271 = arith.muli %select_n3A_1689, %mul3A_2270 : i32
        %add3A_2272 = arith.constant 112 : i32
        %add3A_2273 = arith.addi %mul3A_2271, %add3A_2272 : i32
        %get3A_2274 = arith.index_cast %add3A_2273 : i32 to index
        %get3A_2275 = tpu.vector_load %arg10[%get3A_2274] {strides = array<i32>} : memref<4096xf32, #tpu.memory_space<vmem>>, vector<16xf32>,
        %get3A_2276 = vector.shape_cast %get3A_2275 : vector<16xf32> to vector<16xf32>
        %swap3A_2277 = arith.constant 3 : i32
        %swap3A_2278 = arith.index_cast %swap3A_2277 : i32 to index
        %swap3A_2279 = arith.index_cast %rem3A_2171 : i32 to index
        %swap3A_2280 = arith.constant 112 : index
        %swap3A_2281 = tpu.vector_load %arg7[%swap3A_2278, %swap3A_2279, %swap3A_2280] {strides = array<i32>} : memref<6x128x128xf32, #tpu.memory_space<vmem>>, vector<1x1x16xf32>,
        %swap3A_2282 = vector.shape_cast %swap3A_2281 : vector<1x1x16xf32> to vector<16xf32>
        %swap3A_2283 = vector.shape_cast %get3A_2276 : vector<16xf32> to vector<1x1x16xf32>
        tpu.vector_store %arg7[%swap3A_2278, %swap3A_2279, %swap3A_2280], %swap3A_2283 {strides = array<i32>} : memref<6x128x128xf32, #tpu.memory_space<vmem>>, vector<1x1x16xf32>,
      } else {
      }
      %mul3A_1727 = arith.constant 128 : i32
      %mul3A_1728 = arith.muli %add3A_1646, %mul3A_1727 : i32
      %add3A_1729 = arith.addi %mul3A_4, %mul3A_1728 : i32
      %dma_start3A_1730 = arith.constant 3 : i32
      %dma_start3A_1731 = arith.constant 3 : i32
      %dma_start3A_1732 = arith.constant 0 : i32
      %dma_start3A_1733 = arith.constant 0 : i32
      %dma_start3A_1734 = tpu.memref_slice %arg7[%dma_start3A_1730, %dma_start3A_1732, %dma_start3A_1733] : memref<6x128x128xf32, #tpu.memory_space<vmem>> -> memref<1x128x128xf32, #tpu.memory_space<vmem>>
      %dma_start3A_1735 = tpu.memref_squeeze %dma_start3A_1734 : memref<1x128x128xf32, #tpu.memory_space<vmem>> -> memref<128x128xf32, #tpu.memory_space<vmem>>
      %dma_start3A_1736 = arith.constant 0 : i32
      %dma_start3A_1737 = tpu.memref_slice %arg5[%add3A_1729, %dma_start3A_1736] : memref<262144x128xf32, #tpu.memory_space<hbm>> -> memref<128x128xf32, #tpu.memory_space<hbm>>
      %dma_start3A_1738 = tpu.memref_slice %arg12[%dma_start3A_1731] : memref<6x!tpu.dma_semaphore, #tpu.memory_space<semaphore_mem>> -> memref<1x!tpu.dma_semaphore, #tpu.memory_space<semaphore_mem>>
      %dma_start3A_1739 = tpu.memref_squeeze %dma_start3A_1738 : memref<1x!tpu.dma_semaphore, #tpu.memory_space<semaphore_mem>> -> memref<!tpu.dma_semaphore, #tpu.memory_space<semaphore_mem>>
      %dma_start3A_1740 = arith.constant 0 : i32
      %dma_start3A_1741 = tpu.memref_slice %arg5[%add3A_1729, %dma_start3A_1740] : memref<262144x128xf32, #tpu.memory_space<hbm>> -> memref<128x128xf32, #tpu.memory_space<hbm>>
      %dma_start3A_1742 = arith.constant 0 : i32
      %dma_start3A_1743 = arith.constant 0 : i32
      %dma_start3A_1744 = tpu.memref_slice %arg7[%dma_start3A_1730, %dma_start3A_1742, %dma_start3A_1743] : memref<6x128x128xf32, #tpu.memory_space<vmem>> -> memref<1x128x128xf32, #tpu.memory_space<vmem>>
      %dma_start3A_1745 = tpu.memref_squeeze %dma_start3A_1744 : memref<1x128x128xf32, #tpu.memory_space<vmem>> -> memref<128x128xf32, #tpu.memory_space<vmem>>
      tpu.enqueue_dma source(%dma_start3A_1745 : memref<128x128xf32, #tpu.memory_space<vmem>>) target(%dma_start3A_1741 : memref<128x128xf32, #tpu.memory_space<hbm>>) target_semaphore(%dma_start3A_1739 : memref<!tpu.dma_semaphore, #tpu.memory_space<semaphore_mem>>)
      %sub3A_1746 = arith.constant 3 : i32
      %sub3A_1747 = arith.subi %add3A_1646, %sub3A_1746 : i32
      %sub3A_1748 = arith.constant 3 : i32
      %sub3A_1749 = arith.subi %add3A_1646, %sub3A_1748 : i32
      %jit3A_1750 = arith.constant 6 : i32
      %eq3A_1751 = arith.constant 0 : i32
      %eq3A_1752 = arith.cmpi eq, %jit3A_1750, %eq3A_1751 : i32
      %jit3A_1753 = arith.constant 1 : i32
      %select_n3A_1754 = arith.select %eq3A_1752, %jit3A_1753, %jit3A_1750 : i32
      %rem3A_1755 = arith.remsi %sub3A_1749, %select_n3A_1754 : i32
      %ne3A_1756 = arith.constant 0 : i32
      %ne3A_1757 = arith.cmpi ne, %rem3A_1755, %ne3A_1756 : i32
      %lt3A_1758 = arith.constant 0 : i32
      %lt3A_1759 = arith.cmpi slt, %rem3A_1755, %lt3A_1758 : i32
      %lt3A_1760 = arith.constant 0 : i32
      %lt3A_1761 = arith.cmpi slt, %select_n3A_1754, %lt3A_1760 : i32
      %ne3A_1762 = arith.xori %lt3A_1759, %lt3A_1761 : i1
      %and3A_1763 = arith.andi %ne3A_1762, %ne3A_1757 : i1
      %add3A_1764 = arith.addi %rem3A_1755, %select_n3A_1754 : i32
      %select_n3A_1765 = arith.select %and3A_1763, %add3A_1764, %rem3A_1755 : i32
      %mul3A_1766 = arith.constant 128 : i32
      %mul3A_1767 = arith.muli %sub3A_1747, %mul3A_1766 : i32
      %add3A_1768 = arith.addi %mul3A_4, %mul3A_1767 : i32
      %dma_wait3A_1769 = arith.constant 0 : i32
      %dma_wait3A_1770 = arith.constant 0 : i32
      %dma_wait3A_1771 = tpu.memref_slice %arg7[%select_n3A_1765, %dma_wait3A_1769, %dma_wait3A_1770] : memref<6x128x128xf32, #tpu.memory_space<vmem>> -> memref<1x128x128xf32, #tpu.memory_space<vmem>>
      %dma_wait3A_1772 = tpu.memref_squeeze %dma_wait3A_1771 : memref<1x128x128xf32, #tpu.memory_space<vmem>> -> memref<128x128xf32, #tpu.memory_space<vmem>>
      %dma_wait3A_1773 = arith.constant 0 : i32
      %dma_wait3A_1774 = tpu.memref_slice %arg5[%add3A_1768, %dma_wait3A_1773] : memref<262144x128xf32, #tpu.memory_space<hbm>> -> memref<128x128xf32, #tpu.memory_space<hbm>>
      %dma_wait3A_1775 = tpu.memref_slice %arg12[%select_n3A_1765] : memref<6x!tpu.dma_semaphore, #tpu.memory_space<semaphore_mem>> -> memref<1x!tpu.dma_semaphore, #tpu.memory_space<semaphore_mem>>
      %dma_wait3A_1776 = tpu.memref_squeeze %dma_wait3A_1775 : memref<1x!tpu.dma_semaphore, #tpu.memory_space<semaphore_mem>> -> memref<!tpu.dma_semaphore, #tpu.memory_space<semaphore_mem>>
      %dma_wait3A_1777 = arith.constant 0 : i32
      %dma_wait3A_1778 = tpu.memref_slice %arg5[%add3A_1768, %dma_wait3A_1777] : memref<262144x128xf32, #tpu.memory_space<hbm>> -> memref<128x128xf32, #tpu.memory_space<hbm>>
      %dma_wait3A_1779 = arith.constant 0 : i32
      %dma_wait3A_1780 = arith.constant 0 : i32
      %dma_wait3A_1781 = tpu.memref_slice %arg7[%select_n3A_1765, %dma_wait3A_1779, %dma_wait3A_1780] : memref<6x128x128xf32, #tpu.memory_space<vmem>> -> memref<1x128x128xf32, #tpu.memory_space<vmem>>
      %dma_wait3A_1782 = tpu.memref_squeeze %dma_wait3A_1781 : memref<1x128x128xf32, #tpu.memory_space<vmem>> -> memref<128x128xf32, #tpu.memory_space<vmem>>
      tpu.wait_dma2 semaphore(%dma_wait3A_1776 : memref<!tpu.dma_semaphore, #tpu.memory_space<semaphore_mem>>) src(%dma_wait3A_1782 : memref<128x128xf32, #tpu.memory_space<vmem>>) dst(%dma_wait3A_1778 : memref<128x128xf32, #tpu.memory_space<hbm>>)
      %add3A_1783 = arith.constant 3 : i32
      %add3A_1784 = arith.addi %add3A_1646, %add3A_1783 : i32
      %add3A_1785 = arith.constant 3 : i32
      %add3A_1786 = arith.addi %add3A_1646, %add3A_1785 : i32
      %jit3A_1787 = arith.constant 6 : i32
      %eq3A_1788 = arith.constant 0 : i32
      %eq3A_1789 = arith.cmpi eq, %jit3A_1787, %eq3A_1788 : i32
      %jit3A_1790 = arith.constant 1 : i32
      %select_n3A_1791 = arith.select %eq3A_1789, %jit3A_1790, %jit3A_1787 : i32
      %rem3A_1792 = arith.remsi %add3A_1786, %select_n3A_1791 : i32
      %ne3A_1793 = arith.constant 0 : i32
      %ne3A_1794 = arith.cmpi ne, %rem3A_1792, %ne3A_1793 : i32
      %lt3A_1795 = arith.constant 0 : i32
      %lt3A_1796 = arith.cmpi slt, %rem3A_1792, %lt3A_1795 : i32
      %lt3A_1797 = arith.constant 0 : i32
      %lt3A_1798 = arith.cmpi slt, %select_n3A_1791, %lt3A_1797 : i32
      %ne3A_1799 = arith.xori %lt3A_1796, %lt3A_1798 : i1
      %and3A_1800 = arith.andi %ne3A_1799, %ne3A_1794 : i1
      %add3A_1801 = arith.addi %rem3A_1792, %select_n3A_1791 : i32
      %select_n3A_1802 = arith.select %and3A_1800, %add3A_1801, %rem3A_1792 : i32
      %mul3A_1803 = arith.constant 128 : i32
      %mul3A_1804 = arith.muli %add3A_1784, %mul3A_1803 : i32
      %add3A_1805 = arith.addi %mul3A_4, %mul3A_1804 : i32
      %dma_start3A_1806 = arith.constant 0 : i32
      %dma_start3A_1807 = arith.constant 0 : i32
      %dma_start3A_1808 = tpu.memref_slice %arg7[%select_n3A_1802, %dma_start3A_1806, %dma_start3A_1807] : memref<6x128x128xf32, #tpu.memory_space<vmem>> -> memref<1x128x128xf32, #tpu.memory_space<vmem>>
      %dma_start3A_1809 = tpu.memref_squeeze %dma_start3A_1808 : memref<1x128x128xf32, #tpu.memory_space<vmem>> -> memref<128x128xf32, #tpu.memory_space<vmem>>
      %dma_start3A_1810 = arith.constant 0 : i32
      %dma_start3A_1811 = tpu.memref_slice %arg3[%add3A_1805, %dma_start3A_1810] : memref<262144x128xf32, #tpu.memory_space<hbm>> -> memref<128x128xf32, #tpu.memory_space<hbm>>
      %dma_start3A_1812 = tpu.memref_slice %arg11[%select_n3A_1802] : memref<6x!tpu.dma_semaphore, #tpu.memory_space<semaphore_mem>> -> memref<1x!tpu.dma_semaphore, #tpu.memory_space<semaphore_mem>>
      %dma_start3A_1813 = tpu.memref_squeeze %dma_start3A_1812 : memref<1x!tpu.dma_semaphore, #tpu.memory_space<semaphore_mem>> -> memref<!tpu.dma_semaphore, #tpu.memory_space<semaphore_mem>>
      %dma_start3A_1814 = arith.constant 0 : i32
      %dma_start3A_1815 = arith.constant 0 : i32
      %dma_start3A_1816 = tpu.memref_slice %arg7[%select_n3A_1802, %dma_start3A_1814, %dma_start3A_1815] : memref<6x128x128xf32, #tpu.memory_space<vmem>> -> memref<1x128x128xf32, #tpu.memory_space<vmem>>
      %dma_start3A_1817 = tpu.memref_squeeze %dma_start3A_1816 : memref<1x128x128xf32, #tpu.memory_space<vmem>> -> memref<128x128xf32, #tpu.memory_space<vmem>>
      %dma_start3A_1818 = arith.constant 0 : i32
      %dma_start3A_1819 = tpu.memref_slice %arg3[%add3A_1805, %dma_start3A_1818] : memref<262144x128xf32, #tpu.memory_space<hbm>> -> memref<128x128xf32, #tpu.memory_space<hbm>>
      tpu.enqueue_dma source(%dma_start3A_1819 : memref<128x128xf32, #tpu.memory_space<hbm>>) target(%dma_start3A_1817 : memref<128x128xf32, #tpu.memory_space<vmem>>) target_semaphore(%dma_start3A_1813 : memref<!tpu.dma_semaphore, #tpu.memory_space<semaphore_mem>>)
      %add3A_1820 = arith.constant 4 : i32
      %add3A_1821 = arith.addi %mul3A_1120, %add3A_1820 : i32
      %mul3A_1822 = arith.constant 128 : i32
      %mul3A_1823 = arith.muli %add3A_1821, %mul3A_1822 : i32
      %add3A_1824 = arith.addi %mul3A_4, %mul3A_1823 : i32
      %dma_wait3A_1825 = arith.constant 4 : i32
      %dma_wait3A_1826 = arith.constant 4 : i32
      %dma_wait3A_1827 = arith.constant 0 : i32
      %dma_wait3A_1828 = arith.constant 0 : i32
      %dma_wait3A_1829 = tpu.memref_slice %arg7[%dma_wait3A_1825, %dma_wait3A_1827, %dma_wait3A_1828] : memref<6x128x128xf32, #tpu.memory_space<vmem>> -> memref<1x128x128xf32, #tpu.memory_space<vmem>>
      %dma_wait3A_1830 = tpu.memref_squeeze %dma_wait3A_1829 : memref<1x128x128xf32, #tpu.memory_space<vmem>> -> memref<128x128xf32, #tpu.memory_space<vmem>>
      %dma_wait3A_1831 = arith.constant 0 : i32
      %dma_wait3A_1832 = tpu.memref_slice %arg3[%add3A_1824, %dma_wait3A_1831] : memref<262144x128xf32, #tpu.memory_space<hbm>> -> memref<128x128xf32, #tpu.memory_space<hbm>>
      %dma_wait3A_1833 = tpu.memref_slice %arg11[%dma_wait3A_1826] : memref<6x!tpu.dma_semaphore, #tpu.memory_space<semaphore_mem>> -> memref<1x!tpu.dma_semaphore, #tpu.memory_space<semaphore_mem>>
      %dma_wait3A_1834 = tpu.memref_squeeze %dma_wait3A_1833 : memref<1x!tpu.dma_semaphore, #tpu.memory_space<semaphore_mem>> -> memref<!tpu.dma_semaphore, #tpu.memory_space<semaphore_mem>>
      %dma_wait3A_1835 = arith.constant 0 : i32
      %dma_wait3A_1836 = arith.constant 0 : i32
      %dma_wait3A_1837 = tpu.memref_slice %arg7[%dma_wait3A_1825, %dma_wait3A_1835, %dma_wait3A_1836] : memref<6x128x128xf32, #tpu.memory_space<vmem>> -> memref<1x128x128xf32, #tpu.memory_space<vmem>>
      %dma_wait3A_1838 = tpu.memref_squeeze %dma_wait3A_1837 : memref<1x128x128xf32, #tpu.memory_space<vmem>> -> memref<128x128xf32, #tpu.memory_space<vmem>>
      %dma_wait3A_1839 = arith.constant 0 : i32
      %dma_wait3A_1840 = tpu.memref_slice %arg3[%add3A_1824, %dma_wait3A_1839] : memref<262144x128xf32, #tpu.memory_space<hbm>> -> memref<128x128xf32, #tpu.memory_space<hbm>>
      tpu.wait_dma2 semaphore(%dma_wait3A_1834 : memref<!tpu.dma_semaphore, #tpu.memory_space<semaphore_mem>>) src(%dma_wait3A_1840 : memref<128x128xf32, #tpu.memory_space<hbm>>) dst(%dma_wait3A_1838 : memref<128x128xf32, #tpu.memory_space<vmem>>)
      %jit3A_1841 = arith.constant 2 : i32
      %div3A_1842 = arith.divsi %add3A_1821, %jit3A_1841 : i32
      %sign3A_1843 = arith.constant 0 : i32
      %sign3A_1844 = arith.cmpi sgt, %add3A_1821, %sign3A_1843 : i32
      %sign3A_1845 = arith.extui %sign3A_1844 : i1 to i32
      %sign3A_1846 = arith.constant 0 : i32
      %sign3A_1847 = arith.cmpi slt, %add3A_1821, %sign3A_1846 : i32
      %sign3A_1848 = arith.extui %sign3A_1847 : i1 to i32
      %sign3A_1849 = arith.subi %sign3A_1845, %sign3A_1848 : i32
      %sign3A_1850 = arith.constant 0 : i32
      %sign3A_1851 = arith.cmpi sgt, %jit3A_1841, %sign3A_1850 : i32
      %sign3A_1852 = arith.extui %sign3A_1851 : i1 to i32
      %sign3A_1853 = arith.constant 0 : i32
      %sign3A_1854 = arith.cmpi slt, %jit3A_1841, %sign3A_1853 : i32
      %sign3A_1855 = arith.extui %sign3A_1854 : i1 to i32
      %sign3A_1856 = arith.subi %sign3A_1852, %sign3A_1855 : i32
      %ne3A_1857 = arith.cmpi ne, %sign3A_1849, %sign3A_1856 : i32
      %rem3A_1858 = arith.remsi %add3A_1821, %jit3A_1841 : i32
      %ne3A_1859 = arith.constant 0 : i32
      %ne3A_1860 = arith.cmpi ne, %rem3A_1858, %ne3A_1859 : i32
      %and3A_1861 = arith.andi %ne3A_1857, %ne3A_1860 : i1
      %sub3A_1862 = arith.constant 1 : i32
      %sub3A_1863 = arith.subi %div3A_1842, %sub3A_1862 : i32
      %select_n3A_1864 = arith.select %and3A_1861, %sub3A_1863, %div3A_1842 : i32
      %get3A_1865 = arith.index_cast %select_n3A_1864 : i32 to index
      %get3A_1866 = tpu.vector_load %arg8[%get3A_1865] {strides = array<i32>} : memref<48xi32, #tpu.memory_space<vmem>>, vector<16xi32>,
      %get3A_1867 = vector.shape_cast %get3A_1866 : vector<16xi32> to vector<16xi32>
      %slice3A_1868 = vector.extract_strided_slice %get3A_1867 {offsets = [0], sizes = [1], strides = [1]} : vector<16xi32> to vector<1xi32>
      %squeeze3A_1869 = vector.extract %slice3A_1868[0] : i32 from vector<1xi32>
      %rem3A_1870 = arith.constant 256 : i32
      %rem3A_1871 = arith.remsi %squeeze3A_1869, %rem3A_1870 : i32
      %jit3A_1872 = arith.constant 128 : i32
      %div3A_1873 = arith.divsi %rem3A_1871, %jit3A_1872 : i32
      %sign3A_1874 = arith.constant 0 : i32
      %sign3A_1875 = arith.cmpi sgt, %rem3A_1871, %sign3A_1874 : i32
      %sign3A_1876 = arith.extui %sign3A_1875 : i1 to i32
      %sign3A_1877 = arith.constant 0 : i32
      %sign3A_1878 = arith.cmpi slt, %rem3A_1871, %sign3A_1877 : i32
      %sign3A_1879 = arith.extui %sign3A_1878 : i1 to i32
      %sign3A_1880 = arith.subi %sign3A_1876, %sign3A_1879 : i32
      %sign3A_1881 = arith.constant 0 : i32
      %sign3A_1882 = arith.cmpi sgt, %jit3A_1872, %sign3A_1881 : i32
      %sign3A_1883 = arith.extui %sign3A_1882 : i1 to i32
      %sign3A_1884 = arith.constant 0 : i32
      %sign3A_1885 = arith.cmpi slt, %jit3A_1872, %sign3A_1884 : i32
      %sign3A_1886 = arith.extui %sign3A_1885 : i1 to i32
      %sign3A_1887 = arith.subi %sign3A_1883, %sign3A_1886 : i32
      %ne3A_1888 = arith.cmpi ne, %sign3A_1880, %sign3A_1887 : i32
      %rem3A_1889 = arith.remsi %rem3A_1871, %jit3A_1872 : i32
      %ne3A_1890 = arith.constant 0 : i32
      %ne3A_1891 = arith.cmpi ne, %rem3A_1889, %ne3A_1890 : i32
      %and3A_1892 = arith.andi %ne3A_1888, %ne3A_1891 : i1
      %sub3A_1893 = arith.constant 1 : i32
      %sub3A_1894 = arith.subi %div3A_1873, %sub3A_1893 : i32
      %select_n3A_1895 = arith.select %and3A_1892, %sub3A_1894, %div3A_1873 : i32
      %rem3A_1896 = arith.constant 2 : i32
      %rem3A_1897 = arith.remsi %add3A_1821, %rem3A_1896 : i32
      %eq3A_1898 = arith.cmpi eq, %select_n3A_1895, %rem3A_1897 : i32
      %convert_element_type3A_1899 = arith.extui %eq3A_1898 : i1 to i32
      %cond3A_1900 = arith.constant 0 : i32
      %cond3A_1901 = arith.cmpi ne, %convert_element_type3A_1899, %cond3A_1900 : i32
      scf.if %cond3A_1901 {
        %rem3A_2170 = arith.constant 128 : i32
        %rem3A_2171 = arith.remsi %rem3A_1871, %rem3A_2170 : i32
        %mul3A_2172 = arith.constant 128 : i32
        %mul3A_2173 = arith.muli %select_n3A_1864, %mul3A_2172 : i32
        %add3A_2174 = arith.constant 0 : i32
        %add3A_2175 = arith.addi %mul3A_2173, %add3A_2174 : i32
        %get3A_2176 = arith.index_cast %add3A_2175 : i32 to index
        %get3A_2177 = tpu.vector_load %arg10[%get3A_2176] {strides = array<i32>} : memref<4096xf32, #tpu.memory_space<vmem>>, vector<16xf32>,
        %get3A_2178 = vector.shape_cast %get3A_2177 : vector<16xf32> to vector<16xf32>
        %swap3A_2179 = arith.constant 4 : i32
        %swap3A_2180 = arith.index_cast %swap3A_2179 : i32 to index
        %swap3A_2181 = arith.index_cast %rem3A_2171 : i32 to index
        %swap3A_2182 = arith.constant 0 : index
        %swap3A_2183 = tpu.vector_load %arg7[%swap3A_2180, %swap3A_2181, %swap3A_2182] {strides = array<i32>} : memref<6x128x128xf32, #tpu.memory_space<vmem>>, vector<1x1x16xf32>,
        %swap3A_2184 = vector.shape_cast %swap3A_2183 : vector<1x1x16xf32> to vector<16xf32>
        %swap3A_2185 = vector.shape_cast %get3A_2178 : vector<16xf32> to vector<1x1x16xf32>
        tpu.vector_store %arg7[%swap3A_2180, %swap3A_2181, %swap3A_2182], %swap3A_2185 {strides = array<i32>} : memref<6x128x128xf32, #tpu.memory_space<vmem>>, vector<1x1x16xf32>,
        %mul3A_2186 = arith.constant 128 : i32
        %mul3A_2187 = arith.muli %select_n3A_1864, %mul3A_2186 : i32
        %add3A_2188 = arith.constant 16 : i32
        %add3A_2189 = arith.addi %mul3A_2187, %add3A_2188 : i32
        %get3A_2190 = arith.index_cast %add3A_2189 : i32 to index
        %get3A_2191 = tpu.vector_load %arg10[%get3A_2190] {strides = array<i32>} : memref<4096xf32, #tpu.memory_space<vmem>>, vector<16xf32>,
        %get3A_2192 = vector.shape_cast %get3A_2191 : vector<16xf32> to vector<16xf32>
        %swap3A_2193 = arith.constant 4 : i32
        %swap3A_2194 = arith.index_cast %swap3A_2193 : i32 to index
        %swap3A_2195 = arith.index_cast %rem3A_2171 : i32 to index
        %swap3A_2196 = arith.constant 16 : index
        %swap3A_2197 = tpu.vector_load %arg7[%swap3A_2194, %swap3A_2195, %swap3A_2196] {strides = array<i32>} : memref<6x128x128xf32, #tpu.memory_space<vmem>>, vector<1x1x16xf32>,
        %swap3A_2198 = vector.shape_cast %swap3A_2197 : vector<1x1x16xf32> to vector<16xf32>
        %swap3A_2199 = vector.shape_cast %get3A_2192 : vector<16xf32> to vector<1x1x16xf32>
        tpu.vector_store %arg7[%swap3A_2194, %swap3A_2195, %swap3A_2196], %swap3A_2199 {strides = array<i32>} : memref<6x128x128xf32, #tpu.memory_space<vmem>>, vector<1x1x16xf32>,
        %mul3A_2200 = arith.constant 128 : i32
        %mul3A_2201 = arith.muli %select_n3A_1864, %mul3A_2200 : i32
        %add3A_2202 = arith.constant 32 : i32
        %add3A_2203 = arith.addi %mul3A_2201, %add3A_2202 : i32
        %get3A_2204 = arith.index_cast %add3A_2203 : i32 to index
        %get3A_2205 = tpu.vector_load %arg10[%get3A_2204] {strides = array<i32>} : memref<4096xf32, #tpu.memory_space<vmem>>, vector<16xf32>,
        %get3A_2206 = vector.shape_cast %get3A_2205 : vector<16xf32> to vector<16xf32>
        %swap3A_2207 = arith.constant 4 : i32
        %swap3A_2208 = arith.index_cast %swap3A_2207 : i32 to index
        %swap3A_2209 = arith.index_cast %rem3A_2171 : i32 to index
        %swap3A_2210 = arith.constant 32 : index
        %swap3A_2211 = tpu.vector_load %arg7[%swap3A_2208, %swap3A_2209, %swap3A_2210] {strides = array<i32>} : memref<6x128x128xf32, #tpu.memory_space<vmem>>, vector<1x1x16xf32>,
        %swap3A_2212 = vector.shape_cast %swap3A_2211 : vector<1x1x16xf32> to vector<16xf32>
        %swap3A_2213 = vector.shape_cast %get3A_2206 : vector<16xf32> to vector<1x1x16xf32>
        tpu.vector_store %arg7[%swap3A_2208, %swap3A_2209, %swap3A_2210], %swap3A_2213 {strides = array<i32>} : memref<6x128x128xf32, #tpu.memory_space<vmem>>, vector<1x1x16xf32>,
        %mul3A_2214 = arith.constant 128 : i32
        %mul3A_2215 = arith.muli %select_n3A_1864, %mul3A_2214 : i32
        %add3A_2216 = arith.constant 48 : i32
        %add3A_2217 = arith.addi %mul3A_2215, %add3A_2216 : i32
        %get3A_2218 = arith.index_cast %add3A_2217 : i32 to index
        %get3A_2219 = tpu.vector_load %arg10[%get3A_2218] {strides = array<i32>} : memref<4096xf32, #tpu.memory_space<vmem>>, vector<16xf32>,
        %get3A_2220 = vector.shape_cast %get3A_2219 : vector<16xf32> to vector<16xf32>
        %swap3A_2221 = arith.constant 4 : i32
        %swap3A_2222 = arith.index_cast %swap3A_2221 : i32 to index
        %swap3A_2223 = arith.index_cast %rem3A_2171 : i32 to index
        %swap3A_2224 = arith.constant 48 : index
        %swap3A_2225 = tpu.vector_load %arg7[%swap3A_2222, %swap3A_2223, %swap3A_2224] {strides = array<i32>} : memref<6x128x128xf32, #tpu.memory_space<vmem>>, vector<1x1x16xf32>,
        %swap3A_2226 = vector.shape_cast %swap3A_2225 : vector<1x1x16xf32> to vector<16xf32>
        %swap3A_2227 = vector.shape_cast %get3A_2220 : vector<16xf32> to vector<1x1x16xf32>
        tpu.vector_store %arg7[%swap3A_2222, %swap3A_2223, %swap3A_2224], %swap3A_2227 {strides = array<i32>} : memref<6x128x128xf32, #tpu.memory_space<vmem>>, vector<1x1x16xf32>,
        %mul3A_2228 = arith.constant 128 : i32
        %mul3A_2229 = arith.muli %select_n3A_1864, %mul3A_2228 : i32
        %add3A_2230 = arith.constant 64 : i32
        %add3A_2231 = arith.addi %mul3A_2229, %add3A_2230 : i32
        %get3A_2232 = arith.index_cast %add3A_2231 : i32 to index
        %get3A_2233 = tpu.vector_load %arg10[%get3A_2232] {strides = array<i32>} : memref<4096xf32, #tpu.memory_space<vmem>>, vector<16xf32>,
        %get3A_2234 = vector.shape_cast %get3A_2233 : vector<16xf32> to vector<16xf32>
        %swap3A_2235 = arith.constant 4 : i32
        %swap3A_2236 = arith.index_cast %swap3A_2235 : i32 to index
        %swap3A_2237 = arith.index_cast %rem3A_2171 : i32 to index
        %swap3A_2238 = arith.constant 64 : index
        %swap3A_2239 = tpu.vector_load %arg7[%swap3A_2236, %swap3A_2237, %swap3A_2238] {strides = array<i32>} : memref<6x128x128xf32, #tpu.memory_space<vmem>>, vector<1x1x16xf32>,
        %swap3A_2240 = vector.shape_cast %swap3A_2239 : vector<1x1x16xf32> to vector<16xf32>
        %swap3A_2241 = vector.shape_cast %get3A_2234 : vector<16xf32> to vector<1x1x16xf32>
        tpu.vector_store %arg7[%swap3A_2236, %swap3A_2237, %swap3A_2238], %swap3A_2241 {strides = array<i32>} : memref<6x128x128xf32, #tpu.memory_space<vmem>>, vector<1x1x16xf32>,
        %mul3A_2242 = arith.constant 128 : i32
        %mul3A_2243 = arith.muli %select_n3A_1864, %mul3A_2242 : i32
        %add3A_2244 = arith.constant 80 : i32
        %add3A_2245 = arith.addi %mul3A_2243, %add3A_2244 : i32
        %get3A_2246 = arith.index_cast %add3A_2245 : i32 to index
        %get3A_2247 = tpu.vector_load %arg10[%get3A_2246] {strides = array<i32>} : memref<4096xf32, #tpu.memory_space<vmem>>, vector<16xf32>,
        %get3A_2248 = vector.shape_cast %get3A_2247 : vector<16xf32> to vector<16xf32>
        %swap3A_2249 = arith.constant 4 : i32
        %swap3A_2250 = arith.index_cast %swap3A_2249 : i32 to index
        %swap3A_2251 = arith.index_cast %rem3A_2171 : i32 to index
        %swap3A_2252 = arith.constant 80 : index
        %swap3A_2253 = tpu.vector_load %arg7[%swap3A_2250, %swap3A_2251, %swap3A_2252] {strides = array<i32>} : memref<6x128x128xf32, #tpu.memory_space<vmem>>, vector<1x1x16xf32>,
        %swap3A_2254 = vector.shape_cast %swap3A_2253 : vector<1x1x16xf32> to vector<16xf32>
        %swap3A_2255 = vector.shape_cast %get3A_2248 : vector<16xf32> to vector<1x1x16xf32>
        tpu.vector_store %arg7[%swap3A_2250, %swap3A_2251, %swap3A_2252], %swap3A_2255 {strides = array<i32>} : memref<6x128x128xf32, #tpu.memory_space<vmem>>, vector<1x1x16xf32>,
        %mul3A_2256 = arith.constant 128 : i32
        %mul3A_2257 = arith.muli %select_n3A_1864, %mul3A_2256 : i32
        %add3A_2258 = arith.constant 96 : i32
        %add3A_2259 = arith.addi %mul3A_2257, %add3A_2258 : i32
        %get3A_2260 = arith.index_cast %add3A_2259 : i32 to index
        %get3A_2261 = tpu.vector_load %arg10[%get3A_2260] {strides = array<i32>} : memref<4096xf32, #tpu.memory_space<vmem>>, vector<16xf32>,
        %get3A_2262 = vector.shape_cast %get3A_2261 : vector<16xf32> to vector<16xf32>
        %swap3A_2263 = arith.constant 4 : i32
        %swap3A_2264 = arith.index_cast %swap3A_2263 : i32 to index
        %swap3A_2265 = arith.index_cast %rem3A_2171 : i32 to index
        %swap3A_2266 = arith.constant 96 : index
        %swap3A_2267 = tpu.vector_load %arg7[%swap3A_2264, %swap3A_2265, %swap3A_2266] {strides = array<i32>} : memref<6x128x128xf32, #tpu.memory_space<vmem>>, vector<1x1x16xf32>,
        %swap3A_2268 = vector.shape_cast %swap3A_2267 : vector<1x1x16xf32> to vector<16xf32>
        %swap3A_2269 = vector.shape_cast %get3A_2262 : vector<16xf32> to vector<1x1x16xf32>
        tpu.vector_store %arg7[%swap3A_2264, %swap3A_2265, %swap3A_2266], %swap3A_2269 {strides = array<i32>} : memref<6x128x128xf32, #tpu.memory_space<vmem>>, vector<1x1x16xf32>,
        %mul3A_2270 = arith.constant 128 : i32
        %mul3A_2271 = arith.muli %select_n3A_1864, %mul3A_2270 : i32
        %add3A_2272 = arith.constant 112 : i32
        %add3A_2273 = arith.addi %mul3A_2271, %add3A_2272 : i32
        %get3A_2274 = arith.index_cast %add3A_2273 : i32 to index
        %get3A_2275 = tpu.vector_load %arg10[%get3A_2274] {strides = array<i32>} : memref<4096xf32, #tpu.memory_space<vmem>>, vector<16xf32>,
        %get3A_2276 = vector.shape_cast %get3A_2275 : vector<16xf32> to vector<16xf32>
        %swap3A_2277 = arith.constant 4 : i32
        %swap3A_2278 = arith.index_cast %swap3A_2277 : i32 to index
        %swap3A_2279 = arith.index_cast %rem3A_2171 : i32 to index
        %swap3A_2280 = arith.constant 112 : index
        %swap3A_2281 = tpu.vector_load %arg7[%swap3A_2278, %swap3A_2279, %swap3A_2280] {strides = array<i32>} : memref<6x128x128xf32, #tpu.memory_space<vmem>>, vector<1x1x16xf32>,
        %swap3A_2282 = vector.shape_cast %swap3A_2281 : vector<1x1x16xf32> to vector<16xf32>
        %swap3A_2283 = vector.shape_cast %get3A_2276 : vector<16xf32> to vector<1x1x16xf32>
        tpu.vector_store %arg7[%swap3A_2278, %swap3A_2279, %swap3A_2280], %swap3A_2283 {strides = array<i32>} : memref<6x128x128xf32, #tpu.memory_space<vmem>>, vector<1x1x16xf32>,
      } else {
      }
      %mul3A_1902 = arith.constant 128 : i32
      %mul3A_1903 = arith.muli %add3A_1821, %mul3A_1902 : i32
      %add3A_1904 = arith.addi %mul3A_4, %mul3A_1903 : i32
      %dma_start3A_1905 = arith.constant 4 : i32
      %dma_start3A_1906 = arith.constant 4 : i32
      %dma_start3A_1907 = arith.constant 0 : i32
      %dma_start3A_1908 = arith.constant 0 : i32
      %dma_start3A_1909 = tpu.memref_slice %arg7[%dma_start3A_1905, %dma_start3A_1907, %dma_start3A_1908] : memref<6x128x128xf32, #tpu.memory_space<vmem>> -> memref<1x128x128xf32, #tpu.memory_space<vmem>>
      %dma_start3A_1910 = tpu.memref_squeeze %dma_start3A_1909 : memref<1x128x128xf32, #tpu.memory_space<vmem>> -> memref<128x128xf32, #tpu.memory_space<vmem>>
      %dma_start3A_1911 = arith.constant 0 : i32
      %dma_start3A_1912 = tpu.memref_slice %arg5[%add3A_1904, %dma_start3A_1911] : memref<262144x128xf32, #tpu.memory_space<hbm>> -> memref<128x128xf32, #tpu.memory_space<hbm>>
      %dma_start3A_1913 = tpu.memref_slice %arg12[%dma_start3A_1906] : memref<6x!tpu.dma_semaphore, #tpu.memory_space<semaphore_mem>> -> memref<1x!tpu.dma_semaphore, #tpu.memory_space<semaphore_mem>>
      %dma_start3A_1914 = tpu.memref_squeeze %dma_start3A_1913 : memref<1x!tpu.dma_semaphore, #tpu.memory_space<semaphore_mem>> -> memref<!tpu.dma_semaphore, #tpu.memory_space<semaphore_mem>>
      %dma_start3A_1915 = arith.constant 0 : i32
      %dma_start3A_1916 = tpu.memref_slice %arg5[%add3A_1904, %dma_start3A_1915] : memref<262144x128xf32, #tpu.memory_space<hbm>> -> memref<128x128xf32, #tpu.memory_space<hbm>>
      %dma_start3A_1917 = arith.constant 0 : i32
      %dma_start3A_1918 = arith.constant 0 : i32
      %dma_start3A_1919 = tpu.memref_slice %arg7[%dma_start3A_1905, %dma_start3A_1917, %dma_start3A_1918] : memref<6x128x128xf32, #tpu.memory_space<vmem>> -> memref<1x128x128xf32, #tpu.memory_space<vmem>>
      %dma_start3A_1920 = tpu.memref_squeeze %dma_start3A_1919 : memref<1x128x128xf32, #tpu.memory_space<vmem>> -> memref<128x128xf32, #tpu.memory_space<vmem>>
      tpu.enqueue_dma source(%dma_start3A_1920 : memref<128x128xf32, #tpu.memory_space<vmem>>) target(%dma_start3A_1916 : memref<128x128xf32, #tpu.memory_space<hbm>>) target_semaphore(%dma_start3A_1914 : memref<!tpu.dma_semaphore, #tpu.memory_space<semaphore_mem>>)
      %sub3A_1921 = arith.constant 3 : i32
      %sub3A_1922 = arith.subi %add3A_1821, %sub3A_1921 : i32
      %sub3A_1923 = arith.constant 3 : i32
      %sub3A_1924 = arith.subi %add3A_1821, %sub3A_1923 : i32
      %jit3A_1925 = arith.constant 6 : i32
      %eq3A_1926 = arith.constant 0 : i32
      %eq3A_1927 = arith.cmpi eq, %jit3A_1925, %eq3A_1926 : i32
      %jit3A_1928 = arith.constant 1 : i32
      %select_n3A_1929 = arith.select %eq3A_1927, %jit3A_1928, %jit3A_1925 : i32
      %rem3A_1930 = arith.remsi %sub3A_1924, %select_n3A_1929 : i32
      %ne3A_1931 = arith.constant 0 : i32
      %ne3A_1932 = arith.cmpi ne, %rem3A_1930, %ne3A_1931 : i32
      %lt3A_1933 = arith.constant 0 : i32
      %lt3A_1934 = arith.cmpi slt, %rem3A_1930, %lt3A_1933 : i32
      %lt3A_1935 = arith.constant 0 : i32
      %lt3A_1936 = arith.cmpi slt, %select_n3A_1929, %lt3A_1935 : i32
      %ne3A_1937 = arith.xori %lt3A_1934, %lt3A_1936 : i1
      %and3A_1938 = arith.andi %ne3A_1937, %ne3A_1932 : i1
      %add3A_1939 = arith.addi %rem3A_1930, %select_n3A_1929 : i32
      %select_n3A_1940 = arith.select %and3A_1938, %add3A_1939, %rem3A_1930 : i32
      %mul3A_1941 = arith.constant 128 : i32
      %mul3A_1942 = arith.muli %sub3A_1922, %mul3A_1941 : i32
      %add3A_1943 = arith.addi %mul3A_4, %mul3A_1942 : i32
      %dma_wait3A_1944 = arith.constant 0 : i32
      %dma_wait3A_1945 = arith.constant 0 : i32
      %dma_wait3A_1946 = tpu.memref_slice %arg7[%select_n3A_1940, %dma_wait3A_1944, %dma_wait3A_1945] : memref<6x128x128xf32, #tpu.memory_space<vmem>> -> memref<1x128x128xf32, #tpu.memory_space<vmem>>
      %dma_wait3A_1947 = tpu.memref_squeeze %dma_wait3A_1946 : memref<1x128x128xf32, #tpu.memory_space<vmem>> -> memref<128x128xf32, #tpu.memory_space<vmem>>
      %dma_wait3A_1948 = arith.constant 0 : i32
      %dma_wait3A_1949 = tpu.memref_slice %arg5[%add3A_1943, %dma_wait3A_1948] : memref<262144x128xf32, #tpu.memory_space<hbm>> -> memref<128x128xf32, #tpu.memory_space<hbm>>
      %dma_wait3A_1950 = tpu.memref_slice %arg12[%select_n3A_1940] : memref<6x!tpu.dma_semaphore, #tpu.memory_space<semaphore_mem>> -> memref<1x!tpu.dma_semaphore, #tpu.memory_space<semaphore_mem>>
      %dma_wait3A_1951 = tpu.memref_squeeze %dma_wait3A_1950 : memref<1x!tpu.dma_semaphore, #tpu.memory_space<semaphore_mem>> -> memref<!tpu.dma_semaphore, #tpu.memory_space<semaphore_mem>>
      %dma_wait3A_1952 = arith.constant 0 : i32
      %dma_wait3A_1953 = tpu.memref_slice %arg5[%add3A_1943, %dma_wait3A_1952] : memref<262144x128xf32, #tpu.memory_space<hbm>> -> memref<128x128xf32, #tpu.memory_space<hbm>>
      %dma_wait3A_1954 = arith.constant 0 : i32
      %dma_wait3A_1955 = arith.constant 0 : i32
      %dma_wait3A_1956 = tpu.memref_slice %arg7[%select_n3A_1940, %dma_wait3A_1954, %dma_wait3A_1955] : memref<6x128x128xf32, #tpu.memory_space<vmem>> -> memref<1x128x128xf32, #tpu.memory_space<vmem>>
      %dma_wait3A_1957 = tpu.memref_squeeze %dma_wait3A_1956 : memref<1x128x128xf32, #tpu.memory_space<vmem>> -> memref<128x128xf32, #tpu.memory_space<vmem>>
      tpu.wait_dma2 semaphore(%dma_wait3A_1951 : memref<!tpu.dma_semaphore, #tpu.memory_space<semaphore_mem>>) src(%dma_wait3A_1957 : memref<128x128xf32, #tpu.memory_space<vmem>>) dst(%dma_wait3A_1953 : memref<128x128xf32, #tpu.memory_space<hbm>>)
      %add3A_1958 = arith.constant 3 : i32
      %add3A_1959 = arith.addi %add3A_1821, %add3A_1958 : i32
      %add3A_1960 = arith.constant 3 : i32
      %add3A_1961 = arith.addi %add3A_1821, %add3A_1960 : i32
      %jit3A_1962 = arith.constant 6 : i32
      %eq3A_1963 = arith.constant 0 : i32
      %eq3A_1964 = arith.cmpi eq, %jit3A_1962, %eq3A_1963 : i32
      %jit3A_1965 = arith.constant 1 : i32
      %select_n3A_1966 = arith.select %eq3A_1964, %jit3A_1965, %jit3A_1962 : i32
      %rem3A_1967 = arith.remsi %add3A_1961, %select_n3A_1966 : i32
      %ne3A_1968 = arith.constant 0 : i32
      %ne3A_1969 = arith.cmpi ne, %rem3A_1967, %ne3A_1968 : i32
      %lt3A_1970 = arith.constant 0 : i32
      %lt3A_1971 = arith.cmpi slt, %rem3A_1967, %lt3A_1970 : i32
      %lt3A_1972 = arith.constant 0 : i32
      %lt3A_1973 = arith.cmpi slt, %select_n3A_1966, %lt3A_1972 : i32
      %ne3A_1974 = arith.xori %lt3A_1971, %lt3A_1973 : i1
      %and3A_1975 = arith.andi %ne3A_1974, %ne3A_1969 : i1
      %add3A_1976 = arith.addi %rem3A_1967, %select_n3A_1966 : i32
      %select_n3A_1977 = arith.select %and3A_1975, %add3A_1976, %rem3A_1967 : i32
      %mul3A_1978 = arith.constant 128 : i32
      %mul3A_1979 = arith.muli %add3A_1959, %mul3A_1978 : i32
      %add3A_1980 = arith.addi %mul3A_4, %mul3A_1979 : i32
      %dma_start3A_1981 = arith.constant 0 : i32
      %dma_start3A_1982 = arith.constant 0 : i32
      %dma_start3A_1983 = tpu.memref_slice %arg7[%select_n3A_1977, %dma_start3A_1981, %dma_start3A_1982] : memref<6x128x128xf32, #tpu.memory_space<vmem>> -> memref<1x128x128xf32, #tpu.memory_space<vmem>>
      %dma_start3A_1984 = tpu.memref_squeeze %dma_start3A_1983 : memref<1x128x128xf32, #tpu.memory_space<vmem>> -> memref<128x128xf32, #tpu.memory_space<vmem>>
      %dma_start3A_1985 = arith.constant 0 : i32
      %dma_start3A_1986 = tpu.memref_slice %arg3[%add3A_1980, %dma_start3A_1985] : memref<262144x128xf32, #tpu.memory_space<hbm>> -> memref<128x128xf32, #tpu.memory_space<hbm>>
      %dma_start3A_1987 = tpu.memref_slice %arg11[%select_n3A_1977] : memref<6x!tpu.dma_semaphore, #tpu.memory_space<semaphore_mem>> -> memref<1x!tpu.dma_semaphore, #tpu.memory_space<semaphore_mem>>
      %dma_start3A_1988 = tpu.memref_squeeze %dma_start3A_1987 : memref<1x!tpu.dma_semaphore, #tpu.memory_space<semaphore_mem>> -> memref<!tpu.dma_semaphore, #tpu.memory_space<semaphore_mem>>
      %dma_start3A_1989 = arith.constant 0 : i32
      %dma_start3A_1990 = arith.constant 0 : i32
      %dma_start3A_1991 = tpu.memref_slice %arg7[%select_n3A_1977, %dma_start3A_1989, %dma_start3A_1990] : memref<6x128x128xf32, #tpu.memory_space<vmem>> -> memref<1x128x128xf32, #tpu.memory_space<vmem>>
      %dma_start3A_1992 = tpu.memref_squeeze %dma_start3A_1991 : memref<1x128x128xf32, #tpu.memory_space<vmem>> -> memref<128x128xf32, #tpu.memory_space<vmem>>
      %dma_start3A_1993 = arith.constant 0 : i32
      %dma_start3A_1994 = tpu.memref_slice %arg3[%add3A_1980, %dma_start3A_1993] : memref<262144x128xf32, #tpu.memory_space<hbm>> -> memref<128x128xf32, #tpu.memory_space<hbm>>
      tpu.enqueue_dma source(%dma_start3A_1994 : memref<128x128xf32, #tpu.memory_space<hbm>>) target(%dma_start3A_1992 : memref<128x128xf32, #tpu.memory_space<vmem>>) target_semaphore(%dma_start3A_1988 : memref<!tpu.dma_semaphore, #tpu.memory_space<semaphore_mem>>)
      %add3A_1995 = arith.constant 5 : i32
      %add3A_1996 = arith.addi %mul3A_1120, %add3A_1995 : i32
      %mul3A_1997 = arith.constant 128 : i32
      %mul3A_1998 = arith.muli %add3A_1996, %mul3A_1997 : i32
      %add3A_1999 = arith.addi %mul3A_4, %mul3A_1998 : i32
      %dma_wait3A_2000 = arith.constant 5 : i32
      %dma_wait3A_2001 = arith.constant 5 : i32
      %dma_wait3A_2002 = arith.constant 0 : i32
      %dma_wait3A_2003 = arith.constant 0 : i32
      %dma_wait3A_2004 = tpu.memref_slice %arg7[%dma_wait3A_2000, %dma_wait3A_2002, %dma_wait3A_2003] : memref<6x128x128xf32, #tpu.memory_space<vmem>> -> memref<1x128x128xf32, #tpu.memory_space<vmem>>
      %dma_wait3A_2005 = tpu.memref_squeeze %dma_wait3A_2004 : memref<1x128x128xf32, #tpu.memory_space<vmem>> -> memref<128x128xf32, #tpu.memory_space<vmem>>
      %dma_wait3A_2006 = arith.constant 0 : i32
      %dma_wait3A_2007 = tpu.memref_slice %arg3[%add3A_1999, %dma_wait3A_2006] : memref<262144x128xf32, #tpu.memory_space<hbm>> -> memref<128x128xf32, #tpu.memory_space<hbm>>
      %dma_wait3A_2008 = tpu.memref_slice %arg11[%dma_wait3A_2001] : memref<6x!tpu.dma_semaphore, #tpu.memory_space<semaphore_mem>> -> memref<1x!tpu.dma_semaphore, #tpu.memory_space<semaphore_mem>>
      %dma_wait3A_2009 = tpu.memref_squeeze %dma_wait3A_2008 : memref<1x!tpu.dma_semaphore, #tpu.memory_space<semaphore_mem>> -> memref<!tpu.dma_semaphore, #tpu.memory_space<semaphore_mem>>
      %dma_wait3A_2010 = arith.constant 0 : i32
      %dma_wait3A_2011 = arith.constant 0 : i32
      %dma_wait3A_2012 = tpu.memref_slice %arg7[%dma_wait3A_2000, %dma_wait3A_2010, %dma_wait3A_2011] : memref<6x128x128xf32, #tpu.memory_space<vmem>> -> memref<1x128x128xf32, #tpu.memory_space<vmem>>
      %dma_wait3A_2013 = tpu.memref_squeeze %dma_wait3A_2012 : memref<1x128x128xf32, #tpu.memory_space<vmem>> -> memref<128x128xf32, #tpu.memory_space<vmem>>
      %dma_wait3A_2014 = arith.constant 0 : i32
      %dma_wait3A_2015 = tpu.memref_slice %arg3[%add3A_1999, %dma_wait3A_2014] : memref<262144x128xf32, #tpu.memory_space<hbm>> -> memref<128x128xf32, #tpu.memory_space<hbm>>
      tpu.wait_dma2 semaphore(%dma_wait3A_2009 : memref<!tpu.dma_semaphore, #tpu.memory_space<semaphore_mem>>) src(%dma_wait3A_2015 : memref<128x128xf32, #tpu.memory_space<hbm>>) dst(%dma_wait3A_2013 : memref<128x128xf32, #tpu.memory_space<vmem>>)
      %jit3A_2016 = arith.constant 2 : i32
      %div3A_2017 = arith.divsi %add3A_1996, %jit3A_2016 : i32
      %sign3A_2018 = arith.constant 0 : i32
      %sign3A_2019 = arith.cmpi sgt, %add3A_1996, %sign3A_2018 : i32
      %sign3A_2020 = arith.extui %sign3A_2019 : i1 to i32
      %sign3A_2021 = arith.constant 0 : i32
      %sign3A_2022 = arith.cmpi slt, %add3A_1996, %sign3A_2021 : i32
      %sign3A_2023 = arith.extui %sign3A_2022 : i1 to i32
      %sign3A_2024 = arith.subi %sign3A_2020, %sign3A_2023 : i32
      %sign3A_2025 = arith.constant 0 : i32
      %sign3A_2026 = arith.cmpi sgt, %jit3A_2016, %sign3A_2025 : i32
      %sign3A_2027 = arith.extui %sign3A_2026 : i1 to i32
      %sign3A_2028 = arith.constant 0 : i32
      %sign3A_2029 = arith.cmpi slt, %jit3A_2016, %sign3A_2028 : i32
      %sign3A_2030 = arith.extui %sign3A_2029 : i1 to i32
      %sign3A_2031 = arith.subi %sign3A_2027, %sign3A_2030 : i32
      %ne3A_2032 = arith.cmpi ne, %sign3A_2024, %sign3A_2031 : i32
      %rem3A_2033 = arith.remsi %add3A_1996, %jit3A_2016 : i32
      %ne3A_2034 = arith.constant 0 : i32
      %ne3A_2035 = arith.cmpi ne, %rem3A_2033, %ne3A_2034 : i32
      %and3A_2036 = arith.andi %ne3A_2032, %ne3A_2035 : i1
      %sub3A_2037 = arith.constant 1 : i32
      %sub3A_2038 = arith.subi %div3A_2017, %sub3A_2037 : i32
      %select_n3A_2039 = arith.select %and3A_2036, %sub3A_2038, %div3A_2017 : i32
      %get3A_2040 = arith.index_cast %select_n3A_2039 : i32 to index
      %get3A_2041 = tpu.vector_load %arg8[%get3A_2040] {strides = array<i32>} : memref<48xi32, #tpu.memory_space<vmem>>, vector<16xi32>,
      %get3A_2042 = vector.shape_cast %get3A_2041 : vector<16xi32> to vector<16xi32>
      %slice3A_2043 = vector.extract_strided_slice %get3A_2042 {offsets = [0], sizes = [1], strides = [1]} : vector<16xi32> to vector<1xi32>
      %squeeze3A_2044 = vector.extract %slice3A_2043[0] : i32 from vector<1xi32>
      %rem3A_2045 = arith.constant 256 : i32
      %rem3A_2046 = arith.remsi %squeeze3A_2044, %rem3A_2045 : i32
      %jit3A_2047 = arith.constant 128 : i32
      %div3A_2048 = arith.divsi %rem3A_2046, %jit3A_2047 : i32
      %sign3A_2049 = arith.constant 0 : i32
      %sign3A_2050 = arith.cmpi sgt, %rem3A_2046, %sign3A_2049 : i32
      %sign3A_2051 = arith.extui %sign3A_2050 : i1 to i32
      %sign3A_2052 = arith.constant 0 : i32
      %sign3A_2053 = arith.cmpi slt, %rem3A_2046, %sign3A_2052 : i32
      %sign3A_2054 = arith.extui %sign3A_2053 : i1 to i32
      %sign3A_2055 = arith.subi %sign3A_2051, %sign3A_2054 : i32
      %sign3A_2056 = arith.constant 0 : i32
      %sign3A_2057 = arith.cmpi sgt, %jit3A_2047, %sign3A_2056 : i32
      %sign3A_2058 = arith.extui %sign3A_2057 : i1 to i32
      %sign3A_2059 = arith.constant 0 : i32
      %sign3A_2060 = arith.cmpi slt, %jit3A_2047, %sign3A_2059 : i32
      %sign3A_2061 = arith.extui %sign3A_2060 : i1 to i32
      %sign3A_2062 = arith.subi %sign3A_2058, %sign3A_2061 : i32
      %ne3A_2063 = arith.cmpi ne, %sign3A_2055, %sign3A_2062 : i32
      %rem3A_2064 = arith.remsi %rem3A_2046, %jit3A_2047 : i32
      %ne3A_2065 = arith.constant 0 : i32
      %ne3A_2066 = arith.cmpi ne, %rem3A_2064, %ne3A_2065 : i32
      %and3A_2067 = arith.andi %ne3A_2063, %ne3A_2066 : i1
      %sub3A_2068 = arith.constant 1 : i32
      %sub3A_2069 = arith.subi %div3A_2048, %sub3A_2068 : i32
      %select_n3A_2070 = arith.select %and3A_2067, %sub3A_2069, %div3A_2048 : i32
      %rem3A_2071 = arith.constant 2 : i32
      %rem3A_2072 = arith.remsi %add3A_1996, %rem3A_2071 : i32
      %eq3A_2073 = arith.cmpi eq, %select_n3A_2070, %rem3A_2072 : i32
      %convert_element_type3A_2074 = arith.extui %eq3A_2073 : i1 to i32
      %cond3A_2075 = arith.constant 0 : i32
      %cond3A_2076 = arith.cmpi ne, %convert_element_type3A_2074, %cond3A_2075 : i32
      scf.if %cond3A_2076 {
        %rem3A_2170 = arith.constant 128 : i32
        %rem3A_2171 = arith.remsi %rem3A_2046, %rem3A_2170 : i32
        %mul3A_2172 = arith.constant 128 : i32
        %mul3A_2173 = arith.muli %select_n3A_2039, %mul3A_2172 : i32
        %add3A_2174 = arith.constant 0 : i32
        %add3A_2175 = arith.addi %mul3A_2173, %add3A_2174 : i32
        %get3A_2176 = arith.index_cast %add3A_2175 : i32 to index
        %get3A_2177 = tpu.vector_load %arg10[%get3A_2176] {strides = array<i32>} : memref<4096xf32, #tpu.memory_space<vmem>>, vector<16xf32>,
        %get3A_2178 = vector.shape_cast %get3A_2177 : vector<16xf32> to vector<16xf32>
        %swap3A_2179 = arith.constant 5 : i32
        %swap3A_2180 = arith.index_cast %swap3A_2179 : i32 to index
        %swap3A_2181 = arith.index_cast %rem3A_2171 : i32 to index
        %swap3A_2182 = arith.constant 0 : index
        %swap3A_2183 = tpu.vector_load %arg7[%swap3A_2180, %swap3A_2181, %swap3A_2182] {strides = array<i32>} : memref<6x128x128xf32, #tpu.memory_space<vmem>>, vector<1x1x16xf32>,
        %swap3A_2184 = vector.shape_cast %swap3A_2183 : vector<1x1x16xf32> to vector<16xf32>
        %swap3A_2185 = vector.shape_cast %get3A_2178 : vector<16xf32> to vector<1x1x16xf32>
        tpu.vector_store %arg7[%swap3A_2180, %swap3A_2181, %swap3A_2182], %swap3A_2185 {strides = array<i32>} : memref<6x128x128xf32, #tpu.memory_space<vmem>>, vector<1x1x16xf32>,
        %mul3A_2186 = arith.constant 128 : i32
        %mul3A_2187 = arith.muli %select_n3A_2039, %mul3A_2186 : i32
        %add3A_2188 = arith.constant 16 : i32
        %add3A_2189 = arith.addi %mul3A_2187, %add3A_2188 : i32
        %get3A_2190 = arith.index_cast %add3A_2189 : i32 to index
        %get3A_2191 = tpu.vector_load %arg10[%get3A_2190] {strides = array<i32>} : memref<4096xf32, #tpu.memory_space<vmem>>, vector<16xf32>,
        %get3A_2192 = vector.shape_cast %get3A_2191 : vector<16xf32> to vector<16xf32>
        %swap3A_2193 = arith.constant 5 : i32
        %swap3A_2194 = arith.index_cast %swap3A_2193 : i32 to index
        %swap3A_2195 = arith.index_cast %rem3A_2171 : i32 to index
        %swap3A_2196 = arith.constant 16 : index
        %swap3A_2197 = tpu.vector_load %arg7[%swap3A_2194, %swap3A_2195, %swap3A_2196] {strides = array<i32>} : memref<6x128x128xf32, #tpu.memory_space<vmem>>, vector<1x1x16xf32>,
        %swap3A_2198 = vector.shape_cast %swap3A_2197 : vector<1x1x16xf32> to vector<16xf32>
        %swap3A_2199 = vector.shape_cast %get3A_2192 : vector<16xf32> to vector<1x1x16xf32>
        tpu.vector_store %arg7[%swap3A_2194, %swap3A_2195, %swap3A_2196], %swap3A_2199 {strides = array<i32>} : memref<6x128x128xf32, #tpu.memory_space<vmem>>, vector<1x1x16xf32>,
        %mul3A_2200 = arith.constant 128 : i32
        %mul3A_2201 = arith.muli %select_n3A_2039, %mul3A_2200 : i32
        %add3A_2202 = arith.constant 32 : i32
        %add3A_2203 = arith.addi %mul3A_2201, %add3A_2202 : i32
        %get3A_2204 = arith.index_cast %add3A_2203 : i32 to index
        %get3A_2205 = tpu.vector_load %arg10[%get3A_2204] {strides = array<i32>} : memref<4096xf32, #tpu.memory_space<vmem>>, vector<16xf32>,
        %get3A_2206 = vector.shape_cast %get3A_2205 : vector<16xf32> to vector<16xf32>
        %swap3A_2207 = arith.constant 5 : i32
        %swap3A_2208 = arith.index_cast %swap3A_2207 : i32 to index
        %swap3A_2209 = arith.index_cast %rem3A_2171 : i32 to index
        %swap3A_2210 = arith.constant 32 : index
        %swap3A_2211 = tpu.vector_load %arg7[%swap3A_2208, %swap3A_2209, %swap3A_2210] {strides = array<i32>} : memref<6x128x128xf32, #tpu.memory_space<vmem>>, vector<1x1x16xf32>,
        %swap3A_2212 = vector.shape_cast %swap3A_2211 : vector<1x1x16xf32> to vector<16xf32>
        %swap3A_2213 = vector.shape_cast %get3A_2206 : vector<16xf32> to vector<1x1x16xf32>
        tpu.vector_store %arg7[%swap3A_2208, %swap3A_2209, %swap3A_2210], %swap3A_2213 {strides = array<i32>} : memref<6x128x128xf32, #tpu.memory_space<vmem>>, vector<1x1x16xf32>,
        %mul3A_2214 = arith.constant 128 : i32
        %mul3A_2215 = arith.muli %select_n3A_2039, %mul3A_2214 : i32
        %add3A_2216 = arith.constant 48 : i32
        %add3A_2217 = arith.addi %mul3A_2215, %add3A_2216 : i32
        %get3A_2218 = arith.index_cast %add3A_2217 : i32 to index
        %get3A_2219 = tpu.vector_load %arg10[%get3A_2218] {strides = array<i32>} : memref<4096xf32, #tpu.memory_space<vmem>>, vector<16xf32>,
        %get3A_2220 = vector.shape_cast %get3A_2219 : vector<16xf32> to vector<16xf32>
        %swap3A_2221 = arith.constant 5 : i32
        %swap3A_2222 = arith.index_cast %swap3A_2221 : i32 to index
        %swap3A_2223 = arith.index_cast %rem3A_2171 : i32 to index
        %swap3A_2224 = arith.constant 48 : index
        %swap3A_2225 = tpu.vector_load %arg7[%swap3A_2222, %swap3A_2223, %swap3A_2224] {strides = array<i32>} : memref<6x128x128xf32, #tpu.memory_space<vmem>>, vector<1x1x16xf32>,
        %swap3A_2226 = vector.shape_cast %swap3A_2225 : vector<1x1x16xf32> to vector<16xf32>
        %swap3A_2227 = vector.shape_cast %get3A_2220 : vector<16xf32> to vector<1x1x16xf32>
        tpu.vector_store %arg7[%swap3A_2222, %swap3A_2223, %swap3A_2224], %swap3A_2227 {strides = array<i32>} : memref<6x128x128xf32, #tpu.memory_space<vmem>>, vector<1x1x16xf32>,
        %mul3A_2228 = arith.constant 128 : i32
        %mul3A_2229 = arith.muli %select_n3A_2039, %mul3A_2228 : i32
        %add3A_2230 = arith.constant 64 : i32
        %add3A_2231 = arith.addi %mul3A_2229, %add3A_2230 : i32
        %get3A_2232 = arith.index_cast %add3A_2231 : i32 to index
        %get3A_2233 = tpu.vector_load %arg10[%get3A_2232] {strides = array<i32>} : memref<4096xf32, #tpu.memory_space<vmem>>, vector<16xf32>,
        %get3A_2234 = vector.shape_cast %get3A_2233 : vector<16xf32> to vector<16xf32>
        %swap3A_2235 = arith.constant 5 : i32
        %swap3A_2236 = arith.index_cast %swap3A_2235 : i32 to index
        %swap3A_2237 = arith.index_cast %rem3A_2171 : i32 to index
        %swap3A_2238 = arith.constant 64 : index
        %swap3A_2239 = tpu.vector_load %arg7[%swap3A_2236, %swap3A_2237, %swap3A_2238] {strides = array<i32>} : memref<6x128x128xf32, #tpu.memory_space<vmem>>, vector<1x1x16xf32>,
        %swap3A_2240 = vector.shape_cast %swap3A_2239 : vector<1x1x16xf32> to vector<16xf32>
        %swap3A_2241 = vector.shape_cast %get3A_2234 : vector<16xf32> to vector<1x1x16xf32>
        tpu.vector_store %arg7[%swap3A_2236, %swap3A_2237, %swap3A_2238], %swap3A_2241 {strides = array<i32>} : memref<6x128x128xf32, #tpu.memory_space<vmem>>, vector<1x1x16xf32>,
        %mul3A_2242 = arith.constant 128 : i32
        %mul3A_2243 = arith.muli %select_n3A_2039, %mul3A_2242 : i32
        %add3A_2244 = arith.constant 80 : i32
        %add3A_2245 = arith.addi %mul3A_2243, %add3A_2244 : i32
        %get3A_2246 = arith.index_cast %add3A_2245 : i32 to index
        %get3A_2247 = tpu.vector_load %arg10[%get3A_2246] {strides = array<i32>} : memref<4096xf32, #tpu.memory_space<vmem>>, vector<16xf32>,
        %get3A_2248 = vector.shape_cast %get3A_2247 : vector<16xf32> to vector<16xf32>
        %swap3A_2249 = arith.constant 5 : i32
        %swap3A_2250 = arith.index_cast %swap3A_2249 : i32 to index
        %swap3A_2251 = arith.index_cast %rem3A_2171 : i32 to index
        %swap3A_2252 = arith.constant 80 : index
        %swap3A_2253 = tpu.vector_load %arg7[%swap3A_2250, %swap3A_2251, %swap3A_2252] {strides = array<i32>} : memref<6x128x128xf32, #tpu.memory_space<vmem>>, vector<1x1x16xf32>,
        %swap3A_2254 = vector.shape_cast %swap3A_2253 : vector<1x1x16xf32> to vector<16xf32>
        %swap3A_2255 = vector.shape_cast %get3A_2248 : vector<16xf32> to vector<1x1x16xf32>
        tpu.vector_store %arg7[%swap3A_2250, %swap3A_2251, %swap3A_2252], %swap3A_2255 {strides = array<i32>} : memref<6x128x128xf32, #tpu.memory_space<vmem>>, vector<1x1x16xf32>,
        %mul3A_2256 = arith.constant 128 : i32
        %mul3A_2257 = arith.muli %select_n3A_2039, %mul3A_2256 : i32
        %add3A_2258 = arith.constant 96 : i32
        %add3A_2259 = arith.addi %mul3A_2257, %add3A_2258 : i32
        %get3A_2260 = arith.index_cast %add3A_2259 : i32 to index
        %get3A_2261 = tpu.vector_load %arg10[%get3A_2260] {strides = array<i32>} : memref<4096xf32, #tpu.memory_space<vmem>>, vector<16xf32>,
        %get3A_2262 = vector.shape_cast %get3A_2261 : vector<16xf32> to vector<16xf32>
        %swap3A_2263 = arith.constant 5 : i32
        %swap3A_2264 = arith.index_cast %swap3A_2263 : i32 to index
        %swap3A_2265 = arith.index_cast %rem3A_2171 : i32 to index
        %swap3A_2266 = arith.constant 96 : index
        %swap3A_2267 = tpu.vector_load %arg7[%swap3A_2264, %swap3A_2265, %swap3A_2266] {strides = array<i32>} : memref<6x128x128xf32, #tpu.memory_space<vmem>>, vector<1x1x16xf32>,
        %swap3A_2268 = vector.shape_cast %swap3A_2267 : vector<1x1x16xf32> to vector<16xf32>
        %swap3A_2269 = vector.shape_cast %get3A_2262 : vector<16xf32> to vector<1x1x16xf32>
        tpu.vector_store %arg7[%swap3A_2264, %swap3A_2265, %swap3A_2266], %swap3A_2269 {strides = array<i32>} : memref<6x128x128xf32, #tpu.memory_space<vmem>>, vector<1x1x16xf32>,
        %mul3A_2270 = arith.constant 128 : i32
        %mul3A_2271 = arith.muli %select_n3A_2039, %mul3A_2270 : i32
        %add3A_2272 = arith.constant 112 : i32
        %add3A_2273 = arith.addi %mul3A_2271, %add3A_2272 : i32
        %get3A_2274 = arith.index_cast %add3A_2273 : i32 to index
        %get3A_2275 = tpu.vector_load %arg10[%get3A_2274] {strides = array<i32>} : memref<4096xf32, #tpu.memory_space<vmem>>, vector<16xf32>,
        %get3A_2276 = vector.shape_cast %get3A_2275 : vector<16xf32> to vector<16xf32>
        %swap3A_2277 = arith.constant 5 : i32
        %swap3A_2278 = arith.index_cast %swap3A_2277 : i32 to index
        %swap3A_2279 = arith.index_cast %rem3A_2171 : i32 to index
        %swap3A_2280 = arith.constant 112 : index
        %swap3A_2281 = tpu.vector_load %arg7[%swap3A_2278, %swap3A_2279, %swap3A_2280] {strides = array<i32>} : memref<6x128x128xf32, #tpu.memory_space<vmem>>, vector<1x1x16xf32>,
        %swap3A_2282 = vector.shape_cast %swap3A_2281 : vector<1x1x16xf32> to vector<16xf32>
        %swap3A_2283 = vector.shape_cast %get3A_2276 : vector<16xf32> to vector<1x1x16xf32>
        tpu.vector_store %arg7[%swap3A_2278, %swap3A_2279, %swap3A_2280], %swap3A_2283 {strides = array<i32>} : memref<6x128x128xf32, #tpu.memory_space<vmem>>, vector<1x1x16xf32>,
      } else {
      }
      %mul3A_2077 = arith.constant 128 : i32
      %mul3A_2078 = arith.muli %add3A_1996, %mul3A_2077 : i32
      %add3A_2079 = arith.addi %mul3A_4, %mul3A_2078 : i32
      %dma_start3A_2080 = arith.constant 5 : i32
      %dma_start3A_2081 = arith.constant 5 : i32
      %dma_start3A_2082 = arith.constant 0 : i32
      %dma_start3A_2083 = arith.constant 0 : i32
      %dma_start3A_2084 = tpu.memref_slice %arg7[%dma_start3A_2080, %dma_start3A_2082, %dma_start3A_2083] : memref<6x128x128xf32, #tpu.memory_space<vmem>> -> memref<1x128x128xf32, #tpu.memory_space<vmem>>
      %dma_start3A_2085 = tpu.memref_squeeze %dma_start3A_2084 : memref<1x128x128xf32, #tpu.memory_space<vmem>> -> memref<128x128xf32, #tpu.memory_space<vmem>>
      %dma_start3A_2086 = arith.constant 0 : i32
      %dma_start3A_2087 = tpu.memref_slice %arg5[%add3A_2079, %dma_start3A_2086] : memref<262144x128xf32, #tpu.memory_space<hbm>> -> memref<128x128xf32, #tpu.memory_space<hbm>>
      %dma_start3A_2088 = tpu.memref_slice %arg12[%dma_start3A_2081] : memref<6x!tpu.dma_semaphore, #tpu.memory_space<semaphore_mem>> -> memref<1x!tpu.dma_semaphore, #tpu.memory_space<semaphore_mem>>
      %dma_start3A_2089 = tpu.memref_squeeze %dma_start3A_2088 : memref<1x!tpu.dma_semaphore, #tpu.memory_space<semaphore_mem>> -> memref<!tpu.dma_semaphore, #tpu.memory_space<semaphore_mem>>
      %dma_start3A_2090 = arith.constant 0 : i32
      %dma_start3A_2091 = tpu.memref_slice %arg5[%add3A_2079, %dma_start3A_2090] : memref<262144x128xf32, #tpu.memory_space<hbm>> -> memref<128x128xf32, #tpu.memory_space<hbm>>
      %dma_start3A_2092 = arith.constant 0 : i32
      %dma_start3A_2093 = arith.constant 0 : i32
      %dma_start3A_2094 = tpu.memref_slice %arg7[%dma_start3A_2080, %dma_start3A_2092, %dma_start3A_2093] : memref<6x128x128xf32, #tpu.memory_space<vmem>> -> memref<1x128x128xf32, #tpu.memory_space<vmem>>
      %dma_start3A_2095 = tpu.memref_squeeze %dma_start3A_2094 : memref<1x128x128xf32, #tpu.memory_space<vmem>> -> memref<128x128xf32, #tpu.memory_space<vmem>>
      tpu.enqueue_dma source(%dma_start3A_2095 : memref<128x128xf32, #tpu.memory_space<vmem>>) target(%dma_start3A_2091 : memref<128x128xf32, #tpu.memory_space<hbm>>) target_semaphore(%dma_start3A_2089 : memref<!tpu.dma_semaphore, #tpu.memory_space<semaphore_mem>>)
      %sub3A_2096 = arith.constant 3 : i32
      %sub3A_2097 = arith.subi %add3A_1996, %sub3A_2096 : i32
      %sub3A_2098 = arith.constant 3 : i32
      %sub3A_2099 = arith.subi %add3A_1996, %sub3A_2098 : i32
      %jit3A_2100 = arith.constant 6 : i32
      %eq3A_2101 = arith.constant 0 : i32
      %eq3A_2102 = arith.cmpi eq, %jit3A_2100, %eq3A_2101 : i32
      %jit3A_2103 = arith.constant 1 : i32
      %select_n3A_2104 = arith.select %eq3A_2102, %jit3A_2103, %jit3A_2100 : i32
      %rem3A_2105 = arith.remsi %sub3A_2099, %select_n3A_2104 : i32
      %ne3A_2106 = arith.constant 0 : i32
      %ne3A_2107 = arith.cmpi ne, %rem3A_2105, %ne3A_2106 : i32
      %lt3A_2108 = arith.constant 0 : i32
      %lt3A_2109 = arith.cmpi slt, %rem3A_2105, %lt3A_2108 : i32
      %lt3A_2110 = arith.constant 0 : i32
      %lt3A_2111 = arith.cmpi slt, %select_n3A_2104, %lt3A_2110 : i32
      %ne3A_2112 = arith.xori %lt3A_2109, %lt3A_2111 : i1
      %and3A_2113 = arith.andi %ne3A_2112, %ne3A_2107 : i1
      %add3A_2114 = arith.addi %rem3A_2105, %select_n3A_2104 : i32
      %select_n3A_2115 = arith.select %and3A_2113, %add3A_2114, %rem3A_2105 : i32
      %mul3A_2116 = arith.constant 128 : i32
      %mul3A_2117 = arith.muli %sub3A_2097, %mul3A_2116 : i32
      %add3A_2118 = arith.addi %mul3A_4, %mul3A_2117 : i32
      %dma_wait3A_2119 = arith.constant 0 : i32
      %dma_wait3A_2120 = arith.constant 0 : i32
      %dma_wait3A_2121 = tpu.memref_slice %arg7[%select_n3A_2115, %dma_wait3A_2119, %dma_wait3A_2120] : memref<6x128x128xf32, #tpu.memory_space<vmem>> -> memref<1x128x128xf32, #tpu.memory_space<vmem>>
      %dma_wait3A_2122 = tpu.memref_squeeze %dma_wait3A_2121 : memref<1x128x128xf32, #tpu.memory_space<vmem>> -> memref<128x128xf32, #tpu.memory_space<vmem>>
      %dma_wait3A_2123 = arith.constant 0 : i32
      %dma_wait3A_2124 = tpu.memref_slice %arg5[%add3A_2118, %dma_wait3A_2123] : memref<262144x128xf32, #tpu.memory_space<hbm>> -> memref<128x128xf32, #tpu.memory_space<hbm>>
      %dma_wait3A_2125 = tpu.memref_slice %arg12[%select_n3A_2115] : memref<6x!tpu.dma_semaphore, #tpu.memory_space<semaphore_mem>> -> memref<1x!tpu.dma_semaphore, #tpu.memory_space<semaphore_mem>>
      %dma_wait3A_2126 = tpu.memref_squeeze %dma_wait3A_2125 : memref<1x!tpu.dma_semaphore, #tpu.memory_space<semaphore_mem>> -> memref<!tpu.dma_semaphore, #tpu.memory_space<semaphore_mem>>
      %dma_wait3A_2127 = arith.constant 0 : i32
      %dma_wait3A_2128 = tpu.memref_slice %arg5[%add3A_2118, %dma_wait3A_2127] : memref<262144x128xf32, #tpu.memory_space<hbm>> -> memref<128x128xf32, #tpu.memory_space<hbm>>
      %dma_wait3A_2129 = arith.constant 0 : i32
      %dma_wait3A_2130 = arith.constant 0 : i32
      %dma_wait3A_2131 = tpu.memref_slice %arg7[%select_n3A_2115, %dma_wait3A_2129, %dma_wait3A_2130] : memref<6x128x128xf32, #tpu.memory_space<vmem>> -> memref<1x128x128xf32, #tpu.memory_space<vmem>>
      %dma_wait3A_2132 = tpu.memref_squeeze %dma_wait3A_2131 : memref<1x128x128xf32, #tpu.memory_space<vmem>> -> memref<128x128xf32, #tpu.memory_space<vmem>>
      tpu.wait_dma2 semaphore(%dma_wait3A_2126 : memref<!tpu.dma_semaphore, #tpu.memory_space<semaphore_mem>>) src(%dma_wait3A_2132 : memref<128x128xf32, #tpu.memory_space<vmem>>) dst(%dma_wait3A_2128 : memref<128x128xf32, #tpu.memory_space<hbm>>)
      %add3A_2133 = arith.constant 3 : i32
      %add3A_2134 = arith.addi %add3A_1996, %add3A_2133 : i32
      %add3A_2135 = arith.constant 3 : i32
      %add3A_2136 = arith.addi %add3A_1996, %add3A_2135 : i32
      %jit3A_2137 = arith.constant 6 : i32
      %eq3A_2138 = arith.constant 0 : i32
      %eq3A_2139 = arith.cmpi eq, %jit3A_2137, %eq3A_2138 : i32
      %jit3A_2140 = arith.constant 1 : i32
      %select_n3A_2141 = arith.select %eq3A_2139, %jit3A_2140, %jit3A_2137 : i32
      %rem3A_2142 = arith.remsi %add3A_2136, %select_n3A_2141 : i32
      %ne3A_2143 = arith.constant 0 : i32
      %ne3A_2144 = arith.cmpi ne, %rem3A_2142, %ne3A_2143 : i32
      %lt3A_2145 = arith.constant 0 : i32
      %lt3A_2146 = arith.cmpi slt, %rem3A_2142, %lt3A_2145 : i32
      %lt3A_2147 = arith.constant 0 : i32
      %lt3A_2148 = arith.cmpi slt, %select_n3A_2141, %lt3A_2147 : i32
      %ne3A_2149 = arith.xori %lt3A_2146, %lt3A_2148 : i1
      %and3A_2150 = arith.andi %ne3A_2149, %ne3A_2144 : i1
      %add3A_2151 = arith.addi %rem3A_2142, %select_n3A_2141 : i32
      %select_n3A_2152 = arith.select %and3A_2150, %add3A_2151, %rem3A_2142 : i32
      %mul3A_2153 = arith.constant 128 : i32
      %mul3A_2154 = arith.muli %add3A_2134, %mul3A_2153 : i32
      %add3A_2155 = arith.addi %mul3A_4, %mul3A_2154 : i32
      %dma_start3A_2156 = arith.constant 0 : i32
      %dma_start3A_2157 = arith.constant 0 : i32
      %dma_start3A_2158 = tpu.memref_slice %arg7[%select_n3A_2152, %dma_start3A_2156, %dma_start3A_2157] : memref<6x128x128xf32, #tpu.memory_space<vmem>> -> memref<1x128x128xf32, #tpu.memory_space<vmem>>
      %dma_start3A_2159 = tpu.memref_squeeze %dma_start3A_2158 : memref<1x128x128xf32, #tpu.memory_space<vmem>> -> memref<128x128xf32, #tpu.memory_space<vmem>>
      %dma_start3A_2160 = arith.constant 0 : i32
      %dma_start3A_2161 = tpu.memref_slice %arg3[%add3A_2155, %dma_start3A_2160] : memref<262144x128xf32, #tpu.memory_space<hbm>> -> memref<128x128xf32, #tpu.memory_space<hbm>>
      %dma_start3A_2162 = tpu.memref_slice %arg11[%select_n3A_2152] : memref<6x!tpu.dma_semaphore, #tpu.memory_space<semaphore_mem>> -> memref<1x!tpu.dma_semaphore, #tpu.memory_space<semaphore_mem>>
      %dma_start3A_2163 = tpu.memref_squeeze %dma_start3A_2162 : memref<1x!tpu.dma_semaphore, #tpu.memory_space<semaphore_mem>> -> memref<!tpu.dma_semaphore, #tpu.memory_space<semaphore_mem>>
      %dma_start3A_2164 = arith.constant 0 : i32
      %dma_start3A_2165 = arith.constant 0 : i32
      %dma_start3A_2166 = tpu.memref_slice %arg7[%select_n3A_2152, %dma_start3A_2164, %dma_start3A_2165] : memref<6x128x128xf32, #tpu.memory_space<vmem>> -> memref<1x128x128xf32, #tpu.memory_space<vmem>>
      %dma_start3A_2167 = tpu.memref_squeeze %dma_start3A_2166 : memref<1x128x128xf32, #tpu.memory_space<vmem>> -> memref<128x128xf32, #tpu.memory_space<vmem>>
      %dma_start3A_2168 = arith.constant 0 : i32
      %dma_start3A_2169 = tpu.memref_slice %arg3[%add3A_2155, %dma_start3A_2168] : memref<262144x128xf32, #tpu.memory_space<hbm>> -> memref<128x128xf32, #tpu.memory_space<hbm>>
      tpu.enqueue_dma source(%dma_start3A_2169 : memref<128x128xf32, #tpu.memory_space<hbm>>) target(%dma_start3A_2167 : memref<128x128xf32, #tpu.memory_space<vmem>>) target_semaphore(%dma_start3A_2163 : memref<!tpu.dma_semaphore, #tpu.memory_space<semaphore_mem>>)
    }
    %scan3A_654 = arith.constant 9 : i32
    %add3A_655 = arith.constant 7680 : i32
    %add3A_656 = arith.addi %mul3A_4, %add3A_655 : i32
    %dma_wait3A_657 = arith.constant 0 : i32
    %dma_wait3A_658 = arith.constant 0 : i32
    %dma_wait3A_659 = arith.constant 0 : i32
    %dma_wait3A_660 = arith.constant 0 : i32
    %dma_wait3A_661 = tpu.memref_slice %arg7[%dma_wait3A_657, %dma_wait3A_659, %dma_wait3A_660] : memref<6x128x128xf32, #tpu.memory_space<vmem>> -> memref<1x128x128xf32, #tpu.memory_space<vmem>>
    %dma_wait3A_662 = tpu.memref_squeeze %dma_wait3A_661 : memref<1x128x128xf32, #tpu.memory_space<vmem>> -> memref<128x128xf32, #tpu.memory_space<vmem>>
    %dma_wait3A_663 = arith.constant 0 : i32
    %dma_wait3A_664 = tpu.memref_slice %arg3[%add3A_656, %dma_wait3A_663] : memref<262144x128xf32, #tpu.memory_space<hbm>> -> memref<128x128xf32, #tpu.memory_space<hbm>>
    %dma_wait3A_665 = tpu.memref_slice %arg11[%dma_wait3A_658] : memref<6x!tpu.dma_semaphore, #tpu.memory_space<semaphore_mem>> -> memref<1x!tpu.dma_semaphore, #tpu.memory_space<semaphore_mem>>
    %dma_wait3A_666 = tpu.memref_squeeze %dma_wait3A_665 : memref<1x!tpu.dma_semaphore, #tpu.memory_space<semaphore_mem>> -> memref<!tpu.dma_semaphore, #tpu.memory_space<semaphore_mem>>
    %dma_wait3A_667 = arith.constant 0 : i32
    %dma_wait3A_668 = arith.constant 0 : i32
    %dma_wait3A_669 = tpu.memref_slice %arg7[%dma_wait3A_657, %dma_wait3A_667, %dma_wait3A_668] : memref<6x128x128xf32, #tpu.memory_space<vmem>> -> memref<1x128x128xf32, #tpu.memory_space<vmem>>
    %dma_wait3A_670 = tpu.memref_squeeze %dma_wait3A_669 : memref<1x128x128xf32, #tpu.memory_space<vmem>> -> memref<128x128xf32, #tpu.memory_space<vmem>>
    %dma_wait3A_671 = arith.constant 0 : i32
    %dma_wait3A_672 = tpu.memref_slice %arg3[%add3A_656, %dma_wait3A_671] : memref<262144x128xf32, #tpu.memory_space<hbm>> -> memref<128x128xf32, #tpu.memory_space<hbm>>
    tpu.wait_dma2 semaphore(%dma_wait3A_666 : memref<!tpu.dma_semaphore, #tpu.memory_space<semaphore_mem>>) src(%dma_wait3A_672 : memref<128x128xf32, #tpu.memory_space<hbm>>) dst(%dma_wait3A_670 : memref<128x128xf32, #tpu.memory_space<vmem>>)
    %get3A_673 = arith.constant 30 : index
    %get3A_674 = tpu.vector_load %arg8[%get3A_673] {strides = array<i32>} : memref<48xi32, #tpu.memory_space<vmem>>, vector<16xi32>,
    %get3A_675 = vector.shape_cast %get3A_674 : vector<16xi32> to vector<16xi32>
    %slice3A_676 = vector.extract_strided_slice %get3A_675 {offsets = [0], sizes = [1], strides = [1]} : vector<16xi32> to vector<1xi32>
    %squeeze3A_677 = vector.extract %slice3A_676[0] : i32 from vector<1xi32>
    %rem3A_678 = arith.constant 256 : i32
    %rem3A_679 = arith.remsi %squeeze3A_677, %rem3A_678 : i32
    %jit3A_680 = arith.constant 128 : i32
    %div3A_681 = arith.divsi %rem3A_679, %jit3A_680 : i32
    %sign3A_682 = arith.constant 0 : i32
    %sign3A_683 = arith.cmpi sgt, %rem3A_679, %sign3A_682 : i32
    %sign3A_684 = arith.extui %sign3A_683 : i1 to i32
    %sign3A_685 = arith.constant 0 : i32
    %sign3A_686 = arith.cmpi slt, %rem3A_679, %sign3A_685 : i32
    %sign3A_687 = arith.extui %sign3A_686 : i1 to i32
    %sign3A_688 = arith.subi %sign3A_684, %sign3A_687 : i32
    %sign3A_689 = arith.constant 0 : i32
    %sign3A_690 = arith.cmpi sgt, %jit3A_680, %sign3A_689 : i32
    %sign3A_691 = arith.extui %sign3A_690 : i1 to i32
    %sign3A_692 = arith.constant 0 : i32
    %sign3A_693 = arith.cmpi slt, %jit3A_680, %sign3A_692 : i32
    %sign3A_694 = arith.extui %sign3A_693 : i1 to i32
    %sign3A_695 = arith.subi %sign3A_691, %sign3A_694 : i32
    %ne3A_696 = arith.cmpi ne, %sign3A_688, %sign3A_695 : i32
    %rem3A_697 = arith.remsi %rem3A_679, %jit3A_680 : i32
    %ne3A_698 = arith.constant 0 : i32
    %ne3A_699 = arith.cmpi ne, %rem3A_697, %ne3A_698 : i32
    %and3A_700 = arith.andi %ne3A_696, %ne3A_699 : i1
    %sub3A_701 = arith.constant 1 : i32
    %sub3A_702 = arith.subi %div3A_681, %sub3A_701 : i32
    %select_n3A_703 = arith.select %and3A_700, %sub3A_702, %div3A_681 : i32
    %rem3A_704 = arith.constant 60 : i32
    %rem3A_705 = arith.constant 2 : i32
    %rem3A_706 = arith.remsi %rem3A_704, %rem3A_705 : i32
    %eq3A_707 = arith.cmpi eq, %select_n3A_703, %rem3A_706 : i32
    %convert_element_type3A_708 = arith.extui %eq3A_707 : i1 to i32
    %cond3A_709 = arith.constant 0 : i32
    %cond3A_710 = arith.cmpi ne, %convert_element_type3A_708, %cond3A_709 : i32
    scf.if %cond3A_710 {
      %rem3A_1114 = arith.constant 128 : i32
      %rem3A_1115 = arith.remsi %rem3A_679, %rem3A_1114 : i32
      %get3A_1116 = arith.constant 3840 : index
      %get3A_1117 = tpu.vector_load %arg10[%get3A_1116] {strides = array<i32>} : memref<4096xf32, #tpu.memory_space<vmem>>, vector<16xf32>,
      %get3A_1118 = vector.shape_cast %get3A_1117 : vector<16xf32> to vector<16xf32>
      %swap3A_1119 = arith.constant 0 : i32
      %swap3A_1120 = arith.index_cast %swap3A_1119 : i32 to index
      %swap3A_1121 = arith.index_cast %rem3A_1115 : i32 to index
      %swap3A_1122 = arith.constant 0 : index
      %swap3A_1123 = tpu.vector_load %arg7[%swap3A_1120, %swap3A_1121, %swap3A_1122] {strides = array<i32>} : memref<6x128x128xf32, #tpu.memory_space<vmem>>, vector<1x1x16xf32>,
      %swap3A_1124 = vector.shape_cast %swap3A_1123 : vector<1x1x16xf32> to vector<16xf32>
      %swap3A_1125 = vector.shape_cast %get3A_1118 : vector<16xf32> to vector<1x1x16xf32>
      tpu.vector_store %arg7[%swap3A_1120, %swap3A_1121, %swap3A_1122], %swap3A_1125 {strides = array<i32>} : memref<6x128x128xf32, #tpu.memory_space<vmem>>, vector<1x1x16xf32>,
      %get3A_1126 = arith.constant 3856 : index
      %get3A_1127 = tpu.vector_load %arg10[%get3A_1126] {strides = array<i32>} : memref<4096xf32, #tpu.memory_space<vmem>>, vector<16xf32>,
      %get3A_1128 = vector.shape_cast %get3A_1127 : vector<16xf32> to vector<16xf32>
      %swap3A_1129 = arith.constant 0 : i32
      %swap3A_1130 = arith.index_cast %swap3A_1129 : i32 to index
      %swap3A_1131 = arith.index_cast %rem3A_1115 : i32 to index
      %swap3A_1132 = arith.constant 16 : index
      %swap3A_1133 = tpu.vector_load %arg7[%swap3A_1130, %swap3A_1131, %swap3A_1132] {strides = array<i32>} : memref<6x128x128xf32, #tpu.memory_space<vmem>>, vector<1x1x16xf32>,
      %swap3A_1134 = vector.shape_cast %swap3A_1133 : vector<1x1x16xf32> to vector<16xf32>
      %swap3A_1135 = vector.shape_cast %get3A_1128 : vector<16xf32> to vector<1x1x16xf32>
      tpu.vector_store %arg7[%swap3A_1130, %swap3A_1131, %swap3A_1132], %swap3A_1135 {strides = array<i32>} : memref<6x128x128xf32, #tpu.memory_space<vmem>>, vector<1x1x16xf32>,
      %get3A_1136 = arith.constant 3872 : index
      %get3A_1137 = tpu.vector_load %arg10[%get3A_1136] {strides = array<i32>} : memref<4096xf32, #tpu.memory_space<vmem>>, vector<16xf32>,
      %get3A_1138 = vector.shape_cast %get3A_1137 : vector<16xf32> to vector<16xf32>
      %swap3A_1139 = arith.constant 0 : i32
      %swap3A_1140 = arith.index_cast %swap3A_1139 : i32 to index
      %swap3A_1141 = arith.index_cast %rem3A_1115 : i32 to index
      %swap3A_1142 = arith.constant 32 : index
      %swap3A_1143 = tpu.vector_load %arg7[%swap3A_1140, %swap3A_1141, %swap3A_1142] {strides = array<i32>} : memref<6x128x128xf32, #tpu.memory_space<vmem>>, vector<1x1x16xf32>,
      %swap3A_1144 = vector.shape_cast %swap3A_1143 : vector<1x1x16xf32> to vector<16xf32>
      %swap3A_1145 = vector.shape_cast %get3A_1138 : vector<16xf32> to vector<1x1x16xf32>
      tpu.vector_store %arg7[%swap3A_1140, %swap3A_1141, %swap3A_1142], %swap3A_1145 {strides = array<i32>} : memref<6x128x128xf32, #tpu.memory_space<vmem>>, vector<1x1x16xf32>,
      %get3A_1146 = arith.constant 3888 : index
      %get3A_1147 = tpu.vector_load %arg10[%get3A_1146] {strides = array<i32>} : memref<4096xf32, #tpu.memory_space<vmem>>, vector<16xf32>,
      %get3A_1148 = vector.shape_cast %get3A_1147 : vector<16xf32> to vector<16xf32>
      %swap3A_1149 = arith.constant 0 : i32
      %swap3A_1150 = arith.index_cast %swap3A_1149 : i32 to index
      %swap3A_1151 = arith.index_cast %rem3A_1115 : i32 to index
      %swap3A_1152 = arith.constant 48 : index
      %swap3A_1153 = tpu.vector_load %arg7[%swap3A_1150, %swap3A_1151, %swap3A_1152] {strides = array<i32>} : memref<6x128x128xf32, #tpu.memory_space<vmem>>, vector<1x1x16xf32>,
      %swap3A_1154 = vector.shape_cast %swap3A_1153 : vector<1x1x16xf32> to vector<16xf32>
      %swap3A_1155 = vector.shape_cast %get3A_1148 : vector<16xf32> to vector<1x1x16xf32>
      tpu.vector_store %arg7[%swap3A_1150, %swap3A_1151, %swap3A_1152], %swap3A_1155 {strides = array<i32>} : memref<6x128x128xf32, #tpu.memory_space<vmem>>, vector<1x1x16xf32>,
      %get3A_1156 = arith.constant 3904 : index
      %get3A_1157 = tpu.vector_load %arg10[%get3A_1156] {strides = array<i32>} : memref<4096xf32, #tpu.memory_space<vmem>>, vector<16xf32>,
      %get3A_1158 = vector.shape_cast %get3A_1157 : vector<16xf32> to vector<16xf32>
      %swap3A_1159 = arith.constant 0 : i32
      %swap3A_1160 = arith.index_cast %swap3A_1159 : i32 to index
      %swap3A_1161 = arith.index_cast %rem3A_1115 : i32 to index
      %swap3A_1162 = arith.constant 64 : index
      %swap3A_1163 = tpu.vector_load %arg7[%swap3A_1160, %swap3A_1161, %swap3A_1162] {strides = array<i32>} : memref<6x128x128xf32, #tpu.memory_space<vmem>>, vector<1x1x16xf32>,
      %swap3A_1164 = vector.shape_cast %swap3A_1163 : vector<1x1x16xf32> to vector<16xf32>
      %swap3A_1165 = vector.shape_cast %get3A_1158 : vector<16xf32> to vector<1x1x16xf32>
      tpu.vector_store %arg7[%swap3A_1160, %swap3A_1161, %swap3A_1162], %swap3A_1165 {strides = array<i32>} : memref<6x128x128xf32, #tpu.memory_space<vmem>>, vector<1x1x16xf32>,
      %get3A_1166 = arith.constant 3920 : index
      %get3A_1167 = tpu.vector_load %arg10[%get3A_1166] {strides = array<i32>} : memref<4096xf32, #tpu.memory_space<vmem>>, vector<16xf32>,
      %get3A_1168 = vector.shape_cast %get3A_1167 : vector<16xf32> to vector<16xf32>
      %swap3A_1169 = arith.constant 0 : i32
      %swap3A_1170 = arith.index_cast %swap3A_1169 : i32 to index
      %swap3A_1171 = arith.index_cast %rem3A_1115 : i32 to index
      %swap3A_1172 = arith.constant 80 : index
      %swap3A_1173 = tpu.vector_load %arg7[%swap3A_1170, %swap3A_1171, %swap3A_1172] {strides = array<i32>} : memref<6x128x128xf32, #tpu.memory_space<vmem>>, vector<1x1x16xf32>,
      %swap3A_1174 = vector.shape_cast %swap3A_1173 : vector<1x1x16xf32> to vector<16xf32>
      %swap3A_1175 = vector.shape_cast %get3A_1168 : vector<16xf32> to vector<1x1x16xf32>
      tpu.vector_store %arg7[%swap3A_1170, %swap3A_1171, %swap3A_1172], %swap3A_1175 {strides = array<i32>} : memref<6x128x128xf32, #tpu.memory_space<vmem>>, vector<1x1x16xf32>,
      %get3A_1176 = arith.constant 3936 : index
      %get3A_1177 = tpu.vector_load %arg10[%get3A_1176] {strides = array<i32>} : memref<4096xf32, #tpu.memory_space<vmem>>, vector<16xf32>,
      %get3A_1178 = vector.shape_cast %get3A_1177 : vector<16xf32> to vector<16xf32>
      %swap3A_1179 = arith.constant 0 : i32
      %swap3A_1180 = arith.index_cast %swap3A_1179 : i32 to index
      %swap3A_1181 = arith.index_cast %rem3A_1115 : i32 to index
      %swap3A_1182 = arith.constant 96 : index
      %swap3A_1183 = tpu.vector_load %arg7[%swap3A_1180, %swap3A_1181, %swap3A_1182] {strides = array<i32>} : memref<6x128x128xf32, #tpu.memory_space<vmem>>, vector<1x1x16xf32>,
      %swap3A_1184 = vector.shape_cast %swap3A_1183 : vector<1x1x16xf32> to vector<16xf32>
      %swap3A_1185 = vector.shape_cast %get3A_1178 : vector<16xf32> to vector<1x1x16xf32>
      tpu.vector_store %arg7[%swap3A_1180, %swap3A_1181, %swap3A_1182], %swap3A_1185 {strides = array<i32>} : memref<6x128x128xf32, #tpu.memory_space<vmem>>, vector<1x1x16xf32>,
      %get3A_1186 = arith.constant 3952 : index
      %get3A_1187 = tpu.vector_load %arg10[%get3A_1186] {strides = array<i32>} : memref<4096xf32, #tpu.memory_space<vmem>>, vector<16xf32>,
      %get3A_1188 = vector.shape_cast %get3A_1187 : vector<16xf32> to vector<16xf32>
      %swap3A_1189 = arith.constant 0 : i32
      %swap3A_1190 = arith.index_cast %swap3A_1189 : i32 to index
      %swap3A_1191 = arith.index_cast %rem3A_1115 : i32 to index
      %swap3A_1192 = arith.constant 112 : index
      %swap3A_1193 = tpu.vector_load %arg7[%swap3A_1190, %swap3A_1191, %swap3A_1192] {strides = array<i32>} : memref<6x128x128xf32, #tpu.memory_space<vmem>>, vector<1x1x16xf32>,
      %swap3A_1194 = vector.shape_cast %swap3A_1193 : vector<1x1x16xf32> to vector<16xf32>
      %swap3A_1195 = vector.shape_cast %get3A_1188 : vector<16xf32> to vector<1x1x16xf32>
      tpu.vector_store %arg7[%swap3A_1190, %swap3A_1191, %swap3A_1192], %swap3A_1195 {strides = array<i32>} : memref<6x128x128xf32, #tpu.memory_space<vmem>>, vector<1x1x16xf32>,
    } else {
    }
    %add3A_711 = arith.constant 7680 : i32
    %add3A_712 = arith.addi %mul3A_4, %add3A_711 : i32
    %dma_start3A_713 = arith.constant 0 : i32
    %dma_start3A_714 = arith.constant 0 : i32
    %dma_start3A_715 = arith.constant 0 : i32
    %dma_start3A_716 = arith.constant 0 : i32
    %dma_start3A_717 = tpu.memref_slice %arg7[%dma_start3A_713, %dma_start3A_715, %dma_start3A_716] : memref<6x128x128xf32, #tpu.memory_space<vmem>> -> memref<1x128x128xf32, #tpu.memory_space<vmem>>
    %dma_start3A_718 = tpu.memref_squeeze %dma_start3A_717 : memref<1x128x128xf32, #tpu.memory_space<vmem>> -> memref<128x128xf32, #tpu.memory_space<vmem>>
    %dma_start3A_719 = arith.constant 0 : i32
    %dma_start3A_720 = tpu.memref_slice %arg5[%add3A_712, %dma_start3A_719] : memref<262144x128xf32, #tpu.memory_space<hbm>> -> memref<128x128xf32, #tpu.memory_space<hbm>>
    %dma_start3A_721 = tpu.memref_slice %arg12[%dma_start3A_714] : memref<6x!tpu.dma_semaphore, #tpu.memory_space<semaphore_mem>> -> memref<1x!tpu.dma_semaphore, #tpu.memory_space<semaphore_mem>>
    %dma_start3A_722 = tpu.memref_squeeze %dma_start3A_721 : memref<1x!tpu.dma_semaphore, #tpu.memory_space<semaphore_mem>> -> memref<!tpu.dma_semaphore, #tpu.memory_space<semaphore_mem>>
    %dma_start3A_723 = arith.constant 0 : i32
    %dma_start3A_724 = tpu.memref_slice %arg5[%add3A_712, %dma_start3A_723] : memref<262144x128xf32, #tpu.memory_space<hbm>> -> memref<128x128xf32, #tpu.memory_space<hbm>>
    %dma_start3A_725 = arith.constant 0 : i32
    %dma_start3A_726 = arith.constant 0 : i32
    %dma_start3A_727 = tpu.memref_slice %arg7[%dma_start3A_713, %dma_start3A_725, %dma_start3A_726] : memref<6x128x128xf32, #tpu.memory_space<vmem>> -> memref<1x128x128xf32, #tpu.memory_space<vmem>>
    %dma_start3A_728 = tpu.memref_squeeze %dma_start3A_727 : memref<1x128x128xf32, #tpu.memory_space<vmem>> -> memref<128x128xf32, #tpu.memory_space<vmem>>
    tpu.enqueue_dma source(%dma_start3A_728 : memref<128x128xf32, #tpu.memory_space<vmem>>) target(%dma_start3A_724 : memref<128x128xf32, #tpu.memory_space<hbm>>) target_semaphore(%dma_start3A_722 : memref<!tpu.dma_semaphore, #tpu.memory_space<semaphore_mem>>)
    %add3A_729 = arith.constant 7296 : i32
    %add3A_730 = arith.addi %mul3A_4, %add3A_729 : i32
    %dma_wait3A_731 = arith.constant 3 : i32
    %dma_wait3A_732 = arith.constant 3 : i32
    %dma_wait3A_733 = arith.constant 0 : i32
    %dma_wait3A_734 = arith.constant 0 : i32
    %dma_wait3A_735 = tpu.memref_slice %arg7[%dma_wait3A_731, %dma_wait3A_733, %dma_wait3A_734] : memref<6x128x128xf32, #tpu.memory_space<vmem>> -> memref<1x128x128xf32, #tpu.memory_space<vmem>>
    %dma_wait3A_736 = tpu.memref_squeeze %dma_wait3A_735 : memref<1x128x128xf32, #tpu.memory_space<vmem>> -> memref<128x128xf32, #tpu.memory_space<vmem>>
    %dma_wait3A_737 = arith.constant 0 : i32
    %dma_wait3A_738 = tpu.memref_slice %arg5[%add3A_730, %dma_wait3A_737] : memref<262144x128xf32, #tpu.memory_space<hbm>> -> memref<128x128xf32, #tpu.memory_space<hbm>>
    %dma_wait3A_739 = tpu.memref_slice %arg12[%dma_wait3A_732] : memref<6x!tpu.dma_semaphore, #tpu.memory_space<semaphore_mem>> -> memref<1x!tpu.dma_semaphore, #tpu.memory_space<semaphore_mem>>
    %dma_wait3A_740 = tpu.memref_squeeze %dma_wait3A_739 : memref<1x!tpu.dma_semaphore, #tpu.memory_space<semaphore_mem>> -> memref<!tpu.dma_semaphore, #tpu.memory_space<semaphore_mem>>
    %dma_wait3A_741 = arith.constant 0 : i32
    %dma_wait3A_742 = tpu.memref_slice %arg5[%add3A_730, %dma_wait3A_741] : memref<262144x128xf32, #tpu.memory_space<hbm>> -> memref<128x128xf32, #tpu.memory_space<hbm>>
    %dma_wait3A_743 = arith.constant 0 : i32
    %dma_wait3A_744 = arith.constant 0 : i32
    %dma_wait3A_745 = tpu.memref_slice %arg7[%dma_wait3A_731, %dma_wait3A_743, %dma_wait3A_744] : memref<6x128x128xf32, #tpu.memory_space<vmem>> -> memref<1x128x128xf32, #tpu.memory_space<vmem>>
    %dma_wait3A_746 = tpu.memref_squeeze %dma_wait3A_745 : memref<1x128x128xf32, #tpu.memory_space<vmem>> -> memref<128x128xf32, #tpu.memory_space<vmem>>
    tpu.wait_dma2 semaphore(%dma_wait3A_740 : memref<!tpu.dma_semaphore, #tpu.memory_space<semaphore_mem>>) src(%dma_wait3A_746 : memref<128x128xf32, #tpu.memory_space<vmem>>) dst(%dma_wait3A_742 : memref<128x128xf32, #tpu.memory_space<hbm>>)
    %add3A_747 = arith.constant 8064 : i32
    %add3A_748 = arith.addi %mul3A_4, %add3A_747 : i32
    %dma_start3A_749 = arith.constant 3 : i32
    %dma_start3A_750 = arith.constant 3 : i32
    %dma_start3A_751 = arith.constant 0 : i32
    %dma_start3A_752 = arith.constant 0 : i32
    %dma_start3A_753 = tpu.memref_slice %arg7[%dma_start3A_749, %dma_start3A_751, %dma_start3A_752] : memref<6x128x128xf32, #tpu.memory_space<vmem>> -> memref<1x128x128xf32, #tpu.memory_space<vmem>>
    %dma_start3A_754 = tpu.memref_squeeze %dma_start3A_753 : memref<1x128x128xf32, #tpu.memory_space<vmem>> -> memref<128x128xf32, #tpu.memory_space<vmem>>
    %dma_start3A_755 = arith.constant 0 : i32
    %dma_start3A_756 = tpu.memref_slice %arg3[%add3A_748, %dma_start3A_755] : memref<262144x128xf32, #tpu.memory_space<hbm>> -> memref<128x128xf32, #tpu.memory_space<hbm>>
    %dma_start3A_757 = tpu.memref_slice %arg11[%dma_start3A_750] : memref<6x!tpu.dma_semaphore, #tpu.memory_space<semaphore_mem>> -> memref<1x!tpu.dma_semaphore, #tpu.memory_space<semaphore_mem>>
    %dma_start3A_758 = tpu.memref_squeeze %dma_start3A_757 : memref<1x!tpu.dma_semaphore, #tpu.memory_space<semaphore_mem>> -> memref<!tpu.dma_semaphore, #tpu.memory_space<semaphore_mem>>
    %dma_start3A_759 = arith.constant 0 : i32
    %dma_start3A_760 = arith.constant 0 : i32
    %dma_start3A_761 = tpu.memref_slice %arg7[%dma_start3A_749, %dma_start3A_759, %dma_start3A_760] : memref<6x128x128xf32, #tpu.memory_space<vmem>> -> memref<1x128x128xf32, #tpu.memory_space<vmem>>
    %dma_start3A_762 = tpu.memref_squeeze %dma_start3A_761 : memref<1x128x128xf32, #tpu.memory_space<vmem>> -> memref<128x128xf32, #tpu.memory_space<vmem>>
    %dma_start3A_763 = arith.constant 0 : i32
    %dma_start3A_764 = tpu.memref_slice %arg3[%add3A_748, %dma_start3A_763] : memref<262144x128xf32, #tpu.memory_space<hbm>> -> memref<128x128xf32, #tpu.memory_space<hbm>>
    tpu.enqueue_dma source(%dma_start3A_764 : memref<128x128xf32, #tpu.memory_space<hbm>>) target(%dma_start3A_762 : memref<128x128xf32, #tpu.memory_space<vmem>>) target_semaphore(%dma_start3A_758 : memref<!tpu.dma_semaphore, #tpu.memory_space<semaphore_mem>>)
    %add3A_765 = arith.constant 7808 : i32
    %add3A_766 = arith.addi %mul3A_4, %add3A_765 : i32
    %dma_wait3A_767 = arith.constant 1 : i32
    %dma_wait3A_768 = arith.constant 1 : i32
    %dma_wait3A_769 = arith.constant 0 : i32
    %dma_wait3A_770 = arith.constant 0 : i32
    %dma_wait3A_771 = tpu.memref_slice %arg7[%dma_wait3A_767, %dma_wait3A_769, %dma_wait3A_770] : memref<6x128x128xf32, #tpu.memory_space<vmem>> -> memref<1x128x128xf32, #tpu.memory_space<vmem>>
    %dma_wait3A_772 = tpu.memref_squeeze %dma_wait3A_771 : memref<1x128x128xf32, #tpu.memory_space<vmem>> -> memref<128x128xf32, #tpu.memory_space<vmem>>
    %dma_wait3A_773 = arith.constant 0 : i32
    %dma_wait3A_774 = tpu.memref_slice %arg3[%add3A_766, %dma_wait3A_773] : memref<262144x128xf32, #tpu.memory_space<hbm>> -> memref<128x128xf32, #tpu.memory_space<hbm>>
    %dma_wait3A_775 = tpu.memref_slice %arg11[%dma_wait3A_768] : memref<6x!tpu.dma_semaphore, #tpu.memory_space<semaphore_mem>> -> memref<1x!tpu.dma_semaphore, #tpu.memory_space<semaphore_mem>>
    %dma_wait3A_776 = tpu.memref_squeeze %dma_wait3A_775 : memref<1x!tpu.dma_semaphore, #tpu.memory_space<semaphore_mem>> -> memref<!tpu.dma_semaphore, #tpu.memory_space<semaphore_mem>>
    %dma_wait3A_777 = arith.constant 0 : i32
    %dma_wait3A_778 = arith.constant 0 : i32
    %dma_wait3A_779 = tpu.memref_slice %arg7[%dma_wait3A_767, %dma_wait3A_777, %dma_wait3A_778] : memref<6x128x128xf32, #tpu.memory_space<vmem>> -> memref<1x128x128xf32, #tpu.memory_space<vmem>>
    %dma_wait3A_780 = tpu.memref_squeeze %dma_wait3A_779 : memref<1x128x128xf32, #tpu.memory_space<vmem>> -> memref<128x128xf32, #tpu.memory_space<vmem>>
    %dma_wait3A_781 = arith.constant 0 : i32
    %dma_wait3A_782 = tpu.memref_slice %arg3[%add3A_766, %dma_wait3A_781] : memref<262144x128xf32, #tpu.memory_space<hbm>> -> memref<128x128xf32, #tpu.memory_space<hbm>>
    tpu.wait_dma2 semaphore(%dma_wait3A_776 : memref<!tpu.dma_semaphore, #tpu.memory_space<semaphore_mem>>) src(%dma_wait3A_782 : memref<128x128xf32, #tpu.memory_space<hbm>>) dst(%dma_wait3A_780 : memref<128x128xf32, #tpu.memory_space<vmem>>)
    %get3A_783 = arith.constant 30 : index
    %get3A_784 = tpu.vector_load %arg8[%get3A_783] {strides = array<i32>} : memref<48xi32, #tpu.memory_space<vmem>>, vector<16xi32>,
    %get3A_785 = vector.shape_cast %get3A_784 : vector<16xi32> to vector<16xi32>
    %slice3A_786 = vector.extract_strided_slice %get3A_785 {offsets = [0], sizes = [1], strides = [1]} : vector<16xi32> to vector<1xi32>
    %squeeze3A_787 = vector.extract %slice3A_786[0] : i32 from vector<1xi32>
    %rem3A_788 = arith.constant 256 : i32
    %rem3A_789 = arith.remsi %squeeze3A_787, %rem3A_788 : i32
    %jit3A_790 = arith.constant 128 : i32
    %div3A_791 = arith.divsi %rem3A_789, %jit3A_790 : i32
    %sign3A_792 = arith.constant 0 : i32
    %sign3A_793 = arith.cmpi sgt, %rem3A_789, %sign3A_792 : i32
    %sign3A_794 = arith.extui %sign3A_793 : i1 to i32
    %sign3A_795 = arith.constant 0 : i32
    %sign3A_796 = arith.cmpi slt, %rem3A_789, %sign3A_795 : i32
    %sign3A_797 = arith.extui %sign3A_796 : i1 to i32
    %sign3A_798 = arith.subi %sign3A_794, %sign3A_797 : i32
    %sign3A_799 = arith.constant 0 : i32
    %sign3A_800 = arith.cmpi sgt, %jit3A_790, %sign3A_799 : i32
    %sign3A_801 = arith.extui %sign3A_800 : i1 to i32
    %sign3A_802 = arith.constant 0 : i32
    %sign3A_803 = arith.cmpi slt, %jit3A_790, %sign3A_802 : i32
    %sign3A_804 = arith.extui %sign3A_803 : i1 to i32
    %sign3A_805 = arith.subi %sign3A_801, %sign3A_804 : i32
    %ne3A_806 = arith.cmpi ne, %sign3A_798, %sign3A_805 : i32
    %rem3A_807 = arith.remsi %rem3A_789, %jit3A_790 : i32
    %ne3A_808 = arith.constant 0 : i32
    %ne3A_809 = arith.cmpi ne, %rem3A_807, %ne3A_808 : i32
    %and3A_810 = arith.andi %ne3A_806, %ne3A_809 : i1
    %sub3A_811 = arith.constant 1 : i32
    %sub3A_812 = arith.subi %div3A_791, %sub3A_811 : i32
    %select_n3A_813 = arith.select %and3A_810, %sub3A_812, %div3A_791 : i32
    %rem3A_814 = arith.constant 61 : i32
    %rem3A_815 = arith.constant 2 : i32
    %rem3A_816 = arith.remsi %rem3A_814, %rem3A_815 : i32
    %eq3A_817 = arith.cmpi eq, %select_n3A_813, %rem3A_816 : i32
    %convert_element_type3A_818 = arith.extui %eq3A_817 : i1 to i32
    %cond3A_819 = arith.constant 0 : i32
    %cond3A_820 = arith.cmpi ne, %convert_element_type3A_818, %cond3A_819 : i32
    scf.if %cond3A_820 {
      %rem3A_1114 = arith.constant 128 : i32
      %rem3A_1115 = arith.remsi %rem3A_789, %rem3A_1114 : i32
      %get3A_1116 = arith.constant 3840 : index
      %get3A_1117 = tpu.vector_load %arg10[%get3A_1116] {strides = array<i32>} : memref<4096xf32, #tpu.memory_space<vmem>>, vector<16xf32>,
      %get3A_1118 = vector.shape_cast %get3A_1117 : vector<16xf32> to vector<16xf32>
      %swap3A_1119 = arith.constant 1 : i32
      %swap3A_1120 = arith.index_cast %swap3A_1119 : i32 to index
      %swap3A_1121 = arith.index_cast %rem3A_1115 : i32 to index
      %swap3A_1122 = arith.constant 0 : index
      %swap3A_1123 = tpu.vector_load %arg7[%swap3A_1120, %swap3A_1121, %swap3A_1122] {strides = array<i32>} : memref<6x128x128xf32, #tpu.memory_space<vmem>>, vector<1x1x16xf32>,
      %swap3A_1124 = vector.shape_cast %swap3A_1123 : vector<1x1x16xf32> to vector<16xf32>
      %swap3A_1125 = vector.shape_cast %get3A_1118 : vector<16xf32> to vector<1x1x16xf32>
      tpu.vector_store %arg7[%swap3A_1120, %swap3A_1121, %swap3A_1122], %swap3A_1125 {strides = array<i32>} : memref<6x128x128xf32, #tpu.memory_space<vmem>>, vector<1x1x16xf32>,
      %get3A_1126 = arith.constant 3856 : index
      %get3A_1127 = tpu.vector_load %arg10[%get3A_1126] {strides = array<i32>} : memref<4096xf32, #tpu.memory_space<vmem>>, vector<16xf32>,
      %get3A_1128 = vector.shape_cast %get3A_1127 : vector<16xf32> to vector<16xf32>
      %swap3A_1129 = arith.constant 1 : i32
      %swap3A_1130 = arith.index_cast %swap3A_1129 : i32 to index
      %swap3A_1131 = arith.index_cast %rem3A_1115 : i32 to index
      %swap3A_1132 = arith.constant 16 : index
      %swap3A_1133 = tpu.vector_load %arg7[%swap3A_1130, %swap3A_1131, %swap3A_1132] {strides = array<i32>} : memref<6x128x128xf32, #tpu.memory_space<vmem>>, vector<1x1x16xf32>,
      %swap3A_1134 = vector.shape_cast %swap3A_1133 : vector<1x1x16xf32> to vector<16xf32>
      %swap3A_1135 = vector.shape_cast %get3A_1128 : vector<16xf32> to vector<1x1x16xf32>
      tpu.vector_store %arg7[%swap3A_1130, %swap3A_1131, %swap3A_1132], %swap3A_1135 {strides = array<i32>} : memref<6x128x128xf32, #tpu.memory_space<vmem>>, vector<1x1x16xf32>,
      %get3A_1136 = arith.constant 3872 : index
      %get3A_1137 = tpu.vector_load %arg10[%get3A_1136] {strides = array<i32>} : memref<4096xf32, #tpu.memory_space<vmem>>, vector<16xf32>,
      %get3A_1138 = vector.shape_cast %get3A_1137 : vector<16xf32> to vector<16xf32>
      %swap3A_1139 = arith.constant 1 : i32
      %swap3A_1140 = arith.index_cast %swap3A_1139 : i32 to index
      %swap3A_1141 = arith.index_cast %rem3A_1115 : i32 to index
      %swap3A_1142 = arith.constant 32 : index
      %swap3A_1143 = tpu.vector_load %arg7[%swap3A_1140, %swap3A_1141, %swap3A_1142] {strides = array<i32>} : memref<6x128x128xf32, #tpu.memory_space<vmem>>, vector<1x1x16xf32>,
      %swap3A_1144 = vector.shape_cast %swap3A_1143 : vector<1x1x16xf32> to vector<16xf32>
      %swap3A_1145 = vector.shape_cast %get3A_1138 : vector<16xf32> to vector<1x1x16xf32>
      tpu.vector_store %arg7[%swap3A_1140, %swap3A_1141, %swap3A_1142], %swap3A_1145 {strides = array<i32>} : memref<6x128x128xf32, #tpu.memory_space<vmem>>, vector<1x1x16xf32>,
      %get3A_1146 = arith.constant 3888 : index
      %get3A_1147 = tpu.vector_load %arg10[%get3A_1146] {strides = array<i32>} : memref<4096xf32, #tpu.memory_space<vmem>>, vector<16xf32>,
      %get3A_1148 = vector.shape_cast %get3A_1147 : vector<16xf32> to vector<16xf32>
      %swap3A_1149 = arith.constant 1 : i32
      %swap3A_1150 = arith.index_cast %swap3A_1149 : i32 to index
      %swap3A_1151 = arith.index_cast %rem3A_1115 : i32 to index
      %swap3A_1152 = arith.constant 48 : index
      %swap3A_1153 = tpu.vector_load %arg7[%swap3A_1150, %swap3A_1151, %swap3A_1152] {strides = array<i32>} : memref<6x128x128xf32, #tpu.memory_space<vmem>>, vector<1x1x16xf32>,
      %swap3A_1154 = vector.shape_cast %swap3A_1153 : vector<1x1x16xf32> to vector<16xf32>
      %swap3A_1155 = vector.shape_cast %get3A_1148 : vector<16xf32> to vector<1x1x16xf32>
      tpu.vector_store %arg7[%swap3A_1150, %swap3A_1151, %swap3A_1152], %swap3A_1155 {strides = array<i32>} : memref<6x128x128xf32, #tpu.memory_space<vmem>>, vector<1x1x16xf32>,
      %get3A_1156 = arith.constant 3904 : index
      %get3A_1157 = tpu.vector_load %arg10[%get3A_1156] {strides = array<i32>} : memref<4096xf32, #tpu.memory_space<vmem>>, vector<16xf32>,
      %get3A_1158 = vector.shape_cast %get3A_1157 : vector<16xf32> to vector<16xf32>
      %swap3A_1159 = arith.constant 1 : i32
      %swap3A_1160 = arith.index_cast %swap3A_1159 : i32 to index
      %swap3A_1161 = arith.index_cast %rem3A_1115 : i32 to index
      %swap3A_1162 = arith.constant 64 : index
      %swap3A_1163 = tpu.vector_load %arg7[%swap3A_1160, %swap3A_1161, %swap3A_1162] {strides = array<i32>} : memref<6x128x128xf32, #tpu.memory_space<vmem>>, vector<1x1x16xf32>,
      %swap3A_1164 = vector.shape_cast %swap3A_1163 : vector<1x1x16xf32> to vector<16xf32>
      %swap3A_1165 = vector.shape_cast %get3A_1158 : vector<16xf32> to vector<1x1x16xf32>
      tpu.vector_store %arg7[%swap3A_1160, %swap3A_1161, %swap3A_1162], %swap3A_1165 {strides = array<i32>} : memref<6x128x128xf32, #tpu.memory_space<vmem>>, vector<1x1x16xf32>,
      %get3A_1166 = arith.constant 3920 : index
      %get3A_1167 = tpu.vector_load %arg10[%get3A_1166] {strides = array<i32>} : memref<4096xf32, #tpu.memory_space<vmem>>, vector<16xf32>,
      %get3A_1168 = vector.shape_cast %get3A_1167 : vector<16xf32> to vector<16xf32>
      %swap3A_1169 = arith.constant 1 : i32
      %swap3A_1170 = arith.index_cast %swap3A_1169 : i32 to index
      %swap3A_1171 = arith.index_cast %rem3A_1115 : i32 to index
      %swap3A_1172 = arith.constant 80 : index
      %swap3A_1173 = tpu.vector_load %arg7[%swap3A_1170, %swap3A_1171, %swap3A_1172] {strides = array<i32>} : memref<6x128x128xf32, #tpu.memory_space<vmem>>, vector<1x1x16xf32>,
      %swap3A_1174 = vector.shape_cast %swap3A_1173 : vector<1x1x16xf32> to vector<16xf32>
      %swap3A_1175 = vector.shape_cast %get3A_1168 : vector<16xf32> to vector<1x1x16xf32>
      tpu.vector_store %arg7[%swap3A_1170, %swap3A_1171, %swap3A_1172], %swap3A_1175 {strides = array<i32>} : memref<6x128x128xf32, #tpu.memory_space<vmem>>, vector<1x1x16xf32>,
      %get3A_1176 = arith.constant 3936 : index
      %get3A_1177 = tpu.vector_load %arg10[%get3A_1176] {strides = array<i32>} : memref<4096xf32, #tpu.memory_space<vmem>>, vector<16xf32>,
      %get3A_1178 = vector.shape_cast %get3A_1177 : vector<16xf32> to vector<16xf32>
      %swap3A_1179 = arith.constant 1 : i32
      %swap3A_1180 = arith.index_cast %swap3A_1179 : i32 to index
      %swap3A_1181 = arith.index_cast %rem3A_1115 : i32 to index
      %swap3A_1182 = arith.constant 96 : index
      %swap3A_1183 = tpu.vector_load %arg7[%swap3A_1180, %swap3A_1181, %swap3A_1182] {strides = array<i32>} : memref<6x128x128xf32, #tpu.memory_space<vmem>>, vector<1x1x16xf32>,
      %swap3A_1184 = vector.shape_cast %swap3A_1183 : vector<1x1x16xf32> to vector<16xf32>
      %swap3A_1185 = vector.shape_cast %get3A_1178 : vector<16xf32> to vector<1x1x16xf32>
      tpu.vector_store %arg7[%swap3A_1180, %swap3A_1181, %swap3A_1182], %swap3A_1185 {strides = array<i32>} : memref<6x128x128xf32, #tpu.memory_space<vmem>>, vector<1x1x16xf32>,
      %get3A_1186 = arith.constant 3952 : index
      %get3A_1187 = tpu.vector_load %arg10[%get3A_1186] {strides = array<i32>} : memref<4096xf32, #tpu.memory_space<vmem>>, vector<16xf32>,
      %get3A_1188 = vector.shape_cast %get3A_1187 : vector<16xf32> to vector<16xf32>
      %swap3A_1189 = arith.constant 1 : i32
      %swap3A_1190 = arith.index_cast %swap3A_1189 : i32 to index
      %swap3A_1191 = arith.index_cast %rem3A_1115 : i32 to index
      %swap3A_1192 = arith.constant 112 : index
      %swap3A_1193 = tpu.vector_load %arg7[%swap3A_1190, %swap3A_1191, %swap3A_1192] {strides = array<i32>} : memref<6x128x128xf32, #tpu.memory_space<vmem>>, vector<1x1x16xf32>,
      %swap3A_1194 = vector.shape_cast %swap3A_1193 : vector<1x1x16xf32> to vector<16xf32>
      %swap3A_1195 = vector.shape_cast %get3A_1188 : vector<16xf32> to vector<1x1x16xf32>
      tpu.vector_store %arg7[%swap3A_1190, %swap3A_1191, %swap3A_1192], %swap3A_1195 {strides = array<i32>} : memref<6x128x128xf32, #tpu.memory_space<vmem>>, vector<1x1x16xf32>,
    } else {
    }
    %add3A_821 = arith.constant 7808 : i32
    %add3A_822 = arith.addi %mul3A_4, %add3A_821 : i32
    %dma_start3A_823 = arith.constant 1 : i32
    %dma_start3A_824 = arith.constant 1 : i32
    %dma_start3A_825 = arith.constant 0 : i32
    %dma_start3A_826 = arith.constant 0 : i32
    %dma_start3A_827 = tpu.memref_slice %arg7[%dma_start3A_823, %dma_start3A_825, %dma_start3A_826] : memref<6x128x128xf32, #tpu.memory_space<vmem>> -> memref<1x128x128xf32, #tpu.memory_space<vmem>>
    %dma_start3A_828 = tpu.memref_squeeze %dma_start3A_827 : memref<1x128x128xf32, #tpu.memory_space<vmem>> -> memref<128x128xf32, #tpu.memory_space<vmem>>
    %dma_start3A_829 = arith.constant 0 : i32
    %dma_start3A_830 = tpu.memref_slice %arg5[%add3A_822, %dma_start3A_829] : memref<262144x128xf32, #tpu.memory_space<hbm>> -> memref<128x128xf32, #tpu.memory_space<hbm>>
    %dma_start3A_831 = tpu.memref_slice %arg12[%dma_start3A_824] : memref<6x!tpu.dma_semaphore, #tpu.memory_space<semaphore_mem>> -> memref<1x!tpu.dma_semaphore, #tpu.memory_space<semaphore_mem>>
    %dma_start3A_832 = tpu.memref_squeeze %dma_start3A_831 : memref<1x!tpu.dma_semaphore, #tpu.memory_space<semaphore_mem>> -> memref<!tpu.dma_semaphore, #tpu.memory_space<semaphore_mem>>
    %dma_start3A_833 = arith.constant 0 : i32
    %dma_start3A_834 = tpu.memref_slice %arg5[%add3A_822, %dma_start3A_833] : memref<262144x128xf32, #tpu.memory_space<hbm>> -> memref<128x128xf32, #tpu.memory_space<hbm>>
    %dma_start3A_835 = arith.constant 0 : i32
    %dma_start3A_836 = arith.constant 0 : i32
    %dma_start3A_837 = tpu.memref_slice %arg7[%dma_start3A_823, %dma_start3A_835, %dma_start3A_836] : memref<6x128x128xf32, #tpu.memory_space<vmem>> -> memref<1x128x128xf32, #tpu.memory_space<vmem>>
    %dma_start3A_838 = tpu.memref_squeeze %dma_start3A_837 : memref<1x128x128xf32, #tpu.memory_space<vmem>> -> memref<128x128xf32, #tpu.memory_space<vmem>>
    tpu.enqueue_dma source(%dma_start3A_838 : memref<128x128xf32, #tpu.memory_space<vmem>>) target(%dma_start3A_834 : memref<128x128xf32, #tpu.memory_space<hbm>>) target_semaphore(%dma_start3A_832 : memref<!tpu.dma_semaphore, #tpu.memory_space<semaphore_mem>>)
    %add3A_839 = arith.constant 7424 : i32
    %add3A_840 = arith.addi %mul3A_4, %add3A_839 : i32
    %dma_wait3A_841 = arith.constant 4 : i32
    %dma_wait3A_842 = arith.constant 4 : i32
    %dma_wait3A_843 = arith.constant 0 : i32
    %dma_wait3A_844 = arith.constant 0 : i32
    %dma_wait3A_845 = tpu.memref_slice %arg7[%dma_wait3A_841, %dma_wait3A_843, %dma_wait3A_844] : memref<6x128x128xf32, #tpu.memory_space<vmem>> -> memref<1x128x128xf32, #tpu.memory_space<vmem>>
    %dma_wait3A_846 = tpu.memref_squeeze %dma_wait3A_845 : memref<1x128x128xf32, #tpu.memory_space<vmem>> -> memref<128x128xf32, #tpu.memory_space<vmem>>
    %dma_wait3A_847 = arith.constant 0 : i32
    %dma_wait3A_848 = tpu.memref_slice %arg5[%add3A_840, %dma_wait3A_847] : memref<262144x128xf32, #tpu.memory_space<hbm>> -> memref<128x128xf32, #tpu.memory_space<hbm>>
    %dma_wait3A_849 = tpu.memref_slice %arg12[%dma_wait3A_842] : memref<6x!tpu.dma_semaphore, #tpu.memory_space<semaphore_mem>> -> memref<1x!tpu.dma_semaphore, #tpu.memory_space<semaphore_mem>>
    %dma_wait3A_850 = tpu.memref_squeeze %dma_wait3A_849 : memref<1x!tpu.dma_semaphore, #tpu.memory_space<semaphore_mem>> -> memref<!tpu.dma_semaphore, #tpu.memory_space<semaphore_mem>>
    %dma_wait3A_851 = arith.constant 0 : i32
    %dma_wait3A_852 = tpu.memref_slice %arg5[%add3A_840, %dma_wait3A_851] : memref<262144x128xf32, #tpu.memory_space<hbm>> -> memref<128x128xf32, #tpu.memory_space<hbm>>
    %dma_wait3A_853 = arith.constant 0 : i32
    %dma_wait3A_854 = arith.constant 0 : i32
    %dma_wait3A_855 = tpu.memref_slice %arg7[%dma_wait3A_841, %dma_wait3A_853, %dma_wait3A_854] : memref<6x128x128xf32, #tpu.memory_space<vmem>> -> memref<1x128x128xf32, #tpu.memory_space<vmem>>
    %dma_wait3A_856 = tpu.memref_squeeze %dma_wait3A_855 : memref<1x128x128xf32, #tpu.memory_space<vmem>> -> memref<128x128xf32, #tpu.memory_space<vmem>>
    tpu.wait_dma2 semaphore(%dma_wait3A_850 : memref<!tpu.dma_semaphore, #tpu.memory_space<semaphore_mem>>) src(%dma_wait3A_856 : memref<128x128xf32, #tpu.memory_space<vmem>>) dst(%dma_wait3A_852 : memref<128x128xf32, #tpu.memory_space<hbm>>)
    %add3A_857 = arith.constant 7936 : i32
    %add3A_858 = arith.addi %mul3A_4, %add3A_857 : i32
    %dma_wait3A_859 = arith.constant 2 : i32
    %dma_wait3A_860 = arith.constant 2 : i32
    %dma_wait3A_861 = arith.constant 0 : i32
    %dma_wait3A_862 = arith.constant 0 : i32
    %dma_wait3A_863 = tpu.memref_slice %arg7[%dma_wait3A_859, %dma_wait3A_861, %dma_wait3A_862] : memref<6x128x128xf32, #tpu.memory_space<vmem>> -> memref<1x128x128xf32, #tpu.memory_space<vmem>>
    %dma_wait3A_864 = tpu.memref_squeeze %dma_wait3A_863 : memref<1x128x128xf32, #tpu.memory_space<vmem>> -> memref<128x128xf32, #tpu.memory_space<vmem>>
    %dma_wait3A_865 = arith.constant 0 : i32
    %dma_wait3A_866 = tpu.memref_slice %arg3[%add3A_858, %dma_wait3A_865] : memref<262144x128xf32, #tpu.memory_space<hbm>> -> memref<128x128xf32, #tpu.memory_space<hbm>>
    %dma_wait3A_867 = tpu.memref_slice %arg11[%dma_wait3A_860] : memref<6x!tpu.dma_semaphore, #tpu.memory_space<semaphore_mem>> -> memref<1x!tpu.dma_semaphore, #tpu.memory_space<semaphore_mem>>
    %dma_wait3A_868 = tpu.memref_squeeze %dma_wait3A_867 : memref<1x!tpu.dma_semaphore, #tpu.memory_space<semaphore_mem>> -> memref<!tpu.dma_semaphore, #tpu.memory_space<semaphore_mem>>
    %dma_wait3A_869 = arith.constant 0 : i32
    %dma_wait3A_870 = arith.constant 0 : i32
    %dma_wait3A_871 = tpu.memref_slice %arg7[%dma_wait3A_859, %dma_wait3A_869, %dma_wait3A_870] : memref<6x128x128xf32, #tpu.memory_space<vmem>> -> memref<1x128x128xf32, #tpu.memory_space<vmem>>
    %dma_wait3A_872 = tpu.memref_squeeze %dma_wait3A_871 : memref<1x128x128xf32, #tpu.memory_space<vmem>> -> memref<128x128xf32, #tpu.memory_space<vmem>>
    %dma_wait3A_873 = arith.constant 0 : i32
    %dma_wait3A_874 = tpu.memref_slice %arg3[%add3A_858, %dma_wait3A_873] : memref<262144x128xf32, #tpu.memory_space<hbm>> -> memref<128x128xf32, #tpu.memory_space<hbm>>
    tpu.wait_dma2 semaphore(%dma_wait3A_868 : memref<!tpu.dma_semaphore, #tpu.memory_space<semaphore_mem>>) src(%dma_wait3A_874 : memref<128x128xf32, #tpu.memory_space<hbm>>) dst(%dma_wait3A_872 : memref<128x128xf32, #tpu.memory_space<vmem>>)
    %get3A_875 = arith.constant 31 : index
    %get3A_876 = tpu.vector_load %arg8[%get3A_875] {strides = array<i32>} : memref<48xi32, #tpu.memory_space<vmem>>, vector<16xi32>,
    %get3A_877 = vector.shape_cast %get3A_876 : vector<16xi32> to vector<16xi32>
    %slice3A_878 = vector.extract_strided_slice %get3A_877 {offsets = [0], sizes = [1], strides = [1]} : vector<16xi32> to vector<1xi32>
    %squeeze3A_879 = vector.extract %slice3A_878[0] : i32 from vector<1xi32>
    %rem3A_880 = arith.constant 256 : i32
    %rem3A_881 = arith.remsi %squeeze3A_879, %rem3A_880 : i32
    %jit3A_882 = arith.constant 128 : i32
    %div3A_883 = arith.divsi %rem3A_881, %jit3A_882 : i32
    %sign3A_884 = arith.constant 0 : i32
    %sign3A_885 = arith.cmpi sgt, %rem3A_881, %sign3A_884 : i32
    %sign3A_886 = arith.extui %sign3A_885 : i1 to i32
    %sign3A_887 = arith.constant 0 : i32
    %sign3A_888 = arith.cmpi slt, %rem3A_881, %sign3A_887 : i32
    %sign3A_889 = arith.extui %sign3A_888 : i1 to i32
    %sign3A_890 = arith.subi %sign3A_886, %sign3A_889 : i32
    %sign3A_891 = arith.constant 0 : i32
    %sign3A_892 = arith.cmpi sgt, %jit3A_882, %sign3A_891 : i32
    %sign3A_893 = arith.extui %sign3A_892 : i1 to i32
    %sign3A_894 = arith.constant 0 : i32
    %sign3A_895 = arith.cmpi slt, %jit3A_882, %sign3A_894 : i32
    %sign3A_896 = arith.extui %sign3A_895 : i1 to i32
    %sign3A_897 = arith.subi %sign3A_893, %sign3A_896 : i32
    %ne3A_898 = arith.cmpi ne, %sign3A_890, %sign3A_897 : i32
    %rem3A_899 = arith.remsi %rem3A_881, %jit3A_882 : i32
    %ne3A_900 = arith.constant 0 : i32
    %ne3A_901 = arith.cmpi ne, %rem3A_899, %ne3A_900 : i32
    %and3A_902 = arith.andi %ne3A_898, %ne3A_901 : i1
    %sub3A_903 = arith.constant 1 : i32
    %sub3A_904 = arith.subi %div3A_883, %sub3A_903 : i32
    %select_n3A_905 = arith.select %and3A_902, %sub3A_904, %div3A_883 : i32
    %rem3A_906 = arith.constant 62 : i32
    %rem3A_907 = arith.constant 2 : i32
    %rem3A_908 = arith.remsi %rem3A_906, %rem3A_907 : i32
    %eq3A_909 = arith.cmpi eq, %select_n3A_905, %rem3A_908 : i32
    %convert_element_type3A_910 = arith.extui %eq3A_909 : i1 to i32
    %cond3A_911 = arith.constant 0 : i32
    %cond3A_912 = arith.cmpi ne, %convert_element_type3A_910, %cond3A_911 : i32
    scf.if %cond3A_912 {
      %rem3A_1114 = arith.constant 128 : i32
      %rem3A_1115 = arith.remsi %rem3A_881, %rem3A_1114 : i32
      %get3A_1116 = arith.constant 3968 : index
      %get3A_1117 = tpu.vector_load %arg10[%get3A_1116] {strides = array<i32>} : memref<4096xf32, #tpu.memory_space<vmem>>, vector<16xf32>,
      %get3A_1118 = vector.shape_cast %get3A_1117 : vector<16xf32> to vector<16xf32>
      %swap3A_1119 = arith.constant 2 : i32
      %swap3A_1120 = arith.index_cast %swap3A_1119 : i32 to index
      %swap3A_1121 = arith.index_cast %rem3A_1115 : i32 to index
      %swap3A_1122 = arith.constant 0 : index
      %swap3A_1123 = tpu.vector_load %arg7[%swap3A_1120, %swap3A_1121, %swap3A_1122] {strides = array<i32>} : memref<6x128x128xf32, #tpu.memory_space<vmem>>, vector<1x1x16xf32>,
      %swap3A_1124 = vector.shape_cast %swap3A_1123 : vector<1x1x16xf32> to vector<16xf32>
      %swap3A_1125 = vector.shape_cast %get3A_1118 : vector<16xf32> to vector<1x1x16xf32>
      tpu.vector_store %arg7[%swap3A_1120, %swap3A_1121, %swap3A_1122], %swap3A_1125 {strides = array<i32>} : memref<6x128x128xf32, #tpu.memory_space<vmem>>, vector<1x1x16xf32>,
      %get3A_1126 = arith.constant 3984 : index
      %get3A_1127 = tpu.vector_load %arg10[%get3A_1126] {strides = array<i32>} : memref<4096xf32, #tpu.memory_space<vmem>>, vector<16xf32>,
      %get3A_1128 = vector.shape_cast %get3A_1127 : vector<16xf32> to vector<16xf32>
      %swap3A_1129 = arith.constant 2 : i32
      %swap3A_1130 = arith.index_cast %swap3A_1129 : i32 to index
      %swap3A_1131 = arith.index_cast %rem3A_1115 : i32 to index
      %swap3A_1132 = arith.constant 16 : index
      %swap3A_1133 = tpu.vector_load %arg7[%swap3A_1130, %swap3A_1131, %swap3A_1132] {strides = array<i32>} : memref<6x128x128xf32, #tpu.memory_space<vmem>>, vector<1x1x16xf32>,
      %swap3A_1134 = vector.shape_cast %swap3A_1133 : vector<1x1x16xf32> to vector<16xf32>
      %swap3A_1135 = vector.shape_cast %get3A_1128 : vector<16xf32> to vector<1x1x16xf32>
      tpu.vector_store %arg7[%swap3A_1130, %swap3A_1131, %swap3A_1132], %swap3A_1135 {strides = array<i32>} : memref<6x128x128xf32, #tpu.memory_space<vmem>>, vector<1x1x16xf32>,
      %get3A_1136 = arith.constant 4000 : index
      %get3A_1137 = tpu.vector_load %arg10[%get3A_1136] {strides = array<i32>} : memref<4096xf32, #tpu.memory_space<vmem>>, vector<16xf32>,
      %get3A_1138 = vector.shape_cast %get3A_1137 : vector<16xf32> to vector<16xf32>
      %swap3A_1139 = arith.constant 2 : i32
      %swap3A_1140 = arith.index_cast %swap3A_1139 : i32 to index
      %swap3A_1141 = arith.index_cast %rem3A_1115 : i32 to index
      %swap3A_1142 = arith.constant 32 : index
      %swap3A_1143 = tpu.vector_load %arg7[%swap3A_1140, %swap3A_1141, %swap3A_1142] {strides = array<i32>} : memref<6x128x128xf32, #tpu.memory_space<vmem>>, vector<1x1x16xf32>,
      %swap3A_1144 = vector.shape_cast %swap3A_1143 : vector<1x1x16xf32> to vector<16xf32>
      %swap3A_1145 = vector.shape_cast %get3A_1138 : vector<16xf32> to vector<1x1x16xf32>
      tpu.vector_store %arg7[%swap3A_1140, %swap3A_1141, %swap3A_1142], %swap3A_1145 {strides = array<i32>} : memref<6x128x128xf32, #tpu.memory_space<vmem>>, vector<1x1x16xf32>,
      %get3A_1146 = arith.constant 4016 : index
      %get3A_1147 = tpu.vector_load %arg10[%get3A_1146] {strides = array<i32>} : memref<4096xf32, #tpu.memory_space<vmem>>, vector<16xf32>,
      %get3A_1148 = vector.shape_cast %get3A_1147 : vector<16xf32> to vector<16xf32>
      %swap3A_1149 = arith.constant 2 : i32
      %swap3A_1150 = arith.index_cast %swap3A_1149 : i32 to index
      %swap3A_1151 = arith.index_cast %rem3A_1115 : i32 to index
      %swap3A_1152 = arith.constant 48 : index
      %swap3A_1153 = tpu.vector_load %arg7[%swap3A_1150, %swap3A_1151, %swap3A_1152] {strides = array<i32>} : memref<6x128x128xf32, #tpu.memory_space<vmem>>, vector<1x1x16xf32>,
      %swap3A_1154 = vector.shape_cast %swap3A_1153 : vector<1x1x16xf32> to vector<16xf32>
      %swap3A_1155 = vector.shape_cast %get3A_1148 : vector<16xf32> to vector<1x1x16xf32>
      tpu.vector_store %arg7[%swap3A_1150, %swap3A_1151, %swap3A_1152], %swap3A_1155 {strides = array<i32>} : memref<6x128x128xf32, #tpu.memory_space<vmem>>, vector<1x1x16xf32>,
      %get3A_1156 = arith.constant 4032 : index
      %get3A_1157 = tpu.vector_load %arg10[%get3A_1156] {strides = array<i32>} : memref<4096xf32, #tpu.memory_space<vmem>>, vector<16xf32>,
      %get3A_1158 = vector.shape_cast %get3A_1157 : vector<16xf32> to vector<16xf32>
      %swap3A_1159 = arith.constant 2 : i32
      %swap3A_1160 = arith.index_cast %swap3A_1159 : i32 to index
      %swap3A_1161 = arith.index_cast %rem3A_1115 : i32 to index
      %swap3A_1162 = arith.constant 64 : index
      %swap3A_1163 = tpu.vector_load %arg7[%swap3A_1160, %swap3A_1161, %swap3A_1162] {strides = array<i32>} : memref<6x128x128xf32, #tpu.memory_space<vmem>>, vector<1x1x16xf32>,
      %swap3A_1164 = vector.shape_cast %swap3A_1163 : vector<1x1x16xf32> to vector<16xf32>
      %swap3A_1165 = vector.shape_cast %get3A_1158 : vector<16xf32> to vector<1x1x16xf32>
      tpu.vector_store %arg7[%swap3A_1160, %swap3A_1161, %swap3A_1162], %swap3A_1165 {strides = array<i32>} : memref<6x128x128xf32, #tpu.memory_space<vmem>>, vector<1x1x16xf32>,
      %get3A_1166 = arith.constant 4048 : index
      %get3A_1167 = tpu.vector_load %arg10[%get3A_1166] {strides = array<i32>} : memref<4096xf32, #tpu.memory_space<vmem>>, vector<16xf32>,
      %get3A_1168 = vector.shape_cast %get3A_1167 : vector<16xf32> to vector<16xf32>
      %swap3A_1169 = arith.constant 2 : i32
      %swap3A_1170 = arith.index_cast %swap3A_1169 : i32 to index
      %swap3A_1171 = arith.index_cast %rem3A_1115 : i32 to index
      %swap3A_1172 = arith.constant 80 : index
      %swap3A_1173 = tpu.vector_load %arg7[%swap3A_1170, %swap3A_1171, %swap3A_1172] {strides = array<i32>} : memref<6x128x128xf32, #tpu.memory_space<vmem>>, vector<1x1x16xf32>,
      %swap3A_1174 = vector.shape_cast %swap3A_1173 : vector<1x1x16xf32> to vector<16xf32>
      %swap3A_1175 = vector.shape_cast %get3A_1168 : vector<16xf32> to vector<1x1x16xf32>
      tpu.vector_store %arg7[%swap3A_1170, %swap3A_1171, %swap3A_1172], %swap3A_1175 {strides = array<i32>} : memref<6x128x128xf32, #tpu.memory_space<vmem>>, vector<1x1x16xf32>,
      %get3A_1176 = arith.constant 4064 : index
      %get3A_1177 = tpu.vector_load %arg10[%get3A_1176] {strides = array<i32>} : memref<4096xf32, #tpu.memory_space<vmem>>, vector<16xf32>,
      %get3A_1178 = vector.shape_cast %get3A_1177 : vector<16xf32> to vector<16xf32>
      %swap3A_1179 = arith.constant 2 : i32
      %swap3A_1180 = arith.index_cast %swap3A_1179 : i32 to index
      %swap3A_1181 = arith.index_cast %rem3A_1115 : i32 to index
      %swap3A_1182 = arith.constant 96 : index
      %swap3A_1183 = tpu.vector_load %arg7[%swap3A_1180, %swap3A_1181, %swap3A_1182] {strides = array<i32>} : memref<6x128x128xf32, #tpu.memory_space<vmem>>, vector<1x1x16xf32>,
      %swap3A_1184 = vector.shape_cast %swap3A_1183 : vector<1x1x16xf32> to vector<16xf32>
      %swap3A_1185 = vector.shape_cast %get3A_1178 : vector<16xf32> to vector<1x1x16xf32>
      tpu.vector_store %arg7[%swap3A_1180, %swap3A_1181, %swap3A_1182], %swap3A_1185 {strides = array<i32>} : memref<6x128x128xf32, #tpu.memory_space<vmem>>, vector<1x1x16xf32>,
      %get3A_1186 = arith.constant 4080 : index
      %get3A_1187 = tpu.vector_load %arg10[%get3A_1186] {strides = array<i32>} : memref<4096xf32, #tpu.memory_space<vmem>>, vector<16xf32>,
      %get3A_1188 = vector.shape_cast %get3A_1187 : vector<16xf32> to vector<16xf32>
      %swap3A_1189 = arith.constant 2 : i32
      %swap3A_1190 = arith.index_cast %swap3A_1189 : i32 to index
      %swap3A_1191 = arith.index_cast %rem3A_1115 : i32 to index
      %swap3A_1192 = arith.constant 112 : index
      %swap3A_1193 = tpu.vector_load %arg7[%swap3A_1190, %swap3A_1191, %swap3A_1192] {strides = array<i32>} : memref<6x128x128xf32, #tpu.memory_space<vmem>>, vector<1x1x16xf32>,
      %swap3A_1194 = vector.shape_cast %swap3A_1193 : vector<1x1x16xf32> to vector<16xf32>
      %swap3A_1195 = vector.shape_cast %get3A_1188 : vector<16xf32> to vector<1x1x16xf32>
      tpu.vector_store %arg7[%swap3A_1190, %swap3A_1191, %swap3A_1192], %swap3A_1195 {strides = array<i32>} : memref<6x128x128xf32, #tpu.memory_space<vmem>>, vector<1x1x16xf32>,
    } else {
    }
    %add3A_913 = arith.constant 7936 : i32
    %add3A_914 = arith.addi %mul3A_4, %add3A_913 : i32
    %dma_start3A_915 = arith.constant 2 : i32
    %dma_start3A_916 = arith.constant 2 : i32
    %dma_start3A_917 = arith.constant 0 : i32
    %dma_start3A_918 = arith.constant 0 : i32
    %dma_start3A_919 = tpu.memref_slice %arg7[%dma_start3A_915, %dma_start3A_917, %dma_start3A_918] : memref<6x128x128xf32, #tpu.memory_space<vmem>> -> memref<1x128x128xf32, #tpu.memory_space<vmem>>
    %dma_start3A_920 = tpu.memref_squeeze %dma_start3A_919 : memref<1x128x128xf32, #tpu.memory_space<vmem>> -> memref<128x128xf32, #tpu.memory_space<vmem>>
    %dma_start3A_921 = arith.constant 0 : i32
    %dma_start3A_922 = tpu.memref_slice %arg5[%add3A_914, %dma_start3A_921] : memref<262144x128xf32, #tpu.memory_space<hbm>> -> memref<128x128xf32, #tpu.memory_space<hbm>>
    %dma_start3A_923 = tpu.memref_slice %arg12[%dma_start3A_916] : memref<6x!tpu.dma_semaphore, #tpu.memory_space<semaphore_mem>> -> memref<1x!tpu.dma_semaphore, #tpu.memory_space<semaphore_mem>>
    %dma_start3A_924 = tpu.memref_squeeze %dma_start3A_923 : memref<1x!tpu.dma_semaphore, #tpu.memory_space<semaphore_mem>> -> memref<!tpu.dma_semaphore, #tpu.memory_space<semaphore_mem>>
    %dma_start3A_925 = arith.constant 0 : i32
    %dma_start3A_926 = tpu.memref_slice %arg5[%add3A_914, %dma_start3A_925] : memref<262144x128xf32, #tpu.memory_space<hbm>> -> memref<128x128xf32, #tpu.memory_space<hbm>>
    %dma_start3A_927 = arith.constant 0 : i32
    %dma_start3A_928 = arith.constant 0 : i32
    %dma_start3A_929 = tpu.memref_slice %arg7[%dma_start3A_915, %dma_start3A_927, %dma_start3A_928] : memref<6x128x128xf32, #tpu.memory_space<vmem>> -> memref<1x128x128xf32, #tpu.memory_space<vmem>>
    %dma_start3A_930 = tpu.memref_squeeze %dma_start3A_929 : memref<1x128x128xf32, #tpu.memory_space<vmem>> -> memref<128x128xf32, #tpu.memory_space<vmem>>
    tpu.enqueue_dma source(%dma_start3A_930 : memref<128x128xf32, #tpu.memory_space<vmem>>) target(%dma_start3A_926 : memref<128x128xf32, #tpu.memory_space<hbm>>) target_semaphore(%dma_start3A_924 : memref<!tpu.dma_semaphore, #tpu.memory_space<semaphore_mem>>)
    %add3A_931 = arith.constant 7552 : i32
    %add3A_932 = arith.addi %mul3A_4, %add3A_931 : i32
    %dma_wait3A_933 = arith.constant 5 : i32
    %dma_wait3A_934 = arith.constant 5 : i32
    %dma_wait3A_935 = arith.constant 0 : i32
    %dma_wait3A_936 = arith.constant 0 : i32
    %dma_wait3A_937 = tpu.memref_slice %arg7[%dma_wait3A_933, %dma_wait3A_935, %dma_wait3A_936] : memref<6x128x128xf32, #tpu.memory_space<vmem>> -> memref<1x128x128xf32, #tpu.memory_space<vmem>>
    %dma_wait3A_938 = tpu.memref_squeeze %dma_wait3A_937 : memref<1x128x128xf32, #tpu.memory_space<vmem>> -> memref<128x128xf32, #tpu.memory_space<vmem>>
    %dma_wait3A_939 = arith.constant 0 : i32
    %dma_wait3A_940 = tpu.memref_slice %arg5[%add3A_932, %dma_wait3A_939] : memref<262144x128xf32, #tpu.memory_space<hbm>> -> memref<128x128xf32, #tpu.memory_space<hbm>>
    %dma_wait3A_941 = tpu.memref_slice %arg12[%dma_wait3A_934] : memref<6x!tpu.dma_semaphore, #tpu.memory_space<semaphore_mem>> -> memref<1x!tpu.dma_semaphore, #tpu.memory_space<semaphore_mem>>
    %dma_wait3A_942 = tpu.memref_squeeze %dma_wait3A_941 : memref<1x!tpu.dma_semaphore, #tpu.memory_space<semaphore_mem>> -> memref<!tpu.dma_semaphore, #tpu.memory_space<semaphore_mem>>
    %dma_wait3A_943 = arith.constant 0 : i32
    %dma_wait3A_944 = tpu.memref_slice %arg5[%add3A_932, %dma_wait3A_943] : memref<262144x128xf32, #tpu.memory_space<hbm>> -> memref<128x128xf32, #tpu.memory_space<hbm>>
    %dma_wait3A_945 = arith.constant 0 : i32
    %dma_wait3A_946 = arith.constant 0 : i32
    %dma_wait3A_947 = tpu.memref_slice %arg7[%dma_wait3A_933, %dma_wait3A_945, %dma_wait3A_946] : memref<6x128x128xf32, #tpu.memory_space<vmem>> -> memref<1x128x128xf32, #tpu.memory_space<vmem>>
    %dma_wait3A_948 = tpu.memref_squeeze %dma_wait3A_947 : memref<1x128x128xf32, #tpu.memory_space<vmem>> -> memref<128x128xf32, #tpu.memory_space<vmem>>
    tpu.wait_dma2 semaphore(%dma_wait3A_942 : memref<!tpu.dma_semaphore, #tpu.memory_space<semaphore_mem>>) src(%dma_wait3A_948 : memref<128x128xf32, #tpu.memory_space<vmem>>) dst(%dma_wait3A_944 : memref<128x128xf32, #tpu.memory_space<hbm>>)
    %add3A_949 = arith.constant 8064 : i32
    %add3A_950 = arith.addi %mul3A_4, %add3A_949 : i32
    %dma_wait3A_951 = arith.constant 3 : i32
    %dma_wait3A_952 = arith.constant 3 : i32
    %dma_wait3A_953 = arith.constant 0 : i32
    %dma_wait3A_954 = arith.constant 0 : i32
    %dma_wait3A_955 = tpu.memref_slice %arg7[%dma_wait3A_951, %dma_wait3A_953, %dma_wait3A_954] : memref<6x128x128xf32, #tpu.memory_space<vmem>> -> memref<1x128x128xf32, #tpu.memory_space<vmem>>
    %dma_wait3A_956 = tpu.memref_squeeze %dma_wait3A_955 : memref<1x128x128xf32, #tpu.memory_space<vmem>> -> memref<128x128xf32, #tpu.memory_space<vmem>>
    %dma_wait3A_957 = arith.constant 0 : i32
    %dma_wait3A_958 = tpu.memref_slice %arg3[%add3A_950, %dma_wait3A_957] : memref<262144x128xf32, #tpu.memory_space<hbm>> -> memref<128x128xf32, #tpu.memory_space<hbm>>
    %dma_wait3A_959 = tpu.memref_slice %arg11[%dma_wait3A_952] : memref<6x!tpu.dma_semaphore, #tpu.memory_space<semaphore_mem>> -> memref<1x!tpu.dma_semaphore, #tpu.memory_space<semaphore_mem>>
    %dma_wait3A_960 = tpu.memref_squeeze %dma_wait3A_959 : memref<1x!tpu.dma_semaphore, #tpu.memory_space<semaphore_mem>> -> memref<!tpu.dma_semaphore, #tpu.memory_space<semaphore_mem>>
    %dma_wait3A_961 = arith.constant 0 : i32
    %dma_wait3A_962 = arith.constant 0 : i32
    %dma_wait3A_963 = tpu.memref_slice %arg7[%dma_wait3A_951, %dma_wait3A_961, %dma_wait3A_962] : memref<6x128x128xf32, #tpu.memory_space<vmem>> -> memref<1x128x128xf32, #tpu.memory_space<vmem>>
    %dma_wait3A_964 = tpu.memref_squeeze %dma_wait3A_963 : memref<1x128x128xf32, #tpu.memory_space<vmem>> -> memref<128x128xf32, #tpu.memory_space<vmem>>
    %dma_wait3A_965 = arith.constant 0 : i32
    %dma_wait3A_966 = tpu.memref_slice %arg3[%add3A_950, %dma_wait3A_965] : memref<262144x128xf32, #tpu.memory_space<hbm>> -> memref<128x128xf32, #tpu.memory_space<hbm>>
    tpu.wait_dma2 semaphore(%dma_wait3A_960 : memref<!tpu.dma_semaphore, #tpu.memory_space<semaphore_mem>>) src(%dma_wait3A_966 : memref<128x128xf32, #tpu.memory_space<hbm>>) dst(%dma_wait3A_964 : memref<128x128xf32, #tpu.memory_space<vmem>>)
    %get3A_967 = arith.constant 31 : index
    %get3A_968 = tpu.vector_load %arg8[%get3A_967] {strides = array<i32>} : memref<48xi32, #tpu.memory_space<vmem>>, vector<16xi32>,
    %get3A_969 = vector.shape_cast %get3A_968 : vector<16xi32> to vector<16xi32>
    %slice3A_970 = vector.extract_strided_slice %get3A_969 {offsets = [0], sizes = [1], strides = [1]} : vector<16xi32> to vector<1xi32>
    %squeeze3A_971 = vector.extract %slice3A_970[0] : i32 from vector<1xi32>
    %rem3A_972 = arith.constant 256 : i32
    %rem3A_973 = arith.remsi %squeeze3A_971, %rem3A_972 : i32
    %jit3A_974 = arith.constant 128 : i32
    %div3A_975 = arith.divsi %rem3A_973, %jit3A_974 : i32
    %sign3A_976 = arith.constant 0 : i32
    %sign3A_977 = arith.cmpi sgt, %rem3A_973, %sign3A_976 : i32
    %sign3A_978 = arith.extui %sign3A_977 : i1 to i32
    %sign3A_979 = arith.constant 0 : i32
    %sign3A_980 = arith.cmpi slt, %rem3A_973, %sign3A_979 : i32
    %sign3A_981 = arith.extui %sign3A_980 : i1 to i32
    %sign3A_982 = arith.subi %sign3A_978, %sign3A_981 : i32
    %sign3A_983 = arith.constant 0 : i32
    %sign3A_984 = arith.cmpi sgt, %jit3A_974, %sign3A_983 : i32
    %sign3A_985 = arith.extui %sign3A_984 : i1 to i32
    %sign3A_986 = arith.constant 0 : i32
    %sign3A_987 = arith.cmpi slt, %jit3A_974, %sign3A_986 : i32
    %sign3A_988 = arith.extui %sign3A_987 : i1 to i32
    %sign3A_989 = arith.subi %sign3A_985, %sign3A_988 : i32
    %ne3A_990 = arith.cmpi ne, %sign3A_982, %sign3A_989 : i32
    %rem3A_991 = arith.remsi %rem3A_973, %jit3A_974 : i32
    %ne3A_992 = arith.constant 0 : i32
    %ne3A_993 = arith.cmpi ne, %rem3A_991, %ne3A_992 : i32
    %and3A_994 = arith.andi %ne3A_990, %ne3A_993 : i1
    %sub3A_995 = arith.constant 1 : i32
    %sub3A_996 = arith.subi %div3A_975, %sub3A_995 : i32
    %select_n3A_997 = arith.select %and3A_994, %sub3A_996, %div3A_975 : i32
    %rem3A_998 = arith.constant 63 : i32
    %rem3A_999 = arith.constant 2 : i32
    %rem3A_1000 = arith.remsi %rem3A_998, %rem3A_999 : i32
    %eq3A_1001 = arith.cmpi eq, %select_n3A_997, %rem3A_1000 : i32
    %convert_element_type3A_1002 = arith.extui %eq3A_1001 : i1 to i32
    %cond3A_1003 = arith.constant 0 : i32
    %cond3A_1004 = arith.cmpi ne, %convert_element_type3A_1002, %cond3A_1003 : i32
    scf.if %cond3A_1004 {
      %rem3A_1114 = arith.constant 128 : i32
      %rem3A_1115 = arith.remsi %rem3A_973, %rem3A_1114 : i32
      %get3A_1116 = arith.constant 3968 : index
      %get3A_1117 = tpu.vector_load %arg10[%get3A_1116] {strides = array<i32>} : memref<4096xf32, #tpu.memory_space<vmem>>, vector<16xf32>,
      %get3A_1118 = vector.shape_cast %get3A_1117 : vector<16xf32> to vector<16xf32>
      %swap3A_1119 = arith.constant 3 : i32
      %swap3A_1120 = arith.index_cast %swap3A_1119 : i32 to index
      %swap3A_1121 = arith.index_cast %rem3A_1115 : i32 to index
      %swap3A_1122 = arith.constant 0 : index
      %swap3A_1123 = tpu.vector_load %arg7[%swap3A_1120, %swap3A_1121, %swap3A_1122] {strides = array<i32>} : memref<6x128x128xf32, #tpu.memory_space<vmem>>, vector<1x1x16xf32>,
      %swap3A_1124 = vector.shape_cast %swap3A_1123 : vector<1x1x16xf32> to vector<16xf32>
      %swap3A_1125 = vector.shape_cast %get3A_1118 : vector<16xf32> to vector<1x1x16xf32>
      tpu.vector_store %arg7[%swap3A_1120, %swap3A_1121, %swap3A_1122], %swap3A_1125 {strides = array<i32>} : memref<6x128x128xf32, #tpu.memory_space<vmem>>, vector<1x1x16xf32>,
      %get3A_1126 = arith.constant 3984 : index
      %get3A_1127 = tpu.vector_load %arg10[%get3A_1126] {strides = array<i32>} : memref<4096xf32, #tpu.memory_space<vmem>>, vector<16xf32>,
      %get3A_1128 = vector.shape_cast %get3A_1127 : vector<16xf32> to vector<16xf32>
      %swap3A_1129 = arith.constant 3 : i32
      %swap3A_1130 = arith.index_cast %swap3A_1129 : i32 to index
      %swap3A_1131 = arith.index_cast %rem3A_1115 : i32 to index
      %swap3A_1132 = arith.constant 16 : index
      %swap3A_1133 = tpu.vector_load %arg7[%swap3A_1130, %swap3A_1131, %swap3A_1132] {strides = array<i32>} : memref<6x128x128xf32, #tpu.memory_space<vmem>>, vector<1x1x16xf32>,
      %swap3A_1134 = vector.shape_cast %swap3A_1133 : vector<1x1x16xf32> to vector<16xf32>
      %swap3A_1135 = vector.shape_cast %get3A_1128 : vector<16xf32> to vector<1x1x16xf32>
      tpu.vector_store %arg7[%swap3A_1130, %swap3A_1131, %swap3A_1132], %swap3A_1135 {strides = array<i32>} : memref<6x128x128xf32, #tpu.memory_space<vmem>>, vector<1x1x16xf32>,
      %get3A_1136 = arith.constant 4000 : index
      %get3A_1137 = tpu.vector_load %arg10[%get3A_1136] {strides = array<i32>} : memref<4096xf32, #tpu.memory_space<vmem>>, vector<16xf32>,
      %get3A_1138 = vector.shape_cast %get3A_1137 : vector<16xf32> to vector<16xf32>
      %swap3A_1139 = arith.constant 3 : i32
      %swap3A_1140 = arith.index_cast %swap3A_1139 : i32 to index
      %swap3A_1141 = arith.index_cast %rem3A_1115 : i32 to index
      %swap3A_1142 = arith.constant 32 : index
      %swap3A_1143 = tpu.vector_load %arg7[%swap3A_1140, %swap3A_1141, %swap3A_1142] {strides = array<i32>} : memref<6x128x128xf32, #tpu.memory_space<vmem>>, vector<1x1x16xf32>,
      %swap3A_1144 = vector.shape_cast %swap3A_1143 : vector<1x1x16xf32> to vector<16xf32>
      %swap3A_1145 = vector.shape_cast %get3A_1138 : vector<16xf32> to vector<1x1x16xf32>
      tpu.vector_store %arg7[%swap3A_1140, %swap3A_1141, %swap3A_1142], %swap3A_1145 {strides = array<i32>} : memref<6x128x128xf32, #tpu.memory_space<vmem>>, vector<1x1x16xf32>,
      %get3A_1146 = arith.constant 4016 : index
      %get3A_1147 = tpu.vector_load %arg10[%get3A_1146] {strides = array<i32>} : memref<4096xf32, #tpu.memory_space<vmem>>, vector<16xf32>,
      %get3A_1148 = vector.shape_cast %get3A_1147 : vector<16xf32> to vector<16xf32>
      %swap3A_1149 = arith.constant 3 : i32
      %swap3A_1150 = arith.index_cast %swap3A_1149 : i32 to index
      %swap3A_1151 = arith.index_cast %rem3A_1115 : i32 to index
      %swap3A_1152 = arith.constant 48 : index
      %swap3A_1153 = tpu.vector_load %arg7[%swap3A_1150, %swap3A_1151, %swap3A_1152] {strides = array<i32>} : memref<6x128x128xf32, #tpu.memory_space<vmem>>, vector<1x1x16xf32>,
      %swap3A_1154 = vector.shape_cast %swap3A_1153 : vector<1x1x16xf32> to vector<16xf32>
      %swap3A_1155 = vector.shape_cast %get3A_1148 : vector<16xf32> to vector<1x1x16xf32>
      tpu.vector_store %arg7[%swap3A_1150, %swap3A_1151, %swap3A_1152], %swap3A_1155 {strides = array<i32>} : memref<6x128x128xf32, #tpu.memory_space<vmem>>, vector<1x1x16xf32>,
      %get3A_1156 = arith.constant 4032 : index
      %get3A_1157 = tpu.vector_load %arg10[%get3A_1156] {strides = array<i32>} : memref<4096xf32, #tpu.memory_space<vmem>>, vector<16xf32>,
      %get3A_1158 = vector.shape_cast %get3A_1157 : vector<16xf32> to vector<16xf32>
      %swap3A_1159 = arith.constant 3 : i32
      %swap3A_1160 = arith.index_cast %swap3A_1159 : i32 to index
      %swap3A_1161 = arith.index_cast %rem3A_1115 : i32 to index
      %swap3A_1162 = arith.constant 64 : index
      %swap3A_1163 = tpu.vector_load %arg7[%swap3A_1160, %swap3A_1161, %swap3A_1162] {strides = array<i32>} : memref<6x128x128xf32, #tpu.memory_space<vmem>>, vector<1x1x16xf32>,
      %swap3A_1164 = vector.shape_cast %swap3A_1163 : vector<1x1x16xf32> to vector<16xf32>
      %swap3A_1165 = vector.shape_cast %get3A_1158 : vector<16xf32> to vector<1x1x16xf32>
      tpu.vector_store %arg7[%swap3A_1160, %swap3A_1161, %swap3A_1162], %swap3A_1165 {strides = array<i32>} : memref<6x128x128xf32, #tpu.memory_space<vmem>>, vector<1x1x16xf32>,
      %get3A_1166 = arith.constant 4048 : index
      %get3A_1167 = tpu.vector_load %arg10[%get3A_1166] {strides = array<i32>} : memref<4096xf32, #tpu.memory_space<vmem>>, vector<16xf32>,
      %get3A_1168 = vector.shape_cast %get3A_1167 : vector<16xf32> to vector<16xf32>
      %swap3A_1169 = arith.constant 3 : i32
      %swap3A_1170 = arith.index_cast %swap3A_1169 : i32 to index
      %swap3A_1171 = arith.index_cast %rem3A_1115 : i32 to index
      %swap3A_1172 = arith.constant 80 : index
      %swap3A_1173 = tpu.vector_load %arg7[%swap3A_1170, %swap3A_1171, %swap3A_1172] {strides = array<i32>} : memref<6x128x128xf32, #tpu.memory_space<vmem>>, vector<1x1x16xf32>,
      %swap3A_1174 = vector.shape_cast %swap3A_1173 : vector<1x1x16xf32> to vector<16xf32>
      %swap3A_1175 = vector.shape_cast %get3A_1168 : vector<16xf32> to vector<1x1x16xf32>
      tpu.vector_store %arg7[%swap3A_1170, %swap3A_1171, %swap3A_1172], %swap3A_1175 {strides = array<i32>} : memref<6x128x128xf32, #tpu.memory_space<vmem>>, vector<1x1x16xf32>,
      %get3A_1176 = arith.constant 4064 : index
      %get3A_1177 = tpu.vector_load %arg10[%get3A_1176] {strides = array<i32>} : memref<4096xf32, #tpu.memory_space<vmem>>, vector<16xf32>,
      %get3A_1178 = vector.shape_cast %get3A_1177 : vector<16xf32> to vector<16xf32>
      %swap3A_1179 = arith.constant 3 : i32
      %swap3A_1180 = arith.index_cast %swap3A_1179 : i32 to index
      %swap3A_1181 = arith.index_cast %rem3A_1115 : i32 to index
      %swap3A_1182 = arith.constant 96 : index
      %swap3A_1183 = tpu.vector_load %arg7[%swap3A_1180, %swap3A_1181, %swap3A_1182] {strides = array<i32>} : memref<6x128x128xf32, #tpu.memory_space<vmem>>, vector<1x1x16xf32>,
      %swap3A_1184 = vector.shape_cast %swap3A_1183 : vector<1x1x16xf32> to vector<16xf32>
      %swap3A_1185 = vector.shape_cast %get3A_1178 : vector<16xf32> to vector<1x1x16xf32>
      tpu.vector_store %arg7[%swap3A_1180, %swap3A_1181, %swap3A_1182], %swap3A_1185 {strides = array<i32>} : memref<6x128x128xf32, #tpu.memory_space<vmem>>, vector<1x1x16xf32>,
      %get3A_1186 = arith.constant 4080 : index
      %get3A_1187 = tpu.vector_load %arg10[%get3A_1186] {strides = array<i32>} : memref<4096xf32, #tpu.memory_space<vmem>>, vector<16xf32>,
      %get3A_1188 = vector.shape_cast %get3A_1187 : vector<16xf32> to vector<16xf32>
      %swap3A_1189 = arith.constant 3 : i32
      %swap3A_1190 = arith.index_cast %swap3A_1189 : i32 to index
      %swap3A_1191 = arith.index_cast %rem3A_1115 : i32 to index
      %swap3A_1192 = arith.constant 112 : index
      %swap3A_1193 = tpu.vector_load %arg7[%swap3A_1190, %swap3A_1191, %swap3A_1192] {strides = array<i32>} : memref<6x128x128xf32, #tpu.memory_space<vmem>>, vector<1x1x16xf32>,
      %swap3A_1194 = vector.shape_cast %swap3A_1193 : vector<1x1x16xf32> to vector<16xf32>
      %swap3A_1195 = vector.shape_cast %get3A_1188 : vector<16xf32> to vector<1x1x16xf32>
      tpu.vector_store %arg7[%swap3A_1190, %swap3A_1191, %swap3A_1192], %swap3A_1195 {strides = array<i32>} : memref<6x128x128xf32, #tpu.memory_space<vmem>>, vector<1x1x16xf32>,
    } else {
    }
    %add3A_1005 = arith.constant 8064 : i32
    %add3A_1006 = arith.addi %mul3A_4, %add3A_1005 : i32
    %dma_start3A_1007 = arith.constant 3 : i32
    %dma_start3A_1008 = arith.constant 3 : i32
    %dma_start3A_1009 = arith.constant 0 : i32
    %dma_start3A_1010 = arith.constant 0 : i32
    %dma_start3A_1011 = tpu.memref_slice %arg7[%dma_start3A_1007, %dma_start3A_1009, %dma_start3A_1010] : memref<6x128x128xf32, #tpu.memory_space<vmem>> -> memref<1x128x128xf32, #tpu.memory_space<vmem>>
    %dma_start3A_1012 = tpu.memref_squeeze %dma_start3A_1011 : memref<1x128x128xf32, #tpu.memory_space<vmem>> -> memref<128x128xf32, #tpu.memory_space<vmem>>
    %dma_start3A_1013 = arith.constant 0 : i32
    %dma_start3A_1014 = tpu.memref_slice %arg5[%add3A_1006, %dma_start3A_1013] : memref<262144x128xf32, #tpu.memory_space<hbm>> -> memref<128x128xf32, #tpu.memory_space<hbm>>
    %dma_start3A_1015 = tpu.memref_slice %arg12[%dma_start3A_1008] : memref<6x!tpu.dma_semaphore, #tpu.memory_space<semaphore_mem>> -> memref<1x!tpu.dma_semaphore, #tpu.memory_space<semaphore_mem>>
    %dma_start3A_1016 = tpu.memref_squeeze %dma_start3A_1015 : memref<1x!tpu.dma_semaphore, #tpu.memory_space<semaphore_mem>> -> memref<!tpu.dma_semaphore, #tpu.memory_space<semaphore_mem>>
    %dma_start3A_1017 = arith.constant 0 : i32
    %dma_start3A_1018 = tpu.memref_slice %arg5[%add3A_1006, %dma_start3A_1017] : memref<262144x128xf32, #tpu.memory_space<hbm>> -> memref<128x128xf32, #tpu.memory_space<hbm>>
    %dma_start3A_1019 = arith.constant 0 : i32
    %dma_start3A_1020 = arith.constant 0 : i32
    %dma_start3A_1021 = tpu.memref_slice %arg7[%dma_start3A_1007, %dma_start3A_1019, %dma_start3A_1020] : memref<6x128x128xf32, #tpu.memory_space<vmem>> -> memref<1x128x128xf32, #tpu.memory_space<vmem>>
    %dma_start3A_1022 = tpu.memref_squeeze %dma_start3A_1021 : memref<1x128x128xf32, #tpu.memory_space<vmem>> -> memref<128x128xf32, #tpu.memory_space<vmem>>
    tpu.enqueue_dma source(%dma_start3A_1022 : memref<128x128xf32, #tpu.memory_space<vmem>>) target(%dma_start3A_1018 : memref<128x128xf32, #tpu.memory_space<hbm>>) target_semaphore(%dma_start3A_1016 : memref<!tpu.dma_semaphore, #tpu.memory_space<semaphore_mem>>)
    %add3A_1023 = arith.constant 7680 : i32
    %add3A_1024 = arith.addi %mul3A_4, %add3A_1023 : i32
    %dma_wait3A_1025 = arith.constant 0 : i32
    %dma_wait3A_1026 = arith.constant 0 : i32
    %dma_wait3A_1027 = arith.constant 0 : i32
    %dma_wait3A_1028 = arith.constant 0 : i32
    %dma_wait3A_1029 = tpu.memref_slice %arg7[%dma_wait3A_1025, %dma_wait3A_1027, %dma_wait3A_1028] : memref<6x128x128xf32, #tpu.memory_space<vmem>> -> memref<1x128x128xf32, #tpu.memory_space<vmem>>
    %dma_wait3A_1030 = tpu.memref_squeeze %dma_wait3A_1029 : memref<1x128x128xf32, #tpu.memory_space<vmem>> -> memref<128x128xf32, #tpu.memory_space<vmem>>
    %dma_wait3A_1031 = arith.constant 0 : i32
    %dma_wait3A_1032 = tpu.memref_slice %arg5[%add3A_1024, %dma_wait3A_1031] : memref<262144x128xf32, #tpu.memory_space<hbm>> -> memref<128x128xf32, #tpu.memory_space<hbm>>
    %dma_wait3A_1033 = tpu.memref_slice %arg12[%dma_wait3A_1026] : memref<6x!tpu.dma_semaphore, #tpu.memory_space<semaphore_mem>> -> memref<1x!tpu.dma_semaphore, #tpu.memory_space<semaphore_mem>>
    %dma_wait3A_1034 = tpu.memref_squeeze %dma_wait3A_1033 : memref<1x!tpu.dma_semaphore, #tpu.memory_space<semaphore_mem>> -> memref<!tpu.dma_semaphore, #tpu.memory_space<semaphore_mem>>
    %dma_wait3A_1035 = arith.constant 0 : i32
    %dma_wait3A_1036 = tpu.memref_slice %arg5[%add3A_1024, %dma_wait3A_1035] : memref<262144x128xf32, #tpu.memory_space<hbm>> -> memref<128x128xf32, #tpu.memory_space<hbm>>
    %dma_wait3A_1037 = arith.constant 0 : i32
    %dma_wait3A_1038 = arith.constant 0 : i32
    %dma_wait3A_1039 = tpu.memref_slice %arg7[%dma_wait3A_1025, %dma_wait3A_1037, %dma_wait3A_1038] : memref<6x128x128xf32, #tpu.memory_space<vmem>> -> memref<1x128x128xf32, #tpu.memory_space<vmem>>
    %dma_wait3A_1040 = tpu.memref_squeeze %dma_wait3A_1039 : memref<1x128x128xf32, #tpu.memory_space<vmem>> -> memref<128x128xf32, #tpu.memory_space<vmem>>
    tpu.wait_dma2 semaphore(%dma_wait3A_1034 : memref<!tpu.dma_semaphore, #tpu.memory_space<semaphore_mem>>) src(%dma_wait3A_1040 : memref<128x128xf32, #tpu.memory_space<vmem>>) dst(%dma_wait3A_1036 : memref<128x128xf32, #tpu.memory_space<hbm>>)
    %get3A_1041 = arith.constant 0 : index
    %get3A_1042 = tpu.vector_load %arg8[%get3A_1041] {strides = array<i32>} : memref<48xi32, #tpu.memory_space<vmem>>, vector<16xi32>,
    %get3A_1043 = vector.shape_cast %get3A_1042 : vector<16xi32> to vector<16xi32>
    %add3A_1044 = arith.constant 1 : i32
    %add3A_1045 = vector.broadcast %add3A_1044 : i32 to vector<16xi32>
    %add3A_1046 = arith.addi %get3A_1043, %add3A_1045 : vector<16xi32>
    %swap3A = arith.constant 0 : index
    %swap3A_1047 = tpu.vector_load %arg9[%swap3A] {strides = array<i32>} : memref<32xi32, #tpu.memory_space<vmem>>, vector<16xi32>,
    %swap3A_1048 = vector.shape_cast %swap3A_1047 : vector<16xi32> to vector<16xi32>
    %swap3A_1049 = vector.shape_cast %add3A_1046 : vector<16xi32> to vector<16xi32>
    tpu.vector_store %arg9[%swap3A], %swap3A_1049 {strides = array<i32>} : memref<32xi32, #tpu.memory_space<vmem>>, vector<16xi32>,
    %get3A_1050 = arith.constant 16 : index
    %get3A_1051 = tpu.vector_load %arg8[%get3A_1050] {strides = array<i32>} : memref<48xi32, #tpu.memory_space<vmem>>, vector<16xi32>,
    %get3A_1052 = vector.shape_cast %get3A_1051 : vector<16xi32> to vector<16xi32>
    %add3A_1053 = arith.constant 1 : i32
    %add3A_1054 = vector.broadcast %add3A_1053 : i32 to vector<16xi32>
    %add3A_1055 = arith.addi %get3A_1052, %add3A_1054 : vector<16xi32>
    %swap3A_1056 = arith.constant 16 : index
    %swap3A_1057 = tpu.vector_load %arg9[%swap3A_1056] {strides = array<i32>} : memref<32xi32, #tpu.memory_space<vmem>>, vector<16xi32>,
    %swap3A_1058 = vector.shape_cast %swap3A_1057 : vector<16xi32> to vector<16xi32>
    %swap3A_1059 = vector.shape_cast %add3A_1055 : vector<16xi32> to vector<16xi32>
    tpu.vector_store %arg9[%swap3A_1056], %swap3A_1059 {strides = array<i32>} : memref<32xi32, #tpu.memory_space<vmem>>, vector<16xi32>,
    "tpu.region"() ({
      %run_scoped3A = tpu.sem_alloc : memref<!tpu.dma_semaphore, #tpu.memory_space<semaphore_mem>>
      %dma_start3A_1114 = tpu.memref_slice %arg6[%mul3A_2] : memref<1024xi32, #tpu.memory_space<hbm>> -> memref<32xi32, #tpu.memory_space<hbm>>
      %dma_start3A_1115 = tpu.memref_slice %arg6[%mul3A_2] : memref<1024xi32, #tpu.memory_space<hbm>> -> memref<32xi32, #tpu.memory_space<hbm>>
      tpu.enqueue_dma source(%arg9 : memref<32xi32, #tpu.memory_space<vmem>>) target(%dma_start3A_1115 : memref<32xi32, #tpu.memory_space<hbm>>) target_semaphore(%run_scoped3A : memref<!tpu.dma_semaphore, #tpu.memory_space<semaphore_mem>>)
      %dma_wait3A_1116 = tpu.memref_slice %arg6[%mul3A_2] : memref<1024xi32, #tpu.memory_space<hbm>> -> memref<32xi32, #tpu.memory_space<hbm>>
      %dma_wait3A_1117 = tpu.memref_slice %arg6[%mul3A_2] : memref<1024xi32, #tpu.memory_space<hbm>> -> memref<32xi32, #tpu.memory_space<hbm>>
      tpu.wait_dma2 semaphore(%run_scoped3A : memref<!tpu.dma_semaphore, #tpu.memory_space<semaphore_mem>>) src(%arg9 : memref<32xi32, #tpu.memory_space<vmem>>) dst(%dma_wait3A_1117 : memref<32xi32, #tpu.memory_space<hbm>>)
      tpu.yield
    }) : () -> ()
    %add3A_1060 = arith.constant 7808 : i32
    %add3A_1061 = arith.addi %mul3A_4, %add3A_1060 : i32
    %dma_wait3A_1062 = arith.constant 1 : i32
    %dma_wait3A_1063 = arith.constant 1 : i32
    %dma_wait3A_1064 = arith.constant 0 : i32
    %dma_wait3A_1065 = arith.constant 0 : i32
    %dma_wait3A_1066 = tpu.memref_slice %arg7[%dma_wait3A_1062, %dma_wait3A_1064, %dma_wait3A_1065] : memref<6x128x128xf32, #tpu.memory_space<vmem>> -> memref<1x128x128xf32, #tpu.memory_space<vmem>>
    %dma_wait3A_1067 = tpu.memref_squeeze %dma_wait3A_1066 : memref<1x128x128xf32, #tpu.memory_space<vmem>> -> memref<128x128xf32, #tpu.memory_space<vmem>>
    %dma_wait3A_1068 = arith.constant 0 : i32
    %dma_wait3A_1069 = tpu.memref_slice %arg5[%add3A_1061, %dma_wait3A_1068] : memref<262144x128xf32, #tpu.memory_space<hbm>> -> memref<128x128xf32, #tpu.memory_space<hbm>>
    %dma_wait3A_1070 = tpu.memref_slice %arg12[%dma_wait3A_1063] : memref<6x!tpu.dma_semaphore, #tpu.memory_space<semaphore_mem>> -> memref<1x!tpu.dma_semaphore, #tpu.memory_space<semaphore_mem>>
    %dma_wait3A_1071 = tpu.memref_squeeze %dma_wait3A_1070 : memref<1x!tpu.dma_semaphore, #tpu.memory_space<semaphore_mem>> -> memref<!tpu.dma_semaphore, #tpu.memory_space<semaphore_mem>>
    %dma_wait3A_1072 = arith.constant 0 : i32
    %dma_wait3A_1073 = tpu.memref_slice %arg5[%add3A_1061, %dma_wait3A_1072] : memref<262144x128xf32, #tpu.memory_space<hbm>> -> memref<128x128xf32, #tpu.memory_space<hbm>>
    %dma_wait3A_1074 = arith.constant 0 : i32
    %dma_wait3A_1075 = arith.constant 0 : i32
    %dma_wait3A_1076 = tpu.memref_slice %arg7[%dma_wait3A_1062, %dma_wait3A_1074, %dma_wait3A_1075] : memref<6x128x128xf32, #tpu.memory_space<vmem>> -> memref<1x128x128xf32, #tpu.memory_space<vmem>>
    %dma_wait3A_1077 = tpu.memref_squeeze %dma_wait3A_1076 : memref<1x128x128xf32, #tpu.memory_space<vmem>> -> memref<128x128xf32, #tpu.memory_space<vmem>>
    tpu.wait_dma2 semaphore(%dma_wait3A_1071 : memref<!tpu.dma_semaphore, #tpu.memory_space<semaphore_mem>>) src(%dma_wait3A_1077 : memref<128x128xf32, #tpu.memory_space<vmem>>) dst(%dma_wait3A_1073 : memref<128x128xf32, #tpu.memory_space<hbm>>)
    %add3A_1078 = arith.constant 7936 : i32
    %add3A_1079 = arith.addi %mul3A_4, %add3A_1078 : i32
    %dma_wait3A_1080 = arith.constant 2 : i32
    %dma_wait3A_1081 = arith.constant 2 : i32
    %dma_wait3A_1082 = arith.constant 0 : i32
    %dma_wait3A_1083 = arith.constant 0 : i32
    %dma_wait3A_1084 = tpu.memref_slice %arg7[%dma_wait3A_1080, %dma_wait3A_1082, %dma_wait3A_1083] : memref<6x128x128xf32, #tpu.memory_space<vmem>> -> memref<1x128x128xf32, #tpu.memory_space<vmem>>
    %dma_wait3A_1085 = tpu.memref_squeeze %dma_wait3A_1084 : memref<1x128x128xf32, #tpu.memory_space<vmem>> -> memref<128x128xf32, #tpu.memory_space<vmem>>
    %dma_wait3A_1086 = arith.constant 0 : i32
    %dma_wait3A_1087 = tpu.memref_slice %arg5[%add3A_1079, %dma_wait3A_1086] : memref<262144x128xf32, #tpu.memory_space<hbm>> -> memref<128x128xf32, #tpu.memory_space<hbm>>
    %dma_wait3A_1088 = tpu.memref_slice %arg12[%dma_wait3A_1081] : memref<6x!tpu.dma_semaphore, #tpu.memory_space<semaphore_mem>> -> memref<1x!tpu.dma_semaphore, #tpu.memory_space<semaphore_mem>>
    %dma_wait3A_1089 = tpu.memref_squeeze %dma_wait3A_1088 : memref<1x!tpu.dma_semaphore, #tpu.memory_space<semaphore_mem>> -> memref<!tpu.dma_semaphore, #tpu.memory_space<semaphore_mem>>
    %dma_wait3A_1090 = arith.constant 0 : i32
    %dma_wait3A_1091 = tpu.memref_slice %arg5[%add3A_1079, %dma_wait3A_1090] : memref<262144x128xf32, #tpu.memory_space<hbm>> -> memref<128x128xf32, #tpu.memory_space<hbm>>
    %dma_wait3A_1092 = arith.constant 0 : i32
    %dma_wait3A_1093 = arith.constant 0 : i32
    %dma_wait3A_1094 = tpu.memref_slice %arg7[%dma_wait3A_1080, %dma_wait3A_1092, %dma_wait3A_1093] : memref<6x128x128xf32, #tpu.memory_space<vmem>> -> memref<1x128x128xf32, #tpu.memory_space<vmem>>
    %dma_wait3A_1095 = tpu.memref_squeeze %dma_wait3A_1094 : memref<1x128x128xf32, #tpu.memory_space<vmem>> -> memref<128x128xf32, #tpu.memory_space<vmem>>
    tpu.wait_dma2 semaphore(%dma_wait3A_1089 : memref<!tpu.dma_semaphore, #tpu.memory_space<semaphore_mem>>) src(%dma_wait3A_1095 : memref<128x128xf32, #tpu.memory_space<vmem>>) dst(%dma_wait3A_1091 : memref<128x128xf32, #tpu.memory_space<hbm>>)
    %add3A_1096 = arith.constant 8064 : i32
    %add3A_1097 = arith.addi %mul3A_4, %add3A_1096 : i32
    %dma_wait3A_1098 = arith.constant 3 : i32
    %dma_wait3A_1099 = arith.constant 3 : i32
    %dma_wait3A_1100 = arith.constant 0 : i32
    %dma_wait3A_1101 = arith.constant 0 : i32
    %dma_wait3A_1102 = tpu.memref_slice %arg7[%dma_wait3A_1098, %dma_wait3A_1100, %dma_wait3A_1101] : memref<6x128x128xf32, #tpu.memory_space<vmem>> -> memref<1x128x128xf32, #tpu.memory_space<vmem>>
    %dma_wait3A_1103 = tpu.memref_squeeze %dma_wait3A_1102 : memref<1x128x128xf32, #tpu.memory_space<vmem>> -> memref<128x128xf32, #tpu.memory_space<vmem>>
    %dma_wait3A_1104 = arith.constant 0 : i32
    %dma_wait3A_1105 = tpu.memref_slice %arg5[%add3A_1097, %dma_wait3A_1104] : memref<262144x128xf32, #tpu.memory_space<hbm>> -> memref<128x128xf32, #tpu.memory_space<hbm>>
    %dma_wait3A_1106 = tpu.memref_slice %arg12[%dma_wait3A_1099] : memref<6x!tpu.dma_semaphore, #tpu.memory_space<semaphore_mem>> -> memref<1x!tpu.dma_semaphore, #tpu.memory_space<semaphore_mem>>
    %dma_wait3A_1107 = tpu.memref_squeeze %dma_wait3A_1106 : memref<1x!tpu.dma_semaphore, #tpu.memory_space<semaphore_mem>> -> memref<!tpu.dma_semaphore, #tpu.memory_space<semaphore_mem>>
    %dma_wait3A_1108 = arith.constant 0 : i32
    %dma_wait3A_1109 = tpu.memref_slice %arg5[%add3A_1097, %dma_wait3A_1108] : memref<262144x128xf32, #tpu.memory_space<hbm>> -> memref<128x128xf32, #tpu.memory_space<hbm>>
    %dma_wait3A_1110 = arith.constant 0 : i32
    %dma_wait3A_1111 = arith.constant 0 : i32
    %dma_wait3A_1112 = tpu.memref_slice %arg7[%dma_wait3A_1098, %dma_wait3A_1110, %dma_wait3A_1111] : memref<6x128x128xf32, #tpu.memory_space<vmem>> -> memref<1x128x128xf32, #tpu.memory_space<vmem>>
    %dma_wait3A_1113 = tpu.memref_squeeze %dma_wait3A_1112 : memref<1x128x128xf32, #tpu.memory_space<vmem>> -> memref<128x128xf32, #tpu.memory_space<vmem>>
    tpu.wait_dma2 semaphore(%dma_wait3A_1107 : memref<!tpu.dma_semaphore, #tpu.memory_space<semaphore_mem>>) src(%dma_wait3A_1113 : memref<128x128xf32, #tpu.memory_space<vmem>>) dst(%dma_wait3A_1109 : memref<128x128xf32, #tpu.memory_space<hbm>>)
    return
  }
}

</mosaic_0001>

<sc_bundles>
// kernel: kernel.3.cloned.1.call-start
scs
__scs_entry_jumppad:
0x0: {  	(pc) =	sbr.rel $0x88, $3  }
0x1: {  	(tag) =	ssettag $0x0;
	lr =	simm.s32 $0x1  }
0x2: {  	[smem:$0x3F9E] =	sst lr;
	_ =	strace $0xD0000000  }
0x3: {  	_ = 	snop  }
0x4: {  	_ = 	snop  }
0x5: {  	_ = 	snop  }
0x6: {  	_ = 	snop  }
0x7: {  	_ = 	snop  }
__scs_overlays_trampoline_lowered:
0x8: {  	[smem:$0x3FAD] =	sst s0  }
0x9: {  	[smem:$0x3FAE] =	sst s1  }
0xa: {  	[smem:$0x3FAF] =	sst s2  }
0xb: {  	[smem:$0x3FB0] =	sst s3  }
0xc: {  	[smem:$0x3FB1] =	sst s4  }
0xd: {  	[smem:$0x3FB2] =	sst s5  }
0xe: {  	[smem:$0x3FB3] =	sst s6  }
0xf: {  	[smem:$0x3FB4] =	sst s7  }
0x10: {  	[smem:$0x3FB5] =	sst s8  }
0x11: {  	[smem:$0x3FB6] =	sst s9;
	s0 =	simm.s32 @!p0 $0x0  }
0x12: {  	s1 =	sld [smem:$0x3F9C];
	s0 =	simm.s32 @p0 $0x1  }
0x13: {  	[smem:$0x3FB7] =	sst s0;
	s0 =	simm.s32 @!p1 $0x0  }
0x14: {  	s2 =	sld [smem:$0x3F9B];
	s0 =	simm.s32 @p1 $0x1  }
0x15: {  	[smem:$0x3FB8] =	sst s0;
	s0 =	simm.s32 @!p2 $0x0  }
0x16: {  	s3 =	sld [smem:$0x3FDB];
	s0 =	simm.s32 @p2 $0x1  }
0x17: {  	s4 =	simm.s32 $0x1BF5;
	[smem:$0x3FBA] =	sst s0  }
0x18: {  	s0 =	sld [smem:$0x3F9D];
	_ =	swait.ge [sflag:s4], $0x0  }
0x19: {  	s7 =	sld [smem:$0x3F9E]  }
0x1a: {  	s8 =	sadd.s32 $0xFFFFE003, lr  }
0x1b: {  	s9 =	sadd.s32 $0xFFFFFEF7, lr;
	s5 =	simm.s32 $0xFFFFFFFF;
	p2 =	slt.u32 s8, $0xFFFFF086  }
0x1c: {  	p1 =	slt.u32 s9, $0xF7A;
	s5 =	simm.s32 @!p2 $0x0  }
0x1d: {  	s5 =	simm.s32 @p1 $0x1;
	p0 =	seq.s32 s7, s2  }
0x1e: {  	s7 =	smul.u32 @!p0 $0xF7A, s2;
	p2 =	seq.s32 @!p0 s5, $0x0  }
0x1f: {  	s9 =	smul.u32 $0xF7A, s1;
	s8 =	simm.s32 @!p0 $0x1BF5;
	p2 =	por !p2, p0  }
0x20: {  	[sflag:s8] =	ssyncset.s32 @!p0 $0xFFFFF086;
	s6 =	sadd.s32 @!p0 s3, s7;
	s7 =	simm.s32 @!p0 $0x108  }
0x21: {  	s3 =	sadd.s32 s3, s9;
	s6 =	sadd.s32 @!p0 $0x88, s6;
	s7 =	simm.s32 @p2 $0x1082  }
0x22: {  	[simem:s7], [sflag:s8] =	dma.local @!p0 [hbm:s6], $0xF7A  }
0x23: {  	s9 =	sor.u32 $0xD0000000, s2;
	s6 =	simm.s32 $0x108;
	_ =	swait.ge @!p0 [sflag:s8], $0x0  }
0x24: {  	s3 =	sadd.s32 $0x88, s3;
	s6 =	simm.s32 @!p1 $0x1082;
	[sflag:s4] =	ssyncset.s32 $0xFFFFF086  }
0x25: {  	[simem:s6], [sflag:s4] =	dma.local [hbm:s3], $0xF7A  }
0x26: {  	[smem:$0x3F9E] =	sst s1;
	(tag) =	ssettag s2;
	_ =	strace s9  }
0x27: {  	s1 =	sld [smem:$0x3FAE]  }
0x28: {  	s2 =	sld [smem:$0x3FAF]  }
0x29: {  	s4 =	sld [smem:$0x3FB1]  }
0x2a: {  	p0 =	seq.s32 s5, $0x0;
	s5 =	sld [smem:$0x3FB2]  }
0x2b: {  	s6 =	sld [smem:$0x3FB3]  }
0x2c: {  	s7 =	sld [smem:$0x3FB4]  }
0x2d: {  	s3 =	simm.s32 $0x108;
	s8 =	sld [smem:$0x3FB5]  }
0x2e: {  	s3 =	simm.s32 @!p0 $0x1082;
	s9 =	sld [smem:$0x3FB6]  }
0x2f: {  	lr =	sadd.s32 s0, s3;
	s0 =	sld [smem:$0x3FAD]  }
0x30: {  	s3 =	sld [smem:$0x3FB0]  }
0x31: {  	[smem:$0x3FB9] =	sst s10  }
0x32: {  	s10 =	sld [smem:$0x3FB7];
	_ =	sdelay $0x3  }
0x33: {  	p0 =	seq.s32 s10, $0x1;
	s10 =	sld [smem:$0x3FB9];
	_ =	sdelay $0x3  }
0x34: {  	[smem:$0x3FB9] =	sst s10  }
0x35: {  	s10 =	sld [smem:$0x3FB8];
	_ =	sdelay $0x3  }
0x36: {  	p1 =	seq.s32 s10, $0x1;
	s10 =	sld [smem:$0x3FB9];
	_ =	sdelay $0x3  }
0x37: {  	[smem:$0x3FB9] =	sst s10  }
0x38: {  	s10 =	sld [smem:$0x3FBA]  }
0x39: {  	_ = 	snop;
	(pc) =	sbr.ind lr, $3  }
0x3a: {  	_ = 	snop  }
0x3b: {  	_ = 	snop  }
0x3c: {  	p2 =	seq.s32 s10, $0x1;
	s10 =	sld [smem:$0x3FB9]  }
0x3d: {  	_ =	shalt  }
0x3e: {  	_ =	shalt  }
0x3f: {  	_ =	shalt  }
0x40: {  	_ =	shalt  }
0x41: {  	_ =	shalt  }
0x42: {  	_ =	shalt  }
0x43: {  	_ =	shalt  }
0x44: {  	_ =	shalt  }
0x45: {  	_ =	shalt  }
0x46: {  	_ =	shalt  }
0x47: {  	_ =	shalt  }
0x48: {  	_ =	shalt  }
0x49: {  	_ =	shalt  }
0x4a: {  	_ =	shalt  }
0x4b: {  	_ =	shalt  }
0x4c: {  	_ =	shalt  }
0x4d: {  	_ =	shalt  }
0x4e: {  	_ =	shalt  }
0x4f: {  	_ =	shalt  }
0x50: {  	_ =	shalt  }
0x51: {  	_ =	shalt  }
0x52: {  	_ =	shalt  }
0x53: {  	_ =	shalt  }
0x54: {  	_ =	shalt  }
0x55: {  	_ =	shalt  }
0x56: {  	_ =	shalt  }
0x57: {  	_ =	shalt  }
0x58: {  	_ =	shalt  }
0x59: {  	_ =	shalt  }
0x5a: {  	_ =	shalt  }
0x5b: {  	_ =	shalt  }
0x5c: {  	_ =	shalt  }
0x5d: {  	_ =	shalt  }
0x5e: {  	_ =	shalt  }
0x5f: {  	_ =	shalt  }
0x60: {  	_ =	shalt  }
0x61: {  	_ =	shalt  }
0x62: {  	_ =	shalt  }
0x63: {  	_ =	shalt  }
0x64: {  	_ =	shalt  }
0x65: {  	_ =	shalt  }
0x66: {  	_ =	shalt  }
0x67: {  	_ =	shalt  }
0x68: {  	_ =	shalt  }
0x69: {  	_ =	shalt  }
0x6a: {  	_ =	shalt  }
0x6b: {  	_ =	shalt  }
0x6c: {  	_ =	shalt  }
0x6d: {  	_ =	shalt  }
0x6e: {  	_ =	shalt  }
0x6f: {  	_ =	shalt  }
0x70: {  	_ =	shalt  }
0x71: {  	_ =	shalt  }
0x72: {  	_ =	shalt  }
0x73: {  	_ =	shalt  }
0x74: {  	_ =	shalt  }
0x75: {  	_ =	shalt  }
0x76: {  	_ =	shalt  }
0x77: {  	_ =	shalt  }
0x78: {  	_ =	shalt  }
0x79: {  	_ =	shalt  }
0x7a: {  	_ =	shalt  }
0x7b: {  	_ =	shalt  }
0x7c: {  	_ =	shalt  }
0x7d: {  	_ =	shalt  }
0x7e: {  	_ =	shalt  }
0x7f: {  	_ =	shalt  }
0x80: {  	_ =	shalt  }
0x81: {  	_ =	shalt  }
0x82: {  	_ =	shalt  }
0x83: {  	_ =	shalt  }
0x84: {  	_ =	shalt  }
0x85: {  	_ =	shalt  }
0x86: {  	_ =	shalt  }
0x87: {  	_ =	shalt  }
.Lfunc_end0:
.L_simem_size_0:
called_computation_lowered:
.L_overlay_start_0:
0x88: {  	s2 =	sld [smem:$0x3FD9]  }
0x89: {  	s3 =	sld [smem:$0x3FFE];
	_ =	sdelay $0x1  }
0x8a: {  	s1 =	srdreg.scid  }
0x8b: {  	s0 =	sand.u32 $0x1, s1  }
0x8c: {  	s15 =	sshll.u32 s0, $0xA;
	s2 =	sadd.s32 s3, s2  }
0x8d: {  	s2 =	sadd.s32 s2, s15  }
0x8e: {  	[smem:$0x3FC5] =	sst s2  }
0x8f: {  	_ = 	snop  }
0x90: {  	s2 =	sld [smem:$0x3FD0]  }
0x91: {  	s16 =	sld [smem:$0x3FC9]  }
0x92: {  	s4 =	sld [smem:$0x3FC8]  }
0x93: {  	s6 =	simm.s32 $0xA;
	s7 =	simm.s32 $0x10;
	s5 =	sld [smem:$0x3FC7]  }
0x94: {  	[smem:s7], [sflag:s6] =	dma.local [hbm:s2], $0x1  }
0x95: {  	_ =	swait.eq [sflag:s6], $0x1  }
0x96: {  	[sflag:s6] =	ssyncset.done $0x0  }
0x97: {  	s17 =	sld [smem:$0x10];
	[sflag:s6] =	ssyncadd.s32 $0xFFFFFFFF  }
0x98: {  	s18 =	sld [smem:$0x11];
	(tm) =	ssettm $0x1  }
0x99: {  	s19 =	sld [smem:$0x3FFB];
	_ =	sdelay $0x3  }
0x9a: {  	_ =	strace s19  }
0x9b: {  	s7 =	sld [smem:$0x3FFC];
	_ =	sdelay $0x3  }
0x9c: {  	_ =	strace s7  }
0x9d: {  	s7 =	sld [smem:$0x3FFD];
	_ =	sdelay $0x3  }
0x9e: {  	_ =	strace s7  }
0x9f: {  	_ =	strace $0x8FFFFFFF  }
0xa0: {  	s20 =	sld [smem:$0x3FDB];
	_ =	sdelay $0x1  }
0xa1: {  	s8 =	simm.s32 $_scs_section_size  }
0xa2: {  	s9 =	simm.s32 $_size__tile_overlayer_lowered;
	s10 =	simm.s32 $_tile_overlayer_lowered  }
0xa3: {  	s23 =	simm.s32 $0x1BFF;
	s22 =	sshll.u32 s10, $0x1;
	s7 =	sadd.s32 s8, s20  }
0xa4: {  	s11 =	simm.s32 $0x0;
	s21 =	sshll.u32 s9, $0x1;
	s9 =	sadd.s32 s22, s7  }
0xa5: {  	[timem:s11], [sflag:s23] =	dma.local [hbm:s9], s21  }
0xa6: {  	_ =	swait.ge [sflag:s23], s21  }
0xa7: {  	s8 =	ssub.s32 $0x0, s21;
	[sflag:s23] =	ssyncset.done $0x0  }
0xa8: {  	[sflag:s23] =	ssyncadd.s32 s8;
	_ =	sdelay $0x1  }
0xa9: {  	s24 =	simm.s32 $0x1B8B  }
0xaa: {  	_ =	swait.ge [sflag:s24], $0x1  }
0xab: {  	[sflag:s24] =	ssyncset.done $0x0  }
0xac: {  	s25 =	simm.s32 $0x1B8E;
	[sflag:s24] =	ssyncadd.s32 $0xFFFFFFFF  }
0xad: {  	s26 =	simm.s32 $execute0_lowered;
	[smem:$0x3FD2] =	sst s25  }
0xae: {  	s8 =	sshll.u32 s26, $0x1;
	_ =	strace $0x80000046;
	[dreg:$0x1] =	wrdreg $0xFFFFFFFF  }
0xaf: {  	s28 =	simm.s32 $_size_execute0_lowered;
	s7 =	sadd.s32 s7, s8;
	[dreg:$0x0] =	wrdreg $0x0  }
0xb0: {  	s8 =	sshll.u32 s28, $0x1;
	[dreg:$0x2] =	wrdreg s7  }
0xb1: {  	[dreg:$0x3] =	wrdreg s8  }
0xb2: {  	[dreg:$0x4] =	wrdreg $0xC0  }
0xb3: {  	_ =	task [dreg:s11], $0x5FFFF  }
0xb4: {  	[dreg:$0x1] =	wrdreg $0xFFFFFFFF  }
0xb5: {  	[dreg:$0x0] =	wrdreg $0x60  }
0xb6: {  	[dreg:$0x2] =	wrdreg s16  }
0xb7: {  	[dreg:$0x3] =	wrdreg s4  }
0xb8: {  	[dreg:$0x4] =	wrdreg s5  }
0xb9: {  	[dreg:$0x5] =	wrdreg s17  }
0xba: {  	[dreg:$0x6] =	wrdreg s18  }
0xbb: {  	[dreg:$0x7] =	wrdreg $0x9  }
0xbc: {  	_ =	task.clear_ibuf [dreg:s11], $0x8FFFF;
	_ =	strace $0x90000046  }
0xbd: {  	s29 =	simm.s32 $0x9;
	_ =	strace $0x80000048  }
0xbe: {  	_ =	swait.ge [sflag:s29], $0x1  }
0xbf: {  	[sflag:s29] =	ssyncadd.s32 $0xFFFFFFFF  }
0xc0: {  	_ =	strace $0x90000048  }
0xc1: {  	_ =	sfence  }
0xc2: {  	s30 =	sld [smem:$0x0];
	_ =	sdelay $0x2  }
0xc3: {  	s31 =	sshll.u32 s1, $0xD;
	s1 =	sshrl.u32 s1, $0x2  }
0xc4: {  	s3 =	sand.u32 $0x4000, s31;
	s1 =	sadd.s32 s1, s30  }
0xc5: {  	s0 =	sor.u32 s3, s0;
	s1 =	sshll.u32 s1, $0x11  }
0xc6: {  	s0 =	sor.u32 s1, s0  }
0xc7: {  	s0 =	sadd.s32 $0x8F2B, s0  }
0xc8: {  	[sflag:s0] =	ssyncadd.remote.s32 $0x1  }
0xc9: {  	_ =	sfence.sel $0xFFFF  }
0xca: {  	[dreg:$0x0] =	wrdreg $0xFFFFFFFF;
	(pc) =	sbr.abs _section_cstart, $3  }
0xcb: {  	[dreg:$0x1] =	wrdreg $0xFFFFFFFF  }
0xcc: {  	_ =	task.clear_ibuf [dreg:s11], $0x2FFFF;
	_ =	strace $0x9FFFFFFF  }
0xcd: {  	(tm) =	ssettm $0x7FFFFFFF  }
tec
execute0_lowered:
.L_overlay_start_1:
0x0: {  	(tag) =	ssettag $0x1  }
0x1: {  	s0 =	rddreg [dreg:$0x0]  }
0x2: {  	s1 =	rddreg [dreg:$0x1]  }
0x3: {  	s3 =	rddreg [dreg:$0x2]  }
0x4: {  	s4 =	rddreg [dreg:$0x3]  }
0x5: {  	s6 =	rddreg [dreg:$0x4];
	s2 =	srdreg.scid  }
0x6: {  	s13 =	stileid.u32;
	s29 =	simm.s32 $0xD;
	s31 =	simm.s32 $0x4000  }
0x7: {  	s28 =	simm.s32 $0xC000;
	s30 =	simm.s32 $0x2;
	s7 =	sand.u32 $0x1, s2  }
0x8: {  	s2 =	simm.s32 $0x0;
	s9 =	sshll.u32 s13, $0x1;
	s5 =	ssub.s32 $0x2, s7  }
0x9: {  	[smem:$0x7FF] =	sst s2;
	s16 =	sor.u32 s7, s9;
	s8 =	sshrl.u32 s5, $0x1  }
0xa: {  	_ =	strace $0x80000047;
	s9 =	sshll.u32 s16, $0x2;
	s17 =	sshll.u32 s16, $0x9  }
0xb: {  	s11 =	sshll.u32 s16, $0x11;
	s10 =	ssub.s32 s5, s8;
	s3 =	sadd.s32 s3, s9  }
0xc: {  	s0 =	sadd.s32 s0, s17;
	s18 =	sor.u32 $0x800, s11;
	[dreg:$0x8] =	wrdreg s3  }
0xd: {  	s5 =	sadd.s32 s1, s11;
	s16 =	sadd.s32 s6, s9;
	[dreg:$0x9] =	wrdreg s0  }
0xe: {  	s20 =	sor.u32 $0x1000, s11;
	s8 =	sadd.s32 s4, s11;
	[dreg:$0x17] =	wrdreg s16  }
0xf: {  	s12 =	sor.u32 $0x1800, s11;
	s19 =	sadd.s32 s1, s18;
	[dreg:$0xa] =	wrdreg s5  }
0x10: {  	s22 =	sor.u32 $0x2000, s11;
	s21 =	sadd.s32 s1, s20;
	[dreg:$0xb] =	wrdreg s19  }
0x11: {  	s24 =	sor.u32 $0x2800, s11;
	s14 =	sadd.s32 s1, s12;
	[dreg:$0xc] =	wrdreg s21  }
0x12: {  	s17 =	sshll.u32 s13, $0x12;
	s0 =	sadd.s32 s4, s18;
	[dreg:$0xd] =	wrdreg s14  }
0x13: {  	s6 =	simm.s32 $0x14000;
	s23 =	sadd.s32 s1, s22;
	[dreg:$0xe] =	wrdreg s0  }
0x14: {  	s9 =	simm.s32 $0x7;
	s3 =	sadd.s32 s4, s20;
	[dreg:$0xf] =	wrdreg s23  }
0x15: {  	s13 =	simm.s32 $0x9;
	s25 =	sadd.s32 s1, s24;
	[dreg:$0x10] =	wrdreg s3  }
0x16: {  	s12 =	sadd.s32 s4, s12;
	s26 =	sadd.s32 $0x3000, s5;
	[dreg:$0x11] =	wrdreg s25  }
0x17: {  	s18 =	sadd.s32 s17, s4;
	s20 =	sadd.s32 $0x3800, s5;
	[dreg:$0x12] =	wrdreg s12  }
0x18: {  	s16 =	simm.s32 $0xC;
	[dreg:$0x13] =	wrdreg s26;
	s0 =	sadd.s32 s4, s22  }
0x19: {  	s12 =	sadd.s32 s4, s24;
	s14 =	sor.u32 $0x1F800, s11;
	[dreg:$0x19] =	wrdreg s20  }
0x1a: {  	s19 =	sshll.u32 s7, $0x11;
	s21 =	sadd.s32 $0x4000, s5;
	[dreg:$0x14] =	wrdreg s0  }
0x1b: {  	s23 =	sadd.s32 $0x1E000, s8;
	s24 =	sadd.s32 $0x1E800, s8;
	[dreg:$0x15] =	wrdreg s12  }
0x1c: {  	s25 =	smax.u32 s10, $0x1;
	s26 =	sadd.s32 $0x1F000, s8;
	[dreg:$0x1a] =	wrdreg s21  }
0x1d: {  	s3 =	simm.s32 $0x10000;
	s7 =	simm.s32 $0x4;
	[dreg:$0x1b] =	wrdreg s23  }
0x1e: {  	s10 =	simm.s32 $0x5;
	s11 =	simm.s32 $0x8;
	[dreg:$0x1c] =	wrdreg s24  }
0x1f: {  	s15 =	sadd.s32 s1, s14;
	s0 =	sadd.s32 s4, s14;
	[dreg:$0x1d] =	wrdreg s25  }
0x20: {  	s1 =	sadd.s32 s17, s1;
	[dreg:$0x1e] =	wrdreg s26;
	s4 =	simm.s32 $0x3  }
0x21: {  	s12 =	simm.s32 $0x6;
	s14 =	simm.s32 $0xA;
	[dreg:$0x16] =	wrdreg s15  }
0x22: {  	s17 =	simm.s32 $0x0;
	[dreg:$0x18] =	wrdreg s0;
	s0 =	sadd.s32 s19, s18  }
0x23: {  	s22 =	sadd.s32 s19, s1;
	s1 =	simm.s32 $0x1;
	[dreg:$0x6] =	wrdreg s0  }
0x24: {  	s15 =	simm.s32 $0xB;
	[dreg:$0x7] =	wrdreg s22;
	s0 =	simm.s32 $0x8000  }
.LBB2_1:
0x25: {  	s5 =	rddreg [dreg:$0x8];
	s18 =	simm.s32 $0x18000  }
0x26: {  	[tilespmem:s18], [sflag:$0xD] =	stream.linear.gather [hbm4b:s5+s2], $0x20, $0x38;
	[tilespmem:$0x19100] =	vst v63  }
0x27: {  	_ =	swait.ge [sflag:s29], $0x20  }
0x28: {  	[sflag:s29] =	ssyncset.done $0x0  }
0x29: {  	s22 =	simm.s32 $0x18100;
	s21 =	rddreg [dreg:$0x9];
	[sflag:s29] =	ssyncadd.s32 $0xFFFFFFE0  }
0x2a: {  	[tilespmem:s22], [sflag:$0xD] =	stream.linear.gather [hbm4b:s21+s2], $0x1000, $0x38;
	[tilespmem:$0x19100] =	vst v63  }
0x2b: {  	_ =	swait.ge [sflag:s29], $0x1000  }
0x2c: {  	[sflag:s29] =	ssyncset.done $0x0  }
0x2d: {  	s23 =	rddreg [dreg:$0xa];
	[sflag:s29] =	ssyncadd.s32 $0xFFFFF000  }
0x2e: {  	[tilespmem:s2], [sflag:$0x1] =	stream.linear.gather [hbm4b:s23+s2], $0x4000, $0x38;
	[tilespmem:$0x19100] =	vst v63  }
0x2f: {  	s24 =	rddreg [dreg:$0xb]  }
0x30: {  	[tilespmem:s31], [sflag:$0x2] =	stream.linear.gather [hbm4b:s24+s2], $0x4000, $0x38;
	[tilespmem:$0x19100] =	vst v63  }
0x31: {  	s25 =	rddreg [dreg:$0xc]  }
0x32: {  	[tilespmem:s0], [sflag:$0x3] =	stream.linear.gather [hbm4b:s25+s2], $0x4000, $0x38;
	[tilespmem:$0x19100] =	vst v63  }
0x33: {  	_ =	swait.ge [sflag:s1], $0x4000  }
0x34: {  	[sflag:s1] =	ssyncset.done $0x0  }
0x35: {  	[sflag:s1] =	ssyncadd.s32 $0xFFFFC000  }
0x36: {  	v0 =	vld [tilespmem:$0x18000];
	_ =	sdelay $0x4  }
0x37: {  	(v2sf) =	vpush v0, $0x0;
	_ =	sdelay $0xe  }
0x38: {  	s26 =	spop (v2sf)  }
0x39: {  	s19 =	sshra.s32 s26, $0x1F  }
0x3a: {  	s19 =	sshrl.u32 s19, $0x18  }
0x3b: {  	s19 =	sadd.s32 s19, s26  }
0x3c: {  	s19 =	sand.u32 $0xFFFFFF00, s19  }
0x3d: {  	s18 =	ssub.s32 s26, s19  }
0x3e: {  	s19 =	sshll.u32 s18, $0x10  }
0x3f: {  	s19 =	sshra.s32 s19, $0x1F  }
0x40: {  	s19 =	sand.u32 $0x7F, s19  }
0x41: {  	s19 =	sadd.s32 s19, s18  }
0x42: {  	s20 =	sand.u32 $0xFFFF, s18;
	s21 =	sand.u32 $0xFF80, s19  }
0x43: {  	p0 =	slt.s32 s18, $0x1;
	p1 =	sne.s32 s21, s20  }
0x44: {  	p0 =	por !p0, !p1  }
0x45: {  	s5 =	sshll.u32 s19, $0x10;
	s21 =	simm.s32 $0x1;
	p0 =	por !p0, !p0  }
0x46: {  	s20 =	sshra.s32 s5, $0x17;
	s21 =	simm.s32 @!p0 $0x0  }
0x47: {  	s19 =	sand.u32 $0xFFFFFF80, s19;
	p0 =	sne.s32 s20, s21  }
0x48: {  	s18 =	ssub.s32 @!p0 s18, s19;
	v0 =	vld @!p0 [tilespmem:$0x18100]  }
0x49: {  	s18 =	sshll.u32 @!p0 s18, $0x10  }
0x4a: {  	s18 =	sshra.s32 @!p0 s18, $0x10  }
0x4b: {  	s18 =	sshll.u32 @!p0 s18, $0x9  }
0x4c: {  	s18 =	sshra.s32 @!p0 s18, $0x2  }
0x4d: {  	[tilespmem:s18+$0x0] =	vst @!p0 v0  }
0x4e: {  	v0 =	vld @!p0 [tilespmem:$0x18110];
	_ =	sdelay $0x4  }
0x4f: {  	[tilespmem:s18+$0x10] =	vst @!p0 v0  }
0x50: {  	v0 =	vld @!p0 [tilespmem:$0x18120];
	_ =	sdelay $0x4  }
0x51: {  	[tilespmem:s18+$0x20] =	vst @!p0 v0  }
0x52: {  	v0 =	vld @!p0 [tilespmem:$0x18130];
	_ =	sdelay $0x4  }
0x53: {  	[tilespmem:s18+$0x30] =	vst @!p0 v0  }
0x54: {  	v0 =	vld @!p0 [tilespmem:$0x18140];
	_ =	sdelay $0x4  }
0x55: {  	[tilespmem:s18+$0x40] =	vst @!p0 v0  }
0x56: {  	v0 =	vld @!p0 [tilespmem:$0x18150];
	_ =	sdelay $0x4  }
0x57: {  	[tilespmem:s18+$0x50] =	vst @!p0 v0  }
0x58: {  	v0 =	vld @!p0 [tilespmem:$0x18160];
	_ =	sdelay $0x4  }
0x59: {  	[tilespmem:s18+$0x60] =	vst @!p0 v0  }
0x5a: {  	v0 =	vld @!p0 [tilespmem:$0x18170];
	_ =	sdelay $0x4  }
0x5b: {  	[tilespmem:s18+$0x70] =	vst @!p0 v0  }
0x5c: {  	[hbm4b:s8+s2] =	stream.linear.scatter [tilespmem:s2], [sflag:$0x7], $0x4000, $0x38;
	[tilespmem:$0x19100] =	vst v63  }
0x5d: {  	s22 =	rddreg [dreg:$0xd]  }
0x5e: {  	[tilespmem:s28], [sflag:$0x4] =	stream.linear.gather [hbm4b:s22+s2], $0x4000, $0x38;
	[tilespmem:$0x19100] =	vst v63  }
0x5f: {  	_ =	swait.ge [sflag:s30], $0x4000  }
0x60: {  	[sflag:s30] =	ssyncset.done $0x0  }
0x61: {  	[sflag:s30] =	ssyncadd.s32 $0xFFFFC000  }
0x62: {  	v59 =	vld [tilespmem:$0x18000];
	_ =	sdelay $0x4  }
0x63: {  	(v2sf) =	vpush v59, $0x0;
	_ =	sdelay $0xe  }
0x64: {  	s23 =	spop (v2sf)  }
0x65: {  	s24 =	sshra.s32 s23, $0x1F  }
0x66: {  	s19 =	sshrl.u32 s24, $0x18  }
0x67: {  	s19 =	sadd.s32 s19, s23  }
0x68: {  	s19 =	sand.u32 $0xFFFFFF00, s19  }
0x69: {  	s18 =	ssub.s32 s23, s19  }
0x6a: {  	s19 =	sshll.u32 s18, $0x10  }
0x6b: {  	s19 =	sshra.s32 s19, $0x1F  }
0x6c: {  	s19 =	sand.u32 $0x7F, s19  }
0x6d: {  	s19 =	sadd.s32 s19, s18  }
0x6e: {  	s25 =	sand.u32 $0xFFFF, s18;
	s26 =	sand.u32 $0xFF80, s19  }
0x6f: {  	p3 =	slt.s32 s18, $0x1;
	p4 =	sne.s32 s26, s25  }
0x70: {  	p0 =	por !p3, !p4  }
0x71: {  	s21 =	simm.s32 $0x1;
	s5 =	sshll.u32 s19, $0x10;
	p0 =	por !p0, !p0  }
0x72: {  	s20 =	sshra.s32 s5, $0x17;
	s21 =	simm.s32 @!p0 $0x0  }
0x73: {  	s20 =	ssub.s32 s20, s21  }
0x74: {  	s19 =	sand.u32 $0xFFFFFF80, s19;
	p0 =	sne.s32 s20, $0x1  }
0x75: {  	s18 =	ssub.s32 @!p0 s18, s19;
	v0 =	vld @!p0 [tilespmem:$0x18100]  }
0x76: {  	s18 =	sshll.u32 @!p0 s18, $0x10  }
0x77: {  	s18 =	sshra.s32 @!p0 s18, $0x10  }
0x78: {  	s18 =	sshll.u32 @!p0 s18, $0x9  }
0x79: {  	s18 =	sshra.s32 @!p0 s18, $0x2  }
0x7a: {  	[tilespmem:s18+$0x4000] =	vst @!p0 v0  }
0x7b: {  	v0 =	vld @!p0 [tilespmem:$0x18110];
	_ =	sdelay $0x4  }
0x7c: {  	[tilespmem:s18+$0x4010] =	vst @!p0 v0  }
0x7d: {  	v0 =	vld @!p0 [tilespmem:$0x18120];
	_ =	sdelay $0x4  }
0x7e: {  	[tilespmem:s18+$0x4020] =	vst @!p0 v0  }
0x7f: {  	v0 =	vld @!p0 [tilespmem:$0x18130];
	_ =	sdelay $0x4  }
0x80: {  	[tilespmem:s18+$0x4030] =	vst @!p0 v0  }
0x81: {  	v0 =	vld @!p0 [tilespmem:$0x18140];
	_ =	sdelay $0x4  }
0x82: {  	[tilespmem:s18+$0x4040] =	vst @!p0 v0  }
0x83: {  	v0 =	vld @!p0 [tilespmem:$0x18150];
	_ =	sdelay $0x4  }
0x84: {  	[tilespmem:s18+$0x4050] =	vst @!p0 v0  }
0x85: {  	v0 =	vld @!p0 [tilespmem:$0x18160];
	_ =	sdelay $0x4  }
0x86: {  	[tilespmem:s18+$0x4060] =	vst @!p0 v0  }
0x87: {  	v0 =	vld @!p0 [tilespmem:$0x18170];
	_ =	sdelay $0x4  }
0x88: {  	s21 =	rddreg [dreg:$0xe];
	[tilespmem:s18+$0x4070] =	vst @!p0 v0  }
0x89: {  	[hbm4b:s21+s2] =	stream.linear.scatter [tilespmem:s31], [sflag:$0x8], $0x4000, $0x38;
	[tilespmem:$0x19100] =	vst v63  }
0x8a: {  	s22 =	rddreg [dreg:$0xf]  }
0x8b: {  	[tilespmem:s3], [sflag:$0x5] =	stream.linear.gather [hbm4b:s22+s2], $0x4000, $0x38;
	[tilespmem:$0x19100] =	vst v63  }
0x8c: {  	_ =	swait.ge [sflag:s4], $0x4000  }
0x8d: {  	[sflag:s4] =	ssyncset.done $0x0  }
0x8e: {  	[sflag:s4] =	ssyncadd.s32 $0xFFFFC000  }
0x8f: {  	v60 =	vld [tilespmem:$0x18001];
	_ =	sdelay $0x4  }
0x90: {  	(v2sf) =	vpush v60, $0x0;
	_ =	sdelay $0xe  }
0x91: {  	s23 =	spop (v2sf)  }
0x92: {  	s24 =	sshra.s32 s23, $0x1F  }
0x93: {  	s19 =	sshrl.u32 s24, $0x18  }
0x94: {  	s19 =	sadd.s32 s19, s23  }
0x95: {  	s19 =	sand.u32 $0xFFFFFF00, s19  }
0x96: {  	s18 =	ssub.s32 s23, s19  }
0x97: {  	s19 =	sshll.u32 s18, $0x10  }
0x98: {  	s19 =	sshra.s32 s19, $0x1F  }
0x99: {  	s19 =	sand.u32 $0x7F, s19  }
0x9a: {  	s19 =	sadd.s32 s19, s18  }
0x9b: {  	s25 =	sand.u32 $0xFFFF, s18;
	s26 =	sand.u32 $0xFF80, s19  }
0x9c: {  	p5 =	slt.s32 s18, $0x1;
	p6 =	sne.s32 s26, s25  }
0x9d: {  	p0 =	por !p5, !p6  }
0x9e: {  	s21 =	simm.s32 $0x1;
	s5 =	sshll.u32 s19, $0x10;
	p0 =	por !p0, !p0  }
0x9f: {  	s20 =	sshra.s32 s5, $0x17;
	s21 =	simm.s32 @!p0 $0x0  }
0xa0: {  	s19 =	sand.u32 $0xFFFFFF80, s19;
	p0 =	sne.s32 s20, s21  }
0xa1: {  	s18 =	ssub.s32 @!p0 s18, s19;
	v0 =	vld @!p0 [tilespmem:$0x18180]  }
0xa2: {  	s18 =	sshll.u32 @!p0 s18, $0x10  }
0xa3: {  	s18 =	sshra.s32 @!p0 s18, $0x10  }
0xa4: {  	s18 =	sshll.u32 @!p0 s18, $0x9  }
0xa5: {  	s18 =	sshra.s32 @!p0 s18, $0x2  }
0xa6: {  	[tilespmem:s18+$0x8000] =	vst @!p0 v0  }
0xa7: {  	v0 =	vld @!p0 [tilespmem:$0x18190];
	_ =	sdelay $0x4  }
0xa8: {  	[tilespmem:s18+$0x8010] =	vst @!p0 v0  }
0xa9: {  	v0 =	vld @!p0 [tilespmem:$0x181A0];
	_ =	sdelay $0x4  }
0xaa: {  	[tilespmem:s18+$0x8020] =	vst @!p0 v0  }
0xab: {  	v0 =	vld @!p0 [tilespmem:$0x181B0];
	_ =	sdelay $0x4  }
0xac: {  	[tilespmem:s18+$0x8030] =	vst @!p0 v0  }
0xad: {  	v0 =	vld @!p0 [tilespmem:$0x181C0];
	_ =	sdelay $0x4  }
0xae: {  	[tilespmem:s18+$0x8040] =	vst @!p0 v0  }
0xaf: {  	v0 =	vld @!p0 [tilespmem:$0x181D0];
	_ =	sdelay $0x4  }
0xb0: {  	[tilespmem:s18+$0x8050] =	vst @!p0 v0  }
0xb1: {  	v0 =	vld @!p0 [tilespmem:$0x181E0];
	_ =	sdelay $0x4  }
0xb2: {  	[tilespmem:s18+$0x8060] =	vst @!p0 v0  }
0xb3: {  	v0 =	vld @!p0 [tilespmem:$0x181F0];
	_ =	sdelay $0x4  }
0xb4: {  	s21 =	rddreg [dreg:$0x10];
	[tilespmem:s18+$0x8070] =	vst @!p0 v0  }
0xb5: {  	[hbm4b:s21+s2] =	stream.linear.scatter [tilespmem:s0], [sflag:$0x9], $0x4000, $0x38;
	[tilespmem:$0x19100] =	vst v63  }
0xb6: {  	s22 =	rddreg [dreg:$0x11]  }
0xb7: {  	[tilespmem:s6], [sflag:$0x6] =	stream.linear.gather [hbm4b:s22+s2], $0x4000, $0x38;
	[tilespmem:$0x19100] =	vst v63  }
0xb8: {  	_ =	swait.ge [sflag:s7], $0x4000  }
0xb9: {  	[sflag:s7] =	ssyncset.done $0x0  }
0xba: {  	[sflag:s7] =	ssyncadd.s32 $0xFFFFC000  }
0xbb: {  	v61 =	vld [tilespmem:$0x18001];
	_ =	sdelay $0x4  }
0xbc: {  	(v2sf) =	vpush v61, $0x0;
	_ =	sdelay $0xe  }
0xbd: {  	s23 =	spop (v2sf)  }
0xbe: {  	s24 =	sshra.s32 s23, $0x1F  }
0xbf: {  	s19 =	sshrl.u32 s24, $0x18  }
0xc0: {  	s19 =	sadd.s32 s19, s23  }
0xc1: {  	s19 =	sand.u32 $0xFFFFFF00, s19  }
0xc2: {  	s18 =	ssub.s32 s23, s19  }
0xc3: {  	s19 =	sshll.u32 s18, $0x10  }
0xc4: {  	s19 =	sshra.s32 s19, $0x1F  }
0xc5: {  	s19 =	sand.u32 $0x7F, s19  }
0xc6: {  	s19 =	sadd.s32 s19, s18  }
0xc7: {  	s25 =	sand.u32 $0xFFFF, s18;
	s26 =	sand.u32 $0xFF80, s19  }
0xc8: {  	p1 =	slt.s32 s18, $0x1;
	p2 =	sne.s32 s26, s25  }
0xc9: {  	p0 =	por !p1, !p2  }
0xca: {  	s21 =	simm.s32 $0x1;
	s5 =	sshll.u32 s19, $0x10;
	p0 =	por !p0, !p0  }
0xcb: {  	s20 =	sshra.s32 s5, $0x17;
	s21 =	simm.s32 @!p0 $0x0  }
0xcc: {  	s20 =	ssub.s32 s20, s21  }
0xcd: {  	s19 =	sand.u32 $0xFFFFFF80, s19;
	p0 =	sne.s32 s20, $0x1  }
0xce: {  	s18 =	ssub.s32 @!p0 s18, s19;
	v0 =	vld @!p0 [tilespmem:$0x18180]  }
0xcf: {  	s18 =	sshll.u32 @!p0 s18, $0x10  }
0xd0: {  	s18 =	sshra.s32 @!p0 s18, $0x10  }
0xd1: {  	s18 =	sshll.u32 @!p0 s18, $0x9  }
0xd2: {  	s18 =	sshra.s32 @!p0 s18, $0x2  }
0xd3: {  	[tilespmem:s18+$0xC000] =	vst @!p0 v0  }
0xd4: {  	v0 =	vld @!p0 [tilespmem:$0x18190];
	_ =	sdelay $0x4  }
0xd5: {  	[tilespmem:s18+$0xC010] =	vst @!p0 v0  }
0xd6: {  	v0 =	vld @!p0 [tilespmem:$0x181A0];
	_ =	sdelay $0x4  }
0xd7: {  	[tilespmem:s18+$0xC020] =	vst @!p0 v0  }
0xd8: {  	v0 =	vld @!p0 [tilespmem:$0x181B0];
	_ =	sdelay $0x4  }
0xd9: {  	[tilespmem:s18+$0xC030] =	vst @!p0 v0  }
0xda: {  	v0 =	vld @!p0 [tilespmem:$0x181C0];
	_ =	sdelay $0x4  }
0xdb: {  	[tilespmem:s18+$0xC040] =	vst @!p0 v0  }
0xdc: {  	v0 =	vld @!p0 [tilespmem:$0x181D0];
	_ =	sdelay $0x4  }
0xdd: {  	[tilespmem:s18+$0xC050] =	vst @!p0 v0  }
0xde: {  	v0 =	vld @!p0 [tilespmem:$0x181E0];
	_ =	sdelay $0x4  }
0xdf: {  	[tilespmem:s18+$0xC060] =	vst @!p0 v0  }
0xe0: {  	v0 =	vld @!p0 [tilespmem:$0x181F0];
	_ =	sdelay $0x4  }
0xe1: {  	s21 =	rddreg [dreg:$0x12];
	[tilespmem:s18+$0xC070] =	vst @!p0 v0  }
0xe2: {  	[hbm4b:s21+s2] =	stream.linear.scatter [tilespmem:s28], [sflag:$0xA], $0x4000, $0x38;
	[tilespmem:$0x19100] =	vst v63  }
0xe3: {  	_ =	swait.ge [sflag:s9], $0x4000  }
0xe4: {  	[sflag:s9] =	ssyncset.done $0x0  }
0xe5: {  	s22 =	rddreg [dreg:$0x13];
	[sflag:s9] =	ssyncadd.s32 $0xFFFFC000  }
0xe6: {  	[tilespmem:s2], [sflag:$0x1] =	stream.linear.gather [hbm4b:s22+s2], $0x4000, $0x38;
	[tilespmem:$0x19100] =	vst v63  }
0xe7: {  	_ =	swait.ge [sflag:s10], $0x4000  }
0xe8: {  	[sflag:s10] =	ssyncset.done $0x0  }
0xe9: {  	[sflag:s10] =	ssyncadd.s32 $0xFFFFC000  }
0xea: {  	v62 =	vld [tilespmem:$0x18002];
	_ =	sdelay $0x4  }
0xeb: {  	(v2sf) =	vpush v62, $0x0;
	_ =	sdelay $0xe  }
0xec: {  	s23 =	spop (v2sf)  }
0xed: {  	s24 =	sshra.s32 s23, $0x1F  }
0xee: {  	s19 =	sshrl.u32 s24, $0x18  }
0xef: {  	s19 =	sadd.s32 s19, s23  }
0xf0: {  	s19 =	sand.u32 $0xFFFFFF00, s19  }
0xf1: {  	s18 =	ssub.s32 s23, s19  }
0xf2: {  	s19 =	sshll.u32 s18, $0x10  }
0xf3: {  	s19 =	sshra.s32 s19, $0x1F  }
0xf4: {  	s19 =	sand.u32 $0x7F, s19  }
0xf5: {  	s19 =	sadd.s32 s19, s18  }
0xf6: {  	s25 =	sand.u32 $0xFFFF, s18;
	s26 =	sand.u32 $0xFF80, s19  }
0xf7: {  	p3 =	slt.s32 s18, $0x1;
	p4 =	sne.s32 s26, s25  }
0xf8: {  	p0 =	por !p3, !p4  }
0xf9: {  	s21 =	simm.s32 $0x1;
	s5 =	sshll.u32 s19, $0x10;
	p0 =	por !p0, !p0  }
0xfa: {  	s20 =	sshra.s32 s5, $0x17;
	s21 =	simm.s32 @!p0 $0x0  }
0xfb: {  	s19 =	sand.u32 $0xFFFFFF80, s19;
	p0 =	sne.s32 s20, s21  }
0xfc: {  	s18 =	ssub.s32 @!p0 s18, s19;
	v0 =	vld @!p0 [tilespmem:$0x18200]  }
0xfd: {  	s18 =	sshll.u32 @!p0 s18, $0x10  }
0xfe: {  	s18 =	sshra.s32 @!p0 s18, $0x10  }
0xff: {  	s18 =	sshll.u32 @!p0 s18, $0x9  }
0x100: {  	s18 =	sshra.s32 @!p0 s18, $0x2  }
0x101: {  	[tilespmem:s18+$0x10000] =	vst @!p0 v0  }
0x102: {  	v0 =	vld @!p0 [tilespmem:$0x18210];
	_ =	sdelay $0x4  }
0x103: {  	[tilespmem:s18+$0x10010] =	vst @!p0 v0  }
0x104: {  	v0 =	vld @!p0 [tilespmem:$0x18220];
	_ =	sdelay $0x4  }
0x105: {  	[tilespmem:s18+$0x10020] =	vst @!p0 v0  }
0x106: {  	v0 =	vld @!p0 [tilespmem:$0x18230];
	_ =	sdelay $0x4  }
0x107: {  	[tilespmem:s18+$0x10030] =	vst @!p0 v0  }
0x108: {  	v0 =	vld @!p0 [tilespmem:$0x18240];
	_ =	sdelay $0x4  }
0x109: {  	[tilespmem:s18+$0x10040] =	vst @!p0 v0  }
0x10a: {  	v0 =	vld @!p0 [tilespmem:$0x18250];
	_ =	sdelay $0x4  }
0x10b: {  	[tilespmem:s18+$0x10050] =	vst @!p0 v0  }
0x10c: {  	v0 =	vld @!p0 [tilespmem:$0x18260];
	_ =	sdelay $0x4  }
0x10d: {  	[tilespmem:s18+$0x10060] =	vst @!p0 v0  }
0x10e: {  	v0 =	vld @!p0 [tilespmem:$0x18270];
	_ =	sdelay $0x4  }
0x10f: {  	[tilespmem:s18+$0x10070] =	vst @!p0 v0;
	s18 =	rddreg [dreg:$0x14]  }
0x110: {  	[hbm4b:s18+s2] =	stream.linear.scatter [tilespmem:s3], [sflag:$0xB], $0x4000, $0x38;
	[tilespmem:$0x19100] =	vst v63  }
0x111: {  	_ =	swait.ge [sflag:s11], $0x4000  }
0x112: {  	[sflag:s11] =	ssyncset.done $0x0  }
0x113: {  	s19 =	rddreg [dreg:$0x19];
	[sflag:s11] =	ssyncadd.s32 $0xFFFFC000  }
0x114: {  	[tilespmem:s31], [sflag:$0x2] =	stream.linear.gather [hbm4b:s19+s2], $0x4000, $0x38;
	[tilespmem:$0x19100] =	vst v63  }
0x115: {  	_ =	swait.ge [sflag:s12], $0x4000  }
0x116: {  	[sflag:s12] =	ssyncset.done $0x0  }
0x117: {  	[sflag:s12] =	ssyncadd.s32 $0xFFFFC000  }
0x118: {  	v63 =	vld [tilespmem:$0x18002];
	_ =	sdelay $0x4  }
0x119: {  	(v2sf) =	vpush v63, $0x0;
	_ =	sdelay $0xe  }
0x11a: {  	s20 =	spop (v2sf)  }
0x11b: {  	s21 =	sshra.s32 s20, $0x1F  }
0x11c: {  	s19 =	sshrl.u32 s21, $0x18  }
0x11d: {  	s19 =	sadd.s32 s19, s20  }
0x11e: {  	s19 =	sand.u32 $0xFFFFFF00, s19  }
0x11f: {  	s18 =	ssub.s32 s20, s19  }
0x120: {  	s19 =	sshll.u32 s18, $0x10  }
0x121: {  	s19 =	sshra.s32 s19, $0x1F  }
0x122: {  	s19 =	sand.u32 $0x7F, s19  }
0x123: {  	s19 =	sadd.s32 s19, s18  }
0x124: {  	s22 =	sand.u32 $0xFFFF, s18;
	s23 =	sand.u32 $0xFF80, s19  }
0x125: {  	p5 =	slt.s32 s18, $0x1;
	p6 =	sne.s32 s23, s22  }
0x126: {  	p0 =	por !p5, !p6  }
0x127: {  	s21 =	simm.s32 $0x1;
	s24 =	sshll.u32 s19, $0x10;
	p0 =	por !p0, !p0  }
0x128: {  	s20 =	sshra.s32 s24, $0x17;
	s21 =	simm.s32 @!p0 $0x0  }
0x129: {  	s20 =	ssub.s32 s20, s21  }
0x12a: {  	s19 =	sand.u32 $0xFFFFFF80, s19;
	p0 =	sne.s32 s20, $0x1  }
0x12b: {  	s18 =	ssub.s32 @!p0 s18, s19;
	v0 =	vld @!p0 [tilespmem:$0x18200]  }
0x12c: {  	s18 =	sshll.u32 @!p0 s18, $0x10  }
0x12d: {  	s18 =	sshra.s32 @!p0 s18, $0x10  }
0x12e: {  	s18 =	sshll.u32 @!p0 s18, $0x9  }
0x12f: {  	s18 =	sshra.s32 @!p0 s18, $0x2  }
0x130: {  	[tilespmem:s18+$0x14000] =	vst @!p0 v0  }
0x131: {  	v0 =	vld @!p0 [tilespmem:$0x18210];
	_ =	sdelay $0x4  }
0x132: {  	[tilespmem:s18+$0x14010] =	vst @!p0 v0  }
0x133: {  	v0 =	vld @!p0 [tilespmem:$0x18220];
	_ =	sdelay $0x4  }
0x134: {  	[tilespmem:s18+$0x14020] =	vst @!p0 v0  }
0x135: {  	v0 =	vld @!p0 [tilespmem:$0x18230];
	_ =	sdelay $0x4  }
0x136: {  	[tilespmem:s18+$0x14030] =	vst @!p0 v0  }
0x137: {  	v0 =	vld @!p0 [tilespmem:$0x18240];
	_ =	sdelay $0x4  }
0x138: {  	[tilespmem:s18+$0x14040] =	vst @!p0 v0  }
0x139: {  	v0 =	vld @!p0 [tilespmem:$0x18250];
	_ =	sdelay $0x4  }
0x13a: {  	[tilespmem:s18+$0x14050] =	vst @!p0 v0  }
0x13b: {  	v0 =	vld @!p0 [tilespmem:$0x18260];
	_ =	sdelay $0x4  }
0x13c: {  	[tilespmem:s18+$0x14060] =	vst @!p0 v0  }
0x13d: {  	v0 =	vld @!p0 [tilespmem:$0x18270];
	_ =	sdelay $0x4  }
0x13e: {  	s25 =	rddreg [dreg:$0x15];
	[tilespmem:s18+$0x14070] =	vst @!p0 v0  }
0x13f: {  	[hbm4b:s25+s2] =	stream.linear.scatter [tilespmem:s6], [sflag:$0xC], $0x4000, $0x38;
	[tilespmem:$0x19100] =	vst v63  }
0x140: {  	s21 =	simm.s32 $0x0;
	_ =	swait.ge [sflag:s13], $0x4000  }
0x141: {  	s20 =	simm.s32 $0x6;
	s19 =	simm.s32 $0x18005;
	[sflag:s13] =	ssyncset.done $0x0  }
0x142: {  	s18 =	simm.s32 $0x183F0;
	s26 =	rddreg [dreg:$0x1a];
	[sflag:s13] =	ssyncadd.s32 $0xFFFFC000  }
0x143: {  	[tilespmem:s0], [sflag:$0x3] =	stream.linear.gather [hbm4b:s26+s2], $0x4000, $0x38;
	[tilespmem:$0x19100] =	vst v63  }
.LBB2_2:
0x144: {  	_ =	swait.ge [sflag:s1], $0x4000  }
0x145: {  	[sflag:s1] =	ssyncset.done $0x0  }
0x146: {  	[sflag:s1] =	ssyncadd.s32 $0xFFFFC000  }
0x147: {  	v0 =	vld [tilespmem:s19+$0xFFFFFFFE];
	_ =	sdelay $0x4  }
0x148: {  	(v2sf) =	vpush v0, $0x0;
	_ =	sdelay $0xe  }
0x149: {  	s22 =	spop (v2sf)  }
0x14a: {  	s23 =	sshra.s32 s22, $0x1F  }
0x14b: {  	s23 =	sshrl.u32 s23, $0x18  }
0x14c: {  	s23 =	sadd.s32 s23, s22  }
0x14d: {  	s23 =	sand.u32 $0xFFFFFF00, s23  }
0x14e: {  	s22 =	ssub.s32 s22, s23  }
0x14f: {  	s23 =	sshll.u32 s22, $0x10  }
0x150: {  	s23 =	sshra.s32 s23, $0x1F  }
0x151: {  	s23 =	sand.u32 $0x7F, s23  }
0x152: {  	s23 =	sadd.s32 s23, s22  }
0x153: {  	s24 =	sand.u32 $0xFFFF, s22;
	s25 =	sand.u32 $0xFF80, s23  }
0x154: {  	p0 =	slt.s32 s22, $0x1;
	p1 =	sne.s32 s25, s24  }
0x155: {  	p0 =	por !p0, !p1  }
0x156: {  	s26 =	sshll.u32 s23, $0x10;
	s25 =	simm.s32 $0x1;
	p0 =	por !p0, !p0  }
0x157: {  	s24 =	sshra.s32 s26, $0x17;
	s25 =	simm.s32 @!p0 $0x0  }
0x158: {  	s23 =	sand.u32 $0xFFFFFF80, s23;
	p0 =	sne.s32 s24, s25  }
0x159: {  	s22 =	ssub.s32 @!p0 s22, s23;
	v0 =	vld @!p0 [tilespmem:s18+$0xFFFFFE90]  }
0x15a: {  	s22 =	sshll.u32 @!p0 s22, $0x10  }
0x15b: {  	s22 =	sshra.s32 @!p0 s22, $0x10  }
0x15c: {  	s22 =	sshll.u32 @!p0 s22, $0x9  }
0x15d: {  	s23 =	sshra.s32 @!p0 s22, $0x2  }
0x15e: {  	[tilespmem:s23+$0x0] =	vst @!p0 v0  }
0x15f: {  	v0 =	vld @!p0 [tilespmem:s18+$0xFFFFFEA0];
	_ =	sdelay $0x4  }
0x160: {  	[tilespmem:s23+$0x10] =	vst @!p0 v0  }
0x161: {  	v0 =	vld @!p0 [tilespmem:s18+$0xFFFFFEB0];
	_ =	sdelay $0x4  }
0x162: {  	[tilespmem:s23+$0x20] =	vst @!p0 v0  }
0x163: {  	v0 =	vld @!p0 [tilespmem:s18+$0xFFFFFEC0];
	_ =	sdelay $0x4  }
0x164: {  	[tilespmem:s23+$0x30] =	vst @!p0 v0  }
0x165: {  	v0 =	vld @!p0 [tilespmem:s18+$0xFFFFFED0];
	_ =	sdelay $0x4  }
0x166: {  	[tilespmem:s23+$0x40] =	vst @!p0 v0  }
0x167: {  	v0 =	vld @!p0 [tilespmem:s18+$0xFFFFFEE0];
	_ =	sdelay $0x4  }
0x168: {  	[tilespmem:s23+$0x50] =	vst @!p0 v0  }
0x169: {  	v0 =	vld @!p0 [tilespmem:s18+$0xFFFFFEF0];
	_ =	sdelay $0x2  }
0x16a: {  	s24 =	sadd.s32 $0xFFFFFFFD, s20  }
0x16b: {  	s26 =	sand.u32 $0xFF, s24  }
0x16c: {  	s25 =	smul.u32 $0xAB, s26;
	[tilespmem:s23+$0x60] =	vst @!p0 v0  }
0x16d: {  	v0 =	vld @!p0 [tilespmem:s18+$0xFFFFFF00]  }
0x16e: {  	s25 =	sshrl.u32 s25, $0xA  }
0x16f: {  	s25 =	smul.u32 $0x6, s25  }
0x170: {  	s5 =	rddreg [dreg:$0x6]  }
0x171: {  	s22 =	sadd.s32 s21, s5;
	s25 =	ssub.s32 s24, s25  }
0x172: {  	s5 =	sadd.s32 $0x3000, s22;
	[tilespmem:s23+$0x70] =	vst @!p0 v0;
	s23 =	sand.u32 $0xFF, s25  }
0x173: {  	[hbm4b:s5+s2] =	stream.linear.scatter [tilespmem:s2], [sflag:$0x7], $0x4000, $0x38;
	[tilespmem:$0x19100] =	vst v63  }
0x174: {  	s26 =	sadd.s32 $0x7, s23  }
0x175: {  	_ =	swait.ge [sflag:s26], $0x4000  }
0x176: {  	s5 =	rddreg [dreg:$0x7]  }
0x177: {  	[sflag:s26] =	ssyncset.done $0x0;
	s23 =	sadd.s32 s21, s5  }
0x178: {  	[sflag:s26] =	ssyncadd.s32 $0xFFFFC000;
	s25 =	sadd.s32 $0x4800, s23  }
0x179: {  	[tilespmem:s28], [sflag:$0x4] =	stream.linear.gather [hbm4b:s25+s2], $0x4000, $0x38;
	[tilespmem:$0x19100] =	vst v63  }
0x17a: {  	_ =	swait.ge [sflag:s30], $0x4000  }
0x17b: {  	[sflag:s30] =	ssyncset.done $0x0  }
0x17c: {  	[sflag:s30] =	ssyncadd.s32 $0xFFFFC000  }
0x17d: {  	v59 =	vld [tilespmem:s19+$0xFFFFFFFE];
	_ =	sdelay $0x4  }
0x17e: {  	(v2sf) =	vpush v59, $0x0;
	_ =	sdelay $0xe  }
0x17f: {  	s26 =	spop (v2sf)  }
0x180: {  	s5 =	sshra.s32 s26, $0x1F  }
0x181: {  	s25 =	sshrl.u32 s5, $0x18  }
0x182: {  	s25 =	sadd.s32 s25, s26  }
0x183: {  	s25 =	sand.u32 $0xFFFFFF00, s25  }
0x184: {  	s24 =	ssub.s32 s26, s25  }
0x185: {  	s25 =	sshll.u32 s24, $0x10  }
0x186: {  	s25 =	sshra.s32 s25, $0x1F  }
0x187: {  	s25 =	sand.u32 $0x7F, s25  }
0x188: {  	s25 =	sadd.s32 s25, s24  }
0x189: {  	s26 =	sand.u32 $0xFFFF, s24;
	s5 =	sand.u32 $0xFF80, s25  }
0x18a: {  	p3 =	slt.s32 s24, $0x1;
	p4 =	sne.s32 s5, s26  }
0x18b: {  	p0 =	por !p3, !p4  }
0x18c: {  	s5 =	sshll.u32 s25, $0x10;
	s26 =	simm.s32 $0x1;
	p0 =	por !p0, !p0  }
0x18d: {  	s5 =	sshra.s32 s5, $0x17;
	s26 =	simm.s32 @!p0 $0x0  }
0x18e: {  	s5 =	ssub.s32 s5, s26  }
0x18f: {  	s25 =	sand.u32 $0xFFFFFF80, s25;
	p0 =	sne.s32 s5, $0x1  }
0x190: {  	s5 =	ssub.s32 @!p0 s24, s25;
	v0 =	vld @!p0 [tilespmem:s18+$0xFFFFFE90]  }
0x191: {  	s5 =	sshll.u32 @!p0 s5, $0x10  }
0x192: {  	s5 =	sshra.s32 @!p0 s5, $0x10  }
0x193: {  	s5 =	sshll.u32 @!p0 s5, $0x9  }
0x194: {  	s5 =	sshra.s32 @!p0 s5, $0x2  }
0x195: {  	[tilespmem:s5+$0x4000] =	vst @!p0 v0  }
0x196: {  	v0 =	vld @!p0 [tilespmem:s18+$0xFFFFFEA0];
	_ =	sdelay $0x4  }
0x197: {  	[tilespmem:s5+$0x4010] =	vst @!p0 v0  }
0x198: {  	v0 =	vld @!p0 [tilespmem:s18+$0xFFFFFEB0];
	_ =	sdelay $0x4  }
0x199: {  	[tilespmem:s5+$0x4020] =	vst @!p0 v0  }
0x19a: {  	v0 =	vld @!p0 [tilespmem:s18+$0xFFFFFEC0];
	_ =	sdelay $0x4  }
0x19b: {  	[tilespmem:s5+$0x4030] =	vst @!p0 v0  }
0x19c: {  	v0 =	vld @!p0 [tilespmem:s18+$0xFFFFFED0];
	_ =	sdelay $0x4  }
0x19d: {  	[tilespmem:s5+$0x4040] =	vst @!p0 v0  }
0x19e: {  	v0 =	vld @!p0 [tilespmem:s18+$0xFFFFFEE0];
	_ =	sdelay $0x4  }
0x19f: {  	[tilespmem:s5+$0x4050] =	vst @!p0 v0  }
0x1a0: {  	v0 =	vld @!p0 [tilespmem:s18+$0xFFFFFEF0];
	_ =	sdelay $0x2  }
0x1a1: {  	s24 =	sadd.s32 $0xFFFFFFFE, s20  }
0x1a2: {  	s26 =	sand.u32 $0xFF, s24  }
0x1a3: {  	s25 =	smul.u32 $0xAB, s26;
	[tilespmem:s5+$0x4060] =	vst @!p0 v0  }
0x1a4: {  	v0 =	vld @!p0 [tilespmem:s18+$0xFFFFFF00]  }
0x1a5: {  	s25 =	sshrl.u32 s25, $0xA  }
0x1a6: {  	s25 =	smul.u32 $0x6, s25;
	_ =	sdelay $0x1  }
0x1a7: {  	s24 =	ssub.s32 s24, s25  }
0x1a8: {  	s26 =	sadd.s32 $0x3800, s22;
	[tilespmem:s5+$0x4070] =	vst @!p0 v0;
	s5 =	sand.u32 $0xFF, s24  }
0x1a9: {  	[hbm4b:s26+s2] =	stream.linear.scatter [tilespmem:s31], [sflag:$0x8], $0x4000, $0x38;
	[tilespmem:$0x19100] =	vst v63  }
0x1aa: {  	s5 =	sadd.s32 $0x7, s5  }
0x1ab: {  	_ =	swait.ge [sflag:s5], $0x4000  }
0x1ac: {  	[sflag:s5] =	ssyncset.done $0x0  }
0x1ad: {  	s25 =	sadd.s32 $0x5000, s23;
	[sflag:s5] =	ssyncadd.s32 $0xFFFFC000  }
0x1ae: {  	[tilespmem:s3], [sflag:$0x5] =	stream.linear.gather [hbm4b:s25+s2], $0x4000, $0x38;
	[tilespmem:$0x19100] =	vst v63  }
0x1af: {  	_ =	swait.ge [sflag:s4], $0x4000  }
0x1b0: {  	[sflag:s4] =	ssyncset.done $0x0  }
0x1b1: {  	[sflag:s4] =	ssyncadd.s32 $0xFFFFC000  }
0x1b2: {  	v60 =	vld [tilespmem:s19+$0xFFFFFFFF];
	_ =	sdelay $0x4  }
0x1b3: {  	(v2sf) =	vpush v60, $0x0;
	_ =	sdelay $0xe  }
0x1b4: {  	s26 =	spop (v2sf)  }
0x1b5: {  	s25 =	sshra.s32 s26, $0x1F  }
0x1b6: {  	s24 =	sshrl.u32 s25, $0x18  }
0x1b7: {  	s24 =	sadd.s32 s24, s26  }
0x1b8: {  	s24 =	sand.u32 $0xFFFFFF00, s24  }
0x1b9: {  	s5 =	ssub.s32 s26, s24  }
0x1ba: {  	s24 =	sshll.u32 s5, $0x10  }
0x1bb: {  	s24 =	sshra.s32 s24, $0x1F  }
0x1bc: {  	s24 =	sand.u32 $0x7F, s24  }
0x1bd: {  	s24 =	sadd.s32 s24, s5  }
0x1be: {  	s25 =	sand.u32 $0xFFFF, s5;
	s26 =	sand.u32 $0xFF80, s24  }
0x1bf: {  	p5 =	slt.s32 s5, $0x1;
	p6 =	sne.s32 s26, s25  }
0x1c0: {  	p0 =	por !p5, !p6  }
0x1c1: {  	s25 =	sshll.u32 s24, $0x10;
	s26 =	simm.s32 $0x1;
	p0 =	por !p0, !p0  }
0x1c2: {  	s25 =	sshra.s32 s25, $0x17;
	s26 =	simm.s32 @!p0 $0x0  }
0x1c3: {  	s24 =	sand.u32 $0xFFFFFF80, s24;
	p0 =	sne.s32 s25, s26  }
0x1c4: {  	s5 =	ssub.s32 @!p0 s5, s24;
	v0 =	vld @!p0 [tilespmem:s18+$0xFFFFFF10]  }
0x1c5: {  	s5 =	sshll.u32 @!p0 s5, $0x10  }
0x1c6: {  	s5 =	sshra.s32 @!p0 s5, $0x10  }
0x1c7: {  	s5 =	sshll.u32 @!p0 s5, $0x9  }
0x1c8: {  	s5 =	sshra.s32 @!p0 s5, $0x2  }
0x1c9: {  	[tilespmem:s5+$0x8000] =	vst @!p0 v0  }
0x1ca: {  	v0 =	vld @!p0 [tilespmem:s18+$0xFFFFFF20];
	_ =	sdelay $0x4  }
0x1cb: {  	[tilespmem:s5+$0x8010] =	vst @!p0 v0  }
0x1cc: {  	v0 =	vld @!p0 [tilespmem:s18+$0xFFFFFF30];
	_ =	sdelay $0x4  }
0x1cd: {  	[tilespmem:s5+$0x8020] =	vst @!p0 v0  }
0x1ce: {  	v0 =	vld @!p0 [tilespmem:s18+$0xFFFFFF40];
	_ =	sdelay $0x4  }
0x1cf: {  	[tilespmem:s5+$0x8030] =	vst @!p0 v0  }
0x1d0: {  	v0 =	vld @!p0 [tilespmem:s18+$0xFFFFFF50];
	_ =	sdelay $0x4  }
0x1d1: {  	[tilespmem:s5+$0x8040] =	vst @!p0 v0  }
0x1d2: {  	v0 =	vld @!p0 [tilespmem:s18+$0xFFFFFF60];
	_ =	sdelay $0x4  }
0x1d3: {  	[tilespmem:s5+$0x8050] =	vst @!p0 v0  }
0x1d4: {  	v0 =	vld @!p0 [tilespmem:s18+$0xFFFFFF70];
	_ =	sdelay $0x4  }
0x1d5: {  	[tilespmem:s5+$0x8060] =	vst @!p0 v0  }
0x1d6: {  	s24 =	sadd.s32 $0xFFFFFFFF, s20;
	v0 =	vld @!p0 [tilespmem:s18+$0xFFFFFF80]  }
0x1d7: {  	s26 =	sand.u32 $0xFF, s24  }
0x1d8: {  	s25 =	smul.u32 $0xAB, s26;
	_ =	sdelay $0x1  }
0x1d9: {  	s25 =	sshrl.u32 s25, $0xA  }
0x1da: {  	s26 =	sadd.s32 $0x4000, s22;
	s25 =	smul.u32 $0x6, s25;
	[tilespmem:s5+$0x8070] =	vst @!p0 v0  }
0x1db: {  	[hbm4b:s26+s2] =	stream.linear.scatter [tilespmem:s0], [sflag:$0x9], $0x4000, $0x38;
	[tilespmem:$0x19100] =	vst v63  }
0x1dc: {  	s26 =	ssub.s32 s24, s25  }
0x1dd: {  	s5 =	sand.u32 $0xFF, s26  }
0x1de: {  	s5 =	sadd.s32 $0x7, s5  }
0x1df: {  	_ =	swait.ge [sflag:s5], $0x4000  }
0x1e0: {  	[sflag:s5] =	ssyncset.done $0x0  }
0x1e1: {  	s24 =	sadd.s32 $0x5800, s23;
	[sflag:s5] =	ssyncadd.s32 $0xFFFFC000  }
0x1e2: {  	[tilespmem:s6], [sflag:$0x6] =	stream.linear.gather [hbm4b:s24+s2], $0x4000, $0x38;
	[tilespmem:$0x19100] =	vst v63  }
0x1e3: {  	_ =	swait.ge [sflag:s7], $0x4000  }
0x1e4: {  	[sflag:s7] =	ssyncset.done $0x0  }
0x1e5: {  	[sflag:s7] =	ssyncadd.s32 $0xFFFFC000  }
0x1e6: {  	v61 =	vld [tilespmem:s19+$0xFFFFFFFF];
	_ =	sdelay $0x4  }
0x1e7: {  	(v2sf) =	vpush v61, $0x0;
	_ =	sdelay $0xe  }
0x1e8: {  	s25 =	spop (v2sf)  }
0x1e9: {  	s26 =	sshra.s32 s25, $0x1F  }
0x1ea: {  	s24 =	sshrl.u32 s26, $0x18  }
0x1eb: {  	s24 =	sadd.s32 s24, s25  }
0x1ec: {  	s24 =	sand.u32 $0xFFFFFF00, s24  }
0x1ed: {  	s5 =	ssub.s32 s25, s24  }
0x1ee: {  	s24 =	sshll.u32 s5, $0x10  }
0x1ef: {  	s24 =	sshra.s32 s24, $0x1F  }
0x1f0: {  	s24 =	sand.u32 $0x7F, s24  }
0x1f1: {  	s24 =	sadd.s32 s24, s5  }
0x1f2: {  	s25 =	sand.u32 $0xFFFF, s5;
	s26 =	sand.u32 $0xFF80, s24  }
0x1f3: {  	p1 =	slt.s32 s5, $0x1;
	p2 =	sne.s32 s26, s25  }
0x1f4: {  	p0 =	por !p1, !p2  }
0x1f5: {  	s25 =	sshll.u32 s24, $0x10;
	s26 =	simm.s32 $0x1;
	p0 =	por !p0, !p0  }
0x1f6: {  	s25 =	sshra.s32 s25, $0x17;
	s26 =	simm.s32 @!p0 $0x0  }
0x1f7: {  	s25 =	ssub.s32 s25, s26  }
0x1f8: {  	s24 =	sand.u32 $0xFFFFFF80, s24;
	p0 =	sne.s32 s25, $0x1  }
0x1f9: {  	s5 =	ssub.s32 @!p0 s5, s24;
	v0 =	vld @!p0 [tilespmem:s18+$0xFFFFFF10]  }
0x1fa: {  	s5 =	sshll.u32 @!p0 s5, $0x10  }
0x1fb: {  	s5 =	sshra.s32 @!p0 s5, $0x10  }
0x1fc: {  	s5 =	sshll.u32 @!p0 s5, $0x9  }
0x1fd: {  	s5 =	sshra.s32 @!p0 s5, $0x2  }
0x1fe: {  	[tilespmem:s5+$0xC000] =	vst @!p0 v0  }
0x1ff: {  	v0 =	vld @!p0 [tilespmem:s18+$0xFFFFFF20];
	_ =	sdelay $0x4  }
0x200: {  	[tilespmem:s5+$0xC010] =	vst @!p0 v0  }
0x201: {  	v0 =	vld @!p0 [tilespmem:s18+$0xFFFFFF30];
	_ =	sdelay $0x4  }
0x202: {  	[tilespmem:s5+$0xC020] =	vst @!p0 v0  }
0x203: {  	v0 =	vld @!p0 [tilespmem:s18+$0xFFFFFF40];
	_ =	sdelay $0x4  }
0x204: {  	[tilespmem:s5+$0xC030] =	vst @!p0 v0  }
0x205: {  	v0 =	vld @!p0 [tilespmem:s18+$0xFFFFFF50];
	_ =	sdelay $0x4  }
0x206: {  	[tilespmem:s5+$0xC040] =	vst @!p0 v0  }
0x207: {  	v0 =	vld @!p0 [tilespmem:s18+$0xFFFFFF60];
	_ =	sdelay $0x4  }
0x208: {  	[tilespmem:s5+$0xC050] =	vst @!p0 v0  }
0x209: {  	v0 =	vld @!p0 [tilespmem:s18+$0xFFFFFF70];
	_ =	sdelay $0x4  }
0x20a: {  	[tilespmem:s5+$0xC060] =	vst @!p0 v0  }
0x20b: {  	v0 =	vld @!p0 [tilespmem:s18+$0xFFFFFF80];
	_ =	sdelay $0x4  }
0x20c: {  	s24 =	sadd.s32 $0x4800, s22;
	[tilespmem:s5+$0xC070] =	vst @!p0 v0  }
0x20d: {  	[hbm4b:s24+s2] =	stream.linear.scatter [tilespmem:s28], [sflag:$0xA], $0x4000, $0x38;
	[tilespmem:$0x19100] =	vst v63  }
0x20e: {  	_ =	swait.ge [sflag:s9], $0x4000  }
0x20f: {  	[sflag:s9] =	ssyncset.done $0x0  }
0x210: {  	s25 =	sadd.s32 $0x6000, s23;
	[sflag:s9] =	ssyncadd.s32 $0xFFFFC000  }
0x211: {  	[tilespmem:s2], [sflag:$0x1] =	stream.linear.gather [hbm4b:s25+s2], $0x4000, $0x38;
	[tilespmem:$0x19100] =	vst v63  }
0x212: {  	_ =	swait.ge [sflag:s10], $0x4000  }
0x213: {  	[sflag:s10] =	ssyncset.done $0x0  }
0x214: {  	[sflag:s10] =	ssyncadd.s32 $0xFFFFC000  }
0x215: {  	v62 =	vld [tilespmem:s19+$0x0];
	_ =	sdelay $0x4  }
0x216: {  	(v2sf) =	vpush v62, $0x0;
	_ =	sdelay $0xe  }
0x217: {  	s26 =	spop (v2sf)  }
0x218: {  	s25 =	sshra.s32 s26, $0x1F  }
0x219: {  	s24 =	sshrl.u32 s25, $0x18  }
0x21a: {  	s24 =	sadd.s32 s24, s26  }
0x21b: {  	s24 =	sand.u32 $0xFFFFFF00, s24  }
0x21c: {  	s5 =	ssub.s32 s26, s24  }
0x21d: {  	s24 =	sshll.u32 s5, $0x10  }
0x21e: {  	s24 =	sshra.s32 s24, $0x1F  }
0x21f: {  	s24 =	sand.u32 $0x7F, s24  }
0x220: {  	s24 =	sadd.s32 s24, s5  }
0x221: {  	s25 =	sand.u32 $0xFFFF, s5;
	s26 =	sand.u32 $0xFF80, s24  }
0x222: {  	p3 =	slt.s32 s5, $0x1;
	p4 =	sne.s32 s26, s25  }
0x223: {  	p0 =	por !p3, !p4  }
0x224: {  	s25 =	sshll.u32 s24, $0x10;
	s26 =	simm.s32 $0x1;
	p0 =	por !p0, !p0  }
0x225: {  	s25 =	sshra.s32 s25, $0x17;
	s26 =	simm.s32 @!p0 $0x0  }
0x226: {  	s24 =	sand.u32 $0xFFFFFF80, s24;
	p0 =	sne.s32 s25, s26  }
0x227: {  	s5 =	ssub.s32 @!p0 s5, s24;
	v0 =	vld @!p0 [tilespmem:s18+$0xFFFFFF90]  }
0x228: {  	s5 =	sshll.u32 @!p0 s5, $0x10  }
0x229: {  	s5 =	sshra.s32 @!p0 s5, $0x10  }
0x22a: {  	s5 =	sshll.u32 @!p0 s5, $0x9  }
0x22b: {  	s5 =	sshra.s32 @!p0 s5, $0x2  }
0x22c: {  	[tilespmem:s5+$0x10000] =	vst @!p0 v0  }
0x22d: {  	v0 =	vld @!p0 [tilespmem:s18+$0xFFFFFFA0];
	_ =	sdelay $0x4  }
0x22e: {  	[tilespmem:s5+$0x10010] =	vst @!p0 v0  }
0x22f: {  	v0 =	vld @!p0 [tilespmem:s18+$0xFFFFFFB0];
	_ =	sdelay $0x4  }
0x230: {  	[tilespmem:s5+$0x10020] =	vst @!p0 v0  }
0x231: {  	v0 =	vld @!p0 [tilespmem:s18+$0xFFFFFFC0];
	_ =	sdelay $0x4  }
0x232: {  	[tilespmem:s5+$0x10030] =	vst @!p0 v0  }
0x233: {  	v0 =	vld @!p0 [tilespmem:s18+$0xFFFFFFD0];
	_ =	sdelay $0x4  }
0x234: {  	[tilespmem:s5+$0x10040] =	vst @!p0 v0  }
0x235: {  	v0 =	vld @!p0 [tilespmem:s18+$0xFFFFFFE0];
	_ =	sdelay $0x4  }
0x236: {  	[tilespmem:s5+$0x10050] =	vst @!p0 v0  }
0x237: {  	v0 =	vld @!p0 [tilespmem:s18+$0xFFFFFFF0];
	_ =	sdelay $0x4  }
0x238: {  	[tilespmem:s5+$0x10060] =	vst @!p0 v0  }
0x239: {  	v0 =	vld @!p0 [tilespmem:s18+$0x0];
	_ =	sdelay $0x4  }
0x23a: {  	s26 =	sadd.s32 $0x5000, s22;
	[tilespmem:s5+$0x10070] =	vst @!p0 v0  }
0x23b: {  	[hbm4b:s26+s2] =	stream.linear.scatter [tilespmem:s3], [sflag:$0xB], $0x4000, $0x38;
	[tilespmem:$0x19100] =	vst v63  }
0x23c: {  	_ =	swait.ge [sflag:s11], $0x4000  }
0x23d: {  	[sflag:s11] =	ssyncset.done $0x0  }
0x23e: {  	s24 =	sadd.s32 $0x6800, s23;
	[sflag:s11] =	ssyncadd.s32 $0xFFFFC000  }
0x23f: {  	[tilespmem:s31], [sflag:$0x2] =	stream.linear.gather [hbm4b:s24+s2], $0x4000, $0x38;
	[tilespmem:$0x19100] =	vst v63  }
0x240: {  	_ =	swait.ge [sflag:s12], $0x4000  }
0x241: {  	[sflag:s12] =	ssyncset.done $0x0  }
0x242: {  	[sflag:s12] =	ssyncadd.s32 $0xFFFFC000  }
0x243: {  	v63 =	vld [tilespmem:s19+$0x0];
	_ =	sdelay $0x4  }
0x244: {  	(v2sf) =	vpush v63, $0x0;
	_ =	sdelay $0xe  }
0x245: {  	s25 =	spop (v2sf)  }
0x246: {  	s26 =	sshra.s32 s25, $0x1F  }
0x247: {  	s24 =	sshrl.u32 s26, $0x18  }
0x248: {  	s24 =	sadd.s32 s24, s25  }
0x249: {  	s24 =	sand.u32 $0xFFFFFF00, s24  }
0x24a: {  	s5 =	ssub.s32 s25, s24  }
0x24b: {  	s24 =	sshll.u32 s5, $0x10  }
0x24c: {  	s24 =	sshra.s32 s24, $0x1F  }
0x24d: {  	s24 =	sand.u32 $0x7F, s24  }
0x24e: {  	s24 =	sadd.s32 s24, s5  }
0x24f: {  	s25 =	sand.u32 $0xFFFF, s5;
	s26 =	sand.u32 $0xFF80, s24  }
0x250: {  	p5 =	slt.s32 s5, $0x1;
	p6 =	sne.s32 s26, s25  }
0x251: {  	p0 =	por !p5, !p6  }
0x252: {  	s25 =	sshll.u32 s24, $0x10;
	s26 =	simm.s32 $0x1;
	p0 =	por !p0, !p0  }
0x253: {  	s25 =	sshra.s32 s25, $0x17;
	s26 =	simm.s32 @!p0 $0x0  }
0x254: {  	s25 =	ssub.s32 s25, s26  }
0x255: {  	s24 =	sand.u32 $0xFFFFFF80, s24;
	p0 =	sne.s32 s25, $0x1  }
0x256: {  	s5 =	ssub.s32 @!p0 s5, s24;
	v0 =	vld @!p0 [tilespmem:s18+$0xFFFFFF90]  }
0x257: {  	s5 =	sshll.u32 @!p0 s5, $0x10  }
0x258: {  	s5 =	sshra.s32 @!p0 s5, $0x10  }
0x259: {  	s5 =	sshll.u32 @!p0 s5, $0x9  }
0x25a: {  	s5 =	sshra.s32 @!p0 s5, $0x2  }
0x25b: {  	[tilespmem:s5+$0x14000] =	vst @!p0 v0  }
0x25c: {  	v0 =	vld @!p0 [tilespmem:s18+$0xFFFFFFA0];
	_ =	sdelay $0x4  }
0x25d: {  	[tilespmem:s5+$0x14010] =	vst @!p0 v0  }
0x25e: {  	v0 =	vld @!p0 [tilespmem:s18+$0xFFFFFFB0];
	_ =	sdelay $0x4  }
0x25f: {  	[tilespmem:s5+$0x14020] =	vst @!p0 v0  }
0x260: {  	v0 =	vld @!p0 [tilespmem:s18+$0xFFFFFFC0];
	_ =	sdelay $0x4  }
0x261: {  	[tilespmem:s5+$0x14030] =	vst @!p0 v0  }
0x262: {  	v0 =	vld @!p0 [tilespmem:s18+$0xFFFFFFD0];
	_ =	sdelay $0x4  }
0x263: {  	[tilespmem:s5+$0x14040] =	vst @!p0 v0  }
0x264: {  	v0 =	vld @!p0 [tilespmem:s18+$0xFFFFFFE0];
	_ =	sdelay $0x4  }
0x265: {  	[tilespmem:s5+$0x14050] =	vst @!p0 v0  }
0x266: {  	v0 =	vld @!p0 [tilespmem:s18+$0xFFFFFFF0];
	_ =	sdelay $0x4  }
0x267: {  	[tilespmem:s5+$0x14060] =	vst @!p0 v0  }
0x268: {  	v0 =	vld @!p0 [tilespmem:s18+$0x0];
	_ =	sdelay $0x3  }
0x269: {  	s21 =	sadd.s32 $0x3000, s21  }
0x26a: {  	s25 =	sadd.s32 $0x5800, s22;
	[tilespmem:s5+$0x14070] =	vst @!p0 v0;
	p0 =	sne.s32 s21, $0x1B000  }
0x26b: {  	[hbm4b:s25+s2] =	stream.linear.scatter [tilespmem:s6], [sflag:$0xC], $0x4000, $0x38;
	[tilespmem:$0x19100] =	vst v63  }
.Ltmp0:
0x26c: {  	_ = 	snop;
	(pc) =	sbr.rel @p0 .LBB2_2-.Ltmp0, $4  }
0x26d: {  	_ =	swait.ge [sflag:s13], $0x4000  }
0x26e: {  	s20 =	sadd.s32 $0x6, s20;
	s19 =	sadd.s32 $0x3, s19;
	[sflag:s13] =	ssyncset.done $0x0  }
0x26f: {  	s26 =	sadd.s32 $0x7000, s23;
	s18 =	sadd.s32 $0x180, s18;
	[sflag:s13] =	ssyncadd.s32 $0xFFFFC000  }
0x270: {  	[tilespmem:s0], [sflag:$0x3] =	stream.linear.gather [hbm4b:s26+s2], $0x4000, $0x38;
	[tilespmem:$0x19100] =	vst v63  }
0x271: {  	_ =	swait.ge [sflag:s1], $0x4000  }
0x272: {  	[sflag:s1] =	ssyncset.done $0x0  }
0x273: {  	[sflag:s1] =	ssyncadd.s32 $0xFFFFC000  }
0x274: {  	v0 =	vld [tilespmem:$0x1801E];
	_ =	sdelay $0x4  }
0x275: {  	(v2sf) =	vpush v0, $0x0;
	_ =	sdelay $0xe  }
0x276: {  	s5 =	spop (v2sf)  }
0x277: {  	s18 =	sshra.s32 s5, $0x1F  }
0x278: {  	s18 =	sshrl.u32 s18, $0x18  }
0x279: {  	s18 =	sadd.s32 s18, s5  }
0x27a: {  	s18 =	sand.u32 $0xFFFFFF00, s18  }
0x27b: {  	s5 =	ssub.s32 s5, s18  }
0x27c: {  	s18 =	sshll.u32 s5, $0x10  }
0x27d: {  	s18 =	sshra.s32 s18, $0x1F  }
0x27e: {  	s18 =	sand.u32 $0x7F, s18  }
0x27f: {  	s18 =	sadd.s32 s18, s5  }
0x280: {  	s19 =	sand.u32 $0xFFFF, s5;
	s20 =	sand.u32 $0xFF80, s18  }
0x281: {  	p0 =	slt.s32 s5, $0x1;
	p1 =	sne.s32 s20, s19  }
0x282: {  	p0 =	por !p0, !p1  }
0x283: {  	s26 =	sshll.u32 s18, $0x10;
	s20 =	simm.s32 $0x1;
	p0 =	por !p0, !p0  }
0x284: {  	s19 =	sshra.s32 s26, $0x17;
	s20 =	simm.s32 @!p0 $0x0  }
0x285: {  	s18 =	sand.u32 $0xFFFFFF80, s18;
	p0 =	sne.s32 s19, s20  }
0x286: {  	s5 =	ssub.s32 @!p0 s5, s18;
	v0 =	vld @!p0 [tilespmem:$0x19000]  }
0x287: {  	s5 =	sshll.u32 @!p0 s5, $0x10  }
0x288: {  	s5 =	sshra.s32 @!p0 s5, $0x10  }
0x289: {  	s5 =	sshll.u32 @!p0 s5, $0x9  }
0x28a: {  	s5 =	sshra.s32 @!p0 s5, $0x2  }
0x28b: {  	[tilespmem:s5+$0x0] =	vst @!p0 v0  }
0x28c: {  	v0 =	vld @!p0 [tilespmem:$0x19010];
	_ =	sdelay $0x4  }
0x28d: {  	[tilespmem:s5+$0x10] =	vst @!p0 v0  }
0x28e: {  	v0 =	vld @!p0 [tilespmem:$0x19020];
	_ =	sdelay $0x4  }
0x28f: {  	[tilespmem:s5+$0x20] =	vst @!p0 v0  }
0x290: {  	v0 =	vld @!p0 [tilespmem:$0x19030];
	_ =	sdelay $0x4  }
0x291: {  	[tilespmem:s5+$0x30] =	vst @!p0 v0  }
0x292: {  	v0 =	vld @!p0 [tilespmem:$0x19040];
	_ =	sdelay $0x4  }
0x293: {  	[tilespmem:s5+$0x40] =	vst @!p0 v0  }
0x294: {  	v0 =	vld @!p0 [tilespmem:$0x19050];
	_ =	sdelay $0x4  }
0x295: {  	[tilespmem:s5+$0x50] =	vst @!p0 v0  }
0x296: {  	v0 =	vld @!p0 [tilespmem:$0x19060];
	_ =	sdelay $0x4  }
0x297: {  	[tilespmem:s5+$0x60] =	vst @!p0 v0  }
0x298: {  	v0 =	vld @!p0 [tilespmem:$0x19070];
	_ =	sdelay $0x4  }
0x299: {  	s20 =	rddreg [dreg:$0x1b];
	[tilespmem:s5+$0x70] =	vst @!p0 v0  }
0x29a: {  	[hbm4b:s20+s2] =	stream.linear.scatter [tilespmem:s2], [sflag:$0x7], $0x4000, $0x38;
	[tilespmem:$0x19100] =	vst v63  }
0x29b: {  	_ =	swait.ge [sflag:s14], $0x4000  }
0x29c: {  	[sflag:s14] =	ssyncset.done $0x0  }
0x29d: {  	s21 =	rddreg [dreg:$0x16];
	[sflag:s14] =	ssyncadd.s32 $0xFFFFC000  }
0x29e: {  	[tilespmem:s28], [sflag:$0x4] =	stream.linear.gather [hbm4b:s21+s2], $0x4000, $0x38;
	[tilespmem:$0x19100] =	vst v63  }
0x29f: {  	_ =	swait.ge [sflag:s30], $0x4000  }
0x2a0: {  	[sflag:s30] =	ssyncset.done $0x0  }
0x2a1: {  	[sflag:s30] =	ssyncadd.s32 $0xFFFFC000  }
0x2a2: {  	v59 =	vld [tilespmem:$0x1801E];
	_ =	sdelay $0x4  }
0x2a3: {  	(v2sf) =	vpush v59, $0x0;
	_ =	sdelay $0xe  }
0x2a4: {  	s22 =	spop (v2sf)  }
0x2a5: {  	s23 =	sshra.s32 s22, $0x1F  }
0x2a6: {  	s18 =	sshrl.u32 s23, $0x18  }
0x2a7: {  	s18 =	sadd.s32 s18, s22  }
0x2a8: {  	s18 =	sand.u32 $0xFFFFFF00, s18  }
0x2a9: {  	s5 =	ssub.s32 s22, s18  }
0x2aa: {  	s18 =	sshll.u32 s5, $0x10  }
0x2ab: {  	s18 =	sshra.s32 s18, $0x1F  }
0x2ac: {  	s18 =	sand.u32 $0x7F, s18  }
0x2ad: {  	s18 =	sadd.s32 s18, s5  }
0x2ae: {  	s24 =	sand.u32 $0xFFFF, s5;
	s25 =	sand.u32 $0xFF80, s18  }
0x2af: {  	p1 =	slt.s32 s5, $0x1;
	p2 =	sne.s32 s25, s24  }
0x2b0: {  	p0 =	por !p1, !p2  }
0x2b1: {  	s20 =	simm.s32 $0x1;
	s26 =	sshll.u32 s18, $0x10;
	p0 =	por !p0, !p0  }
0x2b2: {  	s19 =	sshra.s32 s26, $0x17;
	s20 =	simm.s32 @!p0 $0x0  }
0x2b3: {  	s19 =	ssub.s32 s19, s20  }
0x2b4: {  	s18 =	sand.u32 $0xFFFFFF80, s18;
	p0 =	sne.s32 s19, $0x1  }
0x2b5: {  	s5 =	ssub.s32 @!p0 s5, s18;
	v0 =	vld @!p0 [tilespmem:$0x19000]  }
0x2b6: {  	s5 =	sshll.u32 @!p0 s5, $0x10  }
0x2b7: {  	s5 =	sshra.s32 @!p0 s5, $0x10  }
0x2b8: {  	s5 =	sshll.u32 @!p0 s5, $0x9  }
0x2b9: {  	s5 =	sshra.s32 @!p0 s5, $0x2  }
0x2ba: {  	[tilespmem:s5+$0x4000] =	vst @!p0 v0  }
0x2bb: {  	v0 =	vld @!p0 [tilespmem:$0x19010];
	_ =	sdelay $0x4  }
0x2bc: {  	[tilespmem:s5+$0x4010] =	vst @!p0 v0  }
0x2bd: {  	v0 =	vld @!p0 [tilespmem:$0x19020];
	_ =	sdelay $0x4  }
0x2be: {  	[tilespmem:s5+$0x4020] =	vst @!p0 v0  }
0x2bf: {  	v0 =	vld @!p0 [tilespmem:$0x19030];
	_ =	sdelay $0x4  }
0x2c0: {  	[tilespmem:s5+$0x4030] =	vst @!p0 v0  }
0x2c1: {  	v0 =	vld @!p0 [tilespmem:$0x19040];
	_ =	sdelay $0x4  }
0x2c2: {  	[tilespmem:s5+$0x4040] =	vst @!p0 v0  }
0x2c3: {  	v0 =	vld @!p0 [tilespmem:$0x19050];
	_ =	sdelay $0x4  }
0x2c4: {  	[tilespmem:s5+$0x4050] =	vst @!p0 v0  }
0x2c5: {  	v0 =	vld @!p0 [tilespmem:$0x19060];
	_ =	sdelay $0x4  }
0x2c6: {  	[tilespmem:s5+$0x4060] =	vst @!p0 v0  }
0x2c7: {  	v0 =	vld @!p0 [tilespmem:$0x19070];
	_ =	sdelay $0x4  }
0x2c8: {  	s19 =	rddreg [dreg:$0x1c];
	[tilespmem:s5+$0x4070] =	vst @!p0 v0  }
0x2c9: {  	[hbm4b:s19+s2] =	stream.linear.scatter [tilespmem:s31], [sflag:$0x8], $0x4000, $0x38;
	[tilespmem:$0x19100] =	vst v63  }
0x2ca: {  	_ =	swait.ge [sflag:s15], $0x4000  }
0x2cb: {  	[sflag:s15] =	ssyncset.done $0x0  }
0x2cc: {  	[sflag:s15] =	ssyncadd.s32 $0xFFFFC000  }
0x2cd: {  	_ =	swait.ge [sflag:s4], $0x4000  }
0x2ce: {  	[sflag:s4] =	ssyncset.done $0x0  }
0x2cf: {  	[sflag:s4] =	ssyncadd.s32 $0xFFFFC000  }
0x2d0: {  	v60 =	vld [tilespmem:$0x1801F];
	_ =	sdelay $0x4  }
0x2d1: {  	(v2sf) =	vpush v60, $0x0;
	_ =	sdelay $0xe  }
0x2d2: {  	s20 =	spop (v2sf)  }
0x2d3: {  	s21 =	sshra.s32 s20, $0x1F  }
0x2d4: {  	s18 =	sshrl.u32 s21, $0x18  }
0x2d5: {  	s18 =	sadd.s32 s18, s20  }
0x2d6: {  	s18 =	sand.u32 $0xFFFFFF00, s18  }
0x2d7: {  	s5 =	ssub.s32 s20, s18  }
0x2d8: {  	s18 =	sshll.u32 s5, $0x10  }
0x2d9: {  	s18 =	sshra.s32 s18, $0x1F  }
0x2da: {  	s18 =	sand.u32 $0x7F, s18  }
0x2db: {  	s18 =	sadd.s32 s18, s5  }
0x2dc: {  	s22 =	sand.u32 $0xFFFF, s5;
	s23 =	sand.u32 $0xFF80, s18  }
0x2dd: {  	p3 =	slt.s32 s5, $0x1;
	p4 =	sne.s32 s23, s22  }
0x2de: {  	p0 =	por !p3, !p4  }
0x2df: {  	s20 =	simm.s32 $0x1;
	s24 =	sshll.u32 s18, $0x10;
	p0 =	por !p0, !p0  }
0x2e0: {  	s19 =	sshra.s32 s24, $0x17;
	s20 =	simm.s32 @!p0 $0x0  }
0x2e1: {  	s18 =	sand.u32 $0xFFFFFF80, s18;
	p0 =	sne.s32 s19, s20  }
0x2e2: {  	s5 =	ssub.s32 @!p0 s5, s18;
	v0 =	vld @!p0 [tilespmem:$0x19080]  }
0x2e3: {  	s5 =	sshll.u32 @!p0 s5, $0x10  }
0x2e4: {  	s5 =	sshra.s32 @!p0 s5, $0x10  }
0x2e5: {  	s5 =	sshll.u32 @!p0 s5, $0x9  }
0x2e6: {  	s5 =	sshra.s32 @!p0 s5, $0x2  }
0x2e7: {  	[tilespmem:s5+$0x8000] =	vst @!p0 v0  }
0x2e8: {  	v0 =	vld @!p0 [tilespmem:$0x19090];
	_ =	sdelay $0x4  }
0x2e9: {  	[tilespmem:s5+$0x8010] =	vst @!p0 v0  }
0x2ea: {  	v0 =	vld @!p0 [tilespmem:$0x190A0];
	_ =	sdelay $0x4  }
0x2eb: {  	[tilespmem:s5+$0x8020] =	vst @!p0 v0  }
0x2ec: {  	v0 =	vld @!p0 [tilespmem:$0x190B0];
	_ =	sdelay $0x4  }
0x2ed: {  	[tilespmem:s5+$0x8030] =	vst @!p0 v0  }
0x2ee: {  	v0 =	vld @!p0 [tilespmem:$0x190C0];
	_ =	sdelay $0x4  }
0x2ef: {  	[tilespmem:s5+$0x8040] =	vst @!p0 v0  }
0x2f0: {  	v0 =	vld @!p0 [tilespmem:$0x190D0];
	_ =	sdelay $0x4  }
0x2f1: {  	[tilespmem:s5+$0x8050] =	vst @!p0 v0  }
0x2f2: {  	v0 =	vld @!p0 [tilespmem:$0x190E0];
	_ =	sdelay $0x4  }
0x2f3: {  	[tilespmem:s5+$0x8060] =	vst @!p0 v0  }
0x2f4: {  	v0 =	vld @!p0 [tilespmem:$0x190F0];
	_ =	sdelay $0x4  }
0x2f5: {  	s25 =	rddreg [dreg:$0x1e];
	[tilespmem:s5+$0x8070] =	vst @!p0 v0  }
0x2f6: {  	[hbm4b:s25+s2] =	stream.linear.scatter [tilespmem:s0], [sflag:$0x9], $0x4000, $0x38;
	[tilespmem:$0x19100] =	vst v63  }
0x2f7: {  	_ =	swait.ge [sflag:s16], $0x4000  }
0x2f8: {  	[sflag:s16] =	ssyncset.done $0x0  }
0x2f9: {  	[sflag:s16] =	ssyncadd.s32 $0xFFFFC000  }
0x2fa: {  	_ =	swait.ge [sflag:s7], $0x4000  }
0x2fb: {  	[sflag:s7] =	ssyncset.done $0x0  }
0x2fc: {  	[sflag:s7] =	ssyncadd.s32 $0xFFFFC000  }
0x2fd: {  	v61 =	vld [tilespmem:$0x1801F];
	_ =	sdelay $0x4  }
0x2fe: {  	(v2sf) =	vpush v61, $0x0;
	_ =	sdelay $0xe  }
0x2ff: {  	s26 =	spop (v2sf)  }
0x300: {  	s19 =	sshra.s32 s26, $0x1F  }
0x301: {  	s18 =	sshrl.u32 s19, $0x18  }
0x302: {  	s18 =	sadd.s32 s18, s26  }
0x303: {  	s18 =	sand.u32 $0xFFFFFF00, s18  }
0x304: {  	s5 =	ssub.s32 s26, s18  }
0x305: {  	s18 =	sshll.u32 s5, $0x10  }
0x306: {  	s18 =	sshra.s32 s18, $0x1F  }
0x307: {  	s18 =	sand.u32 $0x7F, s18  }
0x308: {  	s18 =	sadd.s32 s18, s5  }
0x309: {  	s20 =	sand.u32 $0xFFFF, s5;
	s21 =	sand.u32 $0xFF80, s18  }
0x30a: {  	p5 =	slt.s32 s5, $0x1;
	p6 =	sne.s32 s21, s20  }
0x30b: {  	p0 =	por !p5, !p6  }
0x30c: {  	s22 =	sshll.u32 s18, $0x10;
	s20 =	simm.s32 $0x1;
	p0 =	por !p0, !p0  }
0x30d: {  	s19 =	sshra.s32 s22, $0x17;
	s20 =	simm.s32 @!p0 $0x0  }
0x30e: {  	s19 =	ssub.s32 s19, s20  }
0x30f: {  	s18 =	sand.u32 $0xFFFFFF80, s18;
	p0 =	sne.s32 s19, $0x1  }
0x310: {  	s5 =	ssub.s32 @!p0 s5, s18;
	v0 =	vld @!p0 [tilespmem:$0x19080]  }
0x311: {  	s5 =	sshll.u32 @!p0 s5, $0x10  }
0x312: {  	s5 =	sshra.s32 @!p0 s5, $0x10  }
0x313: {  	s5 =	sshll.u32 @!p0 s5, $0x9  }
0x314: {  	s5 =	sshra.s32 @!p0 s5, $0x2  }
0x315: {  	[tilespmem:s5+$0xC000] =	vst @!p0 v0  }
0x316: {  	v0 =	vld @!p0 [tilespmem:$0x19090];
	_ =	sdelay $0x4  }
0x317: {  	[tilespmem:s5+$0xC010] =	vst @!p0 v0  }
0x318: {  	v0 =	vld @!p0 [tilespmem:$0x190A0];
	_ =	sdelay $0x4  }
0x319: {  	[tilespmem:s5+$0xC020] =	vst @!p0 v0  }
0x31a: {  	v0 =	vld @!p0 [tilespmem:$0x190B0];
	_ =	sdelay $0x4  }
0x31b: {  	[tilespmem:s5+$0xC030] =	vst @!p0 v0  }
0x31c: {  	v0 =	vld @!p0 [tilespmem:$0x190C0];
	_ =	sdelay $0x4  }
0x31d: {  	[tilespmem:s5+$0xC040] =	vst @!p0 v0  }
0x31e: {  	v0 =	vld @!p0 [tilespmem:$0x190D0];
	_ =	sdelay $0x4  }
0x31f: {  	[tilespmem:s5+$0xC050] =	vst @!p0 v0  }
0x320: {  	v0 =	vld @!p0 [tilespmem:$0x190E0];
	_ =	sdelay $0x4  }
0x321: {  	[tilespmem:s5+$0xC060] =	vst @!p0 v0  }
0x322: {  	v0 =	vld @!p0 [tilespmem:$0x190F0];
	_ =	sdelay $0x4  }
0x323: {  	s23 =	rddreg [dreg:$0x18];
	[tilespmem:s5+$0xC070] =	vst @!p0 v0  }
0x324: {  	[hbm4b:s23+s2] =	stream.linear.scatter [tilespmem:s28], [sflag:$0xA], $0x4000, $0x38;
	[tilespmem:$0x19100] =	vst v63  }
0x325: {  	_ =	swait.ge [sflag:s9], $0x4000  }
0x326: {  	[sflag:s9] =	ssyncset.done $0x0  }
0x327: {  	[sflag:s9] =	ssyncadd.s32 $0xFFFFC000  }
0x328: {  	v62 =	vld [tilespmem:$0x18000]  }
0x329: {  	v1 =	vld [tilespmem:$0x18010];
	_ =	sdelay $0x3  }
0x32a: {  	v0 =	vadd.s32 $0x1, v62  }
0x32b: {  	v63 =	vadd.s32 $0x1, v1;
	[tilespmem:$0x18080] =	vst v0  }
0x32c: {  	s25 =	simm.s32 $0x18080;
	s24 =	rddreg [dreg:$0x17];
	[tilespmem:$0x18090] =	vst v63  }
0x32d: {  	[hbm4b:s24+s2] =	stream.linear.scatter [tilespmem:s25], [sflag:$0xD], $0x20, $0x38;
	[tilespmem:$0x19100] =	vst v63  }
0x32e: {  	_ =	swait.ge [sflag:s29], $0x20  }
0x32f: {  	[sflag:s29] =	ssyncset.done $0x0  }
0x330: {  	[sflag:s29] =	ssyncadd.s32 $0xFFFFFFE0  }
0x331: {  	_ =	swait.ge [sflag:s11], $0x4000  }
0x332: {  	[sflag:s11] =	ssyncset.done $0x0  }
0x333: {  	[sflag:s11] =	ssyncadd.s32 $0xFFFFC000  }
0x334: {  	_ =	swait.ge [sflag:s13], $0x4000  }
0x335: {  	[sflag:s13] =	ssyncset.done $0x0  }
0x336: {  	[sflag:s13] =	ssyncadd.s32 $0xFFFFC000  }
0x337: {  	_ =	swait.ge [sflag:s14], $0x4000  }
0x338: {  	s17 =	sadd.s32 $0x1, s17;
	s26 =	rddreg [dreg:$0x1d]  }
0x339: {  	p0 =	sne.s32 s17, s26  }
.Ltmp1:
0x33a: {  	_ = 	snop;
	(pc) =	sbr.rel @p0 .LBB2_1-.Ltmp1, $3  }
0x33b: {  	_ =	sdelay $0x1  }
0x33c: {  	[sflag:s14] =	ssyncset.done $0x0  }
0x33d: {  	[sflag:s14] =	ssyncadd.s32 $0xFFFFC000  }
0x33e: {  	_ =	sfence.sel $0x180000  }
0x33f: {  	[bflag:$0x0] =	sbarrier.arrive $0xFFFF  }
0x340: {  	_ =	strace $0x90000047  }
0x341: {  	s0 =	stileid.u32;
	[bflag:$0x2] =	sbarrier.arrive $0xFFFF  }
0x342: {  	p0 =	sne.s32 s0, $0x0;
	s0 =	rddreg [dreg:$0x5]  }
0x343: {  	s0 =	sadd.s32 @!p0 $0x100000, s0  }
0x344: {  	[sflag:s0] =	ssyncadd.tile.s32 @!p0 $0x1;
	_ =	shalt  }
.Lfunc_end2:
_tile_overlayer_lowered:
.L_overlay_start_2:
0x345: {  	(tag) =	ssettag $0x2  }
0x346: {  	s0 =	rddreg [dreg:$0x0];
	s2 =	stileid.u32  }
0x347: {  	s1 =	rddreg [dreg:$0x1];
	p0 =	sne.s32 s2, $0x0  }
0x348: {  	s3 =	rddreg [dreg:$0x2];
	[bflag:$0x3] =	sbarrier.arrive $0xFFFF;
	s2 =	simm.s32 @!p0 $0x1C0D  }
0x349: {  	[timem:s3], [sflag:s2] =	dma.local @!p0 [hbm:s0], s1  }
0x34a: {  	s0 =	simm.s32 @!p0 $0xD  }
0x34b: {  	_ =	swait.ge @!p0 [sflag:s0], s1  }
0x34c: {  	s1 =	ssub.s32 @!p0 $0x0, s1;
	[sflag:s0] =	ssyncset.done @!p0 $0x0  }
0x34d: {  	[sflag:s0] =	ssyncadd.s32 @!p0 s1  }
0x34e: {  	[bflag:$0x3] =	sbarrier.arrive $0xFFFF  }
0x34f: {  	_ =	shalt  }

</sc_bundles>
